<compile_context>
chip_gen: v7x
topology: tpu7x:2x2x1
jax: 0.10.2.dev20260603
libtpu: 0.0.44.dev20260713+nightly
codegen_flags: <defaults>
</compile_context>

<pallas_src>
import jax
import jax.numpy as jnp
from jax import lax
from jax.experimental import pallas as pl
from jax.experimental.pallas import tpu as pltpu
from jax.experimental.pallas import tpu_sc as plsc

H = 64
B = 16384
NC, NS = 2, 16
NW = NC * NS
BPW = B // NW
LANES = 16

MLP_BLOCK = 2048


def _fetch(tT_hbm, stage, sem, i):
    tb = pl.multiple_of(i - lax.bitwise_and(i, 127), 128)
    for g in range(H // 8):
        pltpu.make_async_copy(
            tT_hbm.at[pl.ds(g * 8, 8), pl.ds(tb, 128)],
            stage.at[pl.ds(g * 8, 8), :],
            sem,
        ).start()


def _drain(tT_hbm, stage, sem):
    pltpu.make_async_copy(tT_hbm.at[:, pl.ds(0, 128)], stage, sem).wait()


def _extract(stage, cols_v, i, k):
    lane = jnp.full((LANES,), lax.bitwise_and(i, 127), jnp.int32)
    kvec = jnp.full((LANES,), k, jnp.int32)
    for m in range(H // LANES):
        j = lax.iota(jnp.int32, LANES) + (m * LANES)
        vals = plsc.load_gather(stage, [j, lane])
        plsc.store_scatter(cols_v, [j, kvec], vals)


def _sget(idx_v, k):
    base16 = (k // LANES) * LANES
    v = idx_v[pl.ds(base16, LANES)]
    m = lax.iota(jnp.int32, LANES) == (k - base16)
    return jnp.sum(jnp.where(m, v, 0))


NBUF = 8


def _gather_body(idx_hbm, tT_hbm, out_hbm, idx_v, cols_v,
                 stage0, stage1, stage2, stage3, stage4, stage5, stage6, stage7,
                 sem0, sem1, sem2, sem3, sem4, sem5, sem6, sem7):
    wid = lax.axis_index("s") * NC + lax.axis_index("c")
    base = wid * BPW
    pltpu.sync_copy(idx_hbm.at[pl.ds(base, BPW)], idx_v)

    stages = (stage0, stage1, stage2, stage3, stage4, stage5, stage6, stage7)
    sems = (sem0, sem1, sem2, sem3, sem4, sem5, sem6, sem7)
    for b in range(NBUF):
        _fetch(tT_hbm, stages[b], sems[b], _sget(idx_v, b))

    def body(g, carry):
        for b in range(NBUF):
            k = g * NBUF + b
            i = _sget(idx_v, k)
            _drain(tT_hbm, stages[b], sems[b])
            _extract(stages[b], cols_v, i, k)
            _fetch(tT_hbm, stages[b], sems[b], _sget(idx_v, k + NBUF))
        return carry

    lax.fori_loop(0, BPW // NBUF - 1, body, 0)
    for b in range(NBUF):
        k = BPW - NBUF + b
        i = _sget(idx_v, k)
        _drain(tT_hbm, stages[b], sems[b])
        _extract(stages[b], cols_v, i, k)

    pltpu.sync_copy(cols_v, out_hbm.at[:, pl.ds(base, BPW)])


def _sc_gather(idx, tableT):
    mesh = plsc.VectorSubcoreMesh(core_axis_name="c", subcore_axis_name="s")
    f = pl.kernel(
        _gather_body,
        out_type=jax.ShapeDtypeStruct((H, B), jnp.float32),
        mesh=mesh,
        scratch_types=[
            pltpu.VMEM((BPW,), jnp.int32),
            pltpu.VMEM((H, BPW), jnp.float32),
            pltpu.VMEM((H, 128), jnp.float32),
            pltpu.VMEM((H, 128), jnp.float32),
            pltpu.VMEM((H, 128), jnp.float32),
            pltpu.VMEM((H, 128), jnp.float32),
            pltpu.VMEM((H, 128), jnp.float32),
            pltpu.VMEM((H, 128), jnp.float32),
            pltpu.VMEM((H, 128), jnp.float32),
            pltpu.VMEM((H, 128), jnp.float32),
            pltpu.SemaphoreType.DMA,
            pltpu.SemaphoreType.DMA,
            pltpu.SemaphoreType.DMA,
            pltpu.SemaphoreType.DMA,
            pltpu.SemaphoreType.DMA,
            pltpu.SemaphoreType.DMA,
            pltpu.SemaphoreType.DMA,
            pltpu.SemaphoreType.DMA,
        ],
        compiler_params=pltpu.CompilerParams(
            use_tc_tiling_on_sc=True, needs_layout_passes=False),
    )
    return f(idx, tableT)


def _mlp_body(e_ref, w1t_ref, b1_ref, w2_ref, b2_ref, out_ref):
    h = jnp.dot(w1t_ref[...], e_ref[...], preferred_element_type=jnp.float32)
    h = jnp.maximum(h + b1_ref[...], 0.0)
    y = jnp.sum(h * w2_ref[...], axis=0, keepdims=True) + b2_ref[0, 0]
    out_ref[...] = y


def _mlp_t(eT, W1, b1, W2, b2):
    yt = pl.pallas_call(
        _mlp_body,
        grid=(B // MLP_BLOCK,),
        in_specs=[
            pl.BlockSpec((H, MLP_BLOCK), lambda i: (0, i)),
            pl.BlockSpec((H, H), lambda i: (0, 0)),
            pl.BlockSpec((H, 1), lambda i: (0, 0)),
            pl.BlockSpec((H, 1), lambda i: (0, 0)),
            pl.BlockSpec((1, 1), lambda i: (0, 0)),
        ],
        out_specs=pl.BlockSpec((1, MLP_BLOCK), lambda i: (0, i)),
        out_shape=jax.ShapeDtypeStruct((1, B), jnp.float32),
    )(eT, W1.T, b1.reshape(H, 1), W2.reshape(H, 1), b2.reshape(1, 1))
    return yt.reshape(B, 1)


def kernel(users, items, table, W1, b1, W2, b2):
    idx = users.astype(jnp.int32)
    eT = _sc_gather(idx, table.T)
    return _mlp_t(eT, W1, b1, W2, b2)

# --- scband reference (transcript-rebuilt; emitter-appended) ---
"""Pipeline reference for scband-neural-utility-52759378264088 (READ-ONLY COPY).

The authoritative reference and input builder live on the scoring server;
editing this copy changes nothing except your own understanding.
"""

import jax, jax.numpy as jnp
import numpy as np

N_ITEMS = 1000000
H_DIM = 64
BATCH = 16384


def setup_inputs(seed: int = 0) -> dict:
    key = jax.random.key(seed)
    k_u, k_i, k_t, k_w1, k_b1, k_w2, k_b2 = jax.random.split(key, 7)
    users = jax.random.randint(k_u, (BATCH,), 0, N_ITEMS, dtype=jnp.int64)
    items = jax.random.randint(k_i, (BATCH,), 0, N_ITEMS, dtype=jnp.int64)
    # EmbeddingGrad is a linear map over one-hot(n_items) -> h_dim; its weight
    # transposed is equivalent to an embedding table [n_items, h_dim].
    table = jax.random.normal(k_t, (N_ITEMS, H_DIM), dtype=jnp.float32) * 0.02
    # Simple MLP backbone: h_dim -> h_dim -> 1 (scoring head).
    W1 = jax.random.normal(k_w1, (H_DIM, H_DIM), dtype=jnp.float32) * (1.0 / np.sqrt(H_DIM))
    b1 = jnp.zeros((H_DIM,), dtype=jnp.float32)
    W2 = jax.random.normal(k_w2, (H_DIM, 1), dtype=jnp.float32) * (1.0 / np.sqrt(H_DIM))
    b2 = jnp.zeros((1,), dtype=jnp.float32)
    return {"users": users, "items": items, "table": table, "W1": W1, "b1": b1, "W2": W2, "b2": b2}


def reference(users, items, table, W1, b1, W2, b2):
    # use_embedding=True path: e_i = embedding(users); y_hat = backbone(e_i).
    # `items` is accepted but unused on this path, matching the torch forward.
    e_i = jnp.take(table, users, axis=0)  # one-hot @ W == gather row
    h = jax.nn.relu(e_i @ W1 + b1)
    y_hat = h @ W2 + b2
    return y_hat

if __name__ == "__main__":
    import jax
    _d = setup_inputs()
    print(jax.jit(kernel)(*tuple(_d.values())))

</pallas_src>

<mosaic_0001>
#map = affine_map<(d0, d1) -> (0)>
#map1 = affine_map<(d0, d1) -> (0, 0)>
module attributes {stable_mosaic.version = 14 : i64} {
  func.func @_gather_body(%arg0: i32, %arg1: i32, %arg2: memref<16384xi32, #tpu.memory_space<hbm>>, %arg3: memref<64x1000000xf32, #tpu.memory_space<hbm>>, %arg4: memref<64x16384xf32, #tpu.memory_space<hbm>>, %arg5: memref<512xi32, #tpu.memory_space<vmem>>, %arg6: memref<64x512xf32, #tpu.memory_space<vmem>>, %arg7: memref<64x128xf32, #tpu.memory_space<vmem>>, %arg8: memref<64x128xf32, #tpu.memory_space<vmem>>, %arg9: memref<64x128xf32, #tpu.memory_space<vmem>>, %arg10: memref<64x128xf32, #tpu.memory_space<vmem>>, %arg11: memref<64x128xf32, #tpu.memory_space<vmem>>, %arg12: memref<64x128xf32, #tpu.memory_space<vmem>>, %arg13: memref<64x128xf32, #tpu.memory_space<vmem>>, %arg14: memref<64x128xf32, #tpu.memory_space<vmem>>, %arg15: memref<!tpu.dma_semaphore, #tpu.memory_space<semaphore_mem>>, %arg16: memref<!tpu.dma_semaphore, #tpu.memory_space<semaphore_mem>>, %arg17: memref<!tpu.dma_semaphore, #tpu.memory_space<semaphore_mem>>, %arg18: memref<!tpu.dma_semaphore, #tpu.memory_space<semaphore_mem>>, %arg19: memref<!tpu.dma_semaphore, #tpu.memory_space<semaphore_mem>>, %arg20: memref<!tpu.dma_semaphore, #tpu.memory_space<semaphore_mem>>, %arg21: memref<!tpu.dma_semaphore, #tpu.memory_space<semaphore_mem>>, %arg22: memref<!tpu.dma_semaphore, #tpu.memory_space<semaphore_mem>>) attributes {dimension_semantics = [#tpu.dimension_semantics<core_parallel>, #tpu.dimension_semantics<subcore_parallel>], iteration_bounds = array<i64: 2, 16>, scalar_prefetch = 0 : i64, scratch_operands = 18 : i64, tpu.core_type = #tpu.core_type<sc_vector_subcore>, window_params = [{transform_indices = #map}, {transform_indices = #map1}, {transform_indices = #map1}]} {
    %mul3A = arith.constant 2 : i32
    %mul3A_0 = arith.muli %arg1, %mul3A : i32
    %add3A = arith.addi %mul3A_0, %arg0 : i32
    %mul3A_1 = arith.constant 512 : i32
    %mul3A_2 = arith.muli %add3A, %mul3A_1 : i32
    "tpu.region"() ({
      %run_scoped3A = tpu.sem_alloc : memref<!tpu.dma_semaphore, #tpu.memory_space<semaphore_mem>>
      %dma_start3A_1123 = tpu.memref_slice %arg2[%mul3A_2] : memref<16384xi32, #tpu.memory_space<hbm>> -> memref<512xi32, #tpu.memory_space<hbm>>
      %dma_start3A_1124 = tpu.memref_slice %arg2[%mul3A_2] : memref<16384xi32, #tpu.memory_space<hbm>> -> memref<512xi32, #tpu.memory_space<hbm>>
      tpu.enqueue_dma source(%dma_start3A_1124 : memref<512xi32, #tpu.memory_space<hbm>>) target(%arg5 : memref<512xi32, #tpu.memory_space<vmem>>) target_semaphore(%run_scoped3A : memref<!tpu.dma_semaphore, #tpu.memory_space<semaphore_mem>>)
      %dma_wait3A_1125 = tpu.memref_slice %arg2[%mul3A_2] : memref<16384xi32, #tpu.memory_space<hbm>> -> memref<512xi32, #tpu.memory_space<hbm>>
      %dma_wait3A_1126 = tpu.memref_slice %arg2[%mul3A_2] : memref<16384xi32, #tpu.memory_space<hbm>> -> memref<512xi32, #tpu.memory_space<hbm>>
      tpu.wait_dma2 semaphore(%run_scoped3A : memref<!tpu.dma_semaphore, #tpu.memory_space<semaphore_mem>>) src(%dma_wait3A_1126 : memref<512xi32, #tpu.memory_space<hbm>>) dst(%arg5 : memref<512xi32, #tpu.memory_space<vmem>>)
      tpu.yield
    }) : () -> ()
    %get3A = arith.constant 0 : index
    %get3A_3 = tpu.vector_load %arg5[%get3A] {strides = array<i32>} : memref<512xi32, #tpu.memory_space<vmem>>, vector<16xi32>,
    %iota3A = tpu.iota {dimensions = array<i32: 0>} : vector<16xi32>
    %eq3A = arith.constant 0 : i32
    %eq3A_4 = vector.broadcast %eq3A : i32 to vector<16xi32>
    %eq3A_5 = arith.cmpi eq, %iota3A, %eq3A_4 : vector<16xi32>
    %jit3A = arith.constant 0 : i32
    %broadcast_in_dim3A = vector.broadcast %jit3A : i32 to vector<16xi32>
    %select_n3A = arith.select %eq3A_5, %get3A_3, %broadcast_in_dim3A : vector<16xi1>, vector<16xi32>
    %reduce_sum3A = arith.constant true
    %reduce_sum3A_6 = vector.broadcast %reduce_sum3A : i1 to vector<16xi1>
    %reduce_sum3A_7 = tpu.scan <sum>, %select_n3A masked %reduce_sum3A_6 : vector<16xi32>, vector<16xi1> -> vector<16xi32>
    %reduce_sum3A_8 = vector.extract %reduce_sum3A_7[15] : i32 from vector<16xi32>
    %and3A = arith.constant 127 : i32
    %and3A_9 = arith.andi %reduce_sum3A_8, %and3A : i32
    %sub3A = arith.subi %reduce_sum3A_8, %and3A_9 : i32
    %multiple_of3A = tpu.assume_multiple %sub3A, 128 : i32
    %dma_start3A = arith.constant 0 : i32
    %dma_start3A_10 = arith.constant 0 : i32
    %dma_start3A_11 = tpu.memref_slice %arg7[%dma_start3A, %dma_start3A_10] : memref<64x128xf32, #tpu.memory_space<vmem>> -> memref<8x128xf32, #tpu.memory_space<vmem>>
    %dma_start3A_12 = arith.constant 0 : i32
    %dma_start3A_13 = tpu.memref_slice %arg3[%dma_start3A_12, %multiple_of3A] : memref<64x1000000xf32, #tpu.memory_space<hbm>> -> memref<8x128xf32, #tpu.memory_space<hbm>>
    %dma_start3A_14 = arith.constant 0 : i32
    %dma_start3A_15 = arith.constant 0 : i32
    %dma_start3A_16 = tpu.memref_slice %arg7[%dma_start3A_14, %dma_start3A_15] : memref<64x128xf32, #tpu.memory_space<vmem>> -> memref<8x128xf32, #tpu.memory_space<vmem>>
    %dma_start3A_17 = arith.constant 0 : i32
    %dma_start3A_18 = tpu.memref_slice %arg3[%dma_start3A_17, %multiple_of3A] : memref<64x1000000xf32, #tpu.memory_space<hbm>> -> memref<8x128xf32, #tpu.memory_space<hbm>>
    tpu.enqueue_dma source(%dma_start3A_18 : memref<8x128xf32, #tpu.memory_space<hbm>>) target(%dma_start3A_16 : memref<8x128xf32, #tpu.memory_space<vmem>>) target_semaphore(%arg15 : memref<!tpu.dma_semaphore, #tpu.memory_space<semaphore_mem>>)
    %dma_start3A_19 = arith.constant 8 : i32
    %dma_start3A_20 = arith.constant 0 : i32
    %dma_start3A_21 = tpu.memref_slice %arg7[%dma_start3A_19, %dma_start3A_20] : memref<64x128xf32, #tpu.memory_space<vmem>> -> memref<8x128xf32, #tpu.memory_space<vmem>>
    %dma_start3A_22 = arith.constant 8 : i32
    %dma_start3A_23 = tpu.memref_slice %arg3[%dma_start3A_22, %multiple_of3A] : memref<64x1000000xf32, #tpu.memory_space<hbm>> -> memref<8x128xf32, #tpu.memory_space<hbm>>
    %dma_start3A_24 = arith.constant 8 : i32
    %dma_start3A_25 = arith.constant 0 : i32
    %dma_start3A_26 = tpu.memref_slice %arg7[%dma_start3A_24, %dma_start3A_25] : memref<64x128xf32, #tpu.memory_space<vmem>> -> memref<8x128xf32, #tpu.memory_space<vmem>>
    %dma_start3A_27 = arith.constant 8 : i32
    %dma_start3A_28 = tpu.memref_slice %arg3[%dma_start3A_27, %multiple_of3A] : memref<64x1000000xf32, #tpu.memory_space<hbm>> -> memref<8x128xf32, #tpu.memory_space<hbm>>
    tpu.enqueue_dma source(%dma_start3A_28 : memref<8x128xf32, #tpu.memory_space<hbm>>) target(%dma_start3A_26 : memref<8x128xf32, #tpu.memory_space<vmem>>) target_semaphore(%arg15 : memref<!tpu.dma_semaphore, #tpu.memory_space<semaphore_mem>>)
    %dma_start3A_29 = arith.constant 16 : i32
    %dma_start3A_30 = arith.constant 0 : i32
    %dma_start3A_31 = tpu.memref_slice %arg7[%dma_start3A_29, %dma_start3A_30] : memref<64x128xf32, #tpu.memory_space<vmem>> -> memref<8x128xf32, #tpu.memory_space<vmem>>
    %dma_start3A_32 = arith.constant 16 : i32
    %dma_start3A_33 = tpu.memref_slice %arg3[%dma_start3A_32, %multiple_of3A] : memref<64x1000000xf32, #tpu.memory_space<hbm>> -> memref<8x128xf32, #tpu.memory_space<hbm>>
    %dma_start3A_34 = arith.constant 16 : i32
    %dma_start3A_35 = arith.constant 0 : i32
    %dma_start3A_36 = tpu.memref_slice %arg7[%dma_start3A_34, %dma_start3A_35] : memref<64x128xf32, #tpu.memory_space<vmem>> -> memref<8x128xf32, #tpu.memory_space<vmem>>
    %dma_start3A_37 = arith.constant 16 : i32
    %dma_start3A_38 = tpu.memref_slice %arg3[%dma_start3A_37, %multiple_of3A] : memref<64x1000000xf32, #tpu.memory_space<hbm>> -> memref<8x128xf32, #tpu.memory_space<hbm>>
    tpu.enqueue_dma source(%dma_start3A_38 : memref<8x128xf32, #tpu.memory_space<hbm>>) target(%dma_start3A_36 : memref<8x128xf32, #tpu.memory_space<vmem>>) target_semaphore(%arg15 : memref<!tpu.dma_semaphore, #tpu.memory_space<semaphore_mem>>)
    %dma_start3A_39 = arith.constant 24 : i32
    %dma_start3A_40 = arith.constant 0 : i32
    %dma_start3A_41 = tpu.memref_slice %arg7[%dma_start3A_39, %dma_start3A_40] : memref<64x128xf32, #tpu.memory_space<vmem>> -> memref<8x128xf32, #tpu.memory_space<vmem>>
    %dma_start3A_42 = arith.constant 24 : i32
    %dma_start3A_43 = tpu.memref_slice %arg3[%dma_start3A_42, %multiple_of3A] : memref<64x1000000xf32, #tpu.memory_space<hbm>> -> memref<8x128xf32, #tpu.memory_space<hbm>>
    %dma_start3A_44 = arith.constant 24 : i32
    %dma_start3A_45 = arith.constant 0 : i32
    %dma_start3A_46 = tpu.memref_slice %arg7[%dma_start3A_44, %dma_start3A_45] : memref<64x128xf32, #tpu.memory_space<vmem>> -> memref<8x128xf32, #tpu.memory_space<vmem>>
    %dma_start3A_47 = arith.constant 24 : i32
    %dma_start3A_48 = tpu.memref_slice %arg3[%dma_start3A_47, %multiple_of3A] : memref<64x1000000xf32, #tpu.memory_space<hbm>> -> memref<8x128xf32, #tpu.memory_space<hbm>>
    tpu.enqueue_dma source(%dma_start3A_48 : memref<8x128xf32, #tpu.memory_space<hbm>>) target(%dma_start3A_46 : memref<8x128xf32, #tpu.memory_space<vmem>>) target_semaphore(%arg15 : memref<!tpu.dma_semaphore, #tpu.memory_space<semaphore_mem>>)
    %dma_start3A_49 = arith.constant 32 : i32
    %dma_start3A_50 = arith.constant 0 : i32
    %dma_start3A_51 = tpu.memref_slice %arg7[%dma_start3A_49, %dma_start3A_50] : memref<64x128xf32, #tpu.memory_space<vmem>> -> memref<8x128xf32, #tpu.memory_space<vmem>>
    %dma_start3A_52 = arith.constant 32 : i32
    %dma_start3A_53 = tpu.memref_slice %arg3[%dma_start3A_52, %multiple_of3A] : memref<64x1000000xf32, #tpu.memory_space<hbm>> -> memref<8x128xf32, #tpu.memory_space<hbm>>
    %dma_start3A_54 = arith.constant 32 : i32
    %dma_start3A_55 = arith.constant 0 : i32
    %dma_start3A_56 = tpu.memref_slice %arg7[%dma_start3A_54, %dma_start3A_55] : memref<64x128xf32, #tpu.memory_space<vmem>> -> memref<8x128xf32, #tpu.memory_space<vmem>>
    %dma_start3A_57 = arith.constant 32 : i32
    %dma_start3A_58 = tpu.memref_slice %arg3[%dma_start3A_57, %multiple_of3A] : memref<64x1000000xf32, #tpu.memory_space<hbm>> -> memref<8x128xf32, #tpu.memory_space<hbm>>
    tpu.enqueue_dma source(%dma_start3A_58 : memref<8x128xf32, #tpu.memory_space<hbm>>) target(%dma_start3A_56 : memref<8x128xf32, #tpu.memory_space<vmem>>) target_semaphore(%arg15 : memref<!tpu.dma_semaphore, #tpu.memory_space<semaphore_mem>>)
    %dma_start3A_59 = arith.constant 40 : i32
    %dma_start3A_60 = arith.constant 0 : i32
    %dma_start3A_61 = tpu.memref_slice %arg7[%dma_start3A_59, %dma_start3A_60] : memref<64x128xf32, #tpu.memory_space<vmem>> -> memref<8x128xf32, #tpu.memory_space<vmem>>
    %dma_start3A_62 = arith.constant 40 : i32
    %dma_start3A_63 = tpu.memref_slice %arg3[%dma_start3A_62, %multiple_of3A] : memref<64x1000000xf32, #tpu.memory_space<hbm>> -> memref<8x128xf32, #tpu.memory_space<hbm>>
    %dma_start3A_64 = arith.constant 40 : i32
    %dma_start3A_65 = arith.constant 0 : i32
    %dma_start3A_66 = tpu.memref_slice %arg7[%dma_start3A_64, %dma_start3A_65] : memref<64x128xf32, #tpu.memory_space<vmem>> -> memref<8x128xf32, #tpu.memory_space<vmem>>
    %dma_start3A_67 = arith.constant 40 : i32
    %dma_start3A_68 = tpu.memref_slice %arg3[%dma_start3A_67, %multiple_of3A] : memref<64x1000000xf32, #tpu.memory_space<hbm>> -> memref<8x128xf32, #tpu.memory_space<hbm>>
    tpu.enqueue_dma source(%dma_start3A_68 : memref<8x128xf32, #tpu.memory_space<hbm>>) target(%dma_start3A_66 : memref<8x128xf32, #tpu.memory_space<vmem>>) target_semaphore(%arg15 : memref<!tpu.dma_semaphore, #tpu.memory_space<semaphore_mem>>)
    %dma_start3A_69 = arith.constant 48 : i32
    %dma_start3A_70 = arith.constant 0 : i32
    %dma_start3A_71 = tpu.memref_slice %arg7[%dma_start3A_69, %dma_start3A_70] : memref<64x128xf32, #tpu.memory_space<vmem>> -> memref<8x128xf32, #tpu.memory_space<vmem>>
    %dma_start3A_72 = arith.constant 48 : i32
    %dma_start3A_73 = tpu.memref_slice %arg3[%dma_start3A_72, %multiple_of3A] : memref<64x1000000xf32, #tpu.memory_space<hbm>> -> memref<8x128xf32, #tpu.memory_space<hbm>>
    %dma_start3A_74 = arith.constant 48 : i32
    %dma_start3A_75 = arith.constant 0 : i32
    %dma_start3A_76 = tpu.memref_slice %arg7[%dma_start3A_74, %dma_start3A_75] : memref<64x128xf32, #tpu.memory_space<vmem>> -> memref<8x128xf32, #tpu.memory_space<vmem>>
    %dma_start3A_77 = arith.constant 48 : i32
    %dma_start3A_78 = tpu.memref_slice %arg3[%dma_start3A_77, %multiple_of3A] : memref<64x1000000xf32, #tpu.memory_space<hbm>> -> memref<8x128xf32, #tpu.memory_space<hbm>>
    tpu.enqueue_dma source(%dma_start3A_78 : memref<8x128xf32, #tpu.memory_space<hbm>>) target(%dma_start3A_76 : memref<8x128xf32, #tpu.memory_space<vmem>>) target_semaphore(%arg15 : memref<!tpu.dma_semaphore, #tpu.memory_space<semaphore_mem>>)
    %dma_start3A_79 = arith.constant 56 : i32
    %dma_start3A_80 = arith.constant 0 : i32
    %dma_start3A_81 = tpu.memref_slice %arg7[%dma_start3A_79, %dma_start3A_80] : memref<64x128xf32, #tpu.memory_space<vmem>> -> memref<8x128xf32, #tpu.memory_space<vmem>>
    %dma_start3A_82 = arith.constant 56 : i32
    %dma_start3A_83 = tpu.memref_slice %arg3[%dma_start3A_82, %multiple_of3A] : memref<64x1000000xf32, #tpu.memory_space<hbm>> -> memref<8x128xf32, #tpu.memory_space<hbm>>
    %dma_start3A_84 = arith.constant 56 : i32
    %dma_start3A_85 = arith.constant 0 : i32
    %dma_start3A_86 = tpu.memref_slice %arg7[%dma_start3A_84, %dma_start3A_85] : memref<64x128xf32, #tpu.memory_space<vmem>> -> memref<8x128xf32, #tpu.memory_space<vmem>>
    %dma_start3A_87 = arith.constant 56 : i32
    %dma_start3A_88 = tpu.memref_slice %arg3[%dma_start3A_87, %multiple_of3A] : memref<64x1000000xf32, #tpu.memory_space<hbm>> -> memref<8x128xf32, #tpu.memory_space<hbm>>
    tpu.enqueue_dma source(%dma_start3A_88 : memref<8x128xf32, #tpu.memory_space<hbm>>) target(%dma_start3A_86 : memref<8x128xf32, #tpu.memory_space<vmem>>) target_semaphore(%arg15 : memref<!tpu.dma_semaphore, #tpu.memory_space<semaphore_mem>>)
    %get3A_89 = arith.constant 0 : index
    %get3A_90 = tpu.vector_load %arg5[%get3A_89] {strides = array<i32>} : memref<512xi32, #tpu.memory_space<vmem>>, vector<16xi32>,
    %iota3A_91 = tpu.iota {dimensions = array<i32: 0>} : vector<16xi32>
    %eq3A_92 = arith.constant 1 : i32
    %eq3A_93 = vector.broadcast %eq3A_92 : i32 to vector<16xi32>
    %eq3A_94 = arith.cmpi eq, %iota3A_91, %eq3A_93 : vector<16xi32>
    %jit3A_95 = arith.constant 0 : i32
    %broadcast_in_dim3A_96 = vector.broadcast %jit3A_95 : i32 to vector<16xi32>
    %select_n3A_97 = arith.select %eq3A_94, %get3A_90, %broadcast_in_dim3A_96 : vector<16xi1>, vector<16xi32>
    %reduce_sum3A_98 = arith.constant true
    %reduce_sum3A_99 = vector.broadcast %reduce_sum3A_98 : i1 to vector<16xi1>
    %reduce_sum3A_100 = tpu.scan <sum>, %select_n3A_97 masked %reduce_sum3A_99 : vector<16xi32>, vector<16xi1> -> vector<16xi32>
    %reduce_sum3A_101 = vector.extract %reduce_sum3A_100[15] : i32 from vector<16xi32>
    %and3A_102 = arith.constant 127 : i32
    %and3A_103 = arith.andi %reduce_sum3A_101, %and3A_102 : i32
    %sub3A_104 = arith.subi %reduce_sum3A_101, %and3A_103 : i32
    %multiple_of3A_105 = tpu.assume_multiple %sub3A_104, 128 : i32
    %dma_start3A_106 = arith.constant 0 : i32
    %dma_start3A_107 = arith.constant 0 : i32
    %dma_start3A_108 = tpu.memref_slice %arg8[%dma_start3A_106, %dma_start3A_107] : memref<64x128xf32, #tpu.memory_space<vmem>> -> memref<8x128xf32, #tpu.memory_space<vmem>>
    %dma_start3A_109 = arith.constant 0 : i32
    %dma_start3A_110 = tpu.memref_slice %arg3[%dma_start3A_109, %multiple_of3A_105] : memref<64x1000000xf32, #tpu.memory_space<hbm>> -> memref<8x128xf32, #tpu.memory_space<hbm>>
    %dma_start3A_111 = arith.constant 0 : i32
    %dma_start3A_112 = arith.constant 0 : i32
    %dma_start3A_113 = tpu.memref_slice %arg8[%dma_start3A_111, %dma_start3A_112] : memref<64x128xf32, #tpu.memory_space<vmem>> -> memref<8x128xf32, #tpu.memory_space<vmem>>
    %dma_start3A_114 = arith.constant 0 : i32
    %dma_start3A_115 = tpu.memref_slice %arg3[%dma_start3A_114, %multiple_of3A_105] : memref<64x1000000xf32, #tpu.memory_space<hbm>> -> memref<8x128xf32, #tpu.memory_space<hbm>>
    tpu.enqueue_dma source(%dma_start3A_115 : memref<8x128xf32, #tpu.memory_space<hbm>>) target(%dma_start3A_113 : memref<8x128xf32, #tpu.memory_space<vmem>>) target_semaphore(%arg16 : memref<!tpu.dma_semaphore, #tpu.memory_space<semaphore_mem>>)
    %dma_start3A_116 = arith.constant 8 : i32
    %dma_start3A_117 = arith.constant 0 : i32
    %dma_start3A_118 = tpu.memref_slice %arg8[%dma_start3A_116, %dma_start3A_117] : memref<64x128xf32, #tpu.memory_space<vmem>> -> memref<8x128xf32, #tpu.memory_space<vmem>>
    %dma_start3A_119 = arith.constant 8 : i32
    %dma_start3A_120 = tpu.memref_slice %arg3[%dma_start3A_119, %multiple_of3A_105] : memref<64x1000000xf32, #tpu.memory_space<hbm>> -> memref<8x128xf32, #tpu.memory_space<hbm>>
    %dma_start3A_121 = arith.constant 8 : i32
    %dma_start3A_122 = arith.constant 0 : i32
    %dma_start3A_123 = tpu.memref_slice %arg8[%dma_start3A_121, %dma_start3A_122] : memref<64x128xf32, #tpu.memory_space<vmem>> -> memref<8x128xf32, #tpu.memory_space<vmem>>
    %dma_start3A_124 = arith.constant 8 : i32
    %dma_start3A_125 = tpu.memref_slice %arg3[%dma_start3A_124, %multiple_of3A_105] : memref<64x1000000xf32, #tpu.memory_space<hbm>> -> memref<8x128xf32, #tpu.memory_space<hbm>>
    tpu.enqueue_dma source(%dma_start3A_125 : memref<8x128xf32, #tpu.memory_space<hbm>>) target(%dma_start3A_123 : memref<8x128xf32, #tpu.memory_space<vmem>>) target_semaphore(%arg16 : memref<!tpu.dma_semaphore, #tpu.memory_space<semaphore_mem>>)
    %dma_start3A_126 = arith.constant 16 : i32
    %dma_start3A_127 = arith.constant 0 : i32
    %dma_start3A_128 = tpu.memref_slice %arg8[%dma_start3A_126, %dma_start3A_127] : memref<64x128xf32, #tpu.memory_space<vmem>> -> memref<8x128xf32, #tpu.memory_space<vmem>>
    %dma_start3A_129 = arith.constant 16 : i32
    %dma_start3A_130 = tpu.memref_slice %arg3[%dma_start3A_129, %multiple_of3A_105] : memref<64x1000000xf32, #tpu.memory_space<hbm>> -> memref<8x128xf32, #tpu.memory_space<hbm>>
    %dma_start3A_131 = arith.constant 16 : i32
    %dma_start3A_132 = arith.constant 0 : i32
    %dma_start3A_133 = tpu.memref_slice %arg8[%dma_start3A_131, %dma_start3A_132] : memref<64x128xf32, #tpu.memory_space<vmem>> -> memref<8x128xf32, #tpu.memory_space<vmem>>
    %dma_start3A_134 = arith.constant 16 : i32
    %dma_start3A_135 = tpu.memref_slice %arg3[%dma_start3A_134, %multiple_of3A_105] : memref<64x1000000xf32, #tpu.memory_space<hbm>> -> memref<8x128xf32, #tpu.memory_space<hbm>>
    tpu.enqueue_dma source(%dma_start3A_135 : memref<8x128xf32, #tpu.memory_space<hbm>>) target(%dma_start3A_133 : memref<8x128xf32, #tpu.memory_space<vmem>>) target_semaphore(%arg16 : memref<!tpu.dma_semaphore, #tpu.memory_space<semaphore_mem>>)
    %dma_start3A_136 = arith.constant 24 : i32
    %dma_start3A_137 = arith.constant 0 : i32
    %dma_start3A_138 = tpu.memref_slice %arg8[%dma_start3A_136, %dma_start3A_137] : memref<64x128xf32, #tpu.memory_space<vmem>> -> memref<8x128xf32, #tpu.memory_space<vmem>>
    %dma_start3A_139 = arith.constant 24 : i32
    %dma_start3A_140 = tpu.memref_slice %arg3[%dma_start3A_139, %multiple_of3A_105] : memref<64x1000000xf32, #tpu.memory_space<hbm>> -> memref<8x128xf32, #tpu.memory_space<hbm>>
    %dma_start3A_141 = arith.constant 24 : i32
    %dma_start3A_142 = arith.constant 0 : i32
    %dma_start3A_143 = tpu.memref_slice %arg8[%dma_start3A_141, %dma_start3A_142] : memref<64x128xf32, #tpu.memory_space<vmem>> -> memref<8x128xf32, #tpu.memory_space<vmem>>
    %dma_start3A_144 = arith.constant 24 : i32
    %dma_start3A_145 = tpu.memref_slice %arg3[%dma_start3A_144, %multiple_of3A_105] : memref<64x1000000xf32, #tpu.memory_space<hbm>> -> memref<8x128xf32, #tpu.memory_space<hbm>>
    tpu.enqueue_dma source(%dma_start3A_145 : memref<8x128xf32, #tpu.memory_space<hbm>>) target(%dma_start3A_143 : memref<8x128xf32, #tpu.memory_space<vmem>>) target_semaphore(%arg16 : memref<!tpu.dma_semaphore, #tpu.memory_space<semaphore_mem>>)
    %dma_start3A_146 = arith.constant 32 : i32
    %dma_start3A_147 = arith.constant 0 : i32
    %dma_start3A_148 = tpu.memref_slice %arg8[%dma_start3A_146, %dma_start3A_147] : memref<64x128xf32, #tpu.memory_space<vmem>> -> memref<8x128xf32, #tpu.memory_space<vmem>>
    %dma_start3A_149 = arith.constant 32 : i32
    %dma_start3A_150 = tpu.memref_slice %arg3[%dma_start3A_149, %multiple_of3A_105] : memref<64x1000000xf32, #tpu.memory_space<hbm>> -> memref<8x128xf32, #tpu.memory_space<hbm>>
    %dma_start3A_151 = arith.constant 32 : i32
    %dma_start3A_152 = arith.constant 0 : i32
    %dma_start3A_153 = tpu.memref_slice %arg8[%dma_start3A_151, %dma_start3A_152] : memref<64x128xf32, #tpu.memory_space<vmem>> -> memref<8x128xf32, #tpu.memory_space<vmem>>
    %dma_start3A_154 = arith.constant 32 : i32
    %dma_start3A_155 = tpu.memref_slice %arg3[%dma_start3A_154, %multiple_of3A_105] : memref<64x1000000xf32, #tpu.memory_space<hbm>> -> memref<8x128xf32, #tpu.memory_space<hbm>>
    tpu.enqueue_dma source(%dma_start3A_155 : memref<8x128xf32, #tpu.memory_space<hbm>>) target(%dma_start3A_153 : memref<8x128xf32, #tpu.memory_space<vmem>>) target_semaphore(%arg16 : memref<!tpu.dma_semaphore, #tpu.memory_space<semaphore_mem>>)
    %dma_start3A_156 = arith.constant 40 : i32
    %dma_start3A_157 = arith.constant 0 : i32
    %dma_start3A_158 = tpu.memref_slice %arg8[%dma_start3A_156, %dma_start3A_157] : memref<64x128xf32, #tpu.memory_space<vmem>> -> memref<8x128xf32, #tpu.memory_space<vmem>>
    %dma_start3A_159 = arith.constant 40 : i32
    %dma_start3A_160 = tpu.memref_slice %arg3[%dma_start3A_159, %multiple_of3A_105] : memref<64x1000000xf32, #tpu.memory_space<hbm>> -> memref<8x128xf32, #tpu.memory_space<hbm>>
    %dma_start3A_161 = arith.constant 40 : i32
    %dma_start3A_162 = arith.constant 0 : i32
    %dma_start3A_163 = tpu.memref_slice %arg8[%dma_start3A_161, %dma_start3A_162] : memref<64x128xf32, #tpu.memory_space<vmem>> -> memref<8x128xf32, #tpu.memory_space<vmem>>
    %dma_start3A_164 = arith.constant 40 : i32
    %dma_start3A_165 = tpu.memref_slice %arg3[%dma_start3A_164, %multiple_of3A_105] : memref<64x1000000xf32, #tpu.memory_space<hbm>> -> memref<8x128xf32, #tpu.memory_space<hbm>>
    tpu.enqueue_dma source(%dma_start3A_165 : memref<8x128xf32, #tpu.memory_space<hbm>>) target(%dma_start3A_163 : memref<8x128xf32, #tpu.memory_space<vmem>>) target_semaphore(%arg16 : memref<!tpu.dma_semaphore, #tpu.memory_space<semaphore_mem>>)
    %dma_start3A_166 = arith.constant 48 : i32
    %dma_start3A_167 = arith.constant 0 : i32
    %dma_start3A_168 = tpu.memref_slice %arg8[%dma_start3A_166, %dma_start3A_167] : memref<64x128xf32, #tpu.memory_space<vmem>> -> memref<8x128xf32, #tpu.memory_space<vmem>>
    %dma_start3A_169 = arith.constant 48 : i32
    %dma_start3A_170 = tpu.memref_slice %arg3[%dma_start3A_169, %multiple_of3A_105] : memref<64x1000000xf32, #tpu.memory_space<hbm>> -> memref<8x128xf32, #tpu.memory_space<hbm>>
    %dma_start3A_171 = arith.constant 48 : i32
    %dma_start3A_172 = arith.constant 0 : i32
    %dma_start3A_173 = tpu.memref_slice %arg8[%dma_start3A_171, %dma_start3A_172] : memref<64x128xf32, #tpu.memory_space<vmem>> -> memref<8x128xf32, #tpu.memory_space<vmem>>
    %dma_start3A_174 = arith.constant 48 : i32
    %dma_start3A_175 = tpu.memref_slice %arg3[%dma_start3A_174, %multiple_of3A_105] : memref<64x1000000xf32, #tpu.memory_space<hbm>> -> memref<8x128xf32, #tpu.memory_space<hbm>>
    tpu.enqueue_dma source(%dma_start3A_175 : memref<8x128xf32, #tpu.memory_space<hbm>>) target(%dma_start3A_173 : memref<8x128xf32, #tpu.memory_space<vmem>>) target_semaphore(%arg16 : memref<!tpu.dma_semaphore, #tpu.memory_space<semaphore_mem>>)
    %dma_start3A_176 = arith.constant 56 : i32
    %dma_start3A_177 = arith.constant 0 : i32
    %dma_start3A_178 = tpu.memref_slice %arg8[%dma_start3A_176, %dma_start3A_177] : memref<64x128xf32, #tpu.memory_space<vmem>> -> memref<8x128xf32, #tpu.memory_space<vmem>>
    %dma_start3A_179 = arith.constant 56 : i32
    %dma_start3A_180 = tpu.memref_slice %arg3[%dma_start3A_179, %multiple_of3A_105] : memref<64x1000000xf32, #tpu.memory_space<hbm>> -> memref<8x128xf32, #tpu.memory_space<hbm>>
    %dma_start3A_181 = arith.constant 56 : i32
    %dma_start3A_182 = arith.constant 0 : i32
    %dma_start3A_183 = tpu.memref_slice %arg8[%dma_start3A_181, %dma_start3A_182] : memref<64x128xf32, #tpu.memory_space<vmem>> -> memref<8x128xf32, #tpu.memory_space<vmem>>
    %dma_start3A_184 = arith.constant 56 : i32
    %dma_start3A_185 = tpu.memref_slice %arg3[%dma_start3A_184, %multiple_of3A_105] : memref<64x1000000xf32, #tpu.memory_space<hbm>> -> memref<8x128xf32, #tpu.memory_space<hbm>>
    tpu.enqueue_dma source(%dma_start3A_185 : memref<8x128xf32, #tpu.memory_space<hbm>>) target(%dma_start3A_183 : memref<8x128xf32, #tpu.memory_space<vmem>>) target_semaphore(%arg16 : memref<!tpu.dma_semaphore, #tpu.memory_space<semaphore_mem>>)
    %get3A_186 = arith.constant 0 : index
    %get3A_187 = tpu.vector_load %arg5[%get3A_186] {strides = array<i32>} : memref<512xi32, #tpu.memory_space<vmem>>, vector<16xi32>,
    %iota3A_188 = tpu.iota {dimensions = array<i32: 0>} : vector<16xi32>
    %eq3A_189 = arith.constant 2 : i32
    %eq3A_190 = vector.broadcast %eq3A_189 : i32 to vector<16xi32>
    %eq3A_191 = arith.cmpi eq, %iota3A_188, %eq3A_190 : vector<16xi32>
    %jit3A_192 = arith.constant 0 : i32
    %broadcast_in_dim3A_193 = vector.broadcast %jit3A_192 : i32 to vector<16xi32>
    %select_n3A_194 = arith.select %eq3A_191, %get3A_187, %broadcast_in_dim3A_193 : vector<16xi1>, vector<16xi32>
    %reduce_sum3A_195 = arith.constant true
    %reduce_sum3A_196 = vector.broadcast %reduce_sum3A_195 : i1 to vector<16xi1>
    %reduce_sum3A_197 = tpu.scan <sum>, %select_n3A_194 masked %reduce_sum3A_196 : vector<16xi32>, vector<16xi1> -> vector<16xi32>
    %reduce_sum3A_198 = vector.extract %reduce_sum3A_197[15] : i32 from vector<16xi32>
    %and3A_199 = arith.constant 127 : i32
    %and3A_200 = arith.andi %reduce_sum3A_198, %and3A_199 : i32
    %sub3A_201 = arith.subi %reduce_sum3A_198, %and3A_200 : i32
    %multiple_of3A_202 = tpu.assume_multiple %sub3A_201, 128 : i32
    %dma_start3A_203 = arith.constant 0 : i32
    %dma_start3A_204 = arith.constant 0 : i32
    %dma_start3A_205 = tpu.memref_slice %arg9[%dma_start3A_203, %dma_start3A_204] : memref<64x128xf32, #tpu.memory_space<vmem>> -> memref<8x128xf32, #tpu.memory_space<vmem>>
    %dma_start3A_206 = arith.constant 0 : i32
    %dma_start3A_207 = tpu.memref_slice %arg3[%dma_start3A_206, %multiple_of3A_202] : memref<64x1000000xf32, #tpu.memory_space<hbm>> -> memref<8x128xf32, #tpu.memory_space<hbm>>
    %dma_start3A_208 = arith.constant 0 : i32
    %dma_start3A_209 = arith.constant 0 : i32
    %dma_start3A_210 = tpu.memref_slice %arg9[%dma_start3A_208, %dma_start3A_209] : memref<64x128xf32, #tpu.memory_space<vmem>> -> memref<8x128xf32, #tpu.memory_space<vmem>>
    %dma_start3A_211 = arith.constant 0 : i32
    %dma_start3A_212 = tpu.memref_slice %arg3[%dma_start3A_211, %multiple_of3A_202] : memref<64x1000000xf32, #tpu.memory_space<hbm>> -> memref<8x128xf32, #tpu.memory_space<hbm>>
    tpu.enqueue_dma source(%dma_start3A_212 : memref<8x128xf32, #tpu.memory_space<hbm>>) target(%dma_start3A_210 : memref<8x128xf32, #tpu.memory_space<vmem>>) target_semaphore(%arg17 : memref<!tpu.dma_semaphore, #tpu.memory_space<semaphore_mem>>)
    %dma_start3A_213 = arith.constant 8 : i32
    %dma_start3A_214 = arith.constant 0 : i32
    %dma_start3A_215 = tpu.memref_slice %arg9[%dma_start3A_213, %dma_start3A_214] : memref<64x128xf32, #tpu.memory_space<vmem>> -> memref<8x128xf32, #tpu.memory_space<vmem>>
    %dma_start3A_216 = arith.constant 8 : i32
    %dma_start3A_217 = tpu.memref_slice %arg3[%dma_start3A_216, %multiple_of3A_202] : memref<64x1000000xf32, #tpu.memory_space<hbm>> -> memref<8x128xf32, #tpu.memory_space<hbm>>
    %dma_start3A_218 = arith.constant 8 : i32
    %dma_start3A_219 = arith.constant 0 : i32
    %dma_start3A_220 = tpu.memref_slice %arg9[%dma_start3A_218, %dma_start3A_219] : memref<64x128xf32, #tpu.memory_space<vmem>> -> memref<8x128xf32, #tpu.memory_space<vmem>>
    %dma_start3A_221 = arith.constant 8 : i32
    %dma_start3A_222 = tpu.memref_slice %arg3[%dma_start3A_221, %multiple_of3A_202] : memref<64x1000000xf32, #tpu.memory_space<hbm>> -> memref<8x128xf32, #tpu.memory_space<hbm>>
    tpu.enqueue_dma source(%dma_start3A_222 : memref<8x128xf32, #tpu.memory_space<hbm>>) target(%dma_start3A_220 : memref<8x128xf32, #tpu.memory_space<vmem>>) target_semaphore(%arg17 : memref<!tpu.dma_semaphore, #tpu.memory_space<semaphore_mem>>)
    %dma_start3A_223 = arith.constant 16 : i32
    %dma_start3A_224 = arith.constant 0 : i32
    %dma_start3A_225 = tpu.memref_slice %arg9[%dma_start3A_223, %dma_start3A_224] : memref<64x128xf32, #tpu.memory_space<vmem>> -> memref<8x128xf32, #tpu.memory_space<vmem>>
    %dma_start3A_226 = arith.constant 16 : i32
    %dma_start3A_227 = tpu.memref_slice %arg3[%dma_start3A_226, %multiple_of3A_202] : memref<64x1000000xf32, #tpu.memory_space<hbm>> -> memref<8x128xf32, #tpu.memory_space<hbm>>
    %dma_start3A_228 = arith.constant 16 : i32
    %dma_start3A_229 = arith.constant 0 : i32
    %dma_start3A_230 = tpu.memref_slice %arg9[%dma_start3A_228, %dma_start3A_229] : memref<64x128xf32, #tpu.memory_space<vmem>> -> memref<8x128xf32, #tpu.memory_space<vmem>>
    %dma_start3A_231 = arith.constant 16 : i32
    %dma_start3A_232 = tpu.memref_slice %arg3[%dma_start3A_231, %multiple_of3A_202] : memref<64x1000000xf32, #tpu.memory_space<hbm>> -> memref<8x128xf32, #tpu.memory_space<hbm>>
    tpu.enqueue_dma source(%dma_start3A_232 : memref<8x128xf32, #tpu.memory_space<hbm>>) target(%dma_start3A_230 : memref<8x128xf32, #tpu.memory_space<vmem>>) target_semaphore(%arg17 : memref<!tpu.dma_semaphore, #tpu.memory_space<semaphore_mem>>)
    %dma_start3A_233 = arith.constant 24 : i32
    %dma_start3A_234 = arith.constant 0 : i32
    %dma_start3A_235 = tpu.memref_slice %arg9[%dma_start3A_233, %dma_start3A_234] : memref<64x128xf32, #tpu.memory_space<vmem>> -> memref<8x128xf32, #tpu.memory_space<vmem>>
    %dma_start3A_236 = arith.constant 24 : i32
    %dma_start3A_237 = tpu.memref_slice %arg3[%dma_start3A_236, %multiple_of3A_202] : memref<64x1000000xf32, #tpu.memory_space<hbm>> -> memref<8x128xf32, #tpu.memory_space<hbm>>
    %dma_start3A_238 = arith.constant 24 : i32
    %dma_start3A_239 = arith.constant 0 : i32
    %dma_start3A_240 = tpu.memref_slice %arg9[%dma_start3A_238, %dma_start3A_239] : memref<64x128xf32, #tpu.memory_space<vmem>> -> memref<8x128xf32, #tpu.memory_space<vmem>>
    %dma_start3A_241 = arith.constant 24 : i32
    %dma_start3A_242 = tpu.memref_slice %arg3[%dma_start3A_241, %multiple_of3A_202] : memref<64x1000000xf32, #tpu.memory_space<hbm>> -> memref<8x128xf32, #tpu.memory_space<hbm>>
    tpu.enqueue_dma source(%dma_start3A_242 : memref<8x128xf32, #tpu.memory_space<hbm>>) target(%dma_start3A_240 : memref<8x128xf32, #tpu.memory_space<vmem>>) target_semaphore(%arg17 : memref<!tpu.dma_semaphore, #tpu.memory_space<semaphore_mem>>)
    %dma_start3A_243 = arith.constant 32 : i32
    %dma_start3A_244 = arith.constant 0 : i32
    %dma_start3A_245 = tpu.memref_slice %arg9[%dma_start3A_243, %dma_start3A_244] : memref<64x128xf32, #tpu.memory_space<vmem>> -> memref<8x128xf32, #tpu.memory_space<vmem>>
    %dma_start3A_246 = arith.constant 32 : i32
    %dma_start3A_247 = tpu.memref_slice %arg3[%dma_start3A_246, %multiple_of3A_202] : memref<64x1000000xf32, #tpu.memory_space<hbm>> -> memref<8x128xf32, #tpu.memory_space<hbm>>
    %dma_start3A_248 = arith.constant 32 : i32
    %dma_start3A_249 = arith.constant 0 : i32
    %dma_start3A_250 = tpu.memref_slice %arg9[%dma_start3A_248, %dma_start3A_249] : memref<64x128xf32, #tpu.memory_space<vmem>> -> memref<8x128xf32, #tpu.memory_space<vmem>>
    %dma_start3A_251 = arith.constant 32 : i32
    %dma_start3A_252 = tpu.memref_slice %arg3[%dma_start3A_251, %multiple_of3A_202] : memref<64x1000000xf32, #tpu.memory_space<hbm>> -> memref<8x128xf32, #tpu.memory_space<hbm>>
    tpu.enqueue_dma source(%dma_start3A_252 : memref<8x128xf32, #tpu.memory_space<hbm>>) target(%dma_start3A_250 : memref<8x128xf32, #tpu.memory_space<vmem>>) target_semaphore(%arg17 : memref<!tpu.dma_semaphore, #tpu.memory_space<semaphore_mem>>)
    %dma_start3A_253 = arith.constant 40 : i32
    %dma_start3A_254 = arith.constant 0 : i32
    %dma_start3A_255 = tpu.memref_slice %arg9[%dma_start3A_253, %dma_start3A_254] : memref<64x128xf32, #tpu.memory_space<vmem>> -> memref<8x128xf32, #tpu.memory_space<vmem>>
    %dma_start3A_256 = arith.constant 40 : i32
    %dma_start3A_257 = tpu.memref_slice %arg3[%dma_start3A_256, %multiple_of3A_202] : memref<64x1000000xf32, #tpu.memory_space<hbm>> -> memref<8x128xf32, #tpu.memory_space<hbm>>
    %dma_start3A_258 = arith.constant 40 : i32
    %dma_start3A_259 = arith.constant 0 : i32
    %dma_start3A_260 = tpu.memref_slice %arg9[%dma_start3A_258, %dma_start3A_259] : memref<64x128xf32, #tpu.memory_space<vmem>> -> memref<8x128xf32, #tpu.memory_space<vmem>>
    %dma_start3A_261 = arith.constant 40 : i32
    %dma_start3A_262 = tpu.memref_slice %arg3[%dma_start3A_261, %multiple_of3A_202] : memref<64x1000000xf32, #tpu.memory_space<hbm>> -> memref<8x128xf32, #tpu.memory_space<hbm>>
    tpu.enqueue_dma source(%dma_start3A_262 : memref<8x128xf32, #tpu.memory_space<hbm>>) target(%dma_start3A_260 : memref<8x128xf32, #tpu.memory_space<vmem>>) target_semaphore(%arg17 : memref<!tpu.dma_semaphore, #tpu.memory_space<semaphore_mem>>)
    %dma_start3A_263 = arith.constant 48 : i32
    %dma_start3A_264 = arith.constant 0 : i32
    %dma_start3A_265 = tpu.memref_slice %arg9[%dma_start3A_263, %dma_start3A_264] : memref<64x128xf32, #tpu.memory_space<vmem>> -> memref<8x128xf32, #tpu.memory_space<vmem>>
    %dma_start3A_266 = arith.constant 48 : i32
    %dma_start3A_267 = tpu.memref_slice %arg3[%dma_start3A_266, %multiple_of3A_202] : memref<64x1000000xf32, #tpu.memory_space<hbm>> -> memref<8x128xf32, #tpu.memory_space<hbm>>
    %dma_start3A_268 = arith.constant 48 : i32
    %dma_start3A_269 = arith.constant 0 : i32
    %dma_start3A_270 = tpu.memref_slice %arg9[%dma_start3A_268, %dma_start3A_269] : memref<64x128xf32, #tpu.memory_space<vmem>> -> memref<8x128xf32, #tpu.memory_space<vmem>>
    %dma_start3A_271 = arith.constant 48 : i32
    %dma_start3A_272 = tpu.memref_slice %arg3[%dma_start3A_271, %multiple_of3A_202] : memref<64x1000000xf32, #tpu.memory_space<hbm>> -> memref<8x128xf32, #tpu.memory_space<hbm>>
    tpu.enqueue_dma source(%dma_start3A_272 : memref<8x128xf32, #tpu.memory_space<hbm>>) target(%dma_start3A_270 : memref<8x128xf32, #tpu.memory_space<vmem>>) target_semaphore(%arg17 : memref<!tpu.dma_semaphore, #tpu.memory_space<semaphore_mem>>)
    %dma_start3A_273 = arith.constant 56 : i32
    %dma_start3A_274 = arith.constant 0 : i32
    %dma_start3A_275 = tpu.memref_slice %arg9[%dma_start3A_273, %dma_start3A_274] : memref<64x128xf32, #tpu.memory_space<vmem>> -> memref<8x128xf32, #tpu.memory_space<vmem>>
    %dma_start3A_276 = arith.constant 56 : i32
    %dma_start3A_277 = tpu.memref_slice %arg3[%dma_start3A_276, %multiple_of3A_202] : memref<64x1000000xf32, #tpu.memory_space<hbm>> -> memref<8x128xf32, #tpu.memory_space<hbm>>
    %dma_start3A_278 = arith.constant 56 : i32
    %dma_start3A_279 = arith.constant 0 : i32
    %dma_start3A_280 = tpu.memref_slice %arg9[%dma_start3A_278, %dma_start3A_279] : memref<64x128xf32, #tpu.memory_space<vmem>> -> memref<8x128xf32, #tpu.memory_space<vmem>>
    %dma_start3A_281 = arith.constant 56 : i32
    %dma_start3A_282 = tpu.memref_slice %arg3[%dma_start3A_281, %multiple_of3A_202] : memref<64x1000000xf32, #tpu.memory_space<hbm>> -> memref<8x128xf32, #tpu.memory_space<hbm>>
    tpu.enqueue_dma source(%dma_start3A_282 : memref<8x128xf32, #tpu.memory_space<hbm>>) target(%dma_start3A_280 : memref<8x128xf32, #tpu.memory_space<vmem>>) target_semaphore(%arg17 : memref<!tpu.dma_semaphore, #tpu.memory_space<semaphore_mem>>)
    %get3A_283 = arith.constant 0 : index
    %get3A_284 = tpu.vector_load %arg5[%get3A_283] {strides = array<i32>} : memref<512xi32, #tpu.memory_space<vmem>>, vector<16xi32>,
    %iota3A_285 = tpu.iota {dimensions = array<i32: 0>} : vector<16xi32>
    %eq3A_286 = arith.constant 3 : i32
    %eq3A_287 = vector.broadcast %eq3A_286 : i32 to vector<16xi32>
    %eq3A_288 = arith.cmpi eq, %iota3A_285, %eq3A_287 : vector<16xi32>
    %jit3A_289 = arith.constant 0 : i32
    %broadcast_in_dim3A_290 = vector.broadcast %jit3A_289 : i32 to vector<16xi32>
    %select_n3A_291 = arith.select %eq3A_288, %get3A_284, %broadcast_in_dim3A_290 : vector<16xi1>, vector<16xi32>
    %reduce_sum3A_292 = arith.constant true
    %reduce_sum3A_293 = vector.broadcast %reduce_sum3A_292 : i1 to vector<16xi1>
    %reduce_sum3A_294 = tpu.scan <sum>, %select_n3A_291 masked %reduce_sum3A_293 : vector<16xi32>, vector<16xi1> -> vector<16xi32>
    %reduce_sum3A_295 = vector.extract %reduce_sum3A_294[15] : i32 from vector<16xi32>
    %and3A_296 = arith.constant 127 : i32
    %and3A_297 = arith.andi %reduce_sum3A_295, %and3A_296 : i32
    %sub3A_298 = arith.subi %reduce_sum3A_295, %and3A_297 : i32
    %multiple_of3A_299 = tpu.assume_multiple %sub3A_298, 128 : i32
    %dma_start3A_300 = arith.constant 0 : i32
    %dma_start3A_301 = arith.constant 0 : i32
    %dma_start3A_302 = tpu.memref_slice %arg10[%dma_start3A_300, %dma_start3A_301] : memref<64x128xf32, #tpu.memory_space<vmem>> -> memref<8x128xf32, #tpu.memory_space<vmem>>
    %dma_start3A_303 = arith.constant 0 : i32
    %dma_start3A_304 = tpu.memref_slice %arg3[%dma_start3A_303, %multiple_of3A_299] : memref<64x1000000xf32, #tpu.memory_space<hbm>> -> memref<8x128xf32, #tpu.memory_space<hbm>>
    %dma_start3A_305 = arith.constant 0 : i32
    %dma_start3A_306 = arith.constant 0 : i32
    %dma_start3A_307 = tpu.memref_slice %arg10[%dma_start3A_305, %dma_start3A_306] : memref<64x128xf32, #tpu.memory_space<vmem>> -> memref<8x128xf32, #tpu.memory_space<vmem>>
    %dma_start3A_308 = arith.constant 0 : i32
    %dma_start3A_309 = tpu.memref_slice %arg3[%dma_start3A_308, %multiple_of3A_299] : memref<64x1000000xf32, #tpu.memory_space<hbm>> -> memref<8x128xf32, #tpu.memory_space<hbm>>
    tpu.enqueue_dma source(%dma_start3A_309 : memref<8x128xf32, #tpu.memory_space<hbm>>) target(%dma_start3A_307 : memref<8x128xf32, #tpu.memory_space<vmem>>) target_semaphore(%arg18 : memref<!tpu.dma_semaphore, #tpu.memory_space<semaphore_mem>>)
    %dma_start3A_310 = arith.constant 8 : i32
    %dma_start3A_311 = arith.constant 0 : i32
    %dma_start3A_312 = tpu.memref_slice %arg10[%dma_start3A_310, %dma_start3A_311] : memref<64x128xf32, #tpu.memory_space<vmem>> -> memref<8x128xf32, #tpu.memory_space<vmem>>
    %dma_start3A_313 = arith.constant 8 : i32
    %dma_start3A_314 = tpu.memref_slice %arg3[%dma_start3A_313, %multiple_of3A_299] : memref<64x1000000xf32, #tpu.memory_space<hbm>> -> memref<8x128xf32, #tpu.memory_space<hbm>>
    %dma_start3A_315 = arith.constant 8 : i32
    %dma_start3A_316 = arith.constant 0 : i32
    %dma_start3A_317 = tpu.memref_slice %arg10[%dma_start3A_315, %dma_start3A_316] : memref<64x128xf32, #tpu.memory_space<vmem>> -> memref<8x128xf32, #tpu.memory_space<vmem>>
    %dma_start3A_318 = arith.constant 8 : i32
    %dma_start3A_319 = tpu.memref_slice %arg3[%dma_start3A_318, %multiple_of3A_299] : memref<64x1000000xf32, #tpu.memory_space<hbm>> -> memref<8x128xf32, #tpu.memory_space<hbm>>
    tpu.enqueue_dma source(%dma_start3A_319 : memref<8x128xf32, #tpu.memory_space<hbm>>) target(%dma_start3A_317 : memref<8x128xf32, #tpu.memory_space<vmem>>) target_semaphore(%arg18 : memref<!tpu.dma_semaphore, #tpu.memory_space<semaphore_mem>>)
    %dma_start3A_320 = arith.constant 16 : i32
    %dma_start3A_321 = arith.constant 0 : i32
    %dma_start3A_322 = tpu.memref_slice %arg10[%dma_start3A_320, %dma_start3A_321] : memref<64x128xf32, #tpu.memory_space<vmem>> -> memref<8x128xf32, #tpu.memory_space<vmem>>
    %dma_start3A_323 = arith.constant 16 : i32
    %dma_start3A_324 = tpu.memref_slice %arg3[%dma_start3A_323, %multiple_of3A_299] : memref<64x1000000xf32, #tpu.memory_space<hbm>> -> memref<8x128xf32, #tpu.memory_space<hbm>>
    %dma_start3A_325 = arith.constant 16 : i32
    %dma_start3A_326 = arith.constant 0 : i32
    %dma_start3A_327 = tpu.memref_slice %arg10[%dma_start3A_325, %dma_start3A_326] : memref<64x128xf32, #tpu.memory_space<vmem>> -> memref<8x128xf32, #tpu.memory_space<vmem>>
    %dma_start3A_328 = arith.constant 16 : i32
    %dma_start3A_329 = tpu.memref_slice %arg3[%dma_start3A_328, %multiple_of3A_299] : memref<64x1000000xf32, #tpu.memory_space<hbm>> -> memref<8x128xf32, #tpu.memory_space<hbm>>
    tpu.enqueue_dma source(%dma_start3A_329 : memref<8x128xf32, #tpu.memory_space<hbm>>) target(%dma_start3A_327 : memref<8x128xf32, #tpu.memory_space<vmem>>) target_semaphore(%arg18 : memref<!tpu.dma_semaphore, #tpu.memory_space<semaphore_mem>>)
    %dma_start3A_330 = arith.constant 24 : i32
    %dma_start3A_331 = arith.constant 0 : i32
    %dma_start3A_332 = tpu.memref_slice %arg10[%dma_start3A_330, %dma_start3A_331] : memref<64x128xf32, #tpu.memory_space<vmem>> -> memref<8x128xf32, #tpu.memory_space<vmem>>
    %dma_start3A_333 = arith.constant 24 : i32
    %dma_start3A_334 = tpu.memref_slice %arg3[%dma_start3A_333, %multiple_of3A_299] : memref<64x1000000xf32, #tpu.memory_space<hbm>> -> memref<8x128xf32, #tpu.memory_space<hbm>>
    %dma_start3A_335 = arith.constant 24 : i32
    %dma_start3A_336 = arith.constant 0 : i32
    %dma_start3A_337 = tpu.memref_slice %arg10[%dma_start3A_335, %dma_start3A_336] : memref<64x128xf32, #tpu.memory_space<vmem>> -> memref<8x128xf32, #tpu.memory_space<vmem>>
    %dma_start3A_338 = arith.constant 24 : i32
    %dma_start3A_339 = tpu.memref_slice %arg3[%dma_start3A_338, %multiple_of3A_299] : memref<64x1000000xf32, #tpu.memory_space<hbm>> -> memref<8x128xf32, #tpu.memory_space<hbm>>
    tpu.enqueue_dma source(%dma_start3A_339 : memref<8x128xf32, #tpu.memory_space<hbm>>) target(%dma_start3A_337 : memref<8x128xf32, #tpu.memory_space<vmem>>) target_semaphore(%arg18 : memref<!tpu.dma_semaphore, #tpu.memory_space<semaphore_mem>>)
    %dma_start3A_340 = arith.constant 32 : i32
    %dma_start3A_341 = arith.constant 0 : i32
    %dma_start3A_342 = tpu.memref_slice %arg10[%dma_start3A_340, %dma_start3A_341] : memref<64x128xf32, #tpu.memory_space<vmem>> -> memref<8x128xf32, #tpu.memory_space<vmem>>
    %dma_start3A_343 = arith.constant 32 : i32
    %dma_start3A_344 = tpu.memref_slice %arg3[%dma_start3A_343, %multiple_of3A_299] : memref<64x1000000xf32, #tpu.memory_space<hbm>> -> memref<8x128xf32, #tpu.memory_space<hbm>>
    %dma_start3A_345 = arith.constant 32 : i32
    %dma_start3A_346 = arith.constant 0 : i32
    %dma_start3A_347 = tpu.memref_slice %arg10[%dma_start3A_345, %dma_start3A_346] : memref<64x128xf32, #tpu.memory_space<vmem>> -> memref<8x128xf32, #tpu.memory_space<vmem>>
    %dma_start3A_348 = arith.constant 32 : i32
    %dma_start3A_349 = tpu.memref_slice %arg3[%dma_start3A_348, %multiple_of3A_299] : memref<64x1000000xf32, #tpu.memory_space<hbm>> -> memref<8x128xf32, #tpu.memory_space<hbm>>
    tpu.enqueue_dma source(%dma_start3A_349 : memref<8x128xf32, #tpu.memory_space<hbm>>) target(%dma_start3A_347 : memref<8x128xf32, #tpu.memory_space<vmem>>) target_semaphore(%arg18 : memref<!tpu.dma_semaphore, #tpu.memory_space<semaphore_mem>>)
    %dma_start3A_350 = arith.constant 40 : i32
    %dma_start3A_351 = arith.constant 0 : i32
    %dma_start3A_352 = tpu.memref_slice %arg10[%dma_start3A_350, %dma_start3A_351] : memref<64x128xf32, #tpu.memory_space<vmem>> -> memref<8x128xf32, #tpu.memory_space<vmem>>
    %dma_start3A_353 = arith.constant 40 : i32
    %dma_start3A_354 = tpu.memref_slice %arg3[%dma_start3A_353, %multiple_of3A_299] : memref<64x1000000xf32, #tpu.memory_space<hbm>> -> memref<8x128xf32, #tpu.memory_space<hbm>>
    %dma_start3A_355 = arith.constant 40 : i32
    %dma_start3A_356 = arith.constant 0 : i32
    %dma_start3A_357 = tpu.memref_slice %arg10[%dma_start3A_355, %dma_start3A_356] : memref<64x128xf32, #tpu.memory_space<vmem>> -> memref<8x128xf32, #tpu.memory_space<vmem>>
    %dma_start3A_358 = arith.constant 40 : i32
    %dma_start3A_359 = tpu.memref_slice %arg3[%dma_start3A_358, %multiple_of3A_299] : memref<64x1000000xf32, #tpu.memory_space<hbm>> -> memref<8x128xf32, #tpu.memory_space<hbm>>
    tpu.enqueue_dma source(%dma_start3A_359 : memref<8x128xf32, #tpu.memory_space<hbm>>) target(%dma_start3A_357 : memref<8x128xf32, #tpu.memory_space<vmem>>) target_semaphore(%arg18 : memref<!tpu.dma_semaphore, #tpu.memory_space<semaphore_mem>>)
    %dma_start3A_360 = arith.constant 48 : i32
    %dma_start3A_361 = arith.constant 0 : i32
    %dma_start3A_362 = tpu.memref_slice %arg10[%dma_start3A_360, %dma_start3A_361] : memref<64x128xf32, #tpu.memory_space<vmem>> -> memref<8x128xf32, #tpu.memory_space<vmem>>
    %dma_start3A_363 = arith.constant 48 : i32
    %dma_start3A_364 = tpu.memref_slice %arg3[%dma_start3A_363, %multiple_of3A_299] : memref<64x1000000xf32, #tpu.memory_space<hbm>> -> memref<8x128xf32, #tpu.memory_space<hbm>>
    %dma_start3A_365 = arith.constant 48 : i32
    %dma_start3A_366 = arith.constant 0 : i32
    %dma_start3A_367 = tpu.memref_slice %arg10[%dma_start3A_365, %dma_start3A_366] : memref<64x128xf32, #tpu.memory_space<vmem>> -> memref<8x128xf32, #tpu.memory_space<vmem>>
    %dma_start3A_368 = arith.constant 48 : i32
    %dma_start3A_369 = tpu.memref_slice %arg3[%dma_start3A_368, %multiple_of3A_299] : memref<64x1000000xf32, #tpu.memory_space<hbm>> -> memref<8x128xf32, #tpu.memory_space<hbm>>
    tpu.enqueue_dma source(%dma_start3A_369 : memref<8x128xf32, #tpu.memory_space<hbm>>) target(%dma_start3A_367 : memref<8x128xf32, #tpu.memory_space<vmem>>) target_semaphore(%arg18 : memref<!tpu.dma_semaphore, #tpu.memory_space<semaphore_mem>>)
    %dma_start3A_370 = arith.constant 56 : i32
    %dma_start3A_371 = arith.constant 0 : i32
    %dma_start3A_372 = tpu.memref_slice %arg10[%dma_start3A_370, %dma_start3A_371] : memref<64x128xf32, #tpu.memory_space<vmem>> -> memref<8x128xf32, #tpu.memory_space<vmem>>
    %dma_start3A_373 = arith.constant 56 : i32
    %dma_start3A_374 = tpu.memref_slice %arg3[%dma_start3A_373, %multiple_of3A_299] : memref<64x1000000xf32, #tpu.memory_space<hbm>> -> memref<8x128xf32, #tpu.memory_space<hbm>>
    %dma_start3A_375 = arith.constant 56 : i32
    %dma_start3A_376 = arith.constant 0 : i32
    %dma_start3A_377 = tpu.memref_slice %arg10[%dma_start3A_375, %dma_start3A_376] : memref<64x128xf32, #tpu.memory_space<vmem>> -> memref<8x128xf32, #tpu.memory_space<vmem>>
    %dma_start3A_378 = arith.constant 56 : i32
    %dma_start3A_379 = tpu.memref_slice %arg3[%dma_start3A_378, %multiple_of3A_299] : memref<64x1000000xf32, #tpu.memory_space<hbm>> -> memref<8x128xf32, #tpu.memory_space<hbm>>
    tpu.enqueue_dma source(%dma_start3A_379 : memref<8x128xf32, #tpu.memory_space<hbm>>) target(%dma_start3A_377 : memref<8x128xf32, #tpu.memory_space<vmem>>) target_semaphore(%arg18 : memref<!tpu.dma_semaphore, #tpu.memory_space<semaphore_mem>>)
    %get3A_380 = arith.constant 0 : index
    %get3A_381 = tpu.vector_load %arg5[%get3A_380] {strides = array<i32>} : memref<512xi32, #tpu.memory_space<vmem>>, vector<16xi32>,
    %iota3A_382 = tpu.iota {dimensions = array<i32: 0>} : vector<16xi32>
    %eq3A_383 = arith.constant 4 : i32
    %eq3A_384 = vector.broadcast %eq3A_383 : i32 to vector<16xi32>
    %eq3A_385 = arith.cmpi eq, %iota3A_382, %eq3A_384 : vector<16xi32>
    %jit3A_386 = arith.constant 0 : i32
    %broadcast_in_dim3A_387 = vector.broadcast %jit3A_386 : i32 to vector<16xi32>
    %select_n3A_388 = arith.select %eq3A_385, %get3A_381, %broadcast_in_dim3A_387 : vector<16xi1>, vector<16xi32>
    %reduce_sum3A_389 = arith.constant true
    %reduce_sum3A_390 = vector.broadcast %reduce_sum3A_389 : i1 to vector<16xi1>
    %reduce_sum3A_391 = tpu.scan <sum>, %select_n3A_388 masked %reduce_sum3A_390 : vector<16xi32>, vector<16xi1> -> vector<16xi32>
    %reduce_sum3A_392 = vector.extract %reduce_sum3A_391[15] : i32 from vector<16xi32>
    %and3A_393 = arith.constant 127 : i32
    %and3A_394 = arith.andi %reduce_sum3A_392, %and3A_393 : i32
    %sub3A_395 = arith.subi %reduce_sum3A_392, %and3A_394 : i32
    %multiple_of3A_396 = tpu.assume_multiple %sub3A_395, 128 : i32
    %dma_start3A_397 = arith.constant 0 : i32
    %dma_start3A_398 = arith.constant 0 : i32
    %dma_start3A_399 = tpu.memref_slice %arg11[%dma_start3A_397, %dma_start3A_398] : memref<64x128xf32, #tpu.memory_space<vmem>> -> memref<8x128xf32, #tpu.memory_space<vmem>>
    %dma_start3A_400 = arith.constant 0 : i32
    %dma_start3A_401 = tpu.memref_slice %arg3[%dma_start3A_400, %multiple_of3A_396] : memref<64x1000000xf32, #tpu.memory_space<hbm>> -> memref<8x128xf32, #tpu.memory_space<hbm>>
    %dma_start3A_402 = arith.constant 0 : i32
    %dma_start3A_403 = arith.constant 0 : i32
    %dma_start3A_404 = tpu.memref_slice %arg11[%dma_start3A_402, %dma_start3A_403] : memref<64x128xf32, #tpu.memory_space<vmem>> -> memref<8x128xf32, #tpu.memory_space<vmem>>
    %dma_start3A_405 = arith.constant 0 : i32
    %dma_start3A_406 = tpu.memref_slice %arg3[%dma_start3A_405, %multiple_of3A_396] : memref<64x1000000xf32, #tpu.memory_space<hbm>> -> memref<8x128xf32, #tpu.memory_space<hbm>>
    tpu.enqueue_dma source(%dma_start3A_406 : memref<8x128xf32, #tpu.memory_space<hbm>>) target(%dma_start3A_404 : memref<8x128xf32, #tpu.memory_space<vmem>>) target_semaphore(%arg19 : memref<!tpu.dma_semaphore, #tpu.memory_space<semaphore_mem>>)
    %dma_start3A_407 = arith.constant 8 : i32
    %dma_start3A_408 = arith.constant 0 : i32
    %dma_start3A_409 = tpu.memref_slice %arg11[%dma_start3A_407, %dma_start3A_408] : memref<64x128xf32, #tpu.memory_space<vmem>> -> memref<8x128xf32, #tpu.memory_space<vmem>>
    %dma_start3A_410 = arith.constant 8 : i32
    %dma_start3A_411 = tpu.memref_slice %arg3[%dma_start3A_410, %multiple_of3A_396] : memref<64x1000000xf32, #tpu.memory_space<hbm>> -> memref<8x128xf32, #tpu.memory_space<hbm>>
    %dma_start3A_412 = arith.constant 8 : i32
    %dma_start3A_413 = arith.constant 0 : i32
    %dma_start3A_414 = tpu.memref_slice %arg11[%dma_start3A_412, %dma_start3A_413] : memref<64x128xf32, #tpu.memory_space<vmem>> -> memref<8x128xf32, #tpu.memory_space<vmem>>
    %dma_start3A_415 = arith.constant 8 : i32
    %dma_start3A_416 = tpu.memref_slice %arg3[%dma_start3A_415, %multiple_of3A_396] : memref<64x1000000xf32, #tpu.memory_space<hbm>> -> memref<8x128xf32, #tpu.memory_space<hbm>>
    tpu.enqueue_dma source(%dma_start3A_416 : memref<8x128xf32, #tpu.memory_space<hbm>>) target(%dma_start3A_414 : memref<8x128xf32, #tpu.memory_space<vmem>>) target_semaphore(%arg19 : memref<!tpu.dma_semaphore, #tpu.memory_space<semaphore_mem>>)
    %dma_start3A_417 = arith.constant 16 : i32
    %dma_start3A_418 = arith.constant 0 : i32
    %dma_start3A_419 = tpu.memref_slice %arg11[%dma_start3A_417, %dma_start3A_418] : memref<64x128xf32, #tpu.memory_space<vmem>> -> memref<8x128xf32, #tpu.memory_space<vmem>>
    %dma_start3A_420 = arith.constant 16 : i32
    %dma_start3A_421 = tpu.memref_slice %arg3[%dma_start3A_420, %multiple_of3A_396] : memref<64x1000000xf32, #tpu.memory_space<hbm>> -> memref<8x128xf32, #tpu.memory_space<hbm>>
    %dma_start3A_422 = arith.constant 16 : i32
    %dma_start3A_423 = arith.constant 0 : i32
    %dma_start3A_424 = tpu.memref_slice %arg11[%dma_start3A_422, %dma_start3A_423] : memref<64x128xf32, #tpu.memory_space<vmem>> -> memref<8x128xf32, #tpu.memory_space<vmem>>
    %dma_start3A_425 = arith.constant 16 : i32
    %dma_start3A_426 = tpu.memref_slice %arg3[%dma_start3A_425, %multiple_of3A_396] : memref<64x1000000xf32, #tpu.memory_space<hbm>> -> memref<8x128xf32, #tpu.memory_space<hbm>>
    tpu.enqueue_dma source(%dma_start3A_426 : memref<8x128xf32, #tpu.memory_space<hbm>>) target(%dma_start3A_424 : memref<8x128xf32, #tpu.memory_space<vmem>>) target_semaphore(%arg19 : memref<!tpu.dma_semaphore, #tpu.memory_space<semaphore_mem>>)
    %dma_start3A_427 = arith.constant 24 : i32
    %dma_start3A_428 = arith.constant 0 : i32
    %dma_start3A_429 = tpu.memref_slice %arg11[%dma_start3A_427, %dma_start3A_428] : memref<64x128xf32, #tpu.memory_space<vmem>> -> memref<8x128xf32, #tpu.memory_space<vmem>>
    %dma_start3A_430 = arith.constant 24 : i32
    %dma_start3A_431 = tpu.memref_slice %arg3[%dma_start3A_430, %multiple_of3A_396] : memref<64x1000000xf32, #tpu.memory_space<hbm>> -> memref<8x128xf32, #tpu.memory_space<hbm>>
    %dma_start3A_432 = arith.constant 24 : i32
    %dma_start3A_433 = arith.constant 0 : i32
    %dma_start3A_434 = tpu.memref_slice %arg11[%dma_start3A_432, %dma_start3A_433] : memref<64x128xf32, #tpu.memory_space<vmem>> -> memref<8x128xf32, #tpu.memory_space<vmem>>
    %dma_start3A_435 = arith.constant 24 : i32
    %dma_start3A_436 = tpu.memref_slice %arg3[%dma_start3A_435, %multiple_of3A_396] : memref<64x1000000xf32, #tpu.memory_space<hbm>> -> memref<8x128xf32, #tpu.memory_space<hbm>>
    tpu.enqueue_dma source(%dma_start3A_436 : memref<8x128xf32, #tpu.memory_space<hbm>>) target(%dma_start3A_434 : memref<8x128xf32, #tpu.memory_space<vmem>>) target_semaphore(%arg19 : memref<!tpu.dma_semaphore, #tpu.memory_space<semaphore_mem>>)
    %dma_start3A_437 = arith.constant 32 : i32
    %dma_start3A_438 = arith.constant 0 : i32
    %dma_start3A_439 = tpu.memref_slice %arg11[%dma_start3A_437, %dma_start3A_438] : memref<64x128xf32, #tpu.memory_space<vmem>> -> memref<8x128xf32, #tpu.memory_space<vmem>>
    %dma_start3A_440 = arith.constant 32 : i32
    %dma_start3A_441 = tpu.memref_slice %arg3[%dma_start3A_440, %multiple_of3A_396] : memref<64x1000000xf32, #tpu.memory_space<hbm>> -> memref<8x128xf32, #tpu.memory_space<hbm>>
    %dma_start3A_442 = arith.constant 32 : i32
    %dma_start3A_443 = arith.constant 0 : i32
    %dma_start3A_444 = tpu.memref_slice %arg11[%dma_start3A_442, %dma_start3A_443] : memref<64x128xf32, #tpu.memory_space<vmem>> -> memref<8x128xf32, #tpu.memory_space<vmem>>
    %dma_start3A_445 = arith.constant 32 : i32
    %dma_start3A_446 = tpu.memref_slice %arg3[%dma_start3A_445, %multiple_of3A_396] : memref<64x1000000xf32, #tpu.memory_space<hbm>> -> memref<8x128xf32, #tpu.memory_space<hbm>>
    tpu.enqueue_dma source(%dma_start3A_446 : memref<8x128xf32, #tpu.memory_space<hbm>>) target(%dma_start3A_444 : memref<8x128xf32, #tpu.memory_space<vmem>>) target_semaphore(%arg19 : memref<!tpu.dma_semaphore, #tpu.memory_space<semaphore_mem>>)
    %dma_start3A_447 = arith.constant 40 : i32
    %dma_start3A_448 = arith.constant 0 : i32
    %dma_start3A_449 = tpu.memref_slice %arg11[%dma_start3A_447, %dma_start3A_448] : memref<64x128xf32, #tpu.memory_space<vmem>> -> memref<8x128xf32, #tpu.memory_space<vmem>>
    %dma_start3A_450 = arith.constant 40 : i32
    %dma_start3A_451 = tpu.memref_slice %arg3[%dma_start3A_450, %multiple_of3A_396] : memref<64x1000000xf32, #tpu.memory_space<hbm>> -> memref<8x128xf32, #tpu.memory_space<hbm>>
    %dma_start3A_452 = arith.constant 40 : i32
    %dma_start3A_453 = arith.constant 0 : i32
    %dma_start3A_454 = tpu.memref_slice %arg11[%dma_start3A_452, %dma_start3A_453] : memref<64x128xf32, #tpu.memory_space<vmem>> -> memref<8x128xf32, #tpu.memory_space<vmem>>
    %dma_start3A_455 = arith.constant 40 : i32
    %dma_start3A_456 = tpu.memref_slice %arg3[%dma_start3A_455, %multiple_of3A_396] : memref<64x1000000xf32, #tpu.memory_space<hbm>> -> memref<8x128xf32, #tpu.memory_space<hbm>>
    tpu.enqueue_dma source(%dma_start3A_456 : memref<8x128xf32, #tpu.memory_space<hbm>>) target(%dma_start3A_454 : memref<8x128xf32, #tpu.memory_space<vmem>>) target_semaphore(%arg19 : memref<!tpu.dma_semaphore, #tpu.memory_space<semaphore_mem>>)
    %dma_start3A_457 = arith.constant 48 : i32
    %dma_start3A_458 = arith.constant 0 : i32
    %dma_start3A_459 = tpu.memref_slice %arg11[%dma_start3A_457, %dma_start3A_458] : memref<64x128xf32, #tpu.memory_space<vmem>> -> memref<8x128xf32, #tpu.memory_space<vmem>>
    %dma_start3A_460 = arith.constant 48 : i32
    %dma_start3A_461 = tpu.memref_slice %arg3[%dma_start3A_460, %multiple_of3A_396] : memref<64x1000000xf32, #tpu.memory_space<hbm>> -> memref<8x128xf32, #tpu.memory_space<hbm>>
    %dma_start3A_462 = arith.constant 48 : i32
    %dma_start3A_463 = arith.constant 0 : i32
    %dma_start3A_464 = tpu.memref_slice %arg11[%dma_start3A_462, %dma_start3A_463] : memref<64x128xf32, #tpu.memory_space<vmem>> -> memref<8x128xf32, #tpu.memory_space<vmem>>
    %dma_start3A_465 = arith.constant 48 : i32
    %dma_start3A_466 = tpu.memref_slice %arg3[%dma_start3A_465, %multiple_of3A_396] : memref<64x1000000xf32, #tpu.memory_space<hbm>> -> memref<8x128xf32, #tpu.memory_space<hbm>>
    tpu.enqueue_dma source(%dma_start3A_466 : memref<8x128xf32, #tpu.memory_space<hbm>>) target(%dma_start3A_464 : memref<8x128xf32, #tpu.memory_space<vmem>>) target_semaphore(%arg19 : memref<!tpu.dma_semaphore, #tpu.memory_space<semaphore_mem>>)
    %dma_start3A_467 = arith.constant 56 : i32
    %dma_start3A_468 = arith.constant 0 : i32
    %dma_start3A_469 = tpu.memref_slice %arg11[%dma_start3A_467, %dma_start3A_468] : memref<64x128xf32, #tpu.memory_space<vmem>> -> memref<8x128xf32, #tpu.memory_space<vmem>>
    %dma_start3A_470 = arith.constant 56 : i32
    %dma_start3A_471 = tpu.memref_slice %arg3[%dma_start3A_470, %multiple_of3A_396] : memref<64x1000000xf32, #tpu.memory_space<hbm>> -> memref<8x128xf32, #tpu.memory_space<hbm>>
    %dma_start3A_472 = arith.constant 56 : i32
    %dma_start3A_473 = arith.constant 0 : i32
    %dma_start3A_474 = tpu.memref_slice %arg11[%dma_start3A_472, %dma_start3A_473] : memref<64x128xf32, #tpu.memory_space<vmem>> -> memref<8x128xf32, #tpu.memory_space<vmem>>
    %dma_start3A_475 = arith.constant 56 : i32
    %dma_start3A_476 = tpu.memref_slice %arg3[%dma_start3A_475, %multiple_of3A_396] : memref<64x1000000xf32, #tpu.memory_space<hbm>> -> memref<8x128xf32, #tpu.memory_space<hbm>>
    tpu.enqueue_dma source(%dma_start3A_476 : memref<8x128xf32, #tpu.memory_space<hbm>>) target(%dma_start3A_474 : memref<8x128xf32, #tpu.memory_space<vmem>>) target_semaphore(%arg19 : memref<!tpu.dma_semaphore, #tpu.memory_space<semaphore_mem>>)
    %get3A_477 = arith.constant 0 : index
    %get3A_478 = tpu.vector_load %arg5[%get3A_477] {strides = array<i32>} : memref<512xi32, #tpu.memory_space<vmem>>, vector<16xi32>,
    %iota3A_479 = tpu.iota {dimensions = array<i32: 0>} : vector<16xi32>
    %eq3A_480 = arith.constant 5 : i32
    %eq3A_481 = vector.broadcast %eq3A_480 : i32 to vector<16xi32>
    %eq3A_482 = arith.cmpi eq, %iota3A_479, %eq3A_481 : vector<16xi32>
    %jit3A_483 = arith.constant 0 : i32
    %broadcast_in_dim3A_484 = vector.broadcast %jit3A_483 : i32 to vector<16xi32>
    %select_n3A_485 = arith.select %eq3A_482, %get3A_478, %broadcast_in_dim3A_484 : vector<16xi1>, vector<16xi32>
    %reduce_sum3A_486 = arith.constant true
    %reduce_sum3A_487 = vector.broadcast %reduce_sum3A_486 : i1 to vector<16xi1>
    %reduce_sum3A_488 = tpu.scan <sum>, %select_n3A_485 masked %reduce_sum3A_487 : vector<16xi32>, vector<16xi1> -> vector<16xi32>
    %reduce_sum3A_489 = vector.extract %reduce_sum3A_488[15] : i32 from vector<16xi32>
    %and3A_490 = arith.constant 127 : i32
    %and3A_491 = arith.andi %reduce_sum3A_489, %and3A_490 : i32
    %sub3A_492 = arith.subi %reduce_sum3A_489, %and3A_491 : i32
    %multiple_of3A_493 = tpu.assume_multiple %sub3A_492, 128 : i32
    %dma_start3A_494 = arith.constant 0 : i32
    %dma_start3A_495 = arith.constant 0 : i32
    %dma_start3A_496 = tpu.memref_slice %arg12[%dma_start3A_494, %dma_start3A_495] : memref<64x128xf32, #tpu.memory_space<vmem>> -> memref<8x128xf32, #tpu.memory_space<vmem>>
    %dma_start3A_497 = arith.constant 0 : i32
    %dma_start3A_498 = tpu.memref_slice %arg3[%dma_start3A_497, %multiple_of3A_493] : memref<64x1000000xf32, #tpu.memory_space<hbm>> -> memref<8x128xf32, #tpu.memory_space<hbm>>
    %dma_start3A_499 = arith.constant 0 : i32
    %dma_start3A_500 = arith.constant 0 : i32
    %dma_start3A_501 = tpu.memref_slice %arg12[%dma_start3A_499, %dma_start3A_500] : memref<64x128xf32, #tpu.memory_space<vmem>> -> memref<8x128xf32, #tpu.memory_space<vmem>>
    %dma_start3A_502 = arith.constant 0 : i32
    %dma_start3A_503 = tpu.memref_slice %arg3[%dma_start3A_502, %multiple_of3A_493] : memref<64x1000000xf32, #tpu.memory_space<hbm>> -> memref<8x128xf32, #tpu.memory_space<hbm>>
    tpu.enqueue_dma source(%dma_start3A_503 : memref<8x128xf32, #tpu.memory_space<hbm>>) target(%dma_start3A_501 : memref<8x128xf32, #tpu.memory_space<vmem>>) target_semaphore(%arg20 : memref<!tpu.dma_semaphore, #tpu.memory_space<semaphore_mem>>)
    %dma_start3A_504 = arith.constant 8 : i32
    %dma_start3A_505 = arith.constant 0 : i32
    %dma_start3A_506 = tpu.memref_slice %arg12[%dma_start3A_504, %dma_start3A_505] : memref<64x128xf32, #tpu.memory_space<vmem>> -> memref<8x128xf32, #tpu.memory_space<vmem>>
    %dma_start3A_507 = arith.constant 8 : i32
    %dma_start3A_508 = tpu.memref_slice %arg3[%dma_start3A_507, %multiple_of3A_493] : memref<64x1000000xf32, #tpu.memory_space<hbm>> -> memref<8x128xf32, #tpu.memory_space<hbm>>
    %dma_start3A_509 = arith.constant 8 : i32
    %dma_start3A_510 = arith.constant 0 : i32
    %dma_start3A_511 = tpu.memref_slice %arg12[%dma_start3A_509, %dma_start3A_510] : memref<64x128xf32, #tpu.memory_space<vmem>> -> memref<8x128xf32, #tpu.memory_space<vmem>>
    %dma_start3A_512 = arith.constant 8 : i32
    %dma_start3A_513 = tpu.memref_slice %arg3[%dma_start3A_512, %multiple_of3A_493] : memref<64x1000000xf32, #tpu.memory_space<hbm>> -> memref<8x128xf32, #tpu.memory_space<hbm>>
    tpu.enqueue_dma source(%dma_start3A_513 : memref<8x128xf32, #tpu.memory_space<hbm>>) target(%dma_start3A_511 : memref<8x128xf32, #tpu.memory_space<vmem>>) target_semaphore(%arg20 : memref<!tpu.dma_semaphore, #tpu.memory_space<semaphore_mem>>)
    %dma_start3A_514 = arith.constant 16 : i32
    %dma_start3A_515 = arith.constant 0 : i32
    %dma_start3A_516 = tpu.memref_slice %arg12[%dma_start3A_514, %dma_start3A_515] : memref<64x128xf32, #tpu.memory_space<vmem>> -> memref<8x128xf32, #tpu.memory_space<vmem>>
    %dma_start3A_517 = arith.constant 16 : i32
    %dma_start3A_518 = tpu.memref_slice %arg3[%dma_start3A_517, %multiple_of3A_493] : memref<64x1000000xf32, #tpu.memory_space<hbm>> -> memref<8x128xf32, #tpu.memory_space<hbm>>
    %dma_start3A_519 = arith.constant 16 : i32
    %dma_start3A_520 = arith.constant 0 : i32
    %dma_start3A_521 = tpu.memref_slice %arg12[%dma_start3A_519, %dma_start3A_520] : memref<64x128xf32, #tpu.memory_space<vmem>> -> memref<8x128xf32, #tpu.memory_space<vmem>>
    %dma_start3A_522 = arith.constant 16 : i32
    %dma_start3A_523 = tpu.memref_slice %arg3[%dma_start3A_522, %multiple_of3A_493] : memref<64x1000000xf32, #tpu.memory_space<hbm>> -> memref<8x128xf32, #tpu.memory_space<hbm>>
    tpu.enqueue_dma source(%dma_start3A_523 : memref<8x128xf32, #tpu.memory_space<hbm>>) target(%dma_start3A_521 : memref<8x128xf32, #tpu.memory_space<vmem>>) target_semaphore(%arg20 : memref<!tpu.dma_semaphore, #tpu.memory_space<semaphore_mem>>)
    %dma_start3A_524 = arith.constant 24 : i32
    %dma_start3A_525 = arith.constant 0 : i32
    %dma_start3A_526 = tpu.memref_slice %arg12[%dma_start3A_524, %dma_start3A_525] : memref<64x128xf32, #tpu.memory_space<vmem>> -> memref<8x128xf32, #tpu.memory_space<vmem>>
    %dma_start3A_527 = arith.constant 24 : i32
    %dma_start3A_528 = tpu.memref_slice %arg3[%dma_start3A_527, %multiple_of3A_493] : memref<64x1000000xf32, #tpu.memory_space<hbm>> -> memref<8x128xf32, #tpu.memory_space<hbm>>
    %dma_start3A_529 = arith.constant 24 : i32
    %dma_start3A_530 = arith.constant 0 : i32
    %dma_start3A_531 = tpu.memref_slice %arg12[%dma_start3A_529, %dma_start3A_530] : memref<64x128xf32, #tpu.memory_space<vmem>> -> memref<8x128xf32, #tpu.memory_space<vmem>>
    %dma_start3A_532 = arith.constant 24 : i32
    %dma_start3A_533 = tpu.memref_slice %arg3[%dma_start3A_532, %multiple_of3A_493] : memref<64x1000000xf32, #tpu.memory_space<hbm>> -> memref<8x128xf32, #tpu.memory_space<hbm>>
    tpu.enqueue_dma source(%dma_start3A_533 : memref<8x128xf32, #tpu.memory_space<hbm>>) target(%dma_start3A_531 : memref<8x128xf32, #tpu.memory_space<vmem>>) target_semaphore(%arg20 : memref<!tpu.dma_semaphore, #tpu.memory_space<semaphore_mem>>)
    %dma_start3A_534 = arith.constant 32 : i32
    %dma_start3A_535 = arith.constant 0 : i32
    %dma_start3A_536 = tpu.memref_slice %arg12[%dma_start3A_534, %dma_start3A_535] : memref<64x128xf32, #tpu.memory_space<vmem>> -> memref<8x128xf32, #tpu.memory_space<vmem>>
    %dma_start3A_537 = arith.constant 32 : i32
    %dma_start3A_538 = tpu.memref_slice %arg3[%dma_start3A_537, %multiple_of3A_493] : memref<64x1000000xf32, #tpu.memory_space<hbm>> -> memref<8x128xf32, #tpu.memory_space<hbm>>
    %dma_start3A_539 = arith.constant 32 : i32
    %dma_start3A_540 = arith.constant 0 : i32
    %dma_start3A_541 = tpu.memref_slice %arg12[%dma_start3A_539, %dma_start3A_540] : memref<64x128xf32, #tpu.memory_space<vmem>> -> memref<8x128xf32, #tpu.memory_space<vmem>>
    %dma_start3A_542 = arith.constant 32 : i32
    %dma_start3A_543 = tpu.memref_slice %arg3[%dma_start3A_542, %multiple_of3A_493] : memref<64x1000000xf32, #tpu.memory_space<hbm>> -> memref<8x128xf32, #tpu.memory_space<hbm>>
    tpu.enqueue_dma source(%dma_start3A_543 : memref<8x128xf32, #tpu.memory_space<hbm>>) target(%dma_start3A_541 : memref<8x128xf32, #tpu.memory_space<vmem>>) target_semaphore(%arg20 : memref<!tpu.dma_semaphore, #tpu.memory_space<semaphore_mem>>)
    %dma_start3A_544 = arith.constant 40 : i32
    %dma_start3A_545 = arith.constant 0 : i32
    %dma_start3A_546 = tpu.memref_slice %arg12[%dma_start3A_544, %dma_start3A_545] : memref<64x128xf32, #tpu.memory_space<vmem>> -> memref<8x128xf32, #tpu.memory_space<vmem>>
    %dma_start3A_547 = arith.constant 40 : i32
    %dma_start3A_548 = tpu.memref_slice %arg3[%dma_start3A_547, %multiple_of3A_493] : memref<64x1000000xf32, #tpu.memory_space<hbm>> -> memref<8x128xf32, #tpu.memory_space<hbm>>
    %dma_start3A_549 = arith.constant 40 : i32
    %dma_start3A_550 = arith.constant 0 : i32
    %dma_start3A_551 = tpu.memref_slice %arg12[%dma_start3A_549, %dma_start3A_550] : memref<64x128xf32, #tpu.memory_space<vmem>> -> memref<8x128xf32, #tpu.memory_space<vmem>>
    %dma_start3A_552 = arith.constant 40 : i32
    %dma_start3A_553 = tpu.memref_slice %arg3[%dma_start3A_552, %multiple_of3A_493] : memref<64x1000000xf32, #tpu.memory_space<hbm>> -> memref<8x128xf32, #tpu.memory_space<hbm>>
    tpu.enqueue_dma source(%dma_start3A_553 : memref<8x128xf32, #tpu.memory_space<hbm>>) target(%dma_start3A_551 : memref<8x128xf32, #tpu.memory_space<vmem>>) target_semaphore(%arg20 : memref<!tpu.dma_semaphore, #tpu.memory_space<semaphore_mem>>)
    %dma_start3A_554 = arith.constant 48 : i32
    %dma_start3A_555 = arith.constant 0 : i32
    %dma_start3A_556 = tpu.memref_slice %arg12[%dma_start3A_554, %dma_start3A_555] : memref<64x128xf32, #tpu.memory_space<vmem>> -> memref<8x128xf32, #tpu.memory_space<vmem>>
    %dma_start3A_557 = arith.constant 48 : i32
    %dma_start3A_558 = tpu.memref_slice %arg3[%dma_start3A_557, %multiple_of3A_493] : memref<64x1000000xf32, #tpu.memory_space<hbm>> -> memref<8x128xf32, #tpu.memory_space<hbm>>
    %dma_start3A_559 = arith.constant 48 : i32
    %dma_start3A_560 = arith.constant 0 : i32
    %dma_start3A_561 = tpu.memref_slice %arg12[%dma_start3A_559, %dma_start3A_560] : memref<64x128xf32, #tpu.memory_space<vmem>> -> memref<8x128xf32, #tpu.memory_space<vmem>>
    %dma_start3A_562 = arith.constant 48 : i32
    %dma_start3A_563 = tpu.memref_slice %arg3[%dma_start3A_562, %multiple_of3A_493] : memref<64x1000000xf32, #tpu.memory_space<hbm>> -> memref<8x128xf32, #tpu.memory_space<hbm>>
    tpu.enqueue_dma source(%dma_start3A_563 : memref<8x128xf32, #tpu.memory_space<hbm>>) target(%dma_start3A_561 : memref<8x128xf32, #tpu.memory_space<vmem>>) target_semaphore(%arg20 : memref<!tpu.dma_semaphore, #tpu.memory_space<semaphore_mem>>)
    %dma_start3A_564 = arith.constant 56 : i32
    %dma_start3A_565 = arith.constant 0 : i32
    %dma_start3A_566 = tpu.memref_slice %arg12[%dma_start3A_564, %dma_start3A_565] : memref<64x128xf32, #tpu.memory_space<vmem>> -> memref<8x128xf32, #tpu.memory_space<vmem>>
    %dma_start3A_567 = arith.constant 56 : i32
    %dma_start3A_568 = tpu.memref_slice %arg3[%dma_start3A_567, %multiple_of3A_493] : memref<64x1000000xf32, #tpu.memory_space<hbm>> -> memref<8x128xf32, #tpu.memory_space<hbm>>
    %dma_start3A_569 = arith.constant 56 : i32
    %dma_start3A_570 = arith.constant 0 : i32
    %dma_start3A_571 = tpu.memref_slice %arg12[%dma_start3A_569, %dma_start3A_570] : memref<64x128xf32, #tpu.memory_space<vmem>> -> memref<8x128xf32, #tpu.memory_space<vmem>>
    %dma_start3A_572 = arith.constant 56 : i32
    %dma_start3A_573 = tpu.memref_slice %arg3[%dma_start3A_572, %multiple_of3A_493] : memref<64x1000000xf32, #tpu.memory_space<hbm>> -> memref<8x128xf32, #tpu.memory_space<hbm>>
    tpu.enqueue_dma source(%dma_start3A_573 : memref<8x128xf32, #tpu.memory_space<hbm>>) target(%dma_start3A_571 : memref<8x128xf32, #tpu.memory_space<vmem>>) target_semaphore(%arg20 : memref<!tpu.dma_semaphore, #tpu.memory_space<semaphore_mem>>)
    %get3A_574 = arith.constant 0 : index
    %get3A_575 = tpu.vector_load %arg5[%get3A_574] {strides = array<i32>} : memref<512xi32, #tpu.memory_space<vmem>>, vector<16xi32>,
    %iota3A_576 = tpu.iota {dimensions = array<i32: 0>} : vector<16xi32>
    %eq3A_577 = arith.constant 6 : i32
    %eq3A_578 = vector.broadcast %eq3A_577 : i32 to vector<16xi32>
    %eq3A_579 = arith.cmpi eq, %iota3A_576, %eq3A_578 : vector<16xi32>
    %jit3A_580 = arith.constant 0 : i32
    %broadcast_in_dim3A_581 = vector.broadcast %jit3A_580 : i32 to vector<16xi32>
    %select_n3A_582 = arith.select %eq3A_579, %get3A_575, %broadcast_in_dim3A_581 : vector<16xi1>, vector<16xi32>
    %reduce_sum3A_583 = arith.constant true
    %reduce_sum3A_584 = vector.broadcast %reduce_sum3A_583 : i1 to vector<16xi1>
    %reduce_sum3A_585 = tpu.scan <sum>, %select_n3A_582 masked %reduce_sum3A_584 : vector<16xi32>, vector<16xi1> -> vector<16xi32>
    %reduce_sum3A_586 = vector.extract %reduce_sum3A_585[15] : i32 from vector<16xi32>
    %and3A_587 = arith.constant 127 : i32
    %and3A_588 = arith.andi %reduce_sum3A_586, %and3A_587 : i32
    %sub3A_589 = arith.subi %reduce_sum3A_586, %and3A_588 : i32
    %multiple_of3A_590 = tpu.assume_multiple %sub3A_589, 128 : i32
    %dma_start3A_591 = arith.constant 0 : i32
    %dma_start3A_592 = arith.constant 0 : i32
    %dma_start3A_593 = tpu.memref_slice %arg13[%dma_start3A_591, %dma_start3A_592] : memref<64x128xf32, #tpu.memory_space<vmem>> -> memref<8x128xf32, #tpu.memory_space<vmem>>
    %dma_start3A_594 = arith.constant 0 : i32
    %dma_start3A_595 = tpu.memref_slice %arg3[%dma_start3A_594, %multiple_of3A_590] : memref<64x1000000xf32, #tpu.memory_space<hbm>> -> memref<8x128xf32, #tpu.memory_space<hbm>>
    %dma_start3A_596 = arith.constant 0 : i32
    %dma_start3A_597 = arith.constant 0 : i32
    %dma_start3A_598 = tpu.memref_slice %arg13[%dma_start3A_596, %dma_start3A_597] : memref<64x128xf32, #tpu.memory_space<vmem>> -> memref<8x128xf32, #tpu.memory_space<vmem>>
    %dma_start3A_599 = arith.constant 0 : i32
    %dma_start3A_600 = tpu.memref_slice %arg3[%dma_start3A_599, %multiple_of3A_590] : memref<64x1000000xf32, #tpu.memory_space<hbm>> -> memref<8x128xf32, #tpu.memory_space<hbm>>
    tpu.enqueue_dma source(%dma_start3A_600 : memref<8x128xf32, #tpu.memory_space<hbm>>) target(%dma_start3A_598 : memref<8x128xf32, #tpu.memory_space<vmem>>) target_semaphore(%arg21 : memref<!tpu.dma_semaphore, #tpu.memory_space<semaphore_mem>>)
    %dma_start3A_601 = arith.constant 8 : i32
    %dma_start3A_602 = arith.constant 0 : i32
    %dma_start3A_603 = tpu.memref_slice %arg13[%dma_start3A_601, %dma_start3A_602] : memref<64x128xf32, #tpu.memory_space<vmem>> -> memref<8x128xf32, #tpu.memory_space<vmem>>
    %dma_start3A_604 = arith.constant 8 : i32
    %dma_start3A_605 = tpu.memref_slice %arg3[%dma_start3A_604, %multiple_of3A_590] : memref<64x1000000xf32, #tpu.memory_space<hbm>> -> memref<8x128xf32, #tpu.memory_space<hbm>>
    %dma_start3A_606 = arith.constant 8 : i32
    %dma_start3A_607 = arith.constant 0 : i32
    %dma_start3A_608 = tpu.memref_slice %arg13[%dma_start3A_606, %dma_start3A_607] : memref<64x128xf32, #tpu.memory_space<vmem>> -> memref<8x128xf32, #tpu.memory_space<vmem>>
    %dma_start3A_609 = arith.constant 8 : i32
    %dma_start3A_610 = tpu.memref_slice %arg3[%dma_start3A_609, %multiple_of3A_590] : memref<64x1000000xf32, #tpu.memory_space<hbm>> -> memref<8x128xf32, #tpu.memory_space<hbm>>
    tpu.enqueue_dma source(%dma_start3A_610 : memref<8x128xf32, #tpu.memory_space<hbm>>) target(%dma_start3A_608 : memref<8x128xf32, #tpu.memory_space<vmem>>) target_semaphore(%arg21 : memref<!tpu.dma_semaphore, #tpu.memory_space<semaphore_mem>>)
    %dma_start3A_611 = arith.constant 16 : i32
    %dma_start3A_612 = arith.constant 0 : i32
    %dma_start3A_613 = tpu.memref_slice %arg13[%dma_start3A_611, %dma_start3A_612] : memref<64x128xf32, #tpu.memory_space<vmem>> -> memref<8x128xf32, #tpu.memory_space<vmem>>
    %dma_start3A_614 = arith.constant 16 : i32
    %dma_start3A_615 = tpu.memref_slice %arg3[%dma_start3A_614, %multiple_of3A_590] : memref<64x1000000xf32, #tpu.memory_space<hbm>> -> memref<8x128xf32, #tpu.memory_space<hbm>>
    %dma_start3A_616 = arith.constant 16 : i32
    %dma_start3A_617 = arith.constant 0 : i32
    %dma_start3A_618 = tpu.memref_slice %arg13[%dma_start3A_616, %dma_start3A_617] : memref<64x128xf32, #tpu.memory_space<vmem>> -> memref<8x128xf32, #tpu.memory_space<vmem>>
    %dma_start3A_619 = arith.constant 16 : i32
    %dma_start3A_620 = tpu.memref_slice %arg3[%dma_start3A_619, %multiple_of3A_590] : memref<64x1000000xf32, #tpu.memory_space<hbm>> -> memref<8x128xf32, #tpu.memory_space<hbm>>
    tpu.enqueue_dma source(%dma_start3A_620 : memref<8x128xf32, #tpu.memory_space<hbm>>) target(%dma_start3A_618 : memref<8x128xf32, #tpu.memory_space<vmem>>) target_semaphore(%arg21 : memref<!tpu.dma_semaphore, #tpu.memory_space<semaphore_mem>>)
    %dma_start3A_621 = arith.constant 24 : i32
    %dma_start3A_622 = arith.constant 0 : i32
    %dma_start3A_623 = tpu.memref_slice %arg13[%dma_start3A_621, %dma_start3A_622] : memref<64x128xf32, #tpu.memory_space<vmem>> -> memref<8x128xf32, #tpu.memory_space<vmem>>
    %dma_start3A_624 = arith.constant 24 : i32
    %dma_start3A_625 = tpu.memref_slice %arg3[%dma_start3A_624, %multiple_of3A_590] : memref<64x1000000xf32, #tpu.memory_space<hbm>> -> memref<8x128xf32, #tpu.memory_space<hbm>>
    %dma_start3A_626 = arith.constant 24 : i32
    %dma_start3A_627 = arith.constant 0 : i32
    %dma_start3A_628 = tpu.memref_slice %arg13[%dma_start3A_626, %dma_start3A_627] : memref<64x128xf32, #tpu.memory_space<vmem>> -> memref<8x128xf32, #tpu.memory_space<vmem>>
    %dma_start3A_629 = arith.constant 24 : i32
    %dma_start3A_630 = tpu.memref_slice %arg3[%dma_start3A_629, %multiple_of3A_590] : memref<64x1000000xf32, #tpu.memory_space<hbm>> -> memref<8x128xf32, #tpu.memory_space<hbm>>
    tpu.enqueue_dma source(%dma_start3A_630 : memref<8x128xf32, #tpu.memory_space<hbm>>) target(%dma_start3A_628 : memref<8x128xf32, #tpu.memory_space<vmem>>) target_semaphore(%arg21 : memref<!tpu.dma_semaphore, #tpu.memory_space<semaphore_mem>>)
    %dma_start3A_631 = arith.constant 32 : i32
    %dma_start3A_632 = arith.constant 0 : i32
    %dma_start3A_633 = tpu.memref_slice %arg13[%dma_start3A_631, %dma_start3A_632] : memref<64x128xf32, #tpu.memory_space<vmem>> -> memref<8x128xf32, #tpu.memory_space<vmem>>
    %dma_start3A_634 = arith.constant 32 : i32
    %dma_start3A_635 = tpu.memref_slice %arg3[%dma_start3A_634, %multiple_of3A_590] : memref<64x1000000xf32, #tpu.memory_space<hbm>> -> memref<8x128xf32, #tpu.memory_space<hbm>>
    %dma_start3A_636 = arith.constant 32 : i32
    %dma_start3A_637 = arith.constant 0 : i32
    %dma_start3A_638 = tpu.memref_slice %arg13[%dma_start3A_636, %dma_start3A_637] : memref<64x128xf32, #tpu.memory_space<vmem>> -> memref<8x128xf32, #tpu.memory_space<vmem>>
    %dma_start3A_639 = arith.constant 32 : i32
    %dma_start3A_640 = tpu.memref_slice %arg3[%dma_start3A_639, %multiple_of3A_590] : memref<64x1000000xf32, #tpu.memory_space<hbm>> -> memref<8x128xf32, #tpu.memory_space<hbm>>
    tpu.enqueue_dma source(%dma_start3A_640 : memref<8x128xf32, #tpu.memory_space<hbm>>) target(%dma_start3A_638 : memref<8x128xf32, #tpu.memory_space<vmem>>) target_semaphore(%arg21 : memref<!tpu.dma_semaphore, #tpu.memory_space<semaphore_mem>>)
    %dma_start3A_641 = arith.constant 40 : i32
    %dma_start3A_642 = arith.constant 0 : i32
    %dma_start3A_643 = tpu.memref_slice %arg13[%dma_start3A_641, %dma_start3A_642] : memref<64x128xf32, #tpu.memory_space<vmem>> -> memref<8x128xf32, #tpu.memory_space<vmem>>
    %dma_start3A_644 = arith.constant 40 : i32
    %dma_start3A_645 = tpu.memref_slice %arg3[%dma_start3A_644, %multiple_of3A_590] : memref<64x1000000xf32, #tpu.memory_space<hbm>> -> memref<8x128xf32, #tpu.memory_space<hbm>>
    %dma_start3A_646 = arith.constant 40 : i32
    %dma_start3A_647 = arith.constant 0 : i32
    %dma_start3A_648 = tpu.memref_slice %arg13[%dma_start3A_646, %dma_start3A_647] : memref<64x128xf32, #tpu.memory_space<vmem>> -> memref<8x128xf32, #tpu.memory_space<vmem>>
    %dma_start3A_649 = arith.constant 40 : i32
    %dma_start3A_650 = tpu.memref_slice %arg3[%dma_start3A_649, %multiple_of3A_590] : memref<64x1000000xf32, #tpu.memory_space<hbm>> -> memref<8x128xf32, #tpu.memory_space<hbm>>
    tpu.enqueue_dma source(%dma_start3A_650 : memref<8x128xf32, #tpu.memory_space<hbm>>) target(%dma_start3A_648 : memref<8x128xf32, #tpu.memory_space<vmem>>) target_semaphore(%arg21 : memref<!tpu.dma_semaphore, #tpu.memory_space<semaphore_mem>>)
    %dma_start3A_651 = arith.constant 48 : i32
    %dma_start3A_652 = arith.constant 0 : i32
    %dma_start3A_653 = tpu.memref_slice %arg13[%dma_start3A_651, %dma_start3A_652] : memref<64x128xf32, #tpu.memory_space<vmem>> -> memref<8x128xf32, #tpu.memory_space<vmem>>
    %dma_start3A_654 = arith.constant 48 : i32
    %dma_start3A_655 = tpu.memref_slice %arg3[%dma_start3A_654, %multiple_of3A_590] : memref<64x1000000xf32, #tpu.memory_space<hbm>> -> memref<8x128xf32, #tpu.memory_space<hbm>>
    %dma_start3A_656 = arith.constant 48 : i32
    %dma_start3A_657 = arith.constant 0 : i32
    %dma_start3A_658 = tpu.memref_slice %arg13[%dma_start3A_656, %dma_start3A_657] : memref<64x128xf32, #tpu.memory_space<vmem>> -> memref<8x128xf32, #tpu.memory_space<vmem>>
    %dma_start3A_659 = arith.constant 48 : i32
    %dma_start3A_660 = tpu.memref_slice %arg3[%dma_start3A_659, %multiple_of3A_590] : memref<64x1000000xf32, #tpu.memory_space<hbm>> -> memref<8x128xf32, #tpu.memory_space<hbm>>
    tpu.enqueue_dma source(%dma_start3A_660 : memref<8x128xf32, #tpu.memory_space<hbm>>) target(%dma_start3A_658 : memref<8x128xf32, #tpu.memory_space<vmem>>) target_semaphore(%arg21 : memref<!tpu.dma_semaphore, #tpu.memory_space<semaphore_mem>>)
    %dma_start3A_661 = arith.constant 56 : i32
    %dma_start3A_662 = arith.constant 0 : i32
    %dma_start3A_663 = tpu.memref_slice %arg13[%dma_start3A_661, %dma_start3A_662] : memref<64x128xf32, #tpu.memory_space<vmem>> -> memref<8x128xf32, #tpu.memory_space<vmem>>
    %dma_start3A_664 = arith.constant 56 : i32
    %dma_start3A_665 = tpu.memref_slice %arg3[%dma_start3A_664, %multiple_of3A_590] : memref<64x1000000xf32, #tpu.memory_space<hbm>> -> memref<8x128xf32, #tpu.memory_space<hbm>>
    %dma_start3A_666 = arith.constant 56 : i32
    %dma_start3A_667 = arith.constant 0 : i32
    %dma_start3A_668 = tpu.memref_slice %arg13[%dma_start3A_666, %dma_start3A_667] : memref<64x128xf32, #tpu.memory_space<vmem>> -> memref<8x128xf32, #tpu.memory_space<vmem>>
    %dma_start3A_669 = arith.constant 56 : i32
    %dma_start3A_670 = tpu.memref_slice %arg3[%dma_start3A_669, %multiple_of3A_590] : memref<64x1000000xf32, #tpu.memory_space<hbm>> -> memref<8x128xf32, #tpu.memory_space<hbm>>
    tpu.enqueue_dma source(%dma_start3A_670 : memref<8x128xf32, #tpu.memory_space<hbm>>) target(%dma_start3A_668 : memref<8x128xf32, #tpu.memory_space<vmem>>) target_semaphore(%arg21 : memref<!tpu.dma_semaphore, #tpu.memory_space<semaphore_mem>>)
    %get3A_671 = arith.constant 0 : index
    %get3A_672 = tpu.vector_load %arg5[%get3A_671] {strides = array<i32>} : memref<512xi32, #tpu.memory_space<vmem>>, vector<16xi32>,
    %iota3A_673 = tpu.iota {dimensions = array<i32: 0>} : vector<16xi32>
    %eq3A_674 = arith.constant 7 : i32
    %eq3A_675 = vector.broadcast %eq3A_674 : i32 to vector<16xi32>
    %eq3A_676 = arith.cmpi eq, %iota3A_673, %eq3A_675 : vector<16xi32>
    %jit3A_677 = arith.constant 0 : i32
    %broadcast_in_dim3A_678 = vector.broadcast %jit3A_677 : i32 to vector<16xi32>
    %select_n3A_679 = arith.select %eq3A_676, %get3A_672, %broadcast_in_dim3A_678 : vector<16xi1>, vector<16xi32>
    %reduce_sum3A_680 = arith.constant true
    %reduce_sum3A_681 = vector.broadcast %reduce_sum3A_680 : i1 to vector<16xi1>
    %reduce_sum3A_682 = tpu.scan <sum>, %select_n3A_679 masked %reduce_sum3A_681 : vector<16xi32>, vector<16xi1> -> vector<16xi32>
    %reduce_sum3A_683 = vector.extract %reduce_sum3A_682[15] : i32 from vector<16xi32>
    %and3A_684 = arith.constant 127 : i32
    %and3A_685 = arith.andi %reduce_sum3A_683, %and3A_684 : i32
    %sub3A_686 = arith.subi %reduce_sum3A_683, %and3A_685 : i32
    %multiple_of3A_687 = tpu.assume_multiple %sub3A_686, 128 : i32
    %dma_start3A_688 = arith.constant 0 : i32
    %dma_start3A_689 = arith.constant 0 : i32
    %dma_start3A_690 = tpu.memref_slice %arg14[%dma_start3A_688, %dma_start3A_689] : memref<64x128xf32, #tpu.memory_space<vmem>> -> memref<8x128xf32, #tpu.memory_space<vmem>>
    %dma_start3A_691 = arith.constant 0 : i32
    %dma_start3A_692 = tpu.memref_slice %arg3[%dma_start3A_691, %multiple_of3A_687] : memref<64x1000000xf32, #tpu.memory_space<hbm>> -> memref<8x128xf32, #tpu.memory_space<hbm>>
    %dma_start3A_693 = arith.constant 0 : i32
    %dma_start3A_694 = arith.constant 0 : i32
    %dma_start3A_695 = tpu.memref_slice %arg14[%dma_start3A_693, %dma_start3A_694] : memref<64x128xf32, #tpu.memory_space<vmem>> -> memref<8x128xf32, #tpu.memory_space<vmem>>
    %dma_start3A_696 = arith.constant 0 : i32
    %dma_start3A_697 = tpu.memref_slice %arg3[%dma_start3A_696, %multiple_of3A_687] : memref<64x1000000xf32, #tpu.memory_space<hbm>> -> memref<8x128xf32, #tpu.memory_space<hbm>>
    tpu.enqueue_dma source(%dma_start3A_697 : memref<8x128xf32, #tpu.memory_space<hbm>>) target(%dma_start3A_695 : memref<8x128xf32, #tpu.memory_space<vmem>>) target_semaphore(%arg22 : memref<!tpu.dma_semaphore, #tpu.memory_space<semaphore_mem>>)
    %dma_start3A_698 = arith.constant 8 : i32
    %dma_start3A_699 = arith.constant 0 : i32
    %dma_start3A_700 = tpu.memref_slice %arg14[%dma_start3A_698, %dma_start3A_699] : memref<64x128xf32, #tpu.memory_space<vmem>> -> memref<8x128xf32, #tpu.memory_space<vmem>>
    %dma_start3A_701 = arith.constant 8 : i32
    %dma_start3A_702 = tpu.memref_slice %arg3[%dma_start3A_701, %multiple_of3A_687] : memref<64x1000000xf32, #tpu.memory_space<hbm>> -> memref<8x128xf32, #tpu.memory_space<hbm>>
    %dma_start3A_703 = arith.constant 8 : i32
    %dma_start3A_704 = arith.constant 0 : i32
    %dma_start3A_705 = tpu.memref_slice %arg14[%dma_start3A_703, %dma_start3A_704] : memref<64x128xf32, #tpu.memory_space<vmem>> -> memref<8x128xf32, #tpu.memory_space<vmem>>
    %dma_start3A_706 = arith.constant 8 : i32
    %dma_start3A_707 = tpu.memref_slice %arg3[%dma_start3A_706, %multiple_of3A_687] : memref<64x1000000xf32, #tpu.memory_space<hbm>> -> memref<8x128xf32, #tpu.memory_space<hbm>>
    tpu.enqueue_dma source(%dma_start3A_707 : memref<8x128xf32, #tpu.memory_space<hbm>>) target(%dma_start3A_705 : memref<8x128xf32, #tpu.memory_space<vmem>>) target_semaphore(%arg22 : memref<!tpu.dma_semaphore, #tpu.memory_space<semaphore_mem>>)
    %dma_start3A_708 = arith.constant 16 : i32
    %dma_start3A_709 = arith.constant 0 : i32
    %dma_start3A_710 = tpu.memref_slice %arg14[%dma_start3A_708, %dma_start3A_709] : memref<64x128xf32, #tpu.memory_space<vmem>> -> memref<8x128xf32, #tpu.memory_space<vmem>>
    %dma_start3A_711 = arith.constant 16 : i32
    %dma_start3A_712 = tpu.memref_slice %arg3[%dma_start3A_711, %multiple_of3A_687] : memref<64x1000000xf32, #tpu.memory_space<hbm>> -> memref<8x128xf32, #tpu.memory_space<hbm>>
    %dma_start3A_713 = arith.constant 16 : i32
    %dma_start3A_714 = arith.constant 0 : i32
    %dma_start3A_715 = tpu.memref_slice %arg14[%dma_start3A_713, %dma_start3A_714] : memref<64x128xf32, #tpu.memory_space<vmem>> -> memref<8x128xf32, #tpu.memory_space<vmem>>
    %dma_start3A_716 = arith.constant 16 : i32
    %dma_start3A_717 = tpu.memref_slice %arg3[%dma_start3A_716, %multiple_of3A_687] : memref<64x1000000xf32, #tpu.memory_space<hbm>> -> memref<8x128xf32, #tpu.memory_space<hbm>>
    tpu.enqueue_dma source(%dma_start3A_717 : memref<8x128xf32, #tpu.memory_space<hbm>>) target(%dma_start3A_715 : memref<8x128xf32, #tpu.memory_space<vmem>>) target_semaphore(%arg22 : memref<!tpu.dma_semaphore, #tpu.memory_space<semaphore_mem>>)
    %dma_start3A_718 = arith.constant 24 : i32
    %dma_start3A_719 = arith.constant 0 : i32
    %dma_start3A_720 = tpu.memref_slice %arg14[%dma_start3A_718, %dma_start3A_719] : memref<64x128xf32, #tpu.memory_space<vmem>> -> memref<8x128xf32, #tpu.memory_space<vmem>>
    %dma_start3A_721 = arith.constant 24 : i32
    %dma_start3A_722 = tpu.memref_slice %arg3[%dma_start3A_721, %multiple_of3A_687] : memref<64x1000000xf32, #tpu.memory_space<hbm>> -> memref<8x128xf32, #tpu.memory_space<hbm>>
    %dma_start3A_723 = arith.constant 24 : i32
    %dma_start3A_724 = arith.constant 0 : i32
    %dma_start3A_725 = tpu.memref_slice %arg14[%dma_start3A_723, %dma_start3A_724] : memref<64x128xf32, #tpu.memory_space<vmem>> -> memref<8x128xf32, #tpu.memory_space<vmem>>
    %dma_start3A_726 = arith.constant 24 : i32
    %dma_start3A_727 = tpu.memref_slice %arg3[%dma_start3A_726, %multiple_of3A_687] : memref<64x1000000xf32, #tpu.memory_space<hbm>> -> memref<8x128xf32, #tpu.memory_space<hbm>>
    tpu.enqueue_dma source(%dma_start3A_727 : memref<8x128xf32, #tpu.memory_space<hbm>>) target(%dma_start3A_725 : memref<8x128xf32, #tpu.memory_space<vmem>>) target_semaphore(%arg22 : memref<!tpu.dma_semaphore, #tpu.memory_space<semaphore_mem>>)
    %dma_start3A_728 = arith.constant 32 : i32
    %dma_start3A_729 = arith.constant 0 : i32
    %dma_start3A_730 = tpu.memref_slice %arg14[%dma_start3A_728, %dma_start3A_729] : memref<64x128xf32, #tpu.memory_space<vmem>> -> memref<8x128xf32, #tpu.memory_space<vmem>>
    %dma_start3A_731 = arith.constant 32 : i32
    %dma_start3A_732 = tpu.memref_slice %arg3[%dma_start3A_731, %multiple_of3A_687] : memref<64x1000000xf32, #tpu.memory_space<hbm>> -> memref<8x128xf32, #tpu.memory_space<hbm>>
    %dma_start3A_733 = arith.constant 32 : i32
    %dma_start3A_734 = arith.constant 0 : i32
    %dma_start3A_735 = tpu.memref_slice %arg14[%dma_start3A_733, %dma_start3A_734] : memref<64x128xf32, #tpu.memory_space<vmem>> -> memref<8x128xf32, #tpu.memory_space<vmem>>
    %dma_start3A_736 = arith.constant 32 : i32
    %dma_start3A_737 = tpu.memref_slice %arg3[%dma_start3A_736, %multiple_of3A_687] : memref<64x1000000xf32, #tpu.memory_space<hbm>> -> memref<8x128xf32, #tpu.memory_space<hbm>>
    tpu.enqueue_dma source(%dma_start3A_737 : memref<8x128xf32, #tpu.memory_space<hbm>>) target(%dma_start3A_735 : memref<8x128xf32, #tpu.memory_space<vmem>>) target_semaphore(%arg22 : memref<!tpu.dma_semaphore, #tpu.memory_space<semaphore_mem>>)
    %dma_start3A_738 = arith.constant 40 : i32
    %dma_start3A_739 = arith.constant 0 : i32
    %dma_start3A_740 = tpu.memref_slice %arg14[%dma_start3A_738, %dma_start3A_739] : memref<64x128xf32, #tpu.memory_space<vmem>> -> memref<8x128xf32, #tpu.memory_space<vmem>>
    %dma_start3A_741 = arith.constant 40 : i32
    %dma_start3A_742 = tpu.memref_slice %arg3[%dma_start3A_741, %multiple_of3A_687] : memref<64x1000000xf32, #tpu.memory_space<hbm>> -> memref<8x128xf32, #tpu.memory_space<hbm>>
    %dma_start3A_743 = arith.constant 40 : i32
    %dma_start3A_744 = arith.constant 0 : i32
    %dma_start3A_745 = tpu.memref_slice %arg14[%dma_start3A_743, %dma_start3A_744] : memref<64x128xf32, #tpu.memory_space<vmem>> -> memref<8x128xf32, #tpu.memory_space<vmem>>
    %dma_start3A_746 = arith.constant 40 : i32
    %dma_start3A_747 = tpu.memref_slice %arg3[%dma_start3A_746, %multiple_of3A_687] : memref<64x1000000xf32, #tpu.memory_space<hbm>> -> memref<8x128xf32, #tpu.memory_space<hbm>>
    tpu.enqueue_dma source(%dma_start3A_747 : memref<8x128xf32, #tpu.memory_space<hbm>>) target(%dma_start3A_745 : memref<8x128xf32, #tpu.memory_space<vmem>>) target_semaphore(%arg22 : memref<!tpu.dma_semaphore, #tpu.memory_space<semaphore_mem>>)
    %dma_start3A_748 = arith.constant 48 : i32
    %dma_start3A_749 = arith.constant 0 : i32
    %dma_start3A_750 = tpu.memref_slice %arg14[%dma_start3A_748, %dma_start3A_749] : memref<64x128xf32, #tpu.memory_space<vmem>> -> memref<8x128xf32, #tpu.memory_space<vmem>>
    %dma_start3A_751 = arith.constant 48 : i32
    %dma_start3A_752 = tpu.memref_slice %arg3[%dma_start3A_751, %multiple_of3A_687] : memref<64x1000000xf32, #tpu.memory_space<hbm>> -> memref<8x128xf32, #tpu.memory_space<hbm>>
    %dma_start3A_753 = arith.constant 48 : i32
    %dma_start3A_754 = arith.constant 0 : i32
    %dma_start3A_755 = tpu.memref_slice %arg14[%dma_start3A_753, %dma_start3A_754] : memref<64x128xf32, #tpu.memory_space<vmem>> -> memref<8x128xf32, #tpu.memory_space<vmem>>
    %dma_start3A_756 = arith.constant 48 : i32
    %dma_start3A_757 = tpu.memref_slice %arg3[%dma_start3A_756, %multiple_of3A_687] : memref<64x1000000xf32, #tpu.memory_space<hbm>> -> memref<8x128xf32, #tpu.memory_space<hbm>>
    tpu.enqueue_dma source(%dma_start3A_757 : memref<8x128xf32, #tpu.memory_space<hbm>>) target(%dma_start3A_755 : memref<8x128xf32, #tpu.memory_space<vmem>>) target_semaphore(%arg22 : memref<!tpu.dma_semaphore, #tpu.memory_space<semaphore_mem>>)
    %dma_start3A_758 = arith.constant 56 : i32
    %dma_start3A_759 = arith.constant 0 : i32
    %dma_start3A_760 = tpu.memref_slice %arg14[%dma_start3A_758, %dma_start3A_759] : memref<64x128xf32, #tpu.memory_space<vmem>> -> memref<8x128xf32, #tpu.memory_space<vmem>>
    %dma_start3A_761 = arith.constant 56 : i32
    %dma_start3A_762 = tpu.memref_slice %arg3[%dma_start3A_761, %multiple_of3A_687] : memref<64x1000000xf32, #tpu.memory_space<hbm>> -> memref<8x128xf32, #tpu.memory_space<hbm>>
    %dma_start3A_763 = arith.constant 56 : i32
    %dma_start3A_764 = arith.constant 0 : i32
    %dma_start3A_765 = tpu.memref_slice %arg14[%dma_start3A_763, %dma_start3A_764] : memref<64x128xf32, #tpu.memory_space<vmem>> -> memref<8x128xf32, #tpu.memory_space<vmem>>
    %dma_start3A_766 = arith.constant 56 : i32
    %dma_start3A_767 = tpu.memref_slice %arg3[%dma_start3A_766, %multiple_of3A_687] : memref<64x1000000xf32, #tpu.memory_space<hbm>> -> memref<8x128xf32, #tpu.memory_space<hbm>>
    tpu.enqueue_dma source(%dma_start3A_767 : memref<8x128xf32, #tpu.memory_space<hbm>>) target(%dma_start3A_765 : memref<8x128xf32, #tpu.memory_space<vmem>>) target_semaphore(%arg22 : memref<!tpu.dma_semaphore, #tpu.memory_space<semaphore_mem>>)
    %scan3A = arith.constant 0 : i32
    %scan3A_768 = arith.constant 0 : i32
    %scan3A_769 = arith.constant 63 : i32
    %scan3A_770 = arith.addi %scan3A_768, %scan3A_769 : i32
    %scan3A_771 = arith.constant 1 : i32
    scf.for %scan3A_1123 = %scan3A_768 to %scan3A_770 step %scan3A_771  : i32 {
      %mul3A_1124 = arith.constant 8 : i32
      %mul3A_1125 = arith.muli %scan3A_1123, %mul3A_1124 : i32
      %add3A_1126 = arith.constant 0 : i32
      %add3A_1127 = arith.addi %mul3A_1125, %add3A_1126 : i32
      %jit3A_1128 = arith.constant 16 : i32
      %div3A = arith.divsi %add3A_1127, %jit3A_1128 : i32
      %sign3A = arith.constant 0 : i32
      %sign3A_1129 = arith.cmpi sgt, %add3A_1127, %sign3A : i32
      %sign3A_1130 = arith.extui %sign3A_1129 : i1 to i32
      %sign3A_1131 = arith.constant 0 : i32
      %sign3A_1132 = arith.cmpi slt, %add3A_1127, %sign3A_1131 : i32
      %sign3A_1133 = arith.extui %sign3A_1132 : i1 to i32
      %sign3A_1134 = arith.subi %sign3A_1130, %sign3A_1133 : i32
      %sign3A_1135 = arith.constant 0 : i32
      %sign3A_1136 = arith.cmpi sgt, %jit3A_1128, %sign3A_1135 : i32
      %sign3A_1137 = arith.extui %sign3A_1136 : i1 to i32
      %sign3A_1138 = arith.constant 0 : i32
      %sign3A_1139 = arith.cmpi slt, %jit3A_1128, %sign3A_1138 : i32
      %sign3A_1140 = arith.extui %sign3A_1139 : i1 to i32
      %sign3A_1141 = arith.subi %sign3A_1137, %sign3A_1140 : i32
      %ne3A = arith.cmpi ne, %sign3A_1134, %sign3A_1141 : i32
      %rem3A = arith.remsi %add3A_1127, %jit3A_1128 : i32
      %ne3A_1142 = arith.constant 0 : i32
      %ne3A_1143 = arith.cmpi ne, %rem3A, %ne3A_1142 : i32
      %and3A_1144 = arith.andi %ne3A, %ne3A_1143 : i1
      %sub3A_1145 = arith.constant 1 : i32
      %sub3A_1146 = arith.subi %div3A, %sub3A_1145 : i32
      %select_n3A_1147 = arith.select %and3A_1144, %sub3A_1146, %div3A : i32
      %mul3A_1148 = arith.constant 16 : i32
      %mul3A_1149 = arith.muli %select_n3A_1147, %mul3A_1148 : i32
      %get3A_1150 = arith.index_cast %mul3A_1149 : i32 to index
      %get3A_1151 = tpu.vector_load %arg5[%get3A_1150] {strides = array<i32>} : memref<512xi32, #tpu.memory_space<vmem>>, vector<16xi32>,
      %iota3A_1152 = tpu.iota {dimensions = array<i32: 0>} : vector<16xi32>
      %sub3A_1153 = arith.subi %add3A_1127, %mul3A_1149 : i32
      %eq3A_1154 = vector.broadcast %sub3A_1153 : i32 to vector<16xi32>
      %eq3A_1155 = arith.cmpi eq, %iota3A_1152, %eq3A_1154 : vector<16xi32>
      %jit3A_1156 = arith.constant 0 : i32
      %broadcast_in_dim3A_1157 = vector.broadcast %jit3A_1156 : i32 to vector<16xi32>
      %select_n3A_1158 = arith.select %eq3A_1155, %get3A_1151, %broadcast_in_dim3A_1157 : vector<16xi1>, vector<16xi32>
      %reduce_sum3A_1159 = arith.constant true
      %reduce_sum3A_1160 = vector.broadcast %reduce_sum3A_1159 : i1 to vector<16xi1>
      %reduce_sum3A_1161 = tpu.scan <sum>, %select_n3A_1158 masked %reduce_sum3A_1160 : vector<16xi32>, vector<16xi1> -> vector<16xi32>
      %reduce_sum3A_1162 = vector.extract %reduce_sum3A_1161[15] : i32 from vector<16xi32>
      %dma_wait3A_1163 = arith.constant 0 : i32
      %dma_wait3A_1164 = arith.constant 0 : i32
      %dma_wait3A_1165 = tpu.memref_slice %arg3[%dma_wait3A_1163, %dma_wait3A_1164] : memref<64x1000000xf32, #tpu.memory_space<hbm>> -> memref<64x128xf32, #tpu.memory_space<hbm>>
      %dma_wait3A_1166 = arith.constant 0 : i32
      %dma_wait3A_1167 = arith.constant 0 : i32
      %dma_wait3A_1168 = tpu.memref_slice %arg3[%dma_wait3A_1166, %dma_wait3A_1167] : memref<64x1000000xf32, #tpu.memory_space<hbm>> -> memref<64x128xf32, #tpu.memory_space<hbm>>
      tpu.wait_dma2 semaphore(%arg15 : memref<!tpu.dma_semaphore, #tpu.memory_space<semaphore_mem>>) src(%dma_wait3A_1168 : memref<64x128xf32, #tpu.memory_space<hbm>>) dst(%arg7 : memref<64x128xf32, #tpu.memory_space<vmem>>)
      %and3A_1169 = arith.constant 127 : i32
      %and3A_1170 = arith.andi %reduce_sum3A_1162, %and3A_1169 : i32
      %broadcast_in_dim3A_1171 = vector.broadcast %and3A_1170 : i32 to vector<16xi32>
      %broadcast_in_dim3A_1172 = vector.broadcast %add3A_1127 : i32 to vector<16xi32>
      %iota3A_1173 = tpu.iota {dimensions = array<i32: 0>} : vector<16xi32>
      %add3A_1174 = arith.constant 0 : i32
      %add3A_1175 = vector.broadcast %add3A_1174 : i32 to vector<16xi32>
      %add3A_1176 = arith.addi %iota3A_1173, %add3A_1175 : vector<16xi32>
      %gather3A_1177 = tpu.vector_load_idx %arg7[%add3A_1176, %broadcast_in_dim3A_1171] : memref<64x128xf32, #tpu.memory_space<vmem>>[vector<16xi32>, vector<16xi32>], vector<16xf32>,
      tpu.vector_store_idx %arg6[%add3A_1176, %broadcast_in_dim3A_1172], %gather3A_1177 : memref<64x512xf32, #tpu.memory_space<vmem>>[vector<16xi32>, vector<16xi32>], vector<16xf32>,
      %iota3A_1178 = tpu.iota {dimensions = array<i32: 0>} : vector<16xi32>
      %add3A_1179 = arith.constant 16 : i32
      %add3A_1180 = vector.broadcast %add3A_1179 : i32 to vector<16xi32>
      %add3A_1181 = arith.addi %iota3A_1178, %add3A_1180 : vector<16xi32>
      %gather3A_1182 = tpu.vector_load_idx %arg7[%add3A_1181, %broadcast_in_dim3A_1171] : memref<64x128xf32, #tpu.memory_space<vmem>>[vector<16xi32>, vector<16xi32>], vector<16xf32>,
      tpu.vector_store_idx %arg6[%add3A_1181, %broadcast_in_dim3A_1172], %gather3A_1182 : memref<64x512xf32, #tpu.memory_space<vmem>>[vector<16xi32>, vector<16xi32>], vector<16xf32>,
      %iota3A_1183 = tpu.iota {dimensions = array<i32: 0>} : vector<16xi32>
      %add3A_1184 = arith.constant 32 : i32
      %add3A_1185 = vector.broadcast %add3A_1184 : i32 to vector<16xi32>
      %add3A_1186 = arith.addi %iota3A_1183, %add3A_1185 : vector<16xi32>
      %gather3A_1187 = tpu.vector_load_idx %arg7[%add3A_1186, %broadcast_in_dim3A_1171] : memref<64x128xf32, #tpu.memory_space<vmem>>[vector<16xi32>, vector<16xi32>], vector<16xf32>,
      tpu.vector_store_idx %arg6[%add3A_1186, %broadcast_in_dim3A_1172], %gather3A_1187 : memref<64x512xf32, #tpu.memory_space<vmem>>[vector<16xi32>, vector<16xi32>], vector<16xf32>,
      %iota3A_1188 = tpu.iota {dimensions = array<i32: 0>} : vector<16xi32>
      %add3A_1189 = arith.constant 48 : i32
      %add3A_1190 = vector.broadcast %add3A_1189 : i32 to vector<16xi32>
      %add3A_1191 = arith.addi %iota3A_1188, %add3A_1190 : vector<16xi32>
      %gather3A_1192 = tpu.vector_load_idx %arg7[%add3A_1191, %broadcast_in_dim3A_1171] : memref<64x128xf32, #tpu.memory_space<vmem>>[vector<16xi32>, vector<16xi32>], vector<16xf32>,
      tpu.vector_store_idx %arg6[%add3A_1191, %broadcast_in_dim3A_1172], %gather3A_1192 : memref<64x512xf32, #tpu.memory_space<vmem>>[vector<16xi32>, vector<16xi32>], vector<16xf32>,
      %add3A_1193 = arith.constant 8 : i32
      %add3A_1194 = arith.addi %add3A_1127, %add3A_1193 : i32
      %jit3A_1195 = arith.constant 16 : i32
      %div3A_1196 = arith.divsi %add3A_1194, %jit3A_1195 : i32
      %sign3A_1197 = arith.constant 0 : i32
      %sign3A_1198 = arith.cmpi sgt, %add3A_1194, %sign3A_1197 : i32
      %sign3A_1199 = arith.extui %sign3A_1198 : i1 to i32
      %sign3A_1200 = arith.constant 0 : i32
      %sign3A_1201 = arith.cmpi slt, %add3A_1194, %sign3A_1200 : i32
      %sign3A_1202 = arith.extui %sign3A_1201 : i1 to i32
      %sign3A_1203 = arith.subi %sign3A_1199, %sign3A_1202 : i32
      %sign3A_1204 = arith.constant 0 : i32
      %sign3A_1205 = arith.cmpi sgt, %jit3A_1195, %sign3A_1204 : i32
      %sign3A_1206 = arith.extui %sign3A_1205 : i1 to i32
      %sign3A_1207 = arith.constant 0 : i32
      %sign3A_1208 = arith.cmpi slt, %jit3A_1195, %sign3A_1207 : i32
      %sign3A_1209 = arith.extui %sign3A_1208 : i1 to i32
      %sign3A_1210 = arith.subi %sign3A_1206, %sign3A_1209 : i32
      %ne3A_1211 = arith.cmpi ne, %sign3A_1203, %sign3A_1210 : i32
      %rem3A_1212 = arith.remsi %add3A_1194, %jit3A_1195 : i32
      %ne3A_1213 = arith.constant 0 : i32
      %ne3A_1214 = arith.cmpi ne, %rem3A_1212, %ne3A_1213 : i32
      %and3A_1215 = arith.andi %ne3A_1211, %ne3A_1214 : i1
      %sub3A_1216 = arith.constant 1 : i32
      %sub3A_1217 = arith.subi %div3A_1196, %sub3A_1216 : i32
      %select_n3A_1218 = arith.select %and3A_1215, %sub3A_1217, %div3A_1196 : i32
      %mul3A_1219 = arith.constant 16 : i32
      %mul3A_1220 = arith.muli %select_n3A_1218, %mul3A_1219 : i32
      %get3A_1221 = arith.index_cast %mul3A_1220 : i32 to index
      %get3A_1222 = tpu.vector_load %arg5[%get3A_1221] {strides = array<i32>} : memref<512xi32, #tpu.memory_space<vmem>>, vector<16xi32>,
      %iota3A_1223 = tpu.iota {dimensions = array<i32: 0>} : vector<16xi32>
      %sub3A_1224 = arith.subi %add3A_1194, %mul3A_1220 : i32
      %eq3A_1225 = vector.broadcast %sub3A_1224 : i32 to vector<16xi32>
      %eq3A_1226 = arith.cmpi eq, %iota3A_1223, %eq3A_1225 : vector<16xi32>
      %jit3A_1227 = arith.constant 0 : i32
      %broadcast_in_dim3A_1228 = vector.broadcast %jit3A_1227 : i32 to vector<16xi32>
      %select_n3A_1229 = arith.select %eq3A_1226, %get3A_1222, %broadcast_in_dim3A_1228 : vector<16xi1>, vector<16xi32>
      %reduce_sum3A_1230 = arith.constant true
      %reduce_sum3A_1231 = vector.broadcast %reduce_sum3A_1230 : i1 to vector<16xi1>
      %reduce_sum3A_1232 = tpu.scan <sum>, %select_n3A_1229 masked %reduce_sum3A_1231 : vector<16xi32>, vector<16xi1> -> vector<16xi32>
      %reduce_sum3A_1233 = vector.extract %reduce_sum3A_1232[15] : i32 from vector<16xi32>
      %and3A_1234 = arith.constant 127 : i32
      %and3A_1235 = arith.andi %reduce_sum3A_1233, %and3A_1234 : i32
      %sub3A_1236 = arith.subi %reduce_sum3A_1233, %and3A_1235 : i32
      %multiple_of3A_1237 = tpu.assume_multiple %sub3A_1236, 128 : i32
      %dma_start3A_1238 = arith.constant 0 : i32
      %dma_start3A_1239 = arith.constant 0 : i32
      %dma_start3A_1240 = tpu.memref_slice %arg7[%dma_start3A_1238, %dma_start3A_1239] : memref<64x128xf32, #tpu.memory_space<vmem>> -> memref<8x128xf32, #tpu.memory_space<vmem>>
      %dma_start3A_1241 = arith.constant 0 : i32
      %dma_start3A_1242 = tpu.memref_slice %arg3[%dma_start3A_1241, %multiple_of3A_1237] : memref<64x1000000xf32, #tpu.memory_space<hbm>> -> memref<8x128xf32, #tpu.memory_space<hbm>>
      %dma_start3A_1243 = arith.constant 0 : i32
      %dma_start3A_1244 = arith.constant 0 : i32
      %dma_start3A_1245 = tpu.memref_slice %arg7[%dma_start3A_1243, %dma_start3A_1244] : memref<64x128xf32, #tpu.memory_space<vmem>> -> memref<8x128xf32, #tpu.memory_space<vmem>>
      %dma_start3A_1246 = arith.constant 0 : i32
      %dma_start3A_1247 = tpu.memref_slice %arg3[%dma_start3A_1246, %multiple_of3A_1237] : memref<64x1000000xf32, #tpu.memory_space<hbm>> -> memref<8x128xf32, #tpu.memory_space<hbm>>
      tpu.enqueue_dma source(%dma_start3A_1247 : memref<8x128xf32, #tpu.memory_space<hbm>>) target(%dma_start3A_1245 : memref<8x128xf32, #tpu.memory_space<vmem>>) target_semaphore(%arg15 : memref<!tpu.dma_semaphore, #tpu.memory_space<semaphore_mem>>)
      %dma_start3A_1248 = arith.constant 8 : i32
      %dma_start3A_1249 = arith.constant 0 : i32
      %dma_start3A_1250 = tpu.memref_slice %arg7[%dma_start3A_1248, %dma_start3A_1249] : memref<64x128xf32, #tpu.memory_space<vmem>> -> memref<8x128xf32, #tpu.memory_space<vmem>>
      %dma_start3A_1251 = arith.constant 8 : i32
      %dma_start3A_1252 = tpu.memref_slice %arg3[%dma_start3A_1251, %multiple_of3A_1237] : memref<64x1000000xf32, #tpu.memory_space<hbm>> -> memref<8x128xf32, #tpu.memory_space<hbm>>
      %dma_start3A_1253 = arith.constant 8 : i32
      %dma_start3A_1254 = arith.constant 0 : i32
      %dma_start3A_1255 = tpu.memref_slice %arg7[%dma_start3A_1253, %dma_start3A_1254] : memref<64x128xf32, #tpu.memory_space<vmem>> -> memref<8x128xf32, #tpu.memory_space<vmem>>
      %dma_start3A_1256 = arith.constant 8 : i32
      %dma_start3A_1257 = tpu.memref_slice %arg3[%dma_start3A_1256, %multiple_of3A_1237] : memref<64x1000000xf32, #tpu.memory_space<hbm>> -> memref<8x128xf32, #tpu.memory_space<hbm>>
      tpu.enqueue_dma source(%dma_start3A_1257 : memref<8x128xf32, #tpu.memory_space<hbm>>) target(%dma_start3A_1255 : memref<8x128xf32, #tpu.memory_space<vmem>>) target_semaphore(%arg15 : memref<!tpu.dma_semaphore, #tpu.memory_space<semaphore_mem>>)
      %dma_start3A_1258 = arith.constant 16 : i32
      %dma_start3A_1259 = arith.constant 0 : i32
      %dma_start3A_1260 = tpu.memref_slice %arg7[%dma_start3A_1258, %dma_start3A_1259] : memref<64x128xf32, #tpu.memory_space<vmem>> -> memref<8x128xf32, #tpu.memory_space<vmem>>
      %dma_start3A_1261 = arith.constant 16 : i32
      %dma_start3A_1262 = tpu.memref_slice %arg3[%dma_start3A_1261, %multiple_of3A_1237] : memref<64x1000000xf32, #tpu.memory_space<hbm>> -> memref<8x128xf32, #tpu.memory_space<hbm>>
      %dma_start3A_1263 = arith.constant 16 : i32
      %dma_start3A_1264 = arith.constant 0 : i32
      %dma_start3A_1265 = tpu.memref_slice %arg7[%dma_start3A_1263, %dma_start3A_1264] : memref<64x128xf32, #tpu.memory_space<vmem>> -> memref<8x128xf32, #tpu.memory_space<vmem>>
      %dma_start3A_1266 = arith.constant 16 : i32
      %dma_start3A_1267 = tpu.memref_slice %arg3[%dma_start3A_1266, %multiple_of3A_1237] : memref<64x1000000xf32, #tpu.memory_space<hbm>> -> memref<8x128xf32, #tpu.memory_space<hbm>>
      tpu.enqueue_dma source(%dma_start3A_1267 : memref<8x128xf32, #tpu.memory_space<hbm>>) target(%dma_start3A_1265 : memref<8x128xf32, #tpu.memory_space<vmem>>) target_semaphore(%arg15 : memref<!tpu.dma_semaphore, #tpu.memory_space<semaphore_mem>>)
      %dma_start3A_1268 = arith.constant 24 : i32
      %dma_start3A_1269 = arith.constant 0 : i32
      %dma_start3A_1270 = tpu.memref_slice %arg7[%dma_start3A_1268, %dma_start3A_1269] : memref<64x128xf32, #tpu.memory_space<vmem>> -> memref<8x128xf32, #tpu.memory_space<vmem>>
      %dma_start3A_1271 = arith.constant 24 : i32
      %dma_start3A_1272 = tpu.memref_slice %arg3[%dma_start3A_1271, %multiple_of3A_1237] : memref<64x1000000xf32, #tpu.memory_space<hbm>> -> memref<8x128xf32, #tpu.memory_space<hbm>>
      %dma_start3A_1273 = arith.constant 24 : i32
      %dma_start3A_1274 = arith.constant 0 : i32
      %dma_start3A_1275 = tpu.memref_slice %arg7[%dma_start3A_1273, %dma_start3A_1274] : memref<64x128xf32, #tpu.memory_space<vmem>> -> memref<8x128xf32, #tpu.memory_space<vmem>>
      %dma_start3A_1276 = arith.constant 24 : i32
      %dma_start3A_1277 = tpu.memref_slice %arg3[%dma_start3A_1276, %multiple_of3A_1237] : memref<64x1000000xf32, #tpu.memory_space<hbm>> -> memref<8x128xf32, #tpu.memory_space<hbm>>
      tpu.enqueue_dma source(%dma_start3A_1277 : memref<8x128xf32, #tpu.memory_space<hbm>>) target(%dma_start3A_1275 : memref<8x128xf32, #tpu.memory_space<vmem>>) target_semaphore(%arg15 : memref<!tpu.dma_semaphore, #tpu.memory_space<semaphore_mem>>)
      %dma_start3A_1278 = arith.constant 32 : i32
      %dma_start3A_1279 = arith.constant 0 : i32
      %dma_start3A_1280 = tpu.memref_slice %arg7[%dma_start3A_1278, %dma_start3A_1279] : memref<64x128xf32, #tpu.memory_space<vmem>> -> memref<8x128xf32, #tpu.memory_space<vmem>>
      %dma_start3A_1281 = arith.constant 32 : i32
      %dma_start3A_1282 = tpu.memref_slice %arg3[%dma_start3A_1281, %multiple_of3A_1237] : memref<64x1000000xf32, #tpu.memory_space<hbm>> -> memref<8x128xf32, #tpu.memory_space<hbm>>
      %dma_start3A_1283 = arith.constant 32 : i32
      %dma_start3A_1284 = arith.constant 0 : i32
      %dma_start3A_1285 = tpu.memref_slice %arg7[%dma_start3A_1283, %dma_start3A_1284] : memref<64x128xf32, #tpu.memory_space<vmem>> -> memref<8x128xf32, #tpu.memory_space<vmem>>
      %dma_start3A_1286 = arith.constant 32 : i32
      %dma_start3A_1287 = tpu.memref_slice %arg3[%dma_start3A_1286, %multiple_of3A_1237] : memref<64x1000000xf32, #tpu.memory_space<hbm>> -> memref<8x128xf32, #tpu.memory_space<hbm>>
      tpu.enqueue_dma source(%dma_start3A_1287 : memref<8x128xf32, #tpu.memory_space<hbm>>) target(%dma_start3A_1285 : memref<8x128xf32, #tpu.memory_space<vmem>>) target_semaphore(%arg15 : memref<!tpu.dma_semaphore, #tpu.memory_space<semaphore_mem>>)
      %dma_start3A_1288 = arith.constant 40 : i32
      %dma_start3A_1289 = arith.constant 0 : i32
      %dma_start3A_1290 = tpu.memref_slice %arg7[%dma_start3A_1288, %dma_start3A_1289] : memref<64x128xf32, #tpu.memory_space<vmem>> -> memref<8x128xf32, #tpu.memory_space<vmem>>
      %dma_start3A_1291 = arith.constant 40 : i32
      %dma_start3A_1292 = tpu.memref_slice %arg3[%dma_start3A_1291, %multiple_of3A_1237] : memref<64x1000000xf32, #tpu.memory_space<hbm>> -> memref<8x128xf32, #tpu.memory_space<hbm>>
      %dma_start3A_1293 = arith.constant 40 : i32
      %dma_start3A_1294 = arith.constant 0 : i32
      %dma_start3A_1295 = tpu.memref_slice %arg7[%dma_start3A_1293, %dma_start3A_1294] : memref<64x128xf32, #tpu.memory_space<vmem>> -> memref<8x128xf32, #tpu.memory_space<vmem>>
      %dma_start3A_1296 = arith.constant 40 : i32
      %dma_start3A_1297 = tpu.memref_slice %arg3[%dma_start3A_1296, %multiple_of3A_1237] : memref<64x1000000xf32, #tpu.memory_space<hbm>> -> memref<8x128xf32, #tpu.memory_space<hbm>>
      tpu.enqueue_dma source(%dma_start3A_1297 : memref<8x128xf32, #tpu.memory_space<hbm>>) target(%dma_start3A_1295 : memref<8x128xf32, #tpu.memory_space<vmem>>) target_semaphore(%arg15 : memref<!tpu.dma_semaphore, #tpu.memory_space<semaphore_mem>>)
      %dma_start3A_1298 = arith.constant 48 : i32
      %dma_start3A_1299 = arith.constant 0 : i32
      %dma_start3A_1300 = tpu.memref_slice %arg7[%dma_start3A_1298, %dma_start3A_1299] : memref<64x128xf32, #tpu.memory_space<vmem>> -> memref<8x128xf32, #tpu.memory_space<vmem>>
      %dma_start3A_1301 = arith.constant 48 : i32
      %dma_start3A_1302 = tpu.memref_slice %arg3[%dma_start3A_1301, %multiple_of3A_1237] : memref<64x1000000xf32, #tpu.memory_space<hbm>> -> memref<8x128xf32, #tpu.memory_space<hbm>>
      %dma_start3A_1303 = arith.constant 48 : i32
      %dma_start3A_1304 = arith.constant 0 : i32
      %dma_start3A_1305 = tpu.memref_slice %arg7[%dma_start3A_1303, %dma_start3A_1304] : memref<64x128xf32, #tpu.memory_space<vmem>> -> memref<8x128xf32, #tpu.memory_space<vmem>>
      %dma_start3A_1306 = arith.constant 48 : i32
      %dma_start3A_1307 = tpu.memref_slice %arg3[%dma_start3A_1306, %multiple_of3A_1237] : memref<64x1000000xf32, #tpu.memory_space<hbm>> -> memref<8x128xf32, #tpu.memory_space<hbm>>
      tpu.enqueue_dma source(%dma_start3A_1307 : memref<8x128xf32, #tpu.memory_space<hbm>>) target(%dma_start3A_1305 : memref<8x128xf32, #tpu.memory_space<vmem>>) target_semaphore(%arg15 : memref<!tpu.dma_semaphore, #tpu.memory_space<semaphore_mem>>)
      %dma_start3A_1308 = arith.constant 56 : i32
      %dma_start3A_1309 = arith.constant 0 : i32
      %dma_start3A_1310 = tpu.memref_slice %arg7[%dma_start3A_1308, %dma_start3A_1309] : memref<64x128xf32, #tpu.memory_space<vmem>> -> memref<8x128xf32, #tpu.memory_space<vmem>>
      %dma_start3A_1311 = arith.constant 56 : i32
      %dma_start3A_1312 = tpu.memref_slice %arg3[%dma_start3A_1311, %multiple_of3A_1237] : memref<64x1000000xf32, #tpu.memory_space<hbm>> -> memref<8x128xf32, #tpu.memory_space<hbm>>
      %dma_start3A_1313 = arith.constant 56 : i32
      %dma_start3A_1314 = arith.constant 0 : i32
      %dma_start3A_1315 = tpu.memref_slice %arg7[%dma_start3A_1313, %dma_start3A_1314] : memref<64x128xf32, #tpu.memory_space<vmem>> -> memref<8x128xf32, #tpu.memory_space<vmem>>
      %dma_start3A_1316 = arith.constant 56 : i32
      %dma_start3A_1317 = tpu.memref_slice %arg3[%dma_start3A_1316, %multiple_of3A_1237] : memref<64x1000000xf32, #tpu.memory_space<hbm>> -> memref<8x128xf32, #tpu.memory_space<hbm>>
      tpu.enqueue_dma source(%dma_start3A_1317 : memref<8x128xf32, #tpu.memory_space<hbm>>) target(%dma_start3A_1315 : memref<8x128xf32, #tpu.memory_space<vmem>>) target_semaphore(%arg15 : memref<!tpu.dma_semaphore, #tpu.memory_space<semaphore_mem>>)
      %mul3A_1318 = arith.constant 8 : i32
      %mul3A_1319 = arith.muli %scan3A_1123, %mul3A_1318 : i32
      %add3A_1320 = arith.constant 1 : i32
      %add3A_1321 = arith.addi %mul3A_1319, %add3A_1320 : i32
      %jit3A_1322 = arith.constant 16 : i32
      %div3A_1323 = arith.divsi %add3A_1321, %jit3A_1322 : i32
      %sign3A_1324 = arith.constant 0 : i32
      %sign3A_1325 = arith.cmpi sgt, %add3A_1321, %sign3A_1324 : i32
      %sign3A_1326 = arith.extui %sign3A_1325 : i1 to i32
      %sign3A_1327 = arith.constant 0 : i32
      %sign3A_1328 = arith.cmpi slt, %add3A_1321, %sign3A_1327 : i32
      %sign3A_1329 = arith.extui %sign3A_1328 : i1 to i32
      %sign3A_1330 = arith.subi %sign3A_1326, %sign3A_1329 : i32
      %sign3A_1331 = arith.constant 0 : i32
      %sign3A_1332 = arith.cmpi sgt, %jit3A_1322, %sign3A_1331 : i32
      %sign3A_1333 = arith.extui %sign3A_1332 : i1 to i32
      %sign3A_1334 = arith.constant 0 : i32
      %sign3A_1335 = arith.cmpi slt, %jit3A_1322, %sign3A_1334 : i32
      %sign3A_1336 = arith.extui %sign3A_1335 : i1 to i32
      %sign3A_1337 = arith.subi %sign3A_1333, %sign3A_1336 : i32
      %ne3A_1338 = arith.cmpi ne, %sign3A_1330, %sign3A_1337 : i32
      %rem3A_1339 = arith.remsi %add3A_1321, %jit3A_1322 : i32
      %ne3A_1340 = arith.constant 0 : i32
      %ne3A_1341 = arith.cmpi ne, %rem3A_1339, %ne3A_1340 : i32
      %and3A_1342 = arith.andi %ne3A_1338, %ne3A_1341 : i1
      %sub3A_1343 = arith.constant 1 : i32
      %sub3A_1344 = arith.subi %div3A_1323, %sub3A_1343 : i32
      %select_n3A_1345 = arith.select %and3A_1342, %sub3A_1344, %div3A_1323 : i32
      %mul3A_1346 = arith.constant 16 : i32
      %mul3A_1347 = arith.muli %select_n3A_1345, %mul3A_1346 : i32
      %get3A_1348 = arith.index_cast %mul3A_1347 : i32 to index
      %get3A_1349 = tpu.vector_load %arg5[%get3A_1348] {strides = array<i32>} : memref<512xi32, #tpu.memory_space<vmem>>, vector<16xi32>,
      %iota3A_1350 = tpu.iota {dimensions = array<i32: 0>} : vector<16xi32>
      %sub3A_1351 = arith.subi %add3A_1321, %mul3A_1347 : i32
      %eq3A_1352 = vector.broadcast %sub3A_1351 : i32 to vector<16xi32>
      %eq3A_1353 = arith.cmpi eq, %iota3A_1350, %eq3A_1352 : vector<16xi32>
      %jit3A_1354 = arith.constant 0 : i32
      %broadcast_in_dim3A_1355 = vector.broadcast %jit3A_1354 : i32 to vector<16xi32>
      %select_n3A_1356 = arith.select %eq3A_1353, %get3A_1349, %broadcast_in_dim3A_1355 : vector<16xi1>, vector<16xi32>
      %reduce_sum3A_1357 = arith.constant true
      %reduce_sum3A_1358 = vector.broadcast %reduce_sum3A_1357 : i1 to vector<16xi1>
      %reduce_sum3A_1359 = tpu.scan <sum>, %select_n3A_1356 masked %reduce_sum3A_1358 : vector<16xi32>, vector<16xi1> -> vector<16xi32>
      %reduce_sum3A_1360 = vector.extract %reduce_sum3A_1359[15] : i32 from vector<16xi32>
      %dma_wait3A_1361 = arith.constant 0 : i32
      %dma_wait3A_1362 = arith.constant 0 : i32
      %dma_wait3A_1363 = tpu.memref_slice %arg3[%dma_wait3A_1361, %dma_wait3A_1362] : memref<64x1000000xf32, #tpu.memory_space<hbm>> -> memref<64x128xf32, #tpu.memory_space<hbm>>
      %dma_wait3A_1364 = arith.constant 0 : i32
      %dma_wait3A_1365 = arith.constant 0 : i32
      %dma_wait3A_1366 = tpu.memref_slice %arg3[%dma_wait3A_1364, %dma_wait3A_1365] : memref<64x1000000xf32, #tpu.memory_space<hbm>> -> memref<64x128xf32, #tpu.memory_space<hbm>>
      tpu.wait_dma2 semaphore(%arg16 : memref<!tpu.dma_semaphore, #tpu.memory_space<semaphore_mem>>) src(%dma_wait3A_1366 : memref<64x128xf32, #tpu.memory_space<hbm>>) dst(%arg8 : memref<64x128xf32, #tpu.memory_space<vmem>>)
      %and3A_1367 = arith.constant 127 : i32
      %and3A_1368 = arith.andi %reduce_sum3A_1360, %and3A_1367 : i32
      %broadcast_in_dim3A_1369 = vector.broadcast %and3A_1368 : i32 to vector<16xi32>
      %broadcast_in_dim3A_1370 = vector.broadcast %add3A_1321 : i32 to vector<16xi32>
      %iota3A_1371 = tpu.iota {dimensions = array<i32: 0>} : vector<16xi32>
      %add3A_1372 = arith.constant 0 : i32
      %add3A_1373 = vector.broadcast %add3A_1372 : i32 to vector<16xi32>
      %add3A_1374 = arith.addi %iota3A_1371, %add3A_1373 : vector<16xi32>
      %gather3A_1375 = tpu.vector_load_idx %arg8[%add3A_1374, %broadcast_in_dim3A_1369] : memref<64x128xf32, #tpu.memory_space<vmem>>[vector<16xi32>, vector<16xi32>], vector<16xf32>,
      tpu.vector_store_idx %arg6[%add3A_1374, %broadcast_in_dim3A_1370], %gather3A_1375 : memref<64x512xf32, #tpu.memory_space<vmem>>[vector<16xi32>, vector<16xi32>], vector<16xf32>,
      %iota3A_1376 = tpu.iota {dimensions = array<i32: 0>} : vector<16xi32>
      %add3A_1377 = arith.constant 16 : i32
      %add3A_1378 = vector.broadcast %add3A_1377 : i32 to vector<16xi32>
      %add3A_1379 = arith.addi %iota3A_1376, %add3A_1378 : vector<16xi32>
      %gather3A_1380 = tpu.vector_load_idx %arg8[%add3A_1379, %broadcast_in_dim3A_1369] : memref<64x128xf32, #tpu.memory_space<vmem>>[vector<16xi32>, vector<16xi32>], vector<16xf32>,
      tpu.vector_store_idx %arg6[%add3A_1379, %broadcast_in_dim3A_1370], %gather3A_1380 : memref<64x512xf32, #tpu.memory_space<vmem>>[vector<16xi32>, vector<16xi32>], vector<16xf32>,
      %iota3A_1381 = tpu.iota {dimensions = array<i32: 0>} : vector<16xi32>
      %add3A_1382 = arith.constant 32 : i32
      %add3A_1383 = vector.broadcast %add3A_1382 : i32 to vector<16xi32>
      %add3A_1384 = arith.addi %iota3A_1381, %add3A_1383 : vector<16xi32>
      %gather3A_1385 = tpu.vector_load_idx %arg8[%add3A_1384, %broadcast_in_dim3A_1369] : memref<64x128xf32, #tpu.memory_space<vmem>>[vector<16xi32>, vector<16xi32>], vector<16xf32>,
      tpu.vector_store_idx %arg6[%add3A_1384, %broadcast_in_dim3A_1370], %gather3A_1385 : memref<64x512xf32, #tpu.memory_space<vmem>>[vector<16xi32>, vector<16xi32>], vector<16xf32>,
      %iota3A_1386 = tpu.iota {dimensions = array<i32: 0>} : vector<16xi32>
      %add3A_1387 = arith.constant 48 : i32
      %add3A_1388 = vector.broadcast %add3A_1387 : i32 to vector<16xi32>
      %add3A_1389 = arith.addi %iota3A_1386, %add3A_1388 : vector<16xi32>
      %gather3A_1390 = tpu.vector_load_idx %arg8[%add3A_1389, %broadcast_in_dim3A_1369] : memref<64x128xf32, #tpu.memory_space<vmem>>[vector<16xi32>, vector<16xi32>], vector<16xf32>,
      tpu.vector_store_idx %arg6[%add3A_1389, %broadcast_in_dim3A_1370], %gather3A_1390 : memref<64x512xf32, #tpu.memory_space<vmem>>[vector<16xi32>, vector<16xi32>], vector<16xf32>,
      %add3A_1391 = arith.constant 8 : i32
      %add3A_1392 = arith.addi %add3A_1321, %add3A_1391 : i32
      %jit3A_1393 = arith.constant 16 : i32
      %div3A_1394 = arith.divsi %add3A_1392, %jit3A_1393 : i32
      %sign3A_1395 = arith.constant 0 : i32
      %sign3A_1396 = arith.cmpi sgt, %add3A_1392, %sign3A_1395 : i32
      %sign3A_1397 = arith.extui %sign3A_1396 : i1 to i32
      %sign3A_1398 = arith.constant 0 : i32
      %sign3A_1399 = arith.cmpi slt, %add3A_1392, %sign3A_1398 : i32
      %sign3A_1400 = arith.extui %sign3A_1399 : i1 to i32
      %sign3A_1401 = arith.subi %sign3A_1397, %sign3A_1400 : i32
      %sign3A_1402 = arith.constant 0 : i32
      %sign3A_1403 = arith.cmpi sgt, %jit3A_1393, %sign3A_1402 : i32
      %sign3A_1404 = arith.extui %sign3A_1403 : i1 to i32
      %sign3A_1405 = arith.constant 0 : i32
      %sign3A_1406 = arith.cmpi slt, %jit3A_1393, %sign3A_1405 : i32
      %sign3A_1407 = arith.extui %sign3A_1406 : i1 to i32
      %sign3A_1408 = arith.subi %sign3A_1404, %sign3A_1407 : i32
      %ne3A_1409 = arith.cmpi ne, %sign3A_1401, %sign3A_1408 : i32
      %rem3A_1410 = arith.remsi %add3A_1392, %jit3A_1393 : i32
      %ne3A_1411 = arith.constant 0 : i32
      %ne3A_1412 = arith.cmpi ne, %rem3A_1410, %ne3A_1411 : i32
      %and3A_1413 = arith.andi %ne3A_1409, %ne3A_1412 : i1
      %sub3A_1414 = arith.constant 1 : i32
      %sub3A_1415 = arith.subi %div3A_1394, %sub3A_1414 : i32
      %select_n3A_1416 = arith.select %and3A_1413, %sub3A_1415, %div3A_1394 : i32
      %mul3A_1417 = arith.constant 16 : i32
      %mul3A_1418 = arith.muli %select_n3A_1416, %mul3A_1417 : i32
      %get3A_1419 = arith.index_cast %mul3A_1418 : i32 to index
      %get3A_1420 = tpu.vector_load %arg5[%get3A_1419] {strides = array<i32>} : memref<512xi32, #tpu.memory_space<vmem>>, vector<16xi32>,
      %iota3A_1421 = tpu.iota {dimensions = array<i32: 0>} : vector<16xi32>
      %sub3A_1422 = arith.subi %add3A_1392, %mul3A_1418 : i32
      %eq3A_1423 = vector.broadcast %sub3A_1422 : i32 to vector<16xi32>
      %eq3A_1424 = arith.cmpi eq, %iota3A_1421, %eq3A_1423 : vector<16xi32>
      %jit3A_1425 = arith.constant 0 : i32
      %broadcast_in_dim3A_1426 = vector.broadcast %jit3A_1425 : i32 to vector<16xi32>
      %select_n3A_1427 = arith.select %eq3A_1424, %get3A_1420, %broadcast_in_dim3A_1426 : vector<16xi1>, vector<16xi32>
      %reduce_sum3A_1428 = arith.constant true
      %reduce_sum3A_1429 = vector.broadcast %reduce_sum3A_1428 : i1 to vector<16xi1>
      %reduce_sum3A_1430 = tpu.scan <sum>, %select_n3A_1427 masked %reduce_sum3A_1429 : vector<16xi32>, vector<16xi1> -> vector<16xi32>
      %reduce_sum3A_1431 = vector.extract %reduce_sum3A_1430[15] : i32 from vector<16xi32>
      %and3A_1432 = arith.constant 127 : i32
      %and3A_1433 = arith.andi %reduce_sum3A_1431, %and3A_1432 : i32
      %sub3A_1434 = arith.subi %reduce_sum3A_1431, %and3A_1433 : i32
      %multiple_of3A_1435 = tpu.assume_multiple %sub3A_1434, 128 : i32
      %dma_start3A_1436 = arith.constant 0 : i32
      %dma_start3A_1437 = arith.constant 0 : i32
      %dma_start3A_1438 = tpu.memref_slice %arg8[%dma_start3A_1436, %dma_start3A_1437] : memref<64x128xf32, #tpu.memory_space<vmem>> -> memref<8x128xf32, #tpu.memory_space<vmem>>
      %dma_start3A_1439 = arith.constant 0 : i32
      %dma_start3A_1440 = tpu.memref_slice %arg3[%dma_start3A_1439, %multiple_of3A_1435] : memref<64x1000000xf32, #tpu.memory_space<hbm>> -> memref<8x128xf32, #tpu.memory_space<hbm>>
      %dma_start3A_1441 = arith.constant 0 : i32
      %dma_start3A_1442 = arith.constant 0 : i32
      %dma_start3A_1443 = tpu.memref_slice %arg8[%dma_start3A_1441, %dma_start3A_1442] : memref<64x128xf32, #tpu.memory_space<vmem>> -> memref<8x128xf32, #tpu.memory_space<vmem>>
      %dma_start3A_1444 = arith.constant 0 : i32
      %dma_start3A_1445 = tpu.memref_slice %arg3[%dma_start3A_1444, %multiple_of3A_1435] : memref<64x1000000xf32, #tpu.memory_space<hbm>> -> memref<8x128xf32, #tpu.memory_space<hbm>>
      tpu.enqueue_dma source(%dma_start3A_1445 : memref<8x128xf32, #tpu.memory_space<hbm>>) target(%dma_start3A_1443 : memref<8x128xf32, #tpu.memory_space<vmem>>) target_semaphore(%arg16 : memref<!tpu.dma_semaphore, #tpu.memory_space<semaphore_mem>>)
      %dma_start3A_1446 = arith.constant 8 : i32
      %dma_start3A_1447 = arith.constant 0 : i32
      %dma_start3A_1448 = tpu.memref_slice %arg8[%dma_start3A_1446, %dma_start3A_1447] : memref<64x128xf32, #tpu.memory_space<vmem>> -> memref<8x128xf32, #tpu.memory_space<vmem>>
      %dma_start3A_1449 = arith.constant 8 : i32
      %dma_start3A_1450 = tpu.memref_slice %arg3[%dma_start3A_1449, %multiple_of3A_1435] : memref<64x1000000xf32, #tpu.memory_space<hbm>> -> memref<8x128xf32, #tpu.memory_space<hbm>>
      %dma_start3A_1451 = arith.constant 8 : i32
      %dma_start3A_1452 = arith.constant 0 : i32
      %dma_start3A_1453 = tpu.memref_slice %arg8[%dma_start3A_1451, %dma_start3A_1452] : memref<64x128xf32, #tpu.memory_space<vmem>> -> memref<8x128xf32, #tpu.memory_space<vmem>>
      %dma_start3A_1454 = arith.constant 8 : i32
      %dma_start3A_1455 = tpu.memref_slice %arg3[%dma_start3A_1454, %multiple_of3A_1435] : memref<64x1000000xf32, #tpu.memory_space<hbm>> -> memref<8x128xf32, #tpu.memory_space<hbm>>
      tpu.enqueue_dma source(%dma_start3A_1455 : memref<8x128xf32, #tpu.memory_space<hbm>>) target(%dma_start3A_1453 : memref<8x128xf32, #tpu.memory_space<vmem>>) target_semaphore(%arg16 : memref<!tpu.dma_semaphore, #tpu.memory_space<semaphore_mem>>)
      %dma_start3A_1456 = arith.constant 16 : i32
      %dma_start3A_1457 = arith.constant 0 : i32
      %dma_start3A_1458 = tpu.memref_slice %arg8[%dma_start3A_1456, %dma_start3A_1457] : memref<64x128xf32, #tpu.memory_space<vmem>> -> memref<8x128xf32, #tpu.memory_space<vmem>>
      %dma_start3A_1459 = arith.constant 16 : i32
      %dma_start3A_1460 = tpu.memref_slice %arg3[%dma_start3A_1459, %multiple_of3A_1435] : memref<64x1000000xf32, #tpu.memory_space<hbm>> -> memref<8x128xf32, #tpu.memory_space<hbm>>
      %dma_start3A_1461 = arith.constant 16 : i32
      %dma_start3A_1462 = arith.constant 0 : i32
      %dma_start3A_1463 = tpu.memref_slice %arg8[%dma_start3A_1461, %dma_start3A_1462] : memref<64x128xf32, #tpu.memory_space<vmem>> -> memref<8x128xf32, #tpu.memory_space<vmem>>
      %dma_start3A_1464 = arith.constant 16 : i32
      %dma_start3A_1465 = tpu.memref_slice %arg3[%dma_start3A_1464, %multiple_of3A_1435] : memref<64x1000000xf32, #tpu.memory_space<hbm>> -> memref<8x128xf32, #tpu.memory_space<hbm>>
      tpu.enqueue_dma source(%dma_start3A_1465 : memref<8x128xf32, #tpu.memory_space<hbm>>) target(%dma_start3A_1463 : memref<8x128xf32, #tpu.memory_space<vmem>>) target_semaphore(%arg16 : memref<!tpu.dma_semaphore, #tpu.memory_space<semaphore_mem>>)
      %dma_start3A_1466 = arith.constant 24 : i32
      %dma_start3A_1467 = arith.constant 0 : i32
      %dma_start3A_1468 = tpu.memref_slice %arg8[%dma_start3A_1466, %dma_start3A_1467] : memref<64x128xf32, #tpu.memory_space<vmem>> -> memref<8x128xf32, #tpu.memory_space<vmem>>
      %dma_start3A_1469 = arith.constant 24 : i32
      %dma_start3A_1470 = tpu.memref_slice %arg3[%dma_start3A_1469, %multiple_of3A_1435] : memref<64x1000000xf32, #tpu.memory_space<hbm>> -> memref<8x128xf32, #tpu.memory_space<hbm>>
      %dma_start3A_1471 = arith.constant 24 : i32
      %dma_start3A_1472 = arith.constant 0 : i32
      %dma_start3A_1473 = tpu.memref_slice %arg8[%dma_start3A_1471, %dma_start3A_1472] : memref<64x128xf32, #tpu.memory_space<vmem>> -> memref<8x128xf32, #tpu.memory_space<vmem>>
      %dma_start3A_1474 = arith.constant 24 : i32
      %dma_start3A_1475 = tpu.memref_slice %arg3[%dma_start3A_1474, %multiple_of3A_1435] : memref<64x1000000xf32, #tpu.memory_space<hbm>> -> memref<8x128xf32, #tpu.memory_space<hbm>>
      tpu.enqueue_dma source(%dma_start3A_1475 : memref<8x128xf32, #tpu.memory_space<hbm>>) target(%dma_start3A_1473 : memref<8x128xf32, #tpu.memory_space<vmem>>) target_semaphore(%arg16 : memref<!tpu.dma_semaphore, #tpu.memory_space<semaphore_mem>>)
      %dma_start3A_1476 = arith.constant 32 : i32
      %dma_start3A_1477 = arith.constant 0 : i32
      %dma_start3A_1478 = tpu.memref_slice %arg8[%dma_start3A_1476, %dma_start3A_1477] : memref<64x128xf32, #tpu.memory_space<vmem>> -> memref<8x128xf32, #tpu.memory_space<vmem>>
      %dma_start3A_1479 = arith.constant 32 : i32
      %dma_start3A_1480 = tpu.memref_slice %arg3[%dma_start3A_1479, %multiple_of3A_1435] : memref<64x1000000xf32, #tpu.memory_space<hbm>> -> memref<8x128xf32, #tpu.memory_space<hbm>>
      %dma_start3A_1481 = arith.constant 32 : i32
      %dma_start3A_1482 = arith.constant 0 : i32
      %dma_start3A_1483 = tpu.memref_slice %arg8[%dma_start3A_1481, %dma_start3A_1482] : memref<64x128xf32, #tpu.memory_space<vmem>> -> memref<8x128xf32, #tpu.memory_space<vmem>>
      %dma_start3A_1484 = arith.constant 32 : i32
      %dma_start3A_1485 = tpu.memref_slice %arg3[%dma_start3A_1484, %multiple_of3A_1435] : memref<64x1000000xf32, #tpu.memory_space<hbm>> -> memref<8x128xf32, #tpu.memory_space<hbm>>
      tpu.enqueue_dma source(%dma_start3A_1485 : memref<8x128xf32, #tpu.memory_space<hbm>>) target(%dma_start3A_1483 : memref<8x128xf32, #tpu.memory_space<vmem>>) target_semaphore(%arg16 : memref<!tpu.dma_semaphore, #tpu.memory_space<semaphore_mem>>)
      %dma_start3A_1486 = arith.constant 40 : i32
      %dma_start3A_1487 = arith.constant 0 : i32
      %dma_start3A_1488 = tpu.memref_slice %arg8[%dma_start3A_1486, %dma_start3A_1487] : memref<64x128xf32, #tpu.memory_space<vmem>> -> memref<8x128xf32, #tpu.memory_space<vmem>>
      %dma_start3A_1489 = arith.constant 40 : i32
      %dma_start3A_1490 = tpu.memref_slice %arg3[%dma_start3A_1489, %multiple_of3A_1435] : memref<64x1000000xf32, #tpu.memory_space<hbm>> -> memref<8x128xf32, #tpu.memory_space<hbm>>
      %dma_start3A_1491 = arith.constant 40 : i32
      %dma_start3A_1492 = arith.constant 0 : i32
      %dma_start3A_1493 = tpu.memref_slice %arg8[%dma_start3A_1491, %dma_start3A_1492] : memref<64x128xf32, #tpu.memory_space<vmem>> -> memref<8x128xf32, #tpu.memory_space<vmem>>
      %dma_start3A_1494 = arith.constant 40 : i32
      %dma_start3A_1495 = tpu.memref_slice %arg3[%dma_start3A_1494, %multiple_of3A_1435] : memref<64x1000000xf32, #tpu.memory_space<hbm>> -> memref<8x128xf32, #tpu.memory_space<hbm>>
      tpu.enqueue_dma source(%dma_start3A_1495 : memref<8x128xf32, #tpu.memory_space<hbm>>) target(%dma_start3A_1493 : memref<8x128xf32, #tpu.memory_space<vmem>>) target_semaphore(%arg16 : memref<!tpu.dma_semaphore, #tpu.memory_space<semaphore_mem>>)
      %dma_start3A_1496 = arith.constant 48 : i32
      %dma_start3A_1497 = arith.constant 0 : i32
      %dma_start3A_1498 = tpu.memref_slice %arg8[%dma_start3A_1496, %dma_start3A_1497] : memref<64x128xf32, #tpu.memory_space<vmem>> -> memref<8x128xf32, #tpu.memory_space<vmem>>
      %dma_start3A_1499 = arith.constant 48 : i32
      %dma_start3A_1500 = tpu.memref_slice %arg3[%dma_start3A_1499, %multiple_of3A_1435] : memref<64x1000000xf32, #tpu.memory_space<hbm>> -> memref<8x128xf32, #tpu.memory_space<hbm>>
      %dma_start3A_1501 = arith.constant 48 : i32
      %dma_start3A_1502 = arith.constant 0 : i32
      %dma_start3A_1503 = tpu.memref_slice %arg8[%dma_start3A_1501, %dma_start3A_1502] : memref<64x128xf32, #tpu.memory_space<vmem>> -> memref<8x128xf32, #tpu.memory_space<vmem>>
      %dma_start3A_1504 = arith.constant 48 : i32
      %dma_start3A_1505 = tpu.memref_slice %arg3[%dma_start3A_1504, %multiple_of3A_1435] : memref<64x1000000xf32, #tpu.memory_space<hbm>> -> memref<8x128xf32, #tpu.memory_space<hbm>>
      tpu.enqueue_dma source(%dma_start3A_1505 : memref<8x128xf32, #tpu.memory_space<hbm>>) target(%dma_start3A_1503 : memref<8x128xf32, #tpu.memory_space<vmem>>) target_semaphore(%arg16 : memref<!tpu.dma_semaphore, #tpu.memory_space<semaphore_mem>>)
      %dma_start3A_1506 = arith.constant 56 : i32
      %dma_start3A_1507 = arith.constant 0 : i32
      %dma_start3A_1508 = tpu.memref_slice %arg8[%dma_start3A_1506, %dma_start3A_1507] : memref<64x128xf32, #tpu.memory_space<vmem>> -> memref<8x128xf32, #tpu.memory_space<vmem>>
      %dma_start3A_1509 = arith.constant 56 : i32
      %dma_start3A_1510 = tpu.memref_slice %arg3[%dma_start3A_1509, %multiple_of3A_1435] : memref<64x1000000xf32, #tpu.memory_space<hbm>> -> memref<8x128xf32, #tpu.memory_space<hbm>>
      %dma_start3A_1511 = arith.constant 56 : i32
      %dma_start3A_1512 = arith.constant 0 : i32
      %dma_start3A_1513 = tpu.memref_slice %arg8[%dma_start3A_1511, %dma_start3A_1512] : memref<64x128xf32, #tpu.memory_space<vmem>> -> memref<8x128xf32, #tpu.memory_space<vmem>>
      %dma_start3A_1514 = arith.constant 56 : i32
      %dma_start3A_1515 = tpu.memref_slice %arg3[%dma_start3A_1514, %multiple_of3A_1435] : memref<64x1000000xf32, #tpu.memory_space<hbm>> -> memref<8x128xf32, #tpu.memory_space<hbm>>
      tpu.enqueue_dma source(%dma_start3A_1515 : memref<8x128xf32, #tpu.memory_space<hbm>>) target(%dma_start3A_1513 : memref<8x128xf32, #tpu.memory_space<vmem>>) target_semaphore(%arg16 : memref<!tpu.dma_semaphore, #tpu.memory_space<semaphore_mem>>)
      %mul3A_1516 = arith.constant 8 : i32
      %mul3A_1517 = arith.muli %scan3A_1123, %mul3A_1516 : i32
      %add3A_1518 = arith.constant 2 : i32
      %add3A_1519 = arith.addi %mul3A_1517, %add3A_1518 : i32
      %jit3A_1520 = arith.constant 16 : i32
      %div3A_1521 = arith.divsi %add3A_1519, %jit3A_1520 : i32
      %sign3A_1522 = arith.constant 0 : i32
      %sign3A_1523 = arith.cmpi sgt, %add3A_1519, %sign3A_1522 : i32
      %sign3A_1524 = arith.extui %sign3A_1523 : i1 to i32
      %sign3A_1525 = arith.constant 0 : i32
      %sign3A_1526 = arith.cmpi slt, %add3A_1519, %sign3A_1525 : i32
      %sign3A_1527 = arith.extui %sign3A_1526 : i1 to i32
      %sign3A_1528 = arith.subi %sign3A_1524, %sign3A_1527 : i32
      %sign3A_1529 = arith.constant 0 : i32
      %sign3A_1530 = arith.cmpi sgt, %jit3A_1520, %sign3A_1529 : i32
      %sign3A_1531 = arith.extui %sign3A_1530 : i1 to i32
      %sign3A_1532 = arith.constant 0 : i32
      %sign3A_1533 = arith.cmpi slt, %jit3A_1520, %sign3A_1532 : i32
      %sign3A_1534 = arith.extui %sign3A_1533 : i1 to i32
      %sign3A_1535 = arith.subi %sign3A_1531, %sign3A_1534 : i32
      %ne3A_1536 = arith.cmpi ne, %sign3A_1528, %sign3A_1535 : i32
      %rem3A_1537 = arith.remsi %add3A_1519, %jit3A_1520 : i32
      %ne3A_1538 = arith.constant 0 : i32
      %ne3A_1539 = arith.cmpi ne, %rem3A_1537, %ne3A_1538 : i32
      %and3A_1540 = arith.andi %ne3A_1536, %ne3A_1539 : i1
      %sub3A_1541 = arith.constant 1 : i32
      %sub3A_1542 = arith.subi %div3A_1521, %sub3A_1541 : i32
      %select_n3A_1543 = arith.select %and3A_1540, %sub3A_1542, %div3A_1521 : i32
      %mul3A_1544 = arith.constant 16 : i32
      %mul3A_1545 = arith.muli %select_n3A_1543, %mul3A_1544 : i32
      %get3A_1546 = arith.index_cast %mul3A_1545 : i32 to index
      %get3A_1547 = tpu.vector_load %arg5[%get3A_1546] {strides = array<i32>} : memref<512xi32, #tpu.memory_space<vmem>>, vector<16xi32>,
      %iota3A_1548 = tpu.iota {dimensions = array<i32: 0>} : vector<16xi32>
      %sub3A_1549 = arith.subi %add3A_1519, %mul3A_1545 : i32
      %eq3A_1550 = vector.broadcast %sub3A_1549 : i32 to vector<16xi32>
      %eq3A_1551 = arith.cmpi eq, %iota3A_1548, %eq3A_1550 : vector<16xi32>
      %jit3A_1552 = arith.constant 0 : i32
      %broadcast_in_dim3A_1553 = vector.broadcast %jit3A_1552 : i32 to vector<16xi32>
      %select_n3A_1554 = arith.select %eq3A_1551, %get3A_1547, %broadcast_in_dim3A_1553 : vector<16xi1>, vector<16xi32>
      %reduce_sum3A_1555 = arith.constant true
      %reduce_sum3A_1556 = vector.broadcast %reduce_sum3A_1555 : i1 to vector<16xi1>
      %reduce_sum3A_1557 = tpu.scan <sum>, %select_n3A_1554 masked %reduce_sum3A_1556 : vector<16xi32>, vector<16xi1> -> vector<16xi32>
      %reduce_sum3A_1558 = vector.extract %reduce_sum3A_1557[15] : i32 from vector<16xi32>
      %dma_wait3A_1559 = arith.constant 0 : i32
      %dma_wait3A_1560 = arith.constant 0 : i32
      %dma_wait3A_1561 = tpu.memref_slice %arg3[%dma_wait3A_1559, %dma_wait3A_1560] : memref<64x1000000xf32, #tpu.memory_space<hbm>> -> memref<64x128xf32, #tpu.memory_space<hbm>>
      %dma_wait3A_1562 = arith.constant 0 : i32
      %dma_wait3A_1563 = arith.constant 0 : i32
      %dma_wait3A_1564 = tpu.memref_slice %arg3[%dma_wait3A_1562, %dma_wait3A_1563] : memref<64x1000000xf32, #tpu.memory_space<hbm>> -> memref<64x128xf32, #tpu.memory_space<hbm>>
      tpu.wait_dma2 semaphore(%arg17 : memref<!tpu.dma_semaphore, #tpu.memory_space<semaphore_mem>>) src(%dma_wait3A_1564 : memref<64x128xf32, #tpu.memory_space<hbm>>) dst(%arg9 : memref<64x128xf32, #tpu.memory_space<vmem>>)
      %and3A_1565 = arith.constant 127 : i32
      %and3A_1566 = arith.andi %reduce_sum3A_1558, %and3A_1565 : i32
      %broadcast_in_dim3A_1567 = vector.broadcast %and3A_1566 : i32 to vector<16xi32>
      %broadcast_in_dim3A_1568 = vector.broadcast %add3A_1519 : i32 to vector<16xi32>
      %iota3A_1569 = tpu.iota {dimensions = array<i32: 0>} : vector<16xi32>
      %add3A_1570 = arith.constant 0 : i32
      %add3A_1571 = vector.broadcast %add3A_1570 : i32 to vector<16xi32>
      %add3A_1572 = arith.addi %iota3A_1569, %add3A_1571 : vector<16xi32>
      %gather3A_1573 = tpu.vector_load_idx %arg9[%add3A_1572, %broadcast_in_dim3A_1567] : memref<64x128xf32, #tpu.memory_space<vmem>>[vector<16xi32>, vector<16xi32>], vector<16xf32>,
      tpu.vector_store_idx %arg6[%add3A_1572, %broadcast_in_dim3A_1568], %gather3A_1573 : memref<64x512xf32, #tpu.memory_space<vmem>>[vector<16xi32>, vector<16xi32>], vector<16xf32>,
      %iota3A_1574 = tpu.iota {dimensions = array<i32: 0>} : vector<16xi32>
      %add3A_1575 = arith.constant 16 : i32
      %add3A_1576 = vector.broadcast %add3A_1575 : i32 to vector<16xi32>
      %add3A_1577 = arith.addi %iota3A_1574, %add3A_1576 : vector<16xi32>
      %gather3A_1578 = tpu.vector_load_idx %arg9[%add3A_1577, %broadcast_in_dim3A_1567] : memref<64x128xf32, #tpu.memory_space<vmem>>[vector<16xi32>, vector<16xi32>], vector<16xf32>,
      tpu.vector_store_idx %arg6[%add3A_1577, %broadcast_in_dim3A_1568], %gather3A_1578 : memref<64x512xf32, #tpu.memory_space<vmem>>[vector<16xi32>, vector<16xi32>], vector<16xf32>,
      %iota3A_1579 = tpu.iota {dimensions = array<i32: 0>} : vector<16xi32>
      %add3A_1580 = arith.constant 32 : i32
      %add3A_1581 = vector.broadcast %add3A_1580 : i32 to vector<16xi32>
      %add3A_1582 = arith.addi %iota3A_1579, %add3A_1581 : vector<16xi32>
      %gather3A_1583 = tpu.vector_load_idx %arg9[%add3A_1582, %broadcast_in_dim3A_1567] : memref<64x128xf32, #tpu.memory_space<vmem>>[vector<16xi32>, vector<16xi32>], vector<16xf32>,
      tpu.vector_store_idx %arg6[%add3A_1582, %broadcast_in_dim3A_1568], %gather3A_1583 : memref<64x512xf32, #tpu.memory_space<vmem>>[vector<16xi32>, vector<16xi32>], vector<16xf32>,
      %iota3A_1584 = tpu.iota {dimensions = array<i32: 0>} : vector<16xi32>
      %add3A_1585 = arith.constant 48 : i32
      %add3A_1586 = vector.broadcast %add3A_1585 : i32 to vector<16xi32>
      %add3A_1587 = arith.addi %iota3A_1584, %add3A_1586 : vector<16xi32>
      %gather3A_1588 = tpu.vector_load_idx %arg9[%add3A_1587, %broadcast_in_dim3A_1567] : memref<64x128xf32, #tpu.memory_space<vmem>>[vector<16xi32>, vector<16xi32>], vector<16xf32>,
      tpu.vector_store_idx %arg6[%add3A_1587, %broadcast_in_dim3A_1568], %gather3A_1588 : memref<64x512xf32, #tpu.memory_space<vmem>>[vector<16xi32>, vector<16xi32>], vector<16xf32>,
      %add3A_1589 = arith.constant 8 : i32
      %add3A_1590 = arith.addi %add3A_1519, %add3A_1589 : i32
      %jit3A_1591 = arith.constant 16 : i32
      %div3A_1592 = arith.divsi %add3A_1590, %jit3A_1591 : i32
      %sign3A_1593 = arith.constant 0 : i32
      %sign3A_1594 = arith.cmpi sgt, %add3A_1590, %sign3A_1593 : i32
      %sign3A_1595 = arith.extui %sign3A_1594 : i1 to i32
      %sign3A_1596 = arith.constant 0 : i32
      %sign3A_1597 = arith.cmpi slt, %add3A_1590, %sign3A_1596 : i32
      %sign3A_1598 = arith.extui %sign3A_1597 : i1 to i32
      %sign3A_1599 = arith.subi %sign3A_1595, %sign3A_1598 : i32
      %sign3A_1600 = arith.constant 0 : i32
      %sign3A_1601 = arith.cmpi sgt, %jit3A_1591, %sign3A_1600 : i32
      %sign3A_1602 = arith.extui %sign3A_1601 : i1 to i32
      %sign3A_1603 = arith.constant 0 : i32
      %sign3A_1604 = arith.cmpi slt, %jit3A_1591, %sign3A_1603 : i32
      %sign3A_1605 = arith.extui %sign3A_1604 : i1 to i32
      %sign3A_1606 = arith.subi %sign3A_1602, %sign3A_1605 : i32
      %ne3A_1607 = arith.cmpi ne, %sign3A_1599, %sign3A_1606 : i32
      %rem3A_1608 = arith.remsi %add3A_1590, %jit3A_1591 : i32
      %ne3A_1609 = arith.constant 0 : i32
      %ne3A_1610 = arith.cmpi ne, %rem3A_1608, %ne3A_1609 : i32
      %and3A_1611 = arith.andi %ne3A_1607, %ne3A_1610 : i1
      %sub3A_1612 = arith.constant 1 : i32
      %sub3A_1613 = arith.subi %div3A_1592, %sub3A_1612 : i32
      %select_n3A_1614 = arith.select %and3A_1611, %sub3A_1613, %div3A_1592 : i32
      %mul3A_1615 = arith.constant 16 : i32
      %mul3A_1616 = arith.muli %select_n3A_1614, %mul3A_1615 : i32
      %get3A_1617 = arith.index_cast %mul3A_1616 : i32 to index
      %get3A_1618 = tpu.vector_load %arg5[%get3A_1617] {strides = array<i32>} : memref<512xi32, #tpu.memory_space<vmem>>, vector<16xi32>,
      %iota3A_1619 = tpu.iota {dimensions = array<i32: 0>} : vector<16xi32>
      %sub3A_1620 = arith.subi %add3A_1590, %mul3A_1616 : i32
      %eq3A_1621 = vector.broadcast %sub3A_1620 : i32 to vector<16xi32>
      %eq3A_1622 = arith.cmpi eq, %iota3A_1619, %eq3A_1621 : vector<16xi32>
      %jit3A_1623 = arith.constant 0 : i32
      %broadcast_in_dim3A_1624 = vector.broadcast %jit3A_1623 : i32 to vector<16xi32>
      %select_n3A_1625 = arith.select %eq3A_1622, %get3A_1618, %broadcast_in_dim3A_1624 : vector<16xi1>, vector<16xi32>
      %reduce_sum3A_1626 = arith.constant true
      %reduce_sum3A_1627 = vector.broadcast %reduce_sum3A_1626 : i1 to vector<16xi1>
      %reduce_sum3A_1628 = tpu.scan <sum>, %select_n3A_1625 masked %reduce_sum3A_1627 : vector<16xi32>, vector<16xi1> -> vector<16xi32>
      %reduce_sum3A_1629 = vector.extract %reduce_sum3A_1628[15] : i32 from vector<16xi32>
      %and3A_1630 = arith.constant 127 : i32
      %and3A_1631 = arith.andi %reduce_sum3A_1629, %and3A_1630 : i32
      %sub3A_1632 = arith.subi %reduce_sum3A_1629, %and3A_1631 : i32
      %multiple_of3A_1633 = tpu.assume_multiple %sub3A_1632, 128 : i32
      %dma_start3A_1634 = arith.constant 0 : i32
      %dma_start3A_1635 = arith.constant 0 : i32
      %dma_start3A_1636 = tpu.memref_slice %arg9[%dma_start3A_1634, %dma_start3A_1635] : memref<64x128xf32, #tpu.memory_space<vmem>> -> memref<8x128xf32, #tpu.memory_space<vmem>>
      %dma_start3A_1637 = arith.constant 0 : i32
      %dma_start3A_1638 = tpu.memref_slice %arg3[%dma_start3A_1637, %multiple_of3A_1633] : memref<64x1000000xf32, #tpu.memory_space<hbm>> -> memref<8x128xf32, #tpu.memory_space<hbm>>
      %dma_start3A_1639 = arith.constant 0 : i32
      %dma_start3A_1640 = arith.constant 0 : i32
      %dma_start3A_1641 = tpu.memref_slice %arg9[%dma_start3A_1639, %dma_start3A_1640] : memref<64x128xf32, #tpu.memory_space<vmem>> -> memref<8x128xf32, #tpu.memory_space<vmem>>
      %dma_start3A_1642 = arith.constant 0 : i32
      %dma_start3A_1643 = tpu.memref_slice %arg3[%dma_start3A_1642, %multiple_of3A_1633] : memref<64x1000000xf32, #tpu.memory_space<hbm>> -> memref<8x128xf32, #tpu.memory_space<hbm>>
      tpu.enqueue_dma source(%dma_start3A_1643 : memref<8x128xf32, #tpu.memory_space<hbm>>) target(%dma_start3A_1641 : memref<8x128xf32, #tpu.memory_space<vmem>>) target_semaphore(%arg17 : memref<!tpu.dma_semaphore, #tpu.memory_space<semaphore_mem>>)
      %dma_start3A_1644 = arith.constant 8 : i32
      %dma_start3A_1645 = arith.constant 0 : i32
      %dma_start3A_1646 = tpu.memref_slice %arg9[%dma_start3A_1644, %dma_start3A_1645] : memref<64x128xf32, #tpu.memory_space<vmem>> -> memref<8x128xf32, #tpu.memory_space<vmem>>
      %dma_start3A_1647 = arith.constant 8 : i32
      %dma_start3A_1648 = tpu.memref_slice %arg3[%dma_start3A_1647, %multiple_of3A_1633] : memref<64x1000000xf32, #tpu.memory_space<hbm>> -> memref<8x128xf32, #tpu.memory_space<hbm>>
      %dma_start3A_1649 = arith.constant 8 : i32
      %dma_start3A_1650 = arith.constant 0 : i32
      %dma_start3A_1651 = tpu.memref_slice %arg9[%dma_start3A_1649, %dma_start3A_1650] : memref<64x128xf32, #tpu.memory_space<vmem>> -> memref<8x128xf32, #tpu.memory_space<vmem>>
      %dma_start3A_1652 = arith.constant 8 : i32
      %dma_start3A_1653 = tpu.memref_slice %arg3[%dma_start3A_1652, %multiple_of3A_1633] : memref<64x1000000xf32, #tpu.memory_space<hbm>> -> memref<8x128xf32, #tpu.memory_space<hbm>>
      tpu.enqueue_dma source(%dma_start3A_1653 : memref<8x128xf32, #tpu.memory_space<hbm>>) target(%dma_start3A_1651 : memref<8x128xf32, #tpu.memory_space<vmem>>) target_semaphore(%arg17 : memref<!tpu.dma_semaphore, #tpu.memory_space<semaphore_mem>>)
      %dma_start3A_1654 = arith.constant 16 : i32
      %dma_start3A_1655 = arith.constant 0 : i32
      %dma_start3A_1656 = tpu.memref_slice %arg9[%dma_start3A_1654, %dma_start3A_1655] : memref<64x128xf32, #tpu.memory_space<vmem>> -> memref<8x128xf32, #tpu.memory_space<vmem>>
      %dma_start3A_1657 = arith.constant 16 : i32
      %dma_start3A_1658 = tpu.memref_slice %arg3[%dma_start3A_1657, %multiple_of3A_1633] : memref<64x1000000xf32, #tpu.memory_space<hbm>> -> memref<8x128xf32, #tpu.memory_space<hbm>>
      %dma_start3A_1659 = arith.constant 16 : i32
      %dma_start3A_1660 = arith.constant 0 : i32
      %dma_start3A_1661 = tpu.memref_slice %arg9[%dma_start3A_1659, %dma_start3A_1660] : memref<64x128xf32, #tpu.memory_space<vmem>> -> memref<8x128xf32, #tpu.memory_space<vmem>>
      %dma_start3A_1662 = arith.constant 16 : i32
      %dma_start3A_1663 = tpu.memref_slice %arg3[%dma_start3A_1662, %multiple_of3A_1633] : memref<64x1000000xf32, #tpu.memory_space<hbm>> -> memref<8x128xf32, #tpu.memory_space<hbm>>
      tpu.enqueue_dma source(%dma_start3A_1663 : memref<8x128xf32, #tpu.memory_space<hbm>>) target(%dma_start3A_1661 : memref<8x128xf32, #tpu.memory_space<vmem>>) target_semaphore(%arg17 : memref<!tpu.dma_semaphore, #tpu.memory_space<semaphore_mem>>)
      %dma_start3A_1664 = arith.constant 24 : i32
      %dma_start3A_1665 = arith.constant 0 : i32
      %dma_start3A_1666 = tpu.memref_slice %arg9[%dma_start3A_1664, %dma_start3A_1665] : memref<64x128xf32, #tpu.memory_space<vmem>> -> memref<8x128xf32, #tpu.memory_space<vmem>>
      %dma_start3A_1667 = arith.constant 24 : i32
      %dma_start3A_1668 = tpu.memref_slice %arg3[%dma_start3A_1667, %multiple_of3A_1633] : memref<64x1000000xf32, #tpu.memory_space<hbm>> -> memref<8x128xf32, #tpu.memory_space<hbm>>
      %dma_start3A_1669 = arith.constant 24 : i32
      %dma_start3A_1670 = arith.constant 0 : i32
      %dma_start3A_1671 = tpu.memref_slice %arg9[%dma_start3A_1669, %dma_start3A_1670] : memref<64x128xf32, #tpu.memory_space<vmem>> -> memref<8x128xf32, #tpu.memory_space<vmem>>
      %dma_start3A_1672 = arith.constant 24 : i32
      %dma_start3A_1673 = tpu.memref_slice %arg3[%dma_start3A_1672, %multiple_of3A_1633] : memref<64x1000000xf32, #tpu.memory_space<hbm>> -> memref<8x128xf32, #tpu.memory_space<hbm>>
      tpu.enqueue_dma source(%dma_start3A_1673 : memref<8x128xf32, #tpu.memory_space<hbm>>) target(%dma_start3A_1671 : memref<8x128xf32, #tpu.memory_space<vmem>>) target_semaphore(%arg17 : memref<!tpu.dma_semaphore, #tpu.memory_space<semaphore_mem>>)
      %dma_start3A_1674 = arith.constant 32 : i32
      %dma_start3A_1675 = arith.constant 0 : i32
      %dma_start3A_1676 = tpu.memref_slice %arg9[%dma_start3A_1674, %dma_start3A_1675] : memref<64x128xf32, #tpu.memory_space<vmem>> -> memref<8x128xf32, #tpu.memory_space<vmem>>
      %dma_start3A_1677 = arith.constant 32 : i32
      %dma_start3A_1678 = tpu.memref_slice %arg3[%dma_start3A_1677, %multiple_of3A_1633] : memref<64x1000000xf32, #tpu.memory_space<hbm>> -> memref<8x128xf32, #tpu.memory_space<hbm>>
      %dma_start3A_1679 = arith.constant 32 : i32
      %dma_start3A_1680 = arith.constant 0 : i32
      %dma_start3A_1681 = tpu.memref_slice %arg9[%dma_start3A_1679, %dma_start3A_1680] : memref<64x128xf32, #tpu.memory_space<vmem>> -> memref<8x128xf32, #tpu.memory_space<vmem>>
      %dma_start3A_1682 = arith.constant 32 : i32
      %dma_start3A_1683 = tpu.memref_slice %arg3[%dma_start3A_1682, %multiple_of3A_1633] : memref<64x1000000xf32, #tpu.memory_space<hbm>> -> memref<8x128xf32, #tpu.memory_space<hbm>>
      tpu.enqueue_dma source(%dma_start3A_1683 : memref<8x128xf32, #tpu.memory_space<hbm>>) target(%dma_start3A_1681 : memref<8x128xf32, #tpu.memory_space<vmem>>) target_semaphore(%arg17 : memref<!tpu.dma_semaphore, #tpu.memory_space<semaphore_mem>>)
      %dma_start3A_1684 = arith.constant 40 : i32
      %dma_start3A_1685 = arith.constant 0 : i32
      %dma_start3A_1686 = tpu.memref_slice %arg9[%dma_start3A_1684, %dma_start3A_1685] : memref<64x128xf32, #tpu.memory_space<vmem>> -> memref<8x128xf32, #tpu.memory_space<vmem>>
      %dma_start3A_1687 = arith.constant 40 : i32
      %dma_start3A_1688 = tpu.memref_slice %arg3[%dma_start3A_1687, %multiple_of3A_1633] : memref<64x1000000xf32, #tpu.memory_space<hbm>> -> memref<8x128xf32, #tpu.memory_space<hbm>>
      %dma_start3A_1689 = arith.constant 40 : i32
      %dma_start3A_1690 = arith.constant 0 : i32
      %dma_start3A_1691 = tpu.memref_slice %arg9[%dma_start3A_1689, %dma_start3A_1690] : memref<64x128xf32, #tpu.memory_space<vmem>> -> memref<8x128xf32, #tpu.memory_space<vmem>>
      %dma_start3A_1692 = arith.constant 40 : i32
      %dma_start3A_1693 = tpu.memref_slice %arg3[%dma_start3A_1692, %multiple_of3A_1633] : memref<64x1000000xf32, #tpu.memory_space<hbm>> -> memref<8x128xf32, #tpu.memory_space<hbm>>
      tpu.enqueue_dma source(%dma_start3A_1693 : memref<8x128xf32, #tpu.memory_space<hbm>>) target(%dma_start3A_1691 : memref<8x128xf32, #tpu.memory_space<vmem>>) target_semaphore(%arg17 : memref<!tpu.dma_semaphore, #tpu.memory_space<semaphore_mem>>)
      %dma_start3A_1694 = arith.constant 48 : i32
      %dma_start3A_1695 = arith.constant 0 : i32
      %dma_start3A_1696 = tpu.memref_slice %arg9[%dma_start3A_1694, %dma_start3A_1695] : memref<64x128xf32, #tpu.memory_space<vmem>> -> memref<8x128xf32, #tpu.memory_space<vmem>>
      %dma_start3A_1697 = arith.constant 48 : i32
      %dma_start3A_1698 = tpu.memref_slice %arg3[%dma_start3A_1697, %multiple_of3A_1633] : memref<64x1000000xf32, #tpu.memory_space<hbm>> -> memref<8x128xf32, #tpu.memory_space<hbm>>
      %dma_start3A_1699 = arith.constant 48 : i32
      %dma_start3A_1700 = arith.constant 0 : i32
      %dma_start3A_1701 = tpu.memref_slice %arg9[%dma_start3A_1699, %dma_start3A_1700] : memref<64x128xf32, #tpu.memory_space<vmem>> -> memref<8x128xf32, #tpu.memory_space<vmem>>
      %dma_start3A_1702 = arith.constant 48 : i32
      %dma_start3A_1703 = tpu.memref_slice %arg3[%dma_start3A_1702, %multiple_of3A_1633] : memref<64x1000000xf32, #tpu.memory_space<hbm>> -> memref<8x128xf32, #tpu.memory_space<hbm>>
      tpu.enqueue_dma source(%dma_start3A_1703 : memref<8x128xf32, #tpu.memory_space<hbm>>) target(%dma_start3A_1701 : memref<8x128xf32, #tpu.memory_space<vmem>>) target_semaphore(%arg17 : memref<!tpu.dma_semaphore, #tpu.memory_space<semaphore_mem>>)
      %dma_start3A_1704 = arith.constant 56 : i32
      %dma_start3A_1705 = arith.constant 0 : i32
      %dma_start3A_1706 = tpu.memref_slice %arg9[%dma_start3A_1704, %dma_start3A_1705] : memref<64x128xf32, #tpu.memory_space<vmem>> -> memref<8x128xf32, #tpu.memory_space<vmem>>
      %dma_start3A_1707 = arith.constant 56 : i32
      %dma_start3A_1708 = tpu.memref_slice %arg3[%dma_start3A_1707, %multiple_of3A_1633] : memref<64x1000000xf32, #tpu.memory_space<hbm>> -> memref<8x128xf32, #tpu.memory_space<hbm>>
      %dma_start3A_1709 = arith.constant 56 : i32
      %dma_start3A_1710 = arith.constant 0 : i32
      %dma_start3A_1711 = tpu.memref_slice %arg9[%dma_start3A_1709, %dma_start3A_1710] : memref<64x128xf32, #tpu.memory_space<vmem>> -> memref<8x128xf32, #tpu.memory_space<vmem>>
      %dma_start3A_1712 = arith.constant 56 : i32
      %dma_start3A_1713 = tpu.memref_slice %arg3[%dma_start3A_1712, %multiple_of3A_1633] : memref<64x1000000xf32, #tpu.memory_space<hbm>> -> memref<8x128xf32, #tpu.memory_space<hbm>>
      tpu.enqueue_dma source(%dma_start3A_1713 : memref<8x128xf32, #tpu.memory_space<hbm>>) target(%dma_start3A_1711 : memref<8x128xf32, #tpu.memory_space<vmem>>) target_semaphore(%arg17 : memref<!tpu.dma_semaphore, #tpu.memory_space<semaphore_mem>>)
      %mul3A_1714 = arith.constant 8 : i32
      %mul3A_1715 = arith.muli %scan3A_1123, %mul3A_1714 : i32
      %add3A_1716 = arith.constant 3 : i32
      %add3A_1717 = arith.addi %mul3A_1715, %add3A_1716 : i32
      %jit3A_1718 = arith.constant 16 : i32
      %div3A_1719 = arith.divsi %add3A_1717, %jit3A_1718 : i32
      %sign3A_1720 = arith.constant 0 : i32
      %sign3A_1721 = arith.cmpi sgt, %add3A_1717, %sign3A_1720 : i32
      %sign3A_1722 = arith.extui %sign3A_1721 : i1 to i32
      %sign3A_1723 = arith.constant 0 : i32
      %sign3A_1724 = arith.cmpi slt, %add3A_1717, %sign3A_1723 : i32
      %sign3A_1725 = arith.extui %sign3A_1724 : i1 to i32
      %sign3A_1726 = arith.subi %sign3A_1722, %sign3A_1725 : i32
      %sign3A_1727 = arith.constant 0 : i32
      %sign3A_1728 = arith.cmpi sgt, %jit3A_1718, %sign3A_1727 : i32
      %sign3A_1729 = arith.extui %sign3A_1728 : i1 to i32
      %sign3A_1730 = arith.constant 0 : i32
      %sign3A_1731 = arith.cmpi slt, %jit3A_1718, %sign3A_1730 : i32
      %sign3A_1732 = arith.extui %sign3A_1731 : i1 to i32
      %sign3A_1733 = arith.subi %sign3A_1729, %sign3A_1732 : i32
      %ne3A_1734 = arith.cmpi ne, %sign3A_1726, %sign3A_1733 : i32
      %rem3A_1735 = arith.remsi %add3A_1717, %jit3A_1718 : i32
      %ne3A_1736 = arith.constant 0 : i32
      %ne3A_1737 = arith.cmpi ne, %rem3A_1735, %ne3A_1736 : i32
      %and3A_1738 = arith.andi %ne3A_1734, %ne3A_1737 : i1
      %sub3A_1739 = arith.constant 1 : i32
      %sub3A_1740 = arith.subi %div3A_1719, %sub3A_1739 : i32
      %select_n3A_1741 = arith.select %and3A_1738, %sub3A_1740, %div3A_1719 : i32
      %mul3A_1742 = arith.constant 16 : i32
      %mul3A_1743 = arith.muli %select_n3A_1741, %mul3A_1742 : i32
      %get3A_1744 = arith.index_cast %mul3A_1743 : i32 to index
      %get3A_1745 = tpu.vector_load %arg5[%get3A_1744] {strides = array<i32>} : memref<512xi32, #tpu.memory_space<vmem>>, vector<16xi32>,
      %iota3A_1746 = tpu.iota {dimensions = array<i32: 0>} : vector<16xi32>
      %sub3A_1747 = arith.subi %add3A_1717, %mul3A_1743 : i32
      %eq3A_1748 = vector.broadcast %sub3A_1747 : i32 to vector<16xi32>
      %eq3A_1749 = arith.cmpi eq, %iota3A_1746, %eq3A_1748 : vector<16xi32>
      %jit3A_1750 = arith.constant 0 : i32
      %broadcast_in_dim3A_1751 = vector.broadcast %jit3A_1750 : i32 to vector<16xi32>
      %select_n3A_1752 = arith.select %eq3A_1749, %get3A_1745, %broadcast_in_dim3A_1751 : vector<16xi1>, vector<16xi32>
      %reduce_sum3A_1753 = arith.constant true
      %reduce_sum3A_1754 = vector.broadcast %reduce_sum3A_1753 : i1 to vector<16xi1>
      %reduce_sum3A_1755 = tpu.scan <sum>, %select_n3A_1752 masked %reduce_sum3A_1754 : vector<16xi32>, vector<16xi1> -> vector<16xi32>
      %reduce_sum3A_1756 = vector.extract %reduce_sum3A_1755[15] : i32 from vector<16xi32>
      %dma_wait3A_1757 = arith.constant 0 : i32
      %dma_wait3A_1758 = arith.constant 0 : i32
      %dma_wait3A_1759 = tpu.memref_slice %arg3[%dma_wait3A_1757, %dma_wait3A_1758] : memref<64x1000000xf32, #tpu.memory_space<hbm>> -> memref<64x128xf32, #tpu.memory_space<hbm>>
      %dma_wait3A_1760 = arith.constant 0 : i32
      %dma_wait3A_1761 = arith.constant 0 : i32
      %dma_wait3A_1762 = tpu.memref_slice %arg3[%dma_wait3A_1760, %dma_wait3A_1761] : memref<64x1000000xf32, #tpu.memory_space<hbm>> -> memref<64x128xf32, #tpu.memory_space<hbm>>
      tpu.wait_dma2 semaphore(%arg18 : memref<!tpu.dma_semaphore, #tpu.memory_space<semaphore_mem>>) src(%dma_wait3A_1762 : memref<64x128xf32, #tpu.memory_space<hbm>>) dst(%arg10 : memref<64x128xf32, #tpu.memory_space<vmem>>)
      %and3A_1763 = arith.constant 127 : i32
      %and3A_1764 = arith.andi %reduce_sum3A_1756, %and3A_1763 : i32
      %broadcast_in_dim3A_1765 = vector.broadcast %and3A_1764 : i32 to vector<16xi32>
      %broadcast_in_dim3A_1766 = vector.broadcast %add3A_1717 : i32 to vector<16xi32>
      %iota3A_1767 = tpu.iota {dimensions = array<i32: 0>} : vector<16xi32>
      %add3A_1768 = arith.constant 0 : i32
      %add3A_1769 = vector.broadcast %add3A_1768 : i32 to vector<16xi32>
      %add3A_1770 = arith.addi %iota3A_1767, %add3A_1769 : vector<16xi32>
      %gather3A_1771 = tpu.vector_load_idx %arg10[%add3A_1770, %broadcast_in_dim3A_1765] : memref<64x128xf32, #tpu.memory_space<vmem>>[vector<16xi32>, vector<16xi32>], vector<16xf32>,
      tpu.vector_store_idx %arg6[%add3A_1770, %broadcast_in_dim3A_1766], %gather3A_1771 : memref<64x512xf32, #tpu.memory_space<vmem>>[vector<16xi32>, vector<16xi32>], vector<16xf32>,
      %iota3A_1772 = tpu.iota {dimensions = array<i32: 0>} : vector<16xi32>
      %add3A_1773 = arith.constant 16 : i32
      %add3A_1774 = vector.broadcast %add3A_1773 : i32 to vector<16xi32>
      %add3A_1775 = arith.addi %iota3A_1772, %add3A_1774 : vector<16xi32>
      %gather3A_1776 = tpu.vector_load_idx %arg10[%add3A_1775, %broadcast_in_dim3A_1765] : memref<64x128xf32, #tpu.memory_space<vmem>>[vector<16xi32>, vector<16xi32>], vector<16xf32>,
      tpu.vector_store_idx %arg6[%add3A_1775, %broadcast_in_dim3A_1766], %gather3A_1776 : memref<64x512xf32, #tpu.memory_space<vmem>>[vector<16xi32>, vector<16xi32>], vector<16xf32>,
      %iota3A_1777 = tpu.iota {dimensions = array<i32: 0>} : vector<16xi32>
      %add3A_1778 = arith.constant 32 : i32
      %add3A_1779 = vector.broadcast %add3A_1778 : i32 to vector<16xi32>
      %add3A_1780 = arith.addi %iota3A_1777, %add3A_1779 : vector<16xi32>
      %gather3A_1781 = tpu.vector_load_idx %arg10[%add3A_1780, %broadcast_in_dim3A_1765] : memref<64x128xf32, #tpu.memory_space<vmem>>[vector<16xi32>, vector<16xi32>], vector<16xf32>,
      tpu.vector_store_idx %arg6[%add3A_1780, %broadcast_in_dim3A_1766], %gather3A_1781 : memref<64x512xf32, #tpu.memory_space<vmem>>[vector<16xi32>, vector<16xi32>], vector<16xf32>,
      %iota3A_1782 = tpu.iota {dimensions = array<i32: 0>} : vector<16xi32>
      %add3A_1783 = arith.constant 48 : i32
      %add3A_1784 = vector.broadcast %add3A_1783 : i32 to vector<16xi32>
      %add3A_1785 = arith.addi %iota3A_1782, %add3A_1784 : vector<16xi32>
      %gather3A_1786 = tpu.vector_load_idx %arg10[%add3A_1785, %broadcast_in_dim3A_1765] : memref<64x128xf32, #tpu.memory_space<vmem>>[vector<16xi32>, vector<16xi32>], vector<16xf32>,
      tpu.vector_store_idx %arg6[%add3A_1785, %broadcast_in_dim3A_1766], %gather3A_1786 : memref<64x512xf32, #tpu.memory_space<vmem>>[vector<16xi32>, vector<16xi32>], vector<16xf32>,
      %add3A_1787 = arith.constant 8 : i32
      %add3A_1788 = arith.addi %add3A_1717, %add3A_1787 : i32
      %jit3A_1789 = arith.constant 16 : i32
      %div3A_1790 = arith.divsi %add3A_1788, %jit3A_1789 : i32
      %sign3A_1791 = arith.constant 0 : i32
      %sign3A_1792 = arith.cmpi sgt, %add3A_1788, %sign3A_1791 : i32
      %sign3A_1793 = arith.extui %sign3A_1792 : i1 to i32
      %sign3A_1794 = arith.constant 0 : i32
      %sign3A_1795 = arith.cmpi slt, %add3A_1788, %sign3A_1794 : i32
      %sign3A_1796 = arith.extui %sign3A_1795 : i1 to i32
      %sign3A_1797 = arith.subi %sign3A_1793, %sign3A_1796 : i32
      %sign3A_1798 = arith.constant 0 : i32
      %sign3A_1799 = arith.cmpi sgt, %jit3A_1789, %sign3A_1798 : i32
      %sign3A_1800 = arith.extui %sign3A_1799 : i1 to i32
      %sign3A_1801 = arith.constant 0 : i32
      %sign3A_1802 = arith.cmpi slt, %jit3A_1789, %sign3A_1801 : i32
      %sign3A_1803 = arith.extui %sign3A_1802 : i1 to i32
      %sign3A_1804 = arith.subi %sign3A_1800, %sign3A_1803 : i32
      %ne3A_1805 = arith.cmpi ne, %sign3A_1797, %sign3A_1804 : i32
      %rem3A_1806 = arith.remsi %add3A_1788, %jit3A_1789 : i32
      %ne3A_1807 = arith.constant 0 : i32
      %ne3A_1808 = arith.cmpi ne, %rem3A_1806, %ne3A_1807 : i32
      %and3A_1809 = arith.andi %ne3A_1805, %ne3A_1808 : i1
      %sub3A_1810 = arith.constant 1 : i32
      %sub3A_1811 = arith.subi %div3A_1790, %sub3A_1810 : i32
      %select_n3A_1812 = arith.select %and3A_1809, %sub3A_1811, %div3A_1790 : i32
      %mul3A_1813 = arith.constant 16 : i32
      %mul3A_1814 = arith.muli %select_n3A_1812, %mul3A_1813 : i32
      %get3A_1815 = arith.index_cast %mul3A_1814 : i32 to index
      %get3A_1816 = tpu.vector_load %arg5[%get3A_1815] {strides = array<i32>} : memref<512xi32, #tpu.memory_space<vmem>>, vector<16xi32>,
      %iota3A_1817 = tpu.iota {dimensions = array<i32: 0>} : vector<16xi32>
      %sub3A_1818 = arith.subi %add3A_1788, %mul3A_1814 : i32
      %eq3A_1819 = vector.broadcast %sub3A_1818 : i32 to vector<16xi32>
      %eq3A_1820 = arith.cmpi eq, %iota3A_1817, %eq3A_1819 : vector<16xi32>
      %jit3A_1821 = arith.constant 0 : i32
      %broadcast_in_dim3A_1822 = vector.broadcast %jit3A_1821 : i32 to vector<16xi32>
      %select_n3A_1823 = arith.select %eq3A_1820, %get3A_1816, %broadcast_in_dim3A_1822 : vector<16xi1>, vector<16xi32>
      %reduce_sum3A_1824 = arith.constant true
      %reduce_sum3A_1825 = vector.broadcast %reduce_sum3A_1824 : i1 to vector<16xi1>
      %reduce_sum3A_1826 = tpu.scan <sum>, %select_n3A_1823 masked %reduce_sum3A_1825 : vector<16xi32>, vector<16xi1> -> vector<16xi32>
      %reduce_sum3A_1827 = vector.extract %reduce_sum3A_1826[15] : i32 from vector<16xi32>
      %and3A_1828 = arith.constant 127 : i32
      %and3A_1829 = arith.andi %reduce_sum3A_1827, %and3A_1828 : i32
      %sub3A_1830 = arith.subi %reduce_sum3A_1827, %and3A_1829 : i32
      %multiple_of3A_1831 = tpu.assume_multiple %sub3A_1830, 128 : i32
      %dma_start3A_1832 = arith.constant 0 : i32
      %dma_start3A_1833 = arith.constant 0 : i32
      %dma_start3A_1834 = tpu.memref_slice %arg10[%dma_start3A_1832, %dma_start3A_1833] : memref<64x128xf32, #tpu.memory_space<vmem>> -> memref<8x128xf32, #tpu.memory_space<vmem>>
      %dma_start3A_1835 = arith.constant 0 : i32
      %dma_start3A_1836 = tpu.memref_slice %arg3[%dma_start3A_1835, %multiple_of3A_1831] : memref<64x1000000xf32, #tpu.memory_space<hbm>> -> memref<8x128xf32, #tpu.memory_space<hbm>>
      %dma_start3A_1837 = arith.constant 0 : i32
      %dma_start3A_1838 = arith.constant 0 : i32
      %dma_start3A_1839 = tpu.memref_slice %arg10[%dma_start3A_1837, %dma_start3A_1838] : memref<64x128xf32, #tpu.memory_space<vmem>> -> memref<8x128xf32, #tpu.memory_space<vmem>>
      %dma_start3A_1840 = arith.constant 0 : i32
      %dma_start3A_1841 = tpu.memref_slice %arg3[%dma_start3A_1840, %multiple_of3A_1831] : memref<64x1000000xf32, #tpu.memory_space<hbm>> -> memref<8x128xf32, #tpu.memory_space<hbm>>
      tpu.enqueue_dma source(%dma_start3A_1841 : memref<8x128xf32, #tpu.memory_space<hbm>>) target(%dma_start3A_1839 : memref<8x128xf32, #tpu.memory_space<vmem>>) target_semaphore(%arg18 : memref<!tpu.dma_semaphore, #tpu.memory_space<semaphore_mem>>)
      %dma_start3A_1842 = arith.constant 8 : i32
      %dma_start3A_1843 = arith.constant 0 : i32
      %dma_start3A_1844 = tpu.memref_slice %arg10[%dma_start3A_1842, %dma_start3A_1843] : memref<64x128xf32, #tpu.memory_space<vmem>> -> memref<8x128xf32, #tpu.memory_space<vmem>>
      %dma_start3A_1845 = arith.constant 8 : i32
      %dma_start3A_1846 = tpu.memref_slice %arg3[%dma_start3A_1845, %multiple_of3A_1831] : memref<64x1000000xf32, #tpu.memory_space<hbm>> -> memref<8x128xf32, #tpu.memory_space<hbm>>
      %dma_start3A_1847 = arith.constant 8 : i32
      %dma_start3A_1848 = arith.constant 0 : i32
      %dma_start3A_1849 = tpu.memref_slice %arg10[%dma_start3A_1847, %dma_start3A_1848] : memref<64x128xf32, #tpu.memory_space<vmem>> -> memref<8x128xf32, #tpu.memory_space<vmem>>
      %dma_start3A_1850 = arith.constant 8 : i32
      %dma_start3A_1851 = tpu.memref_slice %arg3[%dma_start3A_1850, %multiple_of3A_1831] : memref<64x1000000xf32, #tpu.memory_space<hbm>> -> memref<8x128xf32, #tpu.memory_space<hbm>>
      tpu.enqueue_dma source(%dma_start3A_1851 : memref<8x128xf32, #tpu.memory_space<hbm>>) target(%dma_start3A_1849 : memref<8x128xf32, #tpu.memory_space<vmem>>) target_semaphore(%arg18 : memref<!tpu.dma_semaphore, #tpu.memory_space<semaphore_mem>>)
      %dma_start3A_1852 = arith.constant 16 : i32
      %dma_start3A_1853 = arith.constant 0 : i32
      %dma_start3A_1854 = tpu.memref_slice %arg10[%dma_start3A_1852, %dma_start3A_1853] : memref<64x128xf32, #tpu.memory_space<vmem>> -> memref<8x128xf32, #tpu.memory_space<vmem>>
      %dma_start3A_1855 = arith.constant 16 : i32
      %dma_start3A_1856 = tpu.memref_slice %arg3[%dma_start3A_1855, %multiple_of3A_1831] : memref<64x1000000xf32, #tpu.memory_space<hbm>> -> memref<8x128xf32, #tpu.memory_space<hbm>>
      %dma_start3A_1857 = arith.constant 16 : i32
      %dma_start3A_1858 = arith.constant 0 : i32
      %dma_start3A_1859 = tpu.memref_slice %arg10[%dma_start3A_1857, %dma_start3A_1858] : memref<64x128xf32, #tpu.memory_space<vmem>> -> memref<8x128xf32, #tpu.memory_space<vmem>>
      %dma_start3A_1860 = arith.constant 16 : i32
      %dma_start3A_1861 = tpu.memref_slice %arg3[%dma_start3A_1860, %multiple_of3A_1831] : memref<64x1000000xf32, #tpu.memory_space<hbm>> -> memref<8x128xf32, #tpu.memory_space<hbm>>
      tpu.enqueue_dma source(%dma_start3A_1861 : memref<8x128xf32, #tpu.memory_space<hbm>>) target(%dma_start3A_1859 : memref<8x128xf32, #tpu.memory_space<vmem>>) target_semaphore(%arg18 : memref<!tpu.dma_semaphore, #tpu.memory_space<semaphore_mem>>)
      %dma_start3A_1862 = arith.constant 24 : i32
      %dma_start3A_1863 = arith.constant 0 : i32
      %dma_start3A_1864 = tpu.memref_slice %arg10[%dma_start3A_1862, %dma_start3A_1863] : memref<64x128xf32, #tpu.memory_space<vmem>> -> memref<8x128xf32, #tpu.memory_space<vmem>>
      %dma_start3A_1865 = arith.constant 24 : i32
      %dma_start3A_1866 = tpu.memref_slice %arg3[%dma_start3A_1865, %multiple_of3A_1831] : memref<64x1000000xf32, #tpu.memory_space<hbm>> -> memref<8x128xf32, #tpu.memory_space<hbm>>
      %dma_start3A_1867 = arith.constant 24 : i32
      %dma_start3A_1868 = arith.constant 0 : i32
      %dma_start3A_1869 = tpu.memref_slice %arg10[%dma_start3A_1867, %dma_start3A_1868] : memref<64x128xf32, #tpu.memory_space<vmem>> -> memref<8x128xf32, #tpu.memory_space<vmem>>
      %dma_start3A_1870 = arith.constant 24 : i32
      %dma_start3A_1871 = tpu.memref_slice %arg3[%dma_start3A_1870, %multiple_of3A_1831] : memref<64x1000000xf32, #tpu.memory_space<hbm>> -> memref<8x128xf32, #tpu.memory_space<hbm>>
      tpu.enqueue_dma source(%dma_start3A_1871 : memref<8x128xf32, #tpu.memory_space<hbm>>) target(%dma_start3A_1869 : memref<8x128xf32, #tpu.memory_space<vmem>>) target_semaphore(%arg18 : memref<!tpu.dma_semaphore, #tpu.memory_space<semaphore_mem>>)
      %dma_start3A_1872 = arith.constant 32 : i32
      %dma_start3A_1873 = arith.constant 0 : i32
      %dma_start3A_1874 = tpu.memref_slice %arg10[%dma_start3A_1872, %dma_start3A_1873] : memref<64x128xf32, #tpu.memory_space<vmem>> -> memref<8x128xf32, #tpu.memory_space<vmem>>
      %dma_start3A_1875 = arith.constant 32 : i32
      %dma_start3A_1876 = tpu.memref_slice %arg3[%dma_start3A_1875, %multiple_of3A_1831] : memref<64x1000000xf32, #tpu.memory_space<hbm>> -> memref<8x128xf32, #tpu.memory_space<hbm>>
      %dma_start3A_1877 = arith.constant 32 : i32
      %dma_start3A_1878 = arith.constant 0 : i32
      %dma_start3A_1879 = tpu.memref_slice %arg10[%dma_start3A_1877, %dma_start3A_1878] : memref<64x128xf32, #tpu.memory_space<vmem>> -> memref<8x128xf32, #tpu.memory_space<vmem>>
      %dma_start3A_1880 = arith.constant 32 : i32
      %dma_start3A_1881 = tpu.memref_slice %arg3[%dma_start3A_1880, %multiple_of3A_1831] : memref<64x1000000xf32, #tpu.memory_space<hbm>> -> memref<8x128xf32, #tpu.memory_space<hbm>>
      tpu.enqueue_dma source(%dma_start3A_1881 : memref<8x128xf32, #tpu.memory_space<hbm>>) target(%dma_start3A_1879 : memref<8x128xf32, #tpu.memory_space<vmem>>) target_semaphore(%arg18 : memref<!tpu.dma_semaphore, #tpu.memory_space<semaphore_mem>>)
      %dma_start3A_1882 = arith.constant 40 : i32
      %dma_start3A_1883 = arith.constant 0 : i32
      %dma_start3A_1884 = tpu.memref_slice %arg10[%dma_start3A_1882, %dma_start3A_1883] : memref<64x128xf32, #tpu.memory_space<vmem>> -> memref<8x128xf32, #tpu.memory_space<vmem>>
      %dma_start3A_1885 = arith.constant 40 : i32
      %dma_start3A_1886 = tpu.memref_slice %arg3[%dma_start3A_1885, %multiple_of3A_1831] : memref<64x1000000xf32, #tpu.memory_space<hbm>> -> memref<8x128xf32, #tpu.memory_space<hbm>>
      %dma_start3A_1887 = arith.constant 40 : i32
      %dma_start3A_1888 = arith.constant 0 : i32
      %dma_start3A_1889 = tpu.memref_slice %arg10[%dma_start3A_1887, %dma_start3A_1888] : memref<64x128xf32, #tpu.memory_space<vmem>> -> memref<8x128xf32, #tpu.memory_space<vmem>>
      %dma_start3A_1890 = arith.constant 40 : i32
      %dma_start3A_1891 = tpu.memref_slice %arg3[%dma_start3A_1890, %multiple_of3A_1831] : memref<64x1000000xf32, #tpu.memory_space<hbm>> -> memref<8x128xf32, #tpu.memory_space<hbm>>
      tpu.enqueue_dma source(%dma_start3A_1891 : memref<8x128xf32, #tpu.memory_space<hbm>>) target(%dma_start3A_1889 : memref<8x128xf32, #tpu.memory_space<vmem>>) target_semaphore(%arg18 : memref<!tpu.dma_semaphore, #tpu.memory_space<semaphore_mem>>)
      %dma_start3A_1892 = arith.constant 48 : i32
      %dma_start3A_1893 = arith.constant 0 : i32
      %dma_start3A_1894 = tpu.memref_slice %arg10[%dma_start3A_1892, %dma_start3A_1893] : memref<64x128xf32, #tpu.memory_space<vmem>> -> memref<8x128xf32, #tpu.memory_space<vmem>>
      %dma_start3A_1895 = arith.constant 48 : i32
      %dma_start3A_1896 = tpu.memref_slice %arg3[%dma_start3A_1895, %multiple_of3A_1831] : memref<64x1000000xf32, #tpu.memory_space<hbm>> -> memref<8x128xf32, #tpu.memory_space<hbm>>
      %dma_start3A_1897 = arith.constant 48 : i32
      %dma_start3A_1898 = arith.constant 0 : i32
      %dma_start3A_1899 = tpu.memref_slice %arg10[%dma_start3A_1897, %dma_start3A_1898] : memref<64x128xf32, #tpu.memory_space<vmem>> -> memref<8x128xf32, #tpu.memory_space<vmem>>
      %dma_start3A_1900 = arith.constant 48 : i32
      %dma_start3A_1901 = tpu.memref_slice %arg3[%dma_start3A_1900, %multiple_of3A_1831] : memref<64x1000000xf32, #tpu.memory_space<hbm>> -> memref<8x128xf32, #tpu.memory_space<hbm>>
      tpu.enqueue_dma source(%dma_start3A_1901 : memref<8x128xf32, #tpu.memory_space<hbm>>) target(%dma_start3A_1899 : memref<8x128xf32, #tpu.memory_space<vmem>>) target_semaphore(%arg18 : memref<!tpu.dma_semaphore, #tpu.memory_space<semaphore_mem>>)
      %dma_start3A_1902 = arith.constant 56 : i32
      %dma_start3A_1903 = arith.constant 0 : i32
      %dma_start3A_1904 = tpu.memref_slice %arg10[%dma_start3A_1902, %dma_start3A_1903] : memref<64x128xf32, #tpu.memory_space<vmem>> -> memref<8x128xf32, #tpu.memory_space<vmem>>
      %dma_start3A_1905 = arith.constant 56 : i32
      %dma_start3A_1906 = tpu.memref_slice %arg3[%dma_start3A_1905, %multiple_of3A_1831] : memref<64x1000000xf32, #tpu.memory_space<hbm>> -> memref<8x128xf32, #tpu.memory_space<hbm>>
      %dma_start3A_1907 = arith.constant 56 : i32
      %dma_start3A_1908 = arith.constant 0 : i32
      %dma_start3A_1909 = tpu.memref_slice %arg10[%dma_start3A_1907, %dma_start3A_1908] : memref<64x128xf32, #tpu.memory_space<vmem>> -> memref<8x128xf32, #tpu.memory_space<vmem>>
      %dma_start3A_1910 = arith.constant 56 : i32
      %dma_start3A_1911 = tpu.memref_slice %arg3[%dma_start3A_1910, %multiple_of3A_1831] : memref<64x1000000xf32, #tpu.memory_space<hbm>> -> memref<8x128xf32, #tpu.memory_space<hbm>>
      tpu.enqueue_dma source(%dma_start3A_1911 : memref<8x128xf32, #tpu.memory_space<hbm>>) target(%dma_start3A_1909 : memref<8x128xf32, #tpu.memory_space<vmem>>) target_semaphore(%arg18 : memref<!tpu.dma_semaphore, #tpu.memory_space<semaphore_mem>>)
      %mul3A_1912 = arith.constant 8 : i32
      %mul3A_1913 = arith.muli %scan3A_1123, %mul3A_1912 : i32
      %add3A_1914 = arith.constant 4 : i32
      %add3A_1915 = arith.addi %mul3A_1913, %add3A_1914 : i32
      %jit3A_1916 = arith.constant 16 : i32
      %div3A_1917 = arith.divsi %add3A_1915, %jit3A_1916 : i32
      %sign3A_1918 = arith.constant 0 : i32
      %sign3A_1919 = arith.cmpi sgt, %add3A_1915, %sign3A_1918 : i32
      %sign3A_1920 = arith.extui %sign3A_1919 : i1 to i32
      %sign3A_1921 = arith.constant 0 : i32
      %sign3A_1922 = arith.cmpi slt, %add3A_1915, %sign3A_1921 : i32
      %sign3A_1923 = arith.extui %sign3A_1922 : i1 to i32
      %sign3A_1924 = arith.subi %sign3A_1920, %sign3A_1923 : i32
      %sign3A_1925 = arith.constant 0 : i32
      %sign3A_1926 = arith.cmpi sgt, %jit3A_1916, %sign3A_1925 : i32
      %sign3A_1927 = arith.extui %sign3A_1926 : i1 to i32
      %sign3A_1928 = arith.constant 0 : i32
      %sign3A_1929 = arith.cmpi slt, %jit3A_1916, %sign3A_1928 : i32
      %sign3A_1930 = arith.extui %sign3A_1929 : i1 to i32
      %sign3A_1931 = arith.subi %sign3A_1927, %sign3A_1930 : i32
      %ne3A_1932 = arith.cmpi ne, %sign3A_1924, %sign3A_1931 : i32
      %rem3A_1933 = arith.remsi %add3A_1915, %jit3A_1916 : i32
      %ne3A_1934 = arith.constant 0 : i32
      %ne3A_1935 = arith.cmpi ne, %rem3A_1933, %ne3A_1934 : i32
      %and3A_1936 = arith.andi %ne3A_1932, %ne3A_1935 : i1
      %sub3A_1937 = arith.constant 1 : i32
      %sub3A_1938 = arith.subi %div3A_1917, %sub3A_1937 : i32
      %select_n3A_1939 = arith.select %and3A_1936, %sub3A_1938, %div3A_1917 : i32
      %mul3A_1940 = arith.constant 16 : i32
      %mul3A_1941 = arith.muli %select_n3A_1939, %mul3A_1940 : i32
      %get3A_1942 = arith.index_cast %mul3A_1941 : i32 to index
      %get3A_1943 = tpu.vector_load %arg5[%get3A_1942] {strides = array<i32>} : memref<512xi32, #tpu.memory_space<vmem>>, vector<16xi32>,
      %iota3A_1944 = tpu.iota {dimensions = array<i32: 0>} : vector<16xi32>
      %sub3A_1945 = arith.subi %add3A_1915, %mul3A_1941 : i32
      %eq3A_1946 = vector.broadcast %sub3A_1945 : i32 to vector<16xi32>
      %eq3A_1947 = arith.cmpi eq, %iota3A_1944, %eq3A_1946 : vector<16xi32>
      %jit3A_1948 = arith.constant 0 : i32
      %broadcast_in_dim3A_1949 = vector.broadcast %jit3A_1948 : i32 to vector<16xi32>
      %select_n3A_1950 = arith.select %eq3A_1947, %get3A_1943, %broadcast_in_dim3A_1949 : vector<16xi1>, vector<16xi32>
      %reduce_sum3A_1951 = arith.constant true
      %reduce_sum3A_1952 = vector.broadcast %reduce_sum3A_1951 : i1 to vector<16xi1>
      %reduce_sum3A_1953 = tpu.scan <sum>, %select_n3A_1950 masked %reduce_sum3A_1952 : vector<16xi32>, vector<16xi1> -> vector<16xi32>
      %reduce_sum3A_1954 = vector.extract %reduce_sum3A_1953[15] : i32 from vector<16xi32>
      %dma_wait3A_1955 = arith.constant 0 : i32
      %dma_wait3A_1956 = arith.constant 0 : i32
      %dma_wait3A_1957 = tpu.memref_slice %arg3[%dma_wait3A_1955, %dma_wait3A_1956] : memref<64x1000000xf32, #tpu.memory_space<hbm>> -> memref<64x128xf32, #tpu.memory_space<hbm>>
      %dma_wait3A_1958 = arith.constant 0 : i32
      %dma_wait3A_1959 = arith.constant 0 : i32
      %dma_wait3A_1960 = tpu.memref_slice %arg3[%dma_wait3A_1958, %dma_wait3A_1959] : memref<64x1000000xf32, #tpu.memory_space<hbm>> -> memref<64x128xf32, #tpu.memory_space<hbm>>
      tpu.wait_dma2 semaphore(%arg19 : memref<!tpu.dma_semaphore, #tpu.memory_space<semaphore_mem>>) src(%dma_wait3A_1960 : memref<64x128xf32, #tpu.memory_space<hbm>>) dst(%arg11 : memref<64x128xf32, #tpu.memory_space<vmem>>)
      %and3A_1961 = arith.constant 127 : i32
      %and3A_1962 = arith.andi %reduce_sum3A_1954, %and3A_1961 : i32
      %broadcast_in_dim3A_1963 = vector.broadcast %and3A_1962 : i32 to vector<16xi32>
      %broadcast_in_dim3A_1964 = vector.broadcast %add3A_1915 : i32 to vector<16xi32>
      %iota3A_1965 = tpu.iota {dimensions = array<i32: 0>} : vector<16xi32>
      %add3A_1966 = arith.constant 0 : i32
      %add3A_1967 = vector.broadcast %add3A_1966 : i32 to vector<16xi32>
      %add3A_1968 = arith.addi %iota3A_1965, %add3A_1967 : vector<16xi32>
      %gather3A_1969 = tpu.vector_load_idx %arg11[%add3A_1968, %broadcast_in_dim3A_1963] : memref<64x128xf32, #tpu.memory_space<vmem>>[vector<16xi32>, vector<16xi32>], vector<16xf32>,
      tpu.vector_store_idx %arg6[%add3A_1968, %broadcast_in_dim3A_1964], %gather3A_1969 : memref<64x512xf32, #tpu.memory_space<vmem>>[vector<16xi32>, vector<16xi32>], vector<16xf32>,
      %iota3A_1970 = tpu.iota {dimensions = array<i32: 0>} : vector<16xi32>
      %add3A_1971 = arith.constant 16 : i32
      %add3A_1972 = vector.broadcast %add3A_1971 : i32 to vector<16xi32>
      %add3A_1973 = arith.addi %iota3A_1970, %add3A_1972 : vector<16xi32>
      %gather3A_1974 = tpu.vector_load_idx %arg11[%add3A_1973, %broadcast_in_dim3A_1963] : memref<64x128xf32, #tpu.memory_space<vmem>>[vector<16xi32>, vector<16xi32>], vector<16xf32>,
      tpu.vector_store_idx %arg6[%add3A_1973, %broadcast_in_dim3A_1964], %gather3A_1974 : memref<64x512xf32, #tpu.memory_space<vmem>>[vector<16xi32>, vector<16xi32>], vector<16xf32>,
      %iota3A_1975 = tpu.iota {dimensions = array<i32: 0>} : vector<16xi32>
      %add3A_1976 = arith.constant 32 : i32
      %add3A_1977 = vector.broadcast %add3A_1976 : i32 to vector<16xi32>
      %add3A_1978 = arith.addi %iota3A_1975, %add3A_1977 : vector<16xi32>
      %gather3A_1979 = tpu.vector_load_idx %arg11[%add3A_1978, %broadcast_in_dim3A_1963] : memref<64x128xf32, #tpu.memory_space<vmem>>[vector<16xi32>, vector<16xi32>], vector<16xf32>,
      tpu.vector_store_idx %arg6[%add3A_1978, %broadcast_in_dim3A_1964], %gather3A_1979 : memref<64x512xf32, #tpu.memory_space<vmem>>[vector<16xi32>, vector<16xi32>], vector<16xf32>,
      %iota3A_1980 = tpu.iota {dimensions = array<i32: 0>} : vector<16xi32>
      %add3A_1981 = arith.constant 48 : i32
      %add3A_1982 = vector.broadcast %add3A_1981 : i32 to vector<16xi32>
      %add3A_1983 = arith.addi %iota3A_1980, %add3A_1982 : vector<16xi32>
      %gather3A_1984 = tpu.vector_load_idx %arg11[%add3A_1983, %broadcast_in_dim3A_1963] : memref<64x128xf32, #tpu.memory_space<vmem>>[vector<16xi32>, vector<16xi32>], vector<16xf32>,
      tpu.vector_store_idx %arg6[%add3A_1983, %broadcast_in_dim3A_1964], %gather3A_1984 : memref<64x512xf32, #tpu.memory_space<vmem>>[vector<16xi32>, vector<16xi32>], vector<16xf32>,
      %add3A_1985 = arith.constant 8 : i32
      %add3A_1986 = arith.addi %add3A_1915, %add3A_1985 : i32
      %jit3A_1987 = arith.constant 16 : i32
      %div3A_1988 = arith.divsi %add3A_1986, %jit3A_1987 : i32
      %sign3A_1989 = arith.constant 0 : i32
      %sign3A_1990 = arith.cmpi sgt, %add3A_1986, %sign3A_1989 : i32
      %sign3A_1991 = arith.extui %sign3A_1990 : i1 to i32
      %sign3A_1992 = arith.constant 0 : i32
      %sign3A_1993 = arith.cmpi slt, %add3A_1986, %sign3A_1992 : i32
      %sign3A_1994 = arith.extui %sign3A_1993 : i1 to i32
      %sign3A_1995 = arith.subi %sign3A_1991, %sign3A_1994 : i32
      %sign3A_1996 = arith.constant 0 : i32
      %sign3A_1997 = arith.cmpi sgt, %jit3A_1987, %sign3A_1996 : i32
      %sign3A_1998 = arith.extui %sign3A_1997 : i1 to i32
      %sign3A_1999 = arith.constant 0 : i32
      %sign3A_2000 = arith.cmpi slt, %jit3A_1987, %sign3A_1999 : i32
      %sign3A_2001 = arith.extui %sign3A_2000 : i1 to i32
      %sign3A_2002 = arith.subi %sign3A_1998, %sign3A_2001 : i32
      %ne3A_2003 = arith.cmpi ne, %sign3A_1995, %sign3A_2002 : i32
      %rem3A_2004 = arith.remsi %add3A_1986, %jit3A_1987 : i32
      %ne3A_2005 = arith.constant 0 : i32
      %ne3A_2006 = arith.cmpi ne, %rem3A_2004, %ne3A_2005 : i32
      %and3A_2007 = arith.andi %ne3A_2003, %ne3A_2006 : i1
      %sub3A_2008 = arith.constant 1 : i32
      %sub3A_2009 = arith.subi %div3A_1988, %sub3A_2008 : i32
      %select_n3A_2010 = arith.select %and3A_2007, %sub3A_2009, %div3A_1988 : i32
      %mul3A_2011 = arith.constant 16 : i32
      %mul3A_2012 = arith.muli %select_n3A_2010, %mul3A_2011 : i32
      %get3A_2013 = arith.index_cast %mul3A_2012 : i32 to index
      %get3A_2014 = tpu.vector_load %arg5[%get3A_2013] {strides = array<i32>} : memref<512xi32, #tpu.memory_space<vmem>>, vector<16xi32>,
      %iota3A_2015 = tpu.iota {dimensions = array<i32: 0>} : vector<16xi32>
      %sub3A_2016 = arith.subi %add3A_1986, %mul3A_2012 : i32
      %eq3A_2017 = vector.broadcast %sub3A_2016 : i32 to vector<16xi32>
      %eq3A_2018 = arith.cmpi eq, %iota3A_2015, %eq3A_2017 : vector<16xi32>
      %jit3A_2019 = arith.constant 0 : i32
      %broadcast_in_dim3A_2020 = vector.broadcast %jit3A_2019 : i32 to vector<16xi32>
      %select_n3A_2021 = arith.select %eq3A_2018, %get3A_2014, %broadcast_in_dim3A_2020 : vector<16xi1>, vector<16xi32>
      %reduce_sum3A_2022 = arith.constant true
      %reduce_sum3A_2023 = vector.broadcast %reduce_sum3A_2022 : i1 to vector<16xi1>
      %reduce_sum3A_2024 = tpu.scan <sum>, %select_n3A_2021 masked %reduce_sum3A_2023 : vector<16xi32>, vector<16xi1> -> vector<16xi32>
      %reduce_sum3A_2025 = vector.extract %reduce_sum3A_2024[15] : i32 from vector<16xi32>
      %and3A_2026 = arith.constant 127 : i32
      %and3A_2027 = arith.andi %reduce_sum3A_2025, %and3A_2026 : i32
      %sub3A_2028 = arith.subi %reduce_sum3A_2025, %and3A_2027 : i32
      %multiple_of3A_2029 = tpu.assume_multiple %sub3A_2028, 128 : i32
      %dma_start3A_2030 = arith.constant 0 : i32
      %dma_start3A_2031 = arith.constant 0 : i32
      %dma_start3A_2032 = tpu.memref_slice %arg11[%dma_start3A_2030, %dma_start3A_2031] : memref<64x128xf32, #tpu.memory_space<vmem>> -> memref<8x128xf32, #tpu.memory_space<vmem>>
      %dma_start3A_2033 = arith.constant 0 : i32
      %dma_start3A_2034 = tpu.memref_slice %arg3[%dma_start3A_2033, %multiple_of3A_2029] : memref<64x1000000xf32, #tpu.memory_space<hbm>> -> memref<8x128xf32, #tpu.memory_space<hbm>>
      %dma_start3A_2035 = arith.constant 0 : i32
      %dma_start3A_2036 = arith.constant 0 : i32
      %dma_start3A_2037 = tpu.memref_slice %arg11[%dma_start3A_2035, %dma_start3A_2036] : memref<64x128xf32, #tpu.memory_space<vmem>> -> memref<8x128xf32, #tpu.memory_space<vmem>>
      %dma_start3A_2038 = arith.constant 0 : i32
      %dma_start3A_2039 = tpu.memref_slice %arg3[%dma_start3A_2038, %multiple_of3A_2029] : memref<64x1000000xf32, #tpu.memory_space<hbm>> -> memref<8x128xf32, #tpu.memory_space<hbm>>
      tpu.enqueue_dma source(%dma_start3A_2039 : memref<8x128xf32, #tpu.memory_space<hbm>>) target(%dma_start3A_2037 : memref<8x128xf32, #tpu.memory_space<vmem>>) target_semaphore(%arg19 : memref<!tpu.dma_semaphore, #tpu.memory_space<semaphore_mem>>)
      %dma_start3A_2040 = arith.constant 8 : i32
      %dma_start3A_2041 = arith.constant 0 : i32
      %dma_start3A_2042 = tpu.memref_slice %arg11[%dma_start3A_2040, %dma_start3A_2041] : memref<64x128xf32, #tpu.memory_space<vmem>> -> memref<8x128xf32, #tpu.memory_space<vmem>>
      %dma_start3A_2043 = arith.constant 8 : i32
      %dma_start3A_2044 = tpu.memref_slice %arg3[%dma_start3A_2043, %multiple_of3A_2029] : memref<64x1000000xf32, #tpu.memory_space<hbm>> -> memref<8x128xf32, #tpu.memory_space<hbm>>
      %dma_start3A_2045 = arith.constant 8 : i32
      %dma_start3A_2046 = arith.constant 0 : i32
      %dma_start3A_2047 = tpu.memref_slice %arg11[%dma_start3A_2045, %dma_start3A_2046] : memref<64x128xf32, #tpu.memory_space<vmem>> -> memref<8x128xf32, #tpu.memory_space<vmem>>
      %dma_start3A_2048 = arith.constant 8 : i32
      %dma_start3A_2049 = tpu.memref_slice %arg3[%dma_start3A_2048, %multiple_of3A_2029] : memref<64x1000000xf32, #tpu.memory_space<hbm>> -> memref<8x128xf32, #tpu.memory_space<hbm>>
      tpu.enqueue_dma source(%dma_start3A_2049 : memref<8x128xf32, #tpu.memory_space<hbm>>) target(%dma_start3A_2047 : memref<8x128xf32, #tpu.memory_space<vmem>>) target_semaphore(%arg19 : memref<!tpu.dma_semaphore, #tpu.memory_space<semaphore_mem>>)
      %dma_start3A_2050 = arith.constant 16 : i32
      %dma_start3A_2051 = arith.constant 0 : i32
      %dma_start3A_2052 = tpu.memref_slice %arg11[%dma_start3A_2050, %dma_start3A_2051] : memref<64x128xf32, #tpu.memory_space<vmem>> -> memref<8x128xf32, #tpu.memory_space<vmem>>
      %dma_start3A_2053 = arith.constant 16 : i32
      %dma_start3A_2054 = tpu.memref_slice %arg3[%dma_start3A_2053, %multiple_of3A_2029] : memref<64x1000000xf32, #tpu.memory_space<hbm>> -> memref<8x128xf32, #tpu.memory_space<hbm>>
      %dma_start3A_2055 = arith.constant 16 : i32
      %dma_start3A_2056 = arith.constant 0 : i32
      %dma_start3A_2057 = tpu.memref_slice %arg11[%dma_start3A_2055, %dma_start3A_2056] : memref<64x128xf32, #tpu.memory_space<vmem>> -> memref<8x128xf32, #tpu.memory_space<vmem>>
      %dma_start3A_2058 = arith.constant 16 : i32
      %dma_start3A_2059 = tpu.memref_slice %arg3[%dma_start3A_2058, %multiple_of3A_2029] : memref<64x1000000xf32, #tpu.memory_space<hbm>> -> memref<8x128xf32, #tpu.memory_space<hbm>>
      tpu.enqueue_dma source(%dma_start3A_2059 : memref<8x128xf32, #tpu.memory_space<hbm>>) target(%dma_start3A_2057 : memref<8x128xf32, #tpu.memory_space<vmem>>) target_semaphore(%arg19 : memref<!tpu.dma_semaphore, #tpu.memory_space<semaphore_mem>>)
      %dma_start3A_2060 = arith.constant 24 : i32
      %dma_start3A_2061 = arith.constant 0 : i32
      %dma_start3A_2062 = tpu.memref_slice %arg11[%dma_start3A_2060, %dma_start3A_2061] : memref<64x128xf32, #tpu.memory_space<vmem>> -> memref<8x128xf32, #tpu.memory_space<vmem>>
      %dma_start3A_2063 = arith.constant 24 : i32
      %dma_start3A_2064 = tpu.memref_slice %arg3[%dma_start3A_2063, %multiple_of3A_2029] : memref<64x1000000xf32, #tpu.memory_space<hbm>> -> memref<8x128xf32, #tpu.memory_space<hbm>>
      %dma_start3A_2065 = arith.constant 24 : i32
      %dma_start3A_2066 = arith.constant 0 : i32
      %dma_start3A_2067 = tpu.memref_slice %arg11[%dma_start3A_2065, %dma_start3A_2066] : memref<64x128xf32, #tpu.memory_space<vmem>> -> memref<8x128xf32, #tpu.memory_space<vmem>>
      %dma_start3A_2068 = arith.constant 24 : i32
      %dma_start3A_2069 = tpu.memref_slice %arg3[%dma_start3A_2068, %multiple_of3A_2029] : memref<64x1000000xf32, #tpu.memory_space<hbm>> -> memref<8x128xf32, #tpu.memory_space<hbm>>
      tpu.enqueue_dma source(%dma_start3A_2069 : memref<8x128xf32, #tpu.memory_space<hbm>>) target(%dma_start3A_2067 : memref<8x128xf32, #tpu.memory_space<vmem>>) target_semaphore(%arg19 : memref<!tpu.dma_semaphore, #tpu.memory_space<semaphore_mem>>)
      %dma_start3A_2070 = arith.constant 32 : i32
      %dma_start3A_2071 = arith.constant 0 : i32
      %dma_start3A_2072 = tpu.memref_slice %arg11[%dma_start3A_2070, %dma_start3A_2071] : memref<64x128xf32, #tpu.memory_space<vmem>> -> memref<8x128xf32, #tpu.memory_space<vmem>>
      %dma_start3A_2073 = arith.constant 32 : i32
      %dma_start3A_2074 = tpu.memref_slice %arg3[%dma_start3A_2073, %multiple_of3A_2029] : memref<64x1000000xf32, #tpu.memory_space<hbm>> -> memref<8x128xf32, #tpu.memory_space<hbm>>
      %dma_start3A_2075 = arith.constant 32 : i32
      %dma_start3A_2076 = arith.constant 0 : i32
      %dma_start3A_2077 = tpu.memref_slice %arg11[%dma_start3A_2075, %dma_start3A_2076] : memref<64x128xf32, #tpu.memory_space<vmem>> -> memref<8x128xf32, #tpu.memory_space<vmem>>
      %dma_start3A_2078 = arith.constant 32 : i32
      %dma_start3A_2079 = tpu.memref_slice %arg3[%dma_start3A_2078, %multiple_of3A_2029] : memref<64x1000000xf32, #tpu.memory_space<hbm>> -> memref<8x128xf32, #tpu.memory_space<hbm>>
      tpu.enqueue_dma source(%dma_start3A_2079 : memref<8x128xf32, #tpu.memory_space<hbm>>) target(%dma_start3A_2077 : memref<8x128xf32, #tpu.memory_space<vmem>>) target_semaphore(%arg19 : memref<!tpu.dma_semaphore, #tpu.memory_space<semaphore_mem>>)
      %dma_start3A_2080 = arith.constant 40 : i32
      %dma_start3A_2081 = arith.constant 0 : i32
      %dma_start3A_2082 = tpu.memref_slice %arg11[%dma_start3A_2080, %dma_start3A_2081] : memref<64x128xf32, #tpu.memory_space<vmem>> -> memref<8x128xf32, #tpu.memory_space<vmem>>
      %dma_start3A_2083 = arith.constant 40 : i32
      %dma_start3A_2084 = tpu.memref_slice %arg3[%dma_start3A_2083, %multiple_of3A_2029] : memref<64x1000000xf32, #tpu.memory_space<hbm>> -> memref<8x128xf32, #tpu.memory_space<hbm>>
      %dma_start3A_2085 = arith.constant 40 : i32
      %dma_start3A_2086 = arith.constant 0 : i32
      %dma_start3A_2087 = tpu.memref_slice %arg11[%dma_start3A_2085, %dma_start3A_2086] : memref<64x128xf32, #tpu.memory_space<vmem>> -> memref<8x128xf32, #tpu.memory_space<vmem>>
      %dma_start3A_2088 = arith.constant 40 : i32
      %dma_start3A_2089 = tpu.memref_slice %arg3[%dma_start3A_2088, %multiple_of3A_2029] : memref<64x1000000xf32, #tpu.memory_space<hbm>> -> memref<8x128xf32, #tpu.memory_space<hbm>>
      tpu.enqueue_dma source(%dma_start3A_2089 : memref<8x128xf32, #tpu.memory_space<hbm>>) target(%dma_start3A_2087 : memref<8x128xf32, #tpu.memory_space<vmem>>) target_semaphore(%arg19 : memref<!tpu.dma_semaphore, #tpu.memory_space<semaphore_mem>>)
      %dma_start3A_2090 = arith.constant 48 : i32
      %dma_start3A_2091 = arith.constant 0 : i32
      %dma_start3A_2092 = tpu.memref_slice %arg11[%dma_start3A_2090, %dma_start3A_2091] : memref<64x128xf32, #tpu.memory_space<vmem>> -> memref<8x128xf32, #tpu.memory_space<vmem>>
      %dma_start3A_2093 = arith.constant 48 : i32
      %dma_start3A_2094 = tpu.memref_slice %arg3[%dma_start3A_2093, %multiple_of3A_2029] : memref<64x1000000xf32, #tpu.memory_space<hbm>> -> memref<8x128xf32, #tpu.memory_space<hbm>>
      %dma_start3A_2095 = arith.constant 48 : i32
      %dma_start3A_2096 = arith.constant 0 : i32
      %dma_start3A_2097 = tpu.memref_slice %arg11[%dma_start3A_2095, %dma_start3A_2096] : memref<64x128xf32, #tpu.memory_space<vmem>> -> memref<8x128xf32, #tpu.memory_space<vmem>>
      %dma_start3A_2098 = arith.constant 48 : i32
      %dma_start3A_2099 = tpu.memref_slice %arg3[%dma_start3A_2098, %multiple_of3A_2029] : memref<64x1000000xf32, #tpu.memory_space<hbm>> -> memref<8x128xf32, #tpu.memory_space<hbm>>
      tpu.enqueue_dma source(%dma_start3A_2099 : memref<8x128xf32, #tpu.memory_space<hbm>>) target(%dma_start3A_2097 : memref<8x128xf32, #tpu.memory_space<vmem>>) target_semaphore(%arg19 : memref<!tpu.dma_semaphore, #tpu.memory_space<semaphore_mem>>)
      %dma_start3A_2100 = arith.constant 56 : i32
      %dma_start3A_2101 = arith.constant 0 : i32
      %dma_start3A_2102 = tpu.memref_slice %arg11[%dma_start3A_2100, %dma_start3A_2101] : memref<64x128xf32, #tpu.memory_space<vmem>> -> memref<8x128xf32, #tpu.memory_space<vmem>>
      %dma_start3A_2103 = arith.constant 56 : i32
      %dma_start3A_2104 = tpu.memref_slice %arg3[%dma_start3A_2103, %multiple_of3A_2029] : memref<64x1000000xf32, #tpu.memory_space<hbm>> -> memref<8x128xf32, #tpu.memory_space<hbm>>
      %dma_start3A_2105 = arith.constant 56 : i32
      %dma_start3A_2106 = arith.constant 0 : i32
      %dma_start3A_2107 = tpu.memref_slice %arg11[%dma_start3A_2105, %dma_start3A_2106] : memref<64x128xf32, #tpu.memory_space<vmem>> -> memref<8x128xf32, #tpu.memory_space<vmem>>
      %dma_start3A_2108 = arith.constant 56 : i32
      %dma_start3A_2109 = tpu.memref_slice %arg3[%dma_start3A_2108, %multiple_of3A_2029] : memref<64x1000000xf32, #tpu.memory_space<hbm>> -> memref<8x128xf32, #tpu.memory_space<hbm>>
      tpu.enqueue_dma source(%dma_start3A_2109 : memref<8x128xf32, #tpu.memory_space<hbm>>) target(%dma_start3A_2107 : memref<8x128xf32, #tpu.memory_space<vmem>>) target_semaphore(%arg19 : memref<!tpu.dma_semaphore, #tpu.memory_space<semaphore_mem>>)
      %mul3A_2110 = arith.constant 8 : i32
      %mul3A_2111 = arith.muli %scan3A_1123, %mul3A_2110 : i32
      %add3A_2112 = arith.constant 5 : i32
      %add3A_2113 = arith.addi %mul3A_2111, %add3A_2112 : i32
      %jit3A_2114 = arith.constant 16 : i32
      %div3A_2115 = arith.divsi %add3A_2113, %jit3A_2114 : i32
      %sign3A_2116 = arith.constant 0 : i32
      %sign3A_2117 = arith.cmpi sgt, %add3A_2113, %sign3A_2116 : i32
      %sign3A_2118 = arith.extui %sign3A_2117 : i1 to i32
      %sign3A_2119 = arith.constant 0 : i32
      %sign3A_2120 = arith.cmpi slt, %add3A_2113, %sign3A_2119 : i32
      %sign3A_2121 = arith.extui %sign3A_2120 : i1 to i32
      %sign3A_2122 = arith.subi %sign3A_2118, %sign3A_2121 : i32
      %sign3A_2123 = arith.constant 0 : i32
      %sign3A_2124 = arith.cmpi sgt, %jit3A_2114, %sign3A_2123 : i32
      %sign3A_2125 = arith.extui %sign3A_2124 : i1 to i32
      %sign3A_2126 = arith.constant 0 : i32
      %sign3A_2127 = arith.cmpi slt, %jit3A_2114, %sign3A_2126 : i32
      %sign3A_2128 = arith.extui %sign3A_2127 : i1 to i32
      %sign3A_2129 = arith.subi %sign3A_2125, %sign3A_2128 : i32
      %ne3A_2130 = arith.cmpi ne, %sign3A_2122, %sign3A_2129 : i32
      %rem3A_2131 = arith.remsi %add3A_2113, %jit3A_2114 : i32
      %ne3A_2132 = arith.constant 0 : i32
      %ne3A_2133 = arith.cmpi ne, %rem3A_2131, %ne3A_2132 : i32
      %and3A_2134 = arith.andi %ne3A_2130, %ne3A_2133 : i1
      %sub3A_2135 = arith.constant 1 : i32
      %sub3A_2136 = arith.subi %div3A_2115, %sub3A_2135 : i32
      %select_n3A_2137 = arith.select %and3A_2134, %sub3A_2136, %div3A_2115 : i32
      %mul3A_2138 = arith.constant 16 : i32
      %mul3A_2139 = arith.muli %select_n3A_2137, %mul3A_2138 : i32
      %get3A_2140 = arith.index_cast %mul3A_2139 : i32 to index
      %get3A_2141 = tpu.vector_load %arg5[%get3A_2140] {strides = array<i32>} : memref<512xi32, #tpu.memory_space<vmem>>, vector<16xi32>,
      %iota3A_2142 = tpu.iota {dimensions = array<i32: 0>} : vector<16xi32>
      %sub3A_2143 = arith.subi %add3A_2113, %mul3A_2139 : i32
      %eq3A_2144 = vector.broadcast %sub3A_2143 : i32 to vector<16xi32>
      %eq3A_2145 = arith.cmpi eq, %iota3A_2142, %eq3A_2144 : vector<16xi32>
      %jit3A_2146 = arith.constant 0 : i32
      %broadcast_in_dim3A_2147 = vector.broadcast %jit3A_2146 : i32 to vector<16xi32>
      %select_n3A_2148 = arith.select %eq3A_2145, %get3A_2141, %broadcast_in_dim3A_2147 : vector<16xi1>, vector<16xi32>
      %reduce_sum3A_2149 = arith.constant true
      %reduce_sum3A_2150 = vector.broadcast %reduce_sum3A_2149 : i1 to vector<16xi1>
      %reduce_sum3A_2151 = tpu.scan <sum>, %select_n3A_2148 masked %reduce_sum3A_2150 : vector<16xi32>, vector<16xi1> -> vector<16xi32>
      %reduce_sum3A_2152 = vector.extract %reduce_sum3A_2151[15] : i32 from vector<16xi32>
      %dma_wait3A_2153 = arith.constant 0 : i32
      %dma_wait3A_2154 = arith.constant 0 : i32
      %dma_wait3A_2155 = tpu.memref_slice %arg3[%dma_wait3A_2153, %dma_wait3A_2154] : memref<64x1000000xf32, #tpu.memory_space<hbm>> -> memref<64x128xf32, #tpu.memory_space<hbm>>
      %dma_wait3A_2156 = arith.constant 0 : i32
      %dma_wait3A_2157 = arith.constant 0 : i32
      %dma_wait3A_2158 = tpu.memref_slice %arg3[%dma_wait3A_2156, %dma_wait3A_2157] : memref<64x1000000xf32, #tpu.memory_space<hbm>> -> memref<64x128xf32, #tpu.memory_space<hbm>>
      tpu.wait_dma2 semaphore(%arg20 : memref<!tpu.dma_semaphore, #tpu.memory_space<semaphore_mem>>) src(%dma_wait3A_2158 : memref<64x128xf32, #tpu.memory_space<hbm>>) dst(%arg12 : memref<64x128xf32, #tpu.memory_space<vmem>>)
      %and3A_2159 = arith.constant 127 : i32
      %and3A_2160 = arith.andi %reduce_sum3A_2152, %and3A_2159 : i32
      %broadcast_in_dim3A_2161 = vector.broadcast %and3A_2160 : i32 to vector<16xi32>
      %broadcast_in_dim3A_2162 = vector.broadcast %add3A_2113 : i32 to vector<16xi32>
      %iota3A_2163 = tpu.iota {dimensions = array<i32: 0>} : vector<16xi32>
      %add3A_2164 = arith.constant 0 : i32
      %add3A_2165 = vector.broadcast %add3A_2164 : i32 to vector<16xi32>
      %add3A_2166 = arith.addi %iota3A_2163, %add3A_2165 : vector<16xi32>
      %gather3A_2167 = tpu.vector_load_idx %arg12[%add3A_2166, %broadcast_in_dim3A_2161] : memref<64x128xf32, #tpu.memory_space<vmem>>[vector<16xi32>, vector<16xi32>], vector<16xf32>,
      tpu.vector_store_idx %arg6[%add3A_2166, %broadcast_in_dim3A_2162], %gather3A_2167 : memref<64x512xf32, #tpu.memory_space<vmem>>[vector<16xi32>, vector<16xi32>], vector<16xf32>,
      %iota3A_2168 = tpu.iota {dimensions = array<i32: 0>} : vector<16xi32>
      %add3A_2169 = arith.constant 16 : i32
      %add3A_2170 = vector.broadcast %add3A_2169 : i32 to vector<16xi32>
      %add3A_2171 = arith.addi %iota3A_2168, %add3A_2170 : vector<16xi32>
      %gather3A_2172 = tpu.vector_load_idx %arg12[%add3A_2171, %broadcast_in_dim3A_2161] : memref<64x128xf32, #tpu.memory_space<vmem>>[vector<16xi32>, vector<16xi32>], vector<16xf32>,
      tpu.vector_store_idx %arg6[%add3A_2171, %broadcast_in_dim3A_2162], %gather3A_2172 : memref<64x512xf32, #tpu.memory_space<vmem>>[vector<16xi32>, vector<16xi32>], vector<16xf32>,
      %iota3A_2173 = tpu.iota {dimensions = array<i32: 0>} : vector<16xi32>
      %add3A_2174 = arith.constant 32 : i32
      %add3A_2175 = vector.broadcast %add3A_2174 : i32 to vector<16xi32>
      %add3A_2176 = arith.addi %iota3A_2173, %add3A_2175 : vector<16xi32>
      %gather3A_2177 = tpu.vector_load_idx %arg12[%add3A_2176, %broadcast_in_dim3A_2161] : memref<64x128xf32, #tpu.memory_space<vmem>>[vector<16xi32>, vector<16xi32>], vector<16xf32>,
      tpu.vector_store_idx %arg6[%add3A_2176, %broadcast_in_dim3A_2162], %gather3A_2177 : memref<64x512xf32, #tpu.memory_space<vmem>>[vector<16xi32>, vector<16xi32>], vector<16xf32>,
      %iota3A_2178 = tpu.iota {dimensions = array<i32: 0>} : vector<16xi32>
      %add3A_2179 = arith.constant 48 : i32
      %add3A_2180 = vector.broadcast %add3A_2179 : i32 to vector<16xi32>
      %add3A_2181 = arith.addi %iota3A_2178, %add3A_2180 : vector<16xi32>
      %gather3A_2182 = tpu.vector_load_idx %arg12[%add3A_2181, %broadcast_in_dim3A_2161] : memref<64x128xf32, #tpu.memory_space<vmem>>[vector<16xi32>, vector<16xi32>], vector<16xf32>,
      tpu.vector_store_idx %arg6[%add3A_2181, %broadcast_in_dim3A_2162], %gather3A_2182 : memref<64x512xf32, #tpu.memory_space<vmem>>[vector<16xi32>, vector<16xi32>], vector<16xf32>,
      %add3A_2183 = arith.constant 8 : i32
      %add3A_2184 = arith.addi %add3A_2113, %add3A_2183 : i32
      %jit3A_2185 = arith.constant 16 : i32
      %div3A_2186 = arith.divsi %add3A_2184, %jit3A_2185 : i32
      %sign3A_2187 = arith.constant 0 : i32
      %sign3A_2188 = arith.cmpi sgt, %add3A_2184, %sign3A_2187 : i32
      %sign3A_2189 = arith.extui %sign3A_2188 : i1 to i32
      %sign3A_2190 = arith.constant 0 : i32
      %sign3A_2191 = arith.cmpi slt, %add3A_2184, %sign3A_2190 : i32
      %sign3A_2192 = arith.extui %sign3A_2191 : i1 to i32
      %sign3A_2193 = arith.subi %sign3A_2189, %sign3A_2192 : i32
      %sign3A_2194 = arith.constant 0 : i32
      %sign3A_2195 = arith.cmpi sgt, %jit3A_2185, %sign3A_2194 : i32
      %sign3A_2196 = arith.extui %sign3A_2195 : i1 to i32
      %sign3A_2197 = arith.constant 0 : i32
      %sign3A_2198 = arith.cmpi slt, %jit3A_2185, %sign3A_2197 : i32
      %sign3A_2199 = arith.extui %sign3A_2198 : i1 to i32
      %sign3A_2200 = arith.subi %sign3A_2196, %sign3A_2199 : i32
      %ne3A_2201 = arith.cmpi ne, %sign3A_2193, %sign3A_2200 : i32
      %rem3A_2202 = arith.remsi %add3A_2184, %jit3A_2185 : i32
      %ne3A_2203 = arith.constant 0 : i32
      %ne3A_2204 = arith.cmpi ne, %rem3A_2202, %ne3A_2203 : i32
      %and3A_2205 = arith.andi %ne3A_2201, %ne3A_2204 : i1
      %sub3A_2206 = arith.constant 1 : i32
      %sub3A_2207 = arith.subi %div3A_2186, %sub3A_2206 : i32
      %select_n3A_2208 = arith.select %and3A_2205, %sub3A_2207, %div3A_2186 : i32
      %mul3A_2209 = arith.constant 16 : i32
      %mul3A_2210 = arith.muli %select_n3A_2208, %mul3A_2209 : i32
      %get3A_2211 = arith.index_cast %mul3A_2210 : i32 to index
      %get3A_2212 = tpu.vector_load %arg5[%get3A_2211] {strides = array<i32>} : memref<512xi32, #tpu.memory_space<vmem>>, vector<16xi32>,
      %iota3A_2213 = tpu.iota {dimensions = array<i32: 0>} : vector<16xi32>
      %sub3A_2214 = arith.subi %add3A_2184, %mul3A_2210 : i32
      %eq3A_2215 = vector.broadcast %sub3A_2214 : i32 to vector<16xi32>
      %eq3A_2216 = arith.cmpi eq, %iota3A_2213, %eq3A_2215 : vector<16xi32>
      %jit3A_2217 = arith.constant 0 : i32
      %broadcast_in_dim3A_2218 = vector.broadcast %jit3A_2217 : i32 to vector<16xi32>
      %select_n3A_2219 = arith.select %eq3A_2216, %get3A_2212, %broadcast_in_dim3A_2218 : vector<16xi1>, vector<16xi32>
      %reduce_sum3A_2220 = arith.constant true
      %reduce_sum3A_2221 = vector.broadcast %reduce_sum3A_2220 : i1 to vector<16xi1>
      %reduce_sum3A_2222 = tpu.scan <sum>, %select_n3A_2219 masked %reduce_sum3A_2221 : vector<16xi32>, vector<16xi1> -> vector<16xi32>
      %reduce_sum3A_2223 = vector.extract %reduce_sum3A_2222[15] : i32 from vector<16xi32>
      %and3A_2224 = arith.constant 127 : i32
      %and3A_2225 = arith.andi %reduce_sum3A_2223, %and3A_2224 : i32
      %sub3A_2226 = arith.subi %reduce_sum3A_2223, %and3A_2225 : i32
      %multiple_of3A_2227 = tpu.assume_multiple %sub3A_2226, 128 : i32
      %dma_start3A_2228 = arith.constant 0 : i32
      %dma_start3A_2229 = arith.constant 0 : i32
      %dma_start3A_2230 = tpu.memref_slice %arg12[%dma_start3A_2228, %dma_start3A_2229] : memref<64x128xf32, #tpu.memory_space<vmem>> -> memref<8x128xf32, #tpu.memory_space<vmem>>
      %dma_start3A_2231 = arith.constant 0 : i32
      %dma_start3A_2232 = tpu.memref_slice %arg3[%dma_start3A_2231, %multiple_of3A_2227] : memref<64x1000000xf32, #tpu.memory_space<hbm>> -> memref<8x128xf32, #tpu.memory_space<hbm>>
      %dma_start3A_2233 = arith.constant 0 : i32
      %dma_start3A_2234 = arith.constant 0 : i32
      %dma_start3A_2235 = tpu.memref_slice %arg12[%dma_start3A_2233, %dma_start3A_2234] : memref<64x128xf32, #tpu.memory_space<vmem>> -> memref<8x128xf32, #tpu.memory_space<vmem>>
      %dma_start3A_2236 = arith.constant 0 : i32
      %dma_start3A_2237 = tpu.memref_slice %arg3[%dma_start3A_2236, %multiple_of3A_2227] : memref<64x1000000xf32, #tpu.memory_space<hbm>> -> memref<8x128xf32, #tpu.memory_space<hbm>>
      tpu.enqueue_dma source(%dma_start3A_2237 : memref<8x128xf32, #tpu.memory_space<hbm>>) target(%dma_start3A_2235 : memref<8x128xf32, #tpu.memory_space<vmem>>) target_semaphore(%arg20 : memref<!tpu.dma_semaphore, #tpu.memory_space<semaphore_mem>>)
      %dma_start3A_2238 = arith.constant 8 : i32
      %dma_start3A_2239 = arith.constant 0 : i32
      %dma_start3A_2240 = tpu.memref_slice %arg12[%dma_start3A_2238, %dma_start3A_2239] : memref<64x128xf32, #tpu.memory_space<vmem>> -> memref<8x128xf32, #tpu.memory_space<vmem>>
      %dma_start3A_2241 = arith.constant 8 : i32
      %dma_start3A_2242 = tpu.memref_slice %arg3[%dma_start3A_2241, %multiple_of3A_2227] : memref<64x1000000xf32, #tpu.memory_space<hbm>> -> memref<8x128xf32, #tpu.memory_space<hbm>>
      %dma_start3A_2243 = arith.constant 8 : i32
      %dma_start3A_2244 = arith.constant 0 : i32
      %dma_start3A_2245 = tpu.memref_slice %arg12[%dma_start3A_2243, %dma_start3A_2244] : memref<64x128xf32, #tpu.memory_space<vmem>> -> memref<8x128xf32, #tpu.memory_space<vmem>>
      %dma_start3A_2246 = arith.constant 8 : i32
      %dma_start3A_2247 = tpu.memref_slice %arg3[%dma_start3A_2246, %multiple_of3A_2227] : memref<64x1000000xf32, #tpu.memory_space<hbm>> -> memref<8x128xf32, #tpu.memory_space<hbm>>
      tpu.enqueue_dma source(%dma_start3A_2247 : memref<8x128xf32, #tpu.memory_space<hbm>>) target(%dma_start3A_2245 : memref<8x128xf32, #tpu.memory_space<vmem>>) target_semaphore(%arg20 : memref<!tpu.dma_semaphore, #tpu.memory_space<semaphore_mem>>)
      %dma_start3A_2248 = arith.constant 16 : i32
      %dma_start3A_2249 = arith.constant 0 : i32
      %dma_start3A_2250 = tpu.memref_slice %arg12[%dma_start3A_2248, %dma_start3A_2249] : memref<64x128xf32, #tpu.memory_space<vmem>> -> memref<8x128xf32, #tpu.memory_space<vmem>>
      %dma_start3A_2251 = arith.constant 16 : i32
      %dma_start3A_2252 = tpu.memref_slice %arg3[%dma_start3A_2251, %multiple_of3A_2227] : memref<64x1000000xf32, #tpu.memory_space<hbm>> -> memref<8x128xf32, #tpu.memory_space<hbm>>
      %dma_start3A_2253 = arith.constant 16 : i32
      %dma_start3A_2254 = arith.constant 0 : i32
      %dma_start3A_2255 = tpu.memref_slice %arg12[%dma_start3A_2253, %dma_start3A_2254] : memref<64x128xf32, #tpu.memory_space<vmem>> -> memref<8x128xf32, #tpu.memory_space<vmem>>
      %dma_start3A_2256 = arith.constant 16 : i32
      %dma_start3A_2257 = tpu.memref_slice %arg3[%dma_start3A_2256, %multiple_of3A_2227] : memref<64x1000000xf32, #tpu.memory_space<hbm>> -> memref<8x128xf32, #tpu.memory_space<hbm>>
      tpu.enqueue_dma source(%dma_start3A_2257 : memref<8x128xf32, #tpu.memory_space<hbm>>) target(%dma_start3A_2255 : memref<8x128xf32, #tpu.memory_space<vmem>>) target_semaphore(%arg20 : memref<!tpu.dma_semaphore, #tpu.memory_space<semaphore_mem>>)
      %dma_start3A_2258 = arith.constant 24 : i32
      %dma_start3A_2259 = arith.constant 0 : i32
      %dma_start3A_2260 = tpu.memref_slice %arg12[%dma_start3A_2258, %dma_start3A_2259] : memref<64x128xf32, #tpu.memory_space<vmem>> -> memref<8x128xf32, #tpu.memory_space<vmem>>
      %dma_start3A_2261 = arith.constant 24 : i32
      %dma_start3A_2262 = tpu.memref_slice %arg3[%dma_start3A_2261, %multiple_of3A_2227] : memref<64x1000000xf32, #tpu.memory_space<hbm>> -> memref<8x128xf32, #tpu.memory_space<hbm>>
      %dma_start3A_2263 = arith.constant 24 : i32
      %dma_start3A_2264 = arith.constant 0 : i32
      %dma_start3A_2265 = tpu.memref_slice %arg12[%dma_start3A_2263, %dma_start3A_2264] : memref<64x128xf32, #tpu.memory_space<vmem>> -> memref<8x128xf32, #tpu.memory_space<vmem>>
      %dma_start3A_2266 = arith.constant 24 : i32
      %dma_start3A_2267 = tpu.memref_slice %arg3[%dma_start3A_2266, %multiple_of3A_2227] : memref<64x1000000xf32, #tpu.memory_space<hbm>> -> memref<8x128xf32, #tpu.memory_space<hbm>>
      tpu.enqueue_dma source(%dma_start3A_2267 : memref<8x128xf32, #tpu.memory_space<hbm>>) target(%dma_start3A_2265 : memref<8x128xf32, #tpu.memory_space<vmem>>) target_semaphore(%arg20 : memref<!tpu.dma_semaphore, #tpu.memory_space<semaphore_mem>>)
      %dma_start3A_2268 = arith.constant 32 : i32
      %dma_start3A_2269 = arith.constant 0 : i32
      %dma_start3A_2270 = tpu.memref_slice %arg12[%dma_start3A_2268, %dma_start3A_2269] : memref<64x128xf32, #tpu.memory_space<vmem>> -> memref<8x128xf32, #tpu.memory_space<vmem>>
      %dma_start3A_2271 = arith.constant 32 : i32
      %dma_start3A_2272 = tpu.memref_slice %arg3[%dma_start3A_2271, %multiple_of3A_2227] : memref<64x1000000xf32, #tpu.memory_space<hbm>> -> memref<8x128xf32, #tpu.memory_space<hbm>>
      %dma_start3A_2273 = arith.constant 32 : i32
      %dma_start3A_2274 = arith.constant 0 : i32
      %dma_start3A_2275 = tpu.memref_slice %arg12[%dma_start3A_2273, %dma_start3A_2274] : memref<64x128xf32, #tpu.memory_space<vmem>> -> memref<8x128xf32, #tpu.memory_space<vmem>>
      %dma_start3A_2276 = arith.constant 32 : i32
      %dma_start3A_2277 = tpu.memref_slice %arg3[%dma_start3A_2276, %multiple_of3A_2227] : memref<64x1000000xf32, #tpu.memory_space<hbm>> -> memref<8x128xf32, #tpu.memory_space<hbm>>
      tpu.enqueue_dma source(%dma_start3A_2277 : memref<8x128xf32, #tpu.memory_space<hbm>>) target(%dma_start3A_2275 : memref<8x128xf32, #tpu.memory_space<vmem>>) target_semaphore(%arg20 : memref<!tpu.dma_semaphore, #tpu.memory_space<semaphore_mem>>)
      %dma_start3A_2278 = arith.constant 40 : i32
      %dma_start3A_2279 = arith.constant 0 : i32
      %dma_start3A_2280 = tpu.memref_slice %arg12[%dma_start3A_2278, %dma_start3A_2279] : memref<64x128xf32, #tpu.memory_space<vmem>> -> memref<8x128xf32, #tpu.memory_space<vmem>>
      %dma_start3A_2281 = arith.constant 40 : i32
      %dma_start3A_2282 = tpu.memref_slice %arg3[%dma_start3A_2281, %multiple_of3A_2227] : memref<64x1000000xf32, #tpu.memory_space<hbm>> -> memref<8x128xf32, #tpu.memory_space<hbm>>
      %dma_start3A_2283 = arith.constant 40 : i32
      %dma_start3A_2284 = arith.constant 0 : i32
      %dma_start3A_2285 = tpu.memref_slice %arg12[%dma_start3A_2283, %dma_start3A_2284] : memref<64x128xf32, #tpu.memory_space<vmem>> -> memref<8x128xf32, #tpu.memory_space<vmem>>
      %dma_start3A_2286 = arith.constant 40 : i32
      %dma_start3A_2287 = tpu.memref_slice %arg3[%dma_start3A_2286, %multiple_of3A_2227] : memref<64x1000000xf32, #tpu.memory_space<hbm>> -> memref<8x128xf32, #tpu.memory_space<hbm>>
      tpu.enqueue_dma source(%dma_start3A_2287 : memref<8x128xf32, #tpu.memory_space<hbm>>) target(%dma_start3A_2285 : memref<8x128xf32, #tpu.memory_space<vmem>>) target_semaphore(%arg20 : memref<!tpu.dma_semaphore, #tpu.memory_space<semaphore_mem>>)
      %dma_start3A_2288 = arith.constant 48 : i32
      %dma_start3A_2289 = arith.constant 0 : i32
      %dma_start3A_2290 = tpu.memref_slice %arg12[%dma_start3A_2288, %dma_start3A_2289] : memref<64x128xf32, #tpu.memory_space<vmem>> -> memref<8x128xf32, #tpu.memory_space<vmem>>
      %dma_start3A_2291 = arith.constant 48 : i32
      %dma_start3A_2292 = tpu.memref_slice %arg3[%dma_start3A_2291, %multiple_of3A_2227] : memref<64x1000000xf32, #tpu.memory_space<hbm>> -> memref<8x128xf32, #tpu.memory_space<hbm>>
      %dma_start3A_2293 = arith.constant 48 : i32
      %dma_start3A_2294 = arith.constant 0 : i32
      %dma_start3A_2295 = tpu.memref_slice %arg12[%dma_start3A_2293, %dma_start3A_2294] : memref<64x128xf32, #tpu.memory_space<vmem>> -> memref<8x128xf32, #tpu.memory_space<vmem>>
      %dma_start3A_2296 = arith.constant 48 : i32
      %dma_start3A_2297 = tpu.memref_slice %arg3[%dma_start3A_2296, %multiple_of3A_2227] : memref<64x1000000xf32, #tpu.memory_space<hbm>> -> memref<8x128xf32, #tpu.memory_space<hbm>>
      tpu.enqueue_dma source(%dma_start3A_2297 : memref<8x128xf32, #tpu.memory_space<hbm>>) target(%dma_start3A_2295 : memref<8x128xf32, #tpu.memory_space<vmem>>) target_semaphore(%arg20 : memref<!tpu.dma_semaphore, #tpu.memory_space<semaphore_mem>>)
      %dma_start3A_2298 = arith.constant 56 : i32
      %dma_start3A_2299 = arith.constant 0 : i32
      %dma_start3A_2300 = tpu.memref_slice %arg12[%dma_start3A_2298, %dma_start3A_2299] : memref<64x128xf32, #tpu.memory_space<vmem>> -> memref<8x128xf32, #tpu.memory_space<vmem>>
      %dma_start3A_2301 = arith.constant 56 : i32
      %dma_start3A_2302 = tpu.memref_slice %arg3[%dma_start3A_2301, %multiple_of3A_2227] : memref<64x1000000xf32, #tpu.memory_space<hbm>> -> memref<8x128xf32, #tpu.memory_space<hbm>>
      %dma_start3A_2303 = arith.constant 56 : i32
      %dma_start3A_2304 = arith.constant 0 : i32
      %dma_start3A_2305 = tpu.memref_slice %arg12[%dma_start3A_2303, %dma_start3A_2304] : memref<64x128xf32, #tpu.memory_space<vmem>> -> memref<8x128xf32, #tpu.memory_space<vmem>>
      %dma_start3A_2306 = arith.constant 56 : i32
      %dma_start3A_2307 = tpu.memref_slice %arg3[%dma_start3A_2306, %multiple_of3A_2227] : memref<64x1000000xf32, #tpu.memory_space<hbm>> -> memref<8x128xf32, #tpu.memory_space<hbm>>
      tpu.enqueue_dma source(%dma_start3A_2307 : memref<8x128xf32, #tpu.memory_space<hbm>>) target(%dma_start3A_2305 : memref<8x128xf32, #tpu.memory_space<vmem>>) target_semaphore(%arg20 : memref<!tpu.dma_semaphore, #tpu.memory_space<semaphore_mem>>)
      %mul3A_2308 = arith.constant 8 : i32
      %mul3A_2309 = arith.muli %scan3A_1123, %mul3A_2308 : i32
      %add3A_2310 = arith.constant 6 : i32
      %add3A_2311 = arith.addi %mul3A_2309, %add3A_2310 : i32
      %jit3A_2312 = arith.constant 16 : i32
      %div3A_2313 = arith.divsi %add3A_2311, %jit3A_2312 : i32
      %sign3A_2314 = arith.constant 0 : i32
      %sign3A_2315 = arith.cmpi sgt, %add3A_2311, %sign3A_2314 : i32
      %sign3A_2316 = arith.extui %sign3A_2315 : i1 to i32
      %sign3A_2317 = arith.constant 0 : i32
      %sign3A_2318 = arith.cmpi slt, %add3A_2311, %sign3A_2317 : i32
      %sign3A_2319 = arith.extui %sign3A_2318 : i1 to i32
      %sign3A_2320 = arith.subi %sign3A_2316, %sign3A_2319 : i32
      %sign3A_2321 = arith.constant 0 : i32
      %sign3A_2322 = arith.cmpi sgt, %jit3A_2312, %sign3A_2321 : i32
      %sign3A_2323 = arith.extui %sign3A_2322 : i1 to i32
      %sign3A_2324 = arith.constant 0 : i32
      %sign3A_2325 = arith.cmpi slt, %jit3A_2312, %sign3A_2324 : i32
      %sign3A_2326 = arith.extui %sign3A_2325 : i1 to i32
      %sign3A_2327 = arith.subi %sign3A_2323, %sign3A_2326 : i32
      %ne3A_2328 = arith.cmpi ne, %sign3A_2320, %sign3A_2327 : i32
      %rem3A_2329 = arith.remsi %add3A_2311, %jit3A_2312 : i32
      %ne3A_2330 = arith.constant 0 : i32
      %ne3A_2331 = arith.cmpi ne, %rem3A_2329, %ne3A_2330 : i32
      %and3A_2332 = arith.andi %ne3A_2328, %ne3A_2331 : i1
      %sub3A_2333 = arith.constant 1 : i32
      %sub3A_2334 = arith.subi %div3A_2313, %sub3A_2333 : i32
      %select_n3A_2335 = arith.select %and3A_2332, %sub3A_2334, %div3A_2313 : i32
      %mul3A_2336 = arith.constant 16 : i32
      %mul3A_2337 = arith.muli %select_n3A_2335, %mul3A_2336 : i32
      %get3A_2338 = arith.index_cast %mul3A_2337 : i32 to index
      %get3A_2339 = tpu.vector_load %arg5[%get3A_2338] {strides = array<i32>} : memref<512xi32, #tpu.memory_space<vmem>>, vector<16xi32>,
      %iota3A_2340 = tpu.iota {dimensions = array<i32: 0>} : vector<16xi32>
      %sub3A_2341 = arith.subi %add3A_2311, %mul3A_2337 : i32
      %eq3A_2342 = vector.broadcast %sub3A_2341 : i32 to vector<16xi32>
      %eq3A_2343 = arith.cmpi eq, %iota3A_2340, %eq3A_2342 : vector<16xi32>
      %jit3A_2344 = arith.constant 0 : i32
      %broadcast_in_dim3A_2345 = vector.broadcast %jit3A_2344 : i32 to vector<16xi32>
      %select_n3A_2346 = arith.select %eq3A_2343, %get3A_2339, %broadcast_in_dim3A_2345 : vector<16xi1>, vector<16xi32>
      %reduce_sum3A_2347 = arith.constant true
      %reduce_sum3A_2348 = vector.broadcast %reduce_sum3A_2347 : i1 to vector<16xi1>
      %reduce_sum3A_2349 = tpu.scan <sum>, %select_n3A_2346 masked %reduce_sum3A_2348 : vector<16xi32>, vector<16xi1> -> vector<16xi32>
      %reduce_sum3A_2350 = vector.extract %reduce_sum3A_2349[15] : i32 from vector<16xi32>
      %dma_wait3A_2351 = arith.constant 0 : i32
      %dma_wait3A_2352 = arith.constant 0 : i32
      %dma_wait3A_2353 = tpu.memref_slice %arg3[%dma_wait3A_2351, %dma_wait3A_2352] : memref<64x1000000xf32, #tpu.memory_space<hbm>> -> memref<64x128xf32, #tpu.memory_space<hbm>>
      %dma_wait3A_2354 = arith.constant 0 : i32
      %dma_wait3A_2355 = arith.constant 0 : i32
      %dma_wait3A_2356 = tpu.memref_slice %arg3[%dma_wait3A_2354, %dma_wait3A_2355] : memref<64x1000000xf32, #tpu.memory_space<hbm>> -> memref<64x128xf32, #tpu.memory_space<hbm>>
      tpu.wait_dma2 semaphore(%arg21 : memref<!tpu.dma_semaphore, #tpu.memory_space<semaphore_mem>>) src(%dma_wait3A_2356 : memref<64x128xf32, #tpu.memory_space<hbm>>) dst(%arg13 : memref<64x128xf32, #tpu.memory_space<vmem>>)
      %and3A_2357 = arith.constant 127 : i32
      %and3A_2358 = arith.andi %reduce_sum3A_2350, %and3A_2357 : i32
      %broadcast_in_dim3A_2359 = vector.broadcast %and3A_2358 : i32 to vector<16xi32>
      %broadcast_in_dim3A_2360 = vector.broadcast %add3A_2311 : i32 to vector<16xi32>
      %iota3A_2361 = tpu.iota {dimensions = array<i32: 0>} : vector<16xi32>
      %add3A_2362 = arith.constant 0 : i32
      %add3A_2363 = vector.broadcast %add3A_2362 : i32 to vector<16xi32>
      %add3A_2364 = arith.addi %iota3A_2361, %add3A_2363 : vector<16xi32>
      %gather3A_2365 = tpu.vector_load_idx %arg13[%add3A_2364, %broadcast_in_dim3A_2359] : memref<64x128xf32, #tpu.memory_space<vmem>>[vector<16xi32>, vector<16xi32>], vector<16xf32>,
      tpu.vector_store_idx %arg6[%add3A_2364, %broadcast_in_dim3A_2360], %gather3A_2365 : memref<64x512xf32, #tpu.memory_space<vmem>>[vector<16xi32>, vector<16xi32>], vector<16xf32>,
      %iota3A_2366 = tpu.iota {dimensions = array<i32: 0>} : vector<16xi32>
      %add3A_2367 = arith.constant 16 : i32
      %add3A_2368 = vector.broadcast %add3A_2367 : i32 to vector<16xi32>
      %add3A_2369 = arith.addi %iota3A_2366, %add3A_2368 : vector<16xi32>
      %gather3A_2370 = tpu.vector_load_idx %arg13[%add3A_2369, %broadcast_in_dim3A_2359] : memref<64x128xf32, #tpu.memory_space<vmem>>[vector<16xi32>, vector<16xi32>], vector<16xf32>,
      tpu.vector_store_idx %arg6[%add3A_2369, %broadcast_in_dim3A_2360], %gather3A_2370 : memref<64x512xf32, #tpu.memory_space<vmem>>[vector<16xi32>, vector<16xi32>], vector<16xf32>,
      %iota3A_2371 = tpu.iota {dimensions = array<i32: 0>} : vector<16xi32>
      %add3A_2372 = arith.constant 32 : i32
      %add3A_2373 = vector.broadcast %add3A_2372 : i32 to vector<16xi32>
      %add3A_2374 = arith.addi %iota3A_2371, %add3A_2373 : vector<16xi32>
      %gather3A_2375 = tpu.vector_load_idx %arg13[%add3A_2374, %broadcast_in_dim3A_2359] : memref<64x128xf32, #tpu.memory_space<vmem>>[vector<16xi32>, vector<16xi32>], vector<16xf32>,
      tpu.vector_store_idx %arg6[%add3A_2374, %broadcast_in_dim3A_2360], %gather3A_2375 : memref<64x512xf32, #tpu.memory_space<vmem>>[vector<16xi32>, vector<16xi32>], vector<16xf32>,
      %iota3A_2376 = tpu.iota {dimensions = array<i32: 0>} : vector<16xi32>
      %add3A_2377 = arith.constant 48 : i32
      %add3A_2378 = vector.broadcast %add3A_2377 : i32 to vector<16xi32>
      %add3A_2379 = arith.addi %iota3A_2376, %add3A_2378 : vector<16xi32>
      %gather3A_2380 = tpu.vector_load_idx %arg13[%add3A_2379, %broadcast_in_dim3A_2359] : memref<64x128xf32, #tpu.memory_space<vmem>>[vector<16xi32>, vector<16xi32>], vector<16xf32>,
      tpu.vector_store_idx %arg6[%add3A_2379, %broadcast_in_dim3A_2360], %gather3A_2380 : memref<64x512xf32, #tpu.memory_space<vmem>>[vector<16xi32>, vector<16xi32>], vector<16xf32>,
      %add3A_2381 = arith.constant 8 : i32
      %add3A_2382 = arith.addi %add3A_2311, %add3A_2381 : i32
      %jit3A_2383 = arith.constant 16 : i32
      %div3A_2384 = arith.divsi %add3A_2382, %jit3A_2383 : i32
      %sign3A_2385 = arith.constant 0 : i32
      %sign3A_2386 = arith.cmpi sgt, %add3A_2382, %sign3A_2385 : i32
      %sign3A_2387 = arith.extui %sign3A_2386 : i1 to i32
      %sign3A_2388 = arith.constant 0 : i32
      %sign3A_2389 = arith.cmpi slt, %add3A_2382, %sign3A_2388 : i32
      %sign3A_2390 = arith.extui %sign3A_2389 : i1 to i32
      %sign3A_2391 = arith.subi %sign3A_2387, %sign3A_2390 : i32
      %sign3A_2392 = arith.constant 0 : i32
      %sign3A_2393 = arith.cmpi sgt, %jit3A_2383, %sign3A_2392 : i32
      %sign3A_2394 = arith.extui %sign3A_2393 : i1 to i32
      %sign3A_2395 = arith.constant 0 : i32
      %sign3A_2396 = arith.cmpi slt, %jit3A_2383, %sign3A_2395 : i32
      %sign3A_2397 = arith.extui %sign3A_2396 : i1 to i32
      %sign3A_2398 = arith.subi %sign3A_2394, %sign3A_2397 : i32
      %ne3A_2399 = arith.cmpi ne, %sign3A_2391, %sign3A_2398 : i32
      %rem3A_2400 = arith.remsi %add3A_2382, %jit3A_2383 : i32
      %ne3A_2401 = arith.constant 0 : i32
      %ne3A_2402 = arith.cmpi ne, %rem3A_2400, %ne3A_2401 : i32
      %and3A_2403 = arith.andi %ne3A_2399, %ne3A_2402 : i1
      %sub3A_2404 = arith.constant 1 : i32
      %sub3A_2405 = arith.subi %div3A_2384, %sub3A_2404 : i32
      %select_n3A_2406 = arith.select %and3A_2403, %sub3A_2405, %div3A_2384 : i32
      %mul3A_2407 = arith.constant 16 : i32
      %mul3A_2408 = arith.muli %select_n3A_2406, %mul3A_2407 : i32
      %get3A_2409 = arith.index_cast %mul3A_2408 : i32 to index
      %get3A_2410 = tpu.vector_load %arg5[%get3A_2409] {strides = array<i32>} : memref<512xi32, #tpu.memory_space<vmem>>, vector<16xi32>,
      %iota3A_2411 = tpu.iota {dimensions = array<i32: 0>} : vector<16xi32>
      %sub3A_2412 = arith.subi %add3A_2382, %mul3A_2408 : i32
      %eq3A_2413 = vector.broadcast %sub3A_2412 : i32 to vector<16xi32>
      %eq3A_2414 = arith.cmpi eq, %iota3A_2411, %eq3A_2413 : vector<16xi32>
      %jit3A_2415 = arith.constant 0 : i32
      %broadcast_in_dim3A_2416 = vector.broadcast %jit3A_2415 : i32 to vector<16xi32>
      %select_n3A_2417 = arith.select %eq3A_2414, %get3A_2410, %broadcast_in_dim3A_2416 : vector<16xi1>, vector<16xi32>
      %reduce_sum3A_2418 = arith.constant true
      %reduce_sum3A_2419 = vector.broadcast %reduce_sum3A_2418 : i1 to vector<16xi1>
      %reduce_sum3A_2420 = tpu.scan <sum>, %select_n3A_2417 masked %reduce_sum3A_2419 : vector<16xi32>, vector<16xi1> -> vector<16xi32>
      %reduce_sum3A_2421 = vector.extract %reduce_sum3A_2420[15] : i32 from vector<16xi32>
      %and3A_2422 = arith.constant 127 : i32
      %and3A_2423 = arith.andi %reduce_sum3A_2421, %and3A_2422 : i32
      %sub3A_2424 = arith.subi %reduce_sum3A_2421, %and3A_2423 : i32
      %multiple_of3A_2425 = tpu.assume_multiple %sub3A_2424, 128 : i32
      %dma_start3A_2426 = arith.constant 0 : i32
      %dma_start3A_2427 = arith.constant 0 : i32
      %dma_start3A_2428 = tpu.memref_slice %arg13[%dma_start3A_2426, %dma_start3A_2427] : memref<64x128xf32, #tpu.memory_space<vmem>> -> memref<8x128xf32, #tpu.memory_space<vmem>>
      %dma_start3A_2429 = arith.constant 0 : i32
      %dma_start3A_2430 = tpu.memref_slice %arg3[%dma_start3A_2429, %multiple_of3A_2425] : memref<64x1000000xf32, #tpu.memory_space<hbm>> -> memref<8x128xf32, #tpu.memory_space<hbm>>
      %dma_start3A_2431 = arith.constant 0 : i32
      %dma_start3A_2432 = arith.constant 0 : i32
      %dma_start3A_2433 = tpu.memref_slice %arg13[%dma_start3A_2431, %dma_start3A_2432] : memref<64x128xf32, #tpu.memory_space<vmem>> -> memref<8x128xf32, #tpu.memory_space<vmem>>
      %dma_start3A_2434 = arith.constant 0 : i32
      %dma_start3A_2435 = tpu.memref_slice %arg3[%dma_start3A_2434, %multiple_of3A_2425] : memref<64x1000000xf32, #tpu.memory_space<hbm>> -> memref<8x128xf32, #tpu.memory_space<hbm>>
      tpu.enqueue_dma source(%dma_start3A_2435 : memref<8x128xf32, #tpu.memory_space<hbm>>) target(%dma_start3A_2433 : memref<8x128xf32, #tpu.memory_space<vmem>>) target_semaphore(%arg21 : memref<!tpu.dma_semaphore, #tpu.memory_space<semaphore_mem>>)
      %dma_start3A_2436 = arith.constant 8 : i32
      %dma_start3A_2437 = arith.constant 0 : i32
      %dma_start3A_2438 = tpu.memref_slice %arg13[%dma_start3A_2436, %dma_start3A_2437] : memref<64x128xf32, #tpu.memory_space<vmem>> -> memref<8x128xf32, #tpu.memory_space<vmem>>
      %dma_start3A_2439 = arith.constant 8 : i32
      %dma_start3A_2440 = tpu.memref_slice %arg3[%dma_start3A_2439, %multiple_of3A_2425] : memref<64x1000000xf32, #tpu.memory_space<hbm>> -> memref<8x128xf32, #tpu.memory_space<hbm>>
      %dma_start3A_2441 = arith.constant 8 : i32
      %dma_start3A_2442 = arith.constant 0 : i32
      %dma_start3A_2443 = tpu.memref_slice %arg13[%dma_start3A_2441, %dma_start3A_2442] : memref<64x128xf32, #tpu.memory_space<vmem>> -> memref<8x128xf32, #tpu.memory_space<vmem>>
      %dma_start3A_2444 = arith.constant 8 : i32
      %dma_start3A_2445 = tpu.memref_slice %arg3[%dma_start3A_2444, %multiple_of3A_2425] : memref<64x1000000xf32, #tpu.memory_space<hbm>> -> memref<8x128xf32, #tpu.memory_space<hbm>>
      tpu.enqueue_dma source(%dma_start3A_2445 : memref<8x128xf32, #tpu.memory_space<hbm>>) target(%dma_start3A_2443 : memref<8x128xf32, #tpu.memory_space<vmem>>) target_semaphore(%arg21 : memref<!tpu.dma_semaphore, #tpu.memory_space<semaphore_mem>>)
      %dma_start3A_2446 = arith.constant 16 : i32
      %dma_start3A_2447 = arith.constant 0 : i32
      %dma_start3A_2448 = tpu.memref_slice %arg13[%dma_start3A_2446, %dma_start3A_2447] : memref<64x128xf32, #tpu.memory_space<vmem>> -> memref<8x128xf32, #tpu.memory_space<vmem>>
      %dma_start3A_2449 = arith.constant 16 : i32
      %dma_start3A_2450 = tpu.memref_slice %arg3[%dma_start3A_2449, %multiple_of3A_2425] : memref<64x1000000xf32, #tpu.memory_space<hbm>> -> memref<8x128xf32, #tpu.memory_space<hbm>>
      %dma_start3A_2451 = arith.constant 16 : i32
      %dma_start3A_2452 = arith.constant 0 : i32
      %dma_start3A_2453 = tpu.memref_slice %arg13[%dma_start3A_2451, %dma_start3A_2452] : memref<64x128xf32, #tpu.memory_space<vmem>> -> memref<8x128xf32, #tpu.memory_space<vmem>>
      %dma_start3A_2454 = arith.constant 16 : i32
      %dma_start3A_2455 = tpu.memref_slice %arg3[%dma_start3A_2454, %multiple_of3A_2425] : memref<64x1000000xf32, #tpu.memory_space<hbm>> -> memref<8x128xf32, #tpu.memory_space<hbm>>
      tpu.enqueue_dma source(%dma_start3A_2455 : memref<8x128xf32, #tpu.memory_space<hbm>>) target(%dma_start3A_2453 : memref<8x128xf32, #tpu.memory_space<vmem>>) target_semaphore(%arg21 : memref<!tpu.dma_semaphore, #tpu.memory_space<semaphore_mem>>)
      %dma_start3A_2456 = arith.constant 24 : i32
      %dma_start3A_2457 = arith.constant 0 : i32
      %dma_start3A_2458 = tpu.memref_slice %arg13[%dma_start3A_2456, %dma_start3A_2457] : memref<64x128xf32, #tpu.memory_space<vmem>> -> memref<8x128xf32, #tpu.memory_space<vmem>>
      %dma_start3A_2459 = arith.constant 24 : i32
      %dma_start3A_2460 = tpu.memref_slice %arg3[%dma_start3A_2459, %multiple_of3A_2425] : memref<64x1000000xf32, #tpu.memory_space<hbm>> -> memref<8x128xf32, #tpu.memory_space<hbm>>
      %dma_start3A_2461 = arith.constant 24 : i32
      %dma_start3A_2462 = arith.constant 0 : i32
      %dma_start3A_2463 = tpu.memref_slice %arg13[%dma_start3A_2461, %dma_start3A_2462] : memref<64x128xf32, #tpu.memory_space<vmem>> -> memref<8x128xf32, #tpu.memory_space<vmem>>
      %dma_start3A_2464 = arith.constant 24 : i32
      %dma_start3A_2465 = tpu.memref_slice %arg3[%dma_start3A_2464, %multiple_of3A_2425] : memref<64x1000000xf32, #tpu.memory_space<hbm>> -> memref<8x128xf32, #tpu.memory_space<hbm>>
      tpu.enqueue_dma source(%dma_start3A_2465 : memref<8x128xf32, #tpu.memory_space<hbm>>) target(%dma_start3A_2463 : memref<8x128xf32, #tpu.memory_space<vmem>>) target_semaphore(%arg21 : memref<!tpu.dma_semaphore, #tpu.memory_space<semaphore_mem>>)
      %dma_start3A_2466 = arith.constant 32 : i32
      %dma_start3A_2467 = arith.constant 0 : i32
      %dma_start3A_2468 = tpu.memref_slice %arg13[%dma_start3A_2466, %dma_start3A_2467] : memref<64x128xf32, #tpu.memory_space<vmem>> -> memref<8x128xf32, #tpu.memory_space<vmem>>
      %dma_start3A_2469 = arith.constant 32 : i32
      %dma_start3A_2470 = tpu.memref_slice %arg3[%dma_start3A_2469, %multiple_of3A_2425] : memref<64x1000000xf32, #tpu.memory_space<hbm>> -> memref<8x128xf32, #tpu.memory_space<hbm>>
      %dma_start3A_2471 = arith.constant 32 : i32
      %dma_start3A_2472 = arith.constant 0 : i32
      %dma_start3A_2473 = tpu.memref_slice %arg13[%dma_start3A_2471, %dma_start3A_2472] : memref<64x128xf32, #tpu.memory_space<vmem>> -> memref<8x128xf32, #tpu.memory_space<vmem>>
      %dma_start3A_2474 = arith.constant 32 : i32
      %dma_start3A_2475 = tpu.memref_slice %arg3[%dma_start3A_2474, %multiple_of3A_2425] : memref<64x1000000xf32, #tpu.memory_space<hbm>> -> memref<8x128xf32, #tpu.memory_space<hbm>>
      tpu.enqueue_dma source(%dma_start3A_2475 : memref<8x128xf32, #tpu.memory_space<hbm>>) target(%dma_start3A_2473 : memref<8x128xf32, #tpu.memory_space<vmem>>) target_semaphore(%arg21 : memref<!tpu.dma_semaphore, #tpu.memory_space<semaphore_mem>>)
      %dma_start3A_2476 = arith.constant 40 : i32
      %dma_start3A_2477 = arith.constant 0 : i32
      %dma_start3A_2478 = tpu.memref_slice %arg13[%dma_start3A_2476, %dma_start3A_2477] : memref<64x128xf32, #tpu.memory_space<vmem>> -> memref<8x128xf32, #tpu.memory_space<vmem>>
      %dma_start3A_2479 = arith.constant 40 : i32
      %dma_start3A_2480 = tpu.memref_slice %arg3[%dma_start3A_2479, %multiple_of3A_2425] : memref<64x1000000xf32, #tpu.memory_space<hbm>> -> memref<8x128xf32, #tpu.memory_space<hbm>>
      %dma_start3A_2481 = arith.constant 40 : i32
      %dma_start3A_2482 = arith.constant 0 : i32
      %dma_start3A_2483 = tpu.memref_slice %arg13[%dma_start3A_2481, %dma_start3A_2482] : memref<64x128xf32, #tpu.memory_space<vmem>> -> memref<8x128xf32, #tpu.memory_space<vmem>>
      %dma_start3A_2484 = arith.constant 40 : i32
      %dma_start3A_2485 = tpu.memref_slice %arg3[%dma_start3A_2484, %multiple_of3A_2425] : memref<64x1000000xf32, #tpu.memory_space<hbm>> -> memref<8x128xf32, #tpu.memory_space<hbm>>
      tpu.enqueue_dma source(%dma_start3A_2485 : memref<8x128xf32, #tpu.memory_space<hbm>>) target(%dma_start3A_2483 : memref<8x128xf32, #tpu.memory_space<vmem>>) target_semaphore(%arg21 : memref<!tpu.dma_semaphore, #tpu.memory_space<semaphore_mem>>)
      %dma_start3A_2486 = arith.constant 48 : i32
      %dma_start3A_2487 = arith.constant 0 : i32
      %dma_start3A_2488 = tpu.memref_slice %arg13[%dma_start3A_2486, %dma_start3A_2487] : memref<64x128xf32, #tpu.memory_space<vmem>> -> memref<8x128xf32, #tpu.memory_space<vmem>>
      %dma_start3A_2489 = arith.constant 48 : i32
      %dma_start3A_2490 = tpu.memref_slice %arg3[%dma_start3A_2489, %multiple_of3A_2425] : memref<64x1000000xf32, #tpu.memory_space<hbm>> -> memref<8x128xf32, #tpu.memory_space<hbm>>
      %dma_start3A_2491 = arith.constant 48 : i32
      %dma_start3A_2492 = arith.constant 0 : i32
      %dma_start3A_2493 = tpu.memref_slice %arg13[%dma_start3A_2491, %dma_start3A_2492] : memref<64x128xf32, #tpu.memory_space<vmem>> -> memref<8x128xf32, #tpu.memory_space<vmem>>
      %dma_start3A_2494 = arith.constant 48 : i32
      %dma_start3A_2495 = tpu.memref_slice %arg3[%dma_start3A_2494, %multiple_of3A_2425] : memref<64x1000000xf32, #tpu.memory_space<hbm>> -> memref<8x128xf32, #tpu.memory_space<hbm>>
      tpu.enqueue_dma source(%dma_start3A_2495 : memref<8x128xf32, #tpu.memory_space<hbm>>) target(%dma_start3A_2493 : memref<8x128xf32, #tpu.memory_space<vmem>>) target_semaphore(%arg21 : memref<!tpu.dma_semaphore, #tpu.memory_space<semaphore_mem>>)
      %dma_start3A_2496 = arith.constant 56 : i32
      %dma_start3A_2497 = arith.constant 0 : i32
      %dma_start3A_2498 = tpu.memref_slice %arg13[%dma_start3A_2496, %dma_start3A_2497] : memref<64x128xf32, #tpu.memory_space<vmem>> -> memref<8x128xf32, #tpu.memory_space<vmem>>
      %dma_start3A_2499 = arith.constant 56 : i32
      %dma_start3A_2500 = tpu.memref_slice %arg3[%dma_start3A_2499, %multiple_of3A_2425] : memref<64x1000000xf32, #tpu.memory_space<hbm>> -> memref<8x128xf32, #tpu.memory_space<hbm>>
      %dma_start3A_2501 = arith.constant 56 : i32
      %dma_start3A_2502 = arith.constant 0 : i32
      %dma_start3A_2503 = tpu.memref_slice %arg13[%dma_start3A_2501, %dma_start3A_2502] : memref<64x128xf32, #tpu.memory_space<vmem>> -> memref<8x128xf32, #tpu.memory_space<vmem>>
      %dma_start3A_2504 = arith.constant 56 : i32
      %dma_start3A_2505 = tpu.memref_slice %arg3[%dma_start3A_2504, %multiple_of3A_2425] : memref<64x1000000xf32, #tpu.memory_space<hbm>> -> memref<8x128xf32, #tpu.memory_space<hbm>>
      tpu.enqueue_dma source(%dma_start3A_2505 : memref<8x128xf32, #tpu.memory_space<hbm>>) target(%dma_start3A_2503 : memref<8x128xf32, #tpu.memory_space<vmem>>) target_semaphore(%arg21 : memref<!tpu.dma_semaphore, #tpu.memory_space<semaphore_mem>>)
      %mul3A_2506 = arith.constant 8 : i32
      %mul3A_2507 = arith.muli %scan3A_1123, %mul3A_2506 : i32
      %add3A_2508 = arith.constant 7 : i32
      %add3A_2509 = arith.addi %mul3A_2507, %add3A_2508 : i32
      %jit3A_2510 = arith.constant 16 : i32
      %div3A_2511 = arith.divsi %add3A_2509, %jit3A_2510 : i32
      %sign3A_2512 = arith.constant 0 : i32
      %sign3A_2513 = arith.cmpi sgt, %add3A_2509, %sign3A_2512 : i32
      %sign3A_2514 = arith.extui %sign3A_2513 : i1 to i32
      %sign3A_2515 = arith.constant 0 : i32
      %sign3A_2516 = arith.cmpi slt, %add3A_2509, %sign3A_2515 : i32
      %sign3A_2517 = arith.extui %sign3A_2516 : i1 to i32
      %sign3A_2518 = arith.subi %sign3A_2514, %sign3A_2517 : i32
      %sign3A_2519 = arith.constant 0 : i32
      %sign3A_2520 = arith.cmpi sgt, %jit3A_2510, %sign3A_2519 : i32
      %sign3A_2521 = arith.extui %sign3A_2520 : i1 to i32
      %sign3A_2522 = arith.constant 0 : i32
      %sign3A_2523 = arith.cmpi slt, %jit3A_2510, %sign3A_2522 : i32
      %sign3A_2524 = arith.extui %sign3A_2523 : i1 to i32
      %sign3A_2525 = arith.subi %sign3A_2521, %sign3A_2524 : i32
      %ne3A_2526 = arith.cmpi ne, %sign3A_2518, %sign3A_2525 : i32
      %rem3A_2527 = arith.remsi %add3A_2509, %jit3A_2510 : i32
      %ne3A_2528 = arith.constant 0 : i32
      %ne3A_2529 = arith.cmpi ne, %rem3A_2527, %ne3A_2528 : i32
      %and3A_2530 = arith.andi %ne3A_2526, %ne3A_2529 : i1
      %sub3A_2531 = arith.constant 1 : i32
      %sub3A_2532 = arith.subi %div3A_2511, %sub3A_2531 : i32
      %select_n3A_2533 = arith.select %and3A_2530, %sub3A_2532, %div3A_2511 : i32
      %mul3A_2534 = arith.constant 16 : i32
      %mul3A_2535 = arith.muli %select_n3A_2533, %mul3A_2534 : i32
      %get3A_2536 = arith.index_cast %mul3A_2535 : i32 to index
      %get3A_2537 = tpu.vector_load %arg5[%get3A_2536] {strides = array<i32>} : memref<512xi32, #tpu.memory_space<vmem>>, vector<16xi32>,
      %iota3A_2538 = tpu.iota {dimensions = array<i32: 0>} : vector<16xi32>
      %sub3A_2539 = arith.subi %add3A_2509, %mul3A_2535 : i32
      %eq3A_2540 = vector.broadcast %sub3A_2539 : i32 to vector<16xi32>
      %eq3A_2541 = arith.cmpi eq, %iota3A_2538, %eq3A_2540 : vector<16xi32>
      %jit3A_2542 = arith.constant 0 : i32
      %broadcast_in_dim3A_2543 = vector.broadcast %jit3A_2542 : i32 to vector<16xi32>
      %select_n3A_2544 = arith.select %eq3A_2541, %get3A_2537, %broadcast_in_dim3A_2543 : vector<16xi1>, vector<16xi32>
      %reduce_sum3A_2545 = arith.constant true
      %reduce_sum3A_2546 = vector.broadcast %reduce_sum3A_2545 : i1 to vector<16xi1>
      %reduce_sum3A_2547 = tpu.scan <sum>, %select_n3A_2544 masked %reduce_sum3A_2546 : vector<16xi32>, vector<16xi1> -> vector<16xi32>
      %reduce_sum3A_2548 = vector.extract %reduce_sum3A_2547[15] : i32 from vector<16xi32>
      %dma_wait3A_2549 = arith.constant 0 : i32
      %dma_wait3A_2550 = arith.constant 0 : i32
      %dma_wait3A_2551 = tpu.memref_slice %arg3[%dma_wait3A_2549, %dma_wait3A_2550] : memref<64x1000000xf32, #tpu.memory_space<hbm>> -> memref<64x128xf32, #tpu.memory_space<hbm>>
      %dma_wait3A_2552 = arith.constant 0 : i32
      %dma_wait3A_2553 = arith.constant 0 : i32
      %dma_wait3A_2554 = tpu.memref_slice %arg3[%dma_wait3A_2552, %dma_wait3A_2553] : memref<64x1000000xf32, #tpu.memory_space<hbm>> -> memref<64x128xf32, #tpu.memory_space<hbm>>
      tpu.wait_dma2 semaphore(%arg22 : memref<!tpu.dma_semaphore, #tpu.memory_space<semaphore_mem>>) src(%dma_wait3A_2554 : memref<64x128xf32, #tpu.memory_space<hbm>>) dst(%arg14 : memref<64x128xf32, #tpu.memory_space<vmem>>)
      %and3A_2555 = arith.constant 127 : i32
      %and3A_2556 = arith.andi %reduce_sum3A_2548, %and3A_2555 : i32
      %broadcast_in_dim3A_2557 = vector.broadcast %and3A_2556 : i32 to vector<16xi32>
      %broadcast_in_dim3A_2558 = vector.broadcast %add3A_2509 : i32 to vector<16xi32>
      %iota3A_2559 = tpu.iota {dimensions = array<i32: 0>} : vector<16xi32>
      %add3A_2560 = arith.constant 0 : i32
      %add3A_2561 = vector.broadcast %add3A_2560 : i32 to vector<16xi32>
      %add3A_2562 = arith.addi %iota3A_2559, %add3A_2561 : vector<16xi32>
      %gather3A_2563 = tpu.vector_load_idx %arg14[%add3A_2562, %broadcast_in_dim3A_2557] : memref<64x128xf32, #tpu.memory_space<vmem>>[vector<16xi32>, vector<16xi32>], vector<16xf32>,
      tpu.vector_store_idx %arg6[%add3A_2562, %broadcast_in_dim3A_2558], %gather3A_2563 : memref<64x512xf32, #tpu.memory_space<vmem>>[vector<16xi32>, vector<16xi32>], vector<16xf32>,
      %iota3A_2564 = tpu.iota {dimensions = array<i32: 0>} : vector<16xi32>
      %add3A_2565 = arith.constant 16 : i32
      %add3A_2566 = vector.broadcast %add3A_2565 : i32 to vector<16xi32>
      %add3A_2567 = arith.addi %iota3A_2564, %add3A_2566 : vector<16xi32>
      %gather3A_2568 = tpu.vector_load_idx %arg14[%add3A_2567, %broadcast_in_dim3A_2557] : memref<64x128xf32, #tpu.memory_space<vmem>>[vector<16xi32>, vector<16xi32>], vector<16xf32>,
      tpu.vector_store_idx %arg6[%add3A_2567, %broadcast_in_dim3A_2558], %gather3A_2568 : memref<64x512xf32, #tpu.memory_space<vmem>>[vector<16xi32>, vector<16xi32>], vector<16xf32>,
      %iota3A_2569 = tpu.iota {dimensions = array<i32: 0>} : vector<16xi32>
      %add3A_2570 = arith.constant 32 : i32
      %add3A_2571 = vector.broadcast %add3A_2570 : i32 to vector<16xi32>
      %add3A_2572 = arith.addi %iota3A_2569, %add3A_2571 : vector<16xi32>
      %gather3A_2573 = tpu.vector_load_idx %arg14[%add3A_2572, %broadcast_in_dim3A_2557] : memref<64x128xf32, #tpu.memory_space<vmem>>[vector<16xi32>, vector<16xi32>], vector<16xf32>,
      tpu.vector_store_idx %arg6[%add3A_2572, %broadcast_in_dim3A_2558], %gather3A_2573 : memref<64x512xf32, #tpu.memory_space<vmem>>[vector<16xi32>, vector<16xi32>], vector<16xf32>,
      %iota3A_2574 = tpu.iota {dimensions = array<i32: 0>} : vector<16xi32>
      %add3A_2575 = arith.constant 48 : i32
      %add3A_2576 = vector.broadcast %add3A_2575 : i32 to vector<16xi32>
      %add3A_2577 = arith.addi %iota3A_2574, %add3A_2576 : vector<16xi32>
      %gather3A_2578 = tpu.vector_load_idx %arg14[%add3A_2577, %broadcast_in_dim3A_2557] : memref<64x128xf32, #tpu.memory_space<vmem>>[vector<16xi32>, vector<16xi32>], vector<16xf32>,
      tpu.vector_store_idx %arg6[%add3A_2577, %broadcast_in_dim3A_2558], %gather3A_2578 : memref<64x512xf32, #tpu.memory_space<vmem>>[vector<16xi32>, vector<16xi32>], vector<16xf32>,
      %add3A_2579 = arith.constant 8 : i32
      %add3A_2580 = arith.addi %add3A_2509, %add3A_2579 : i32
      %jit3A_2581 = arith.constant 16 : i32
      %div3A_2582 = arith.divsi %add3A_2580, %jit3A_2581 : i32
      %sign3A_2583 = arith.constant 0 : i32
      %sign3A_2584 = arith.cmpi sgt, %add3A_2580, %sign3A_2583 : i32
      %sign3A_2585 = arith.extui %sign3A_2584 : i1 to i32
      %sign3A_2586 = arith.constant 0 : i32
      %sign3A_2587 = arith.cmpi slt, %add3A_2580, %sign3A_2586 : i32
      %sign3A_2588 = arith.extui %sign3A_2587 : i1 to i32
      %sign3A_2589 = arith.subi %sign3A_2585, %sign3A_2588 : i32
      %sign3A_2590 = arith.constant 0 : i32
      %sign3A_2591 = arith.cmpi sgt, %jit3A_2581, %sign3A_2590 : i32
      %sign3A_2592 = arith.extui %sign3A_2591 : i1 to i32
      %sign3A_2593 = arith.constant 0 : i32
      %sign3A_2594 = arith.cmpi slt, %jit3A_2581, %sign3A_2593 : i32
      %sign3A_2595 = arith.extui %sign3A_2594 : i1 to i32
      %sign3A_2596 = arith.subi %sign3A_2592, %sign3A_2595 : i32
      %ne3A_2597 = arith.cmpi ne, %sign3A_2589, %sign3A_2596 : i32
      %rem3A_2598 = arith.remsi %add3A_2580, %jit3A_2581 : i32
      %ne3A_2599 = arith.constant 0 : i32
      %ne3A_2600 = arith.cmpi ne, %rem3A_2598, %ne3A_2599 : i32
      %and3A_2601 = arith.andi %ne3A_2597, %ne3A_2600 : i1
      %sub3A_2602 = arith.constant 1 : i32
      %sub3A_2603 = arith.subi %div3A_2582, %sub3A_2602 : i32
      %select_n3A_2604 = arith.select %and3A_2601, %sub3A_2603, %div3A_2582 : i32
      %mul3A_2605 = arith.constant 16 : i32
      %mul3A_2606 = arith.muli %select_n3A_2604, %mul3A_2605 : i32
      %get3A_2607 = arith.index_cast %mul3A_2606 : i32 to index
      %get3A_2608 = tpu.vector_load %arg5[%get3A_2607] {strides = array<i32>} : memref<512xi32, #tpu.memory_space<vmem>>, vector<16xi32>,
      %iota3A_2609 = tpu.iota {dimensions = array<i32: 0>} : vector<16xi32>
      %sub3A_2610 = arith.subi %add3A_2580, %mul3A_2606 : i32
      %eq3A_2611 = vector.broadcast %sub3A_2610 : i32 to vector<16xi32>
      %eq3A_2612 = arith.cmpi eq, %iota3A_2609, %eq3A_2611 : vector<16xi32>
      %jit3A_2613 = arith.constant 0 : i32
      %broadcast_in_dim3A_2614 = vector.broadcast %jit3A_2613 : i32 to vector<16xi32>
      %select_n3A_2615 = arith.select %eq3A_2612, %get3A_2608, %broadcast_in_dim3A_2614 : vector<16xi1>, vector<16xi32>
      %reduce_sum3A_2616 = arith.constant true
      %reduce_sum3A_2617 = vector.broadcast %reduce_sum3A_2616 : i1 to vector<16xi1>
      %reduce_sum3A_2618 = tpu.scan <sum>, %select_n3A_2615 masked %reduce_sum3A_2617 : vector<16xi32>, vector<16xi1> -> vector<16xi32>
      %reduce_sum3A_2619 = vector.extract %reduce_sum3A_2618[15] : i32 from vector<16xi32>
      %and3A_2620 = arith.constant 127 : i32
      %and3A_2621 = arith.andi %reduce_sum3A_2619, %and3A_2620 : i32
      %sub3A_2622 = arith.subi %reduce_sum3A_2619, %and3A_2621 : i32
      %multiple_of3A_2623 = tpu.assume_multiple %sub3A_2622, 128 : i32
      %dma_start3A_2624 = arith.constant 0 : i32
      %dma_start3A_2625 = arith.constant 0 : i32
      %dma_start3A_2626 = tpu.memref_slice %arg14[%dma_start3A_2624, %dma_start3A_2625] : memref<64x128xf32, #tpu.memory_space<vmem>> -> memref<8x128xf32, #tpu.memory_space<vmem>>
      %dma_start3A_2627 = arith.constant 0 : i32
      %dma_start3A_2628 = tpu.memref_slice %arg3[%dma_start3A_2627, %multiple_of3A_2623] : memref<64x1000000xf32, #tpu.memory_space<hbm>> -> memref<8x128xf32, #tpu.memory_space<hbm>>
      %dma_start3A_2629 = arith.constant 0 : i32
      %dma_start3A_2630 = arith.constant 0 : i32
      %dma_start3A_2631 = tpu.memref_slice %arg14[%dma_start3A_2629, %dma_start3A_2630] : memref<64x128xf32, #tpu.memory_space<vmem>> -> memref<8x128xf32, #tpu.memory_space<vmem>>
      %dma_start3A_2632 = arith.constant 0 : i32
      %dma_start3A_2633 = tpu.memref_slice %arg3[%dma_start3A_2632, %multiple_of3A_2623] : memref<64x1000000xf32, #tpu.memory_space<hbm>> -> memref<8x128xf32, #tpu.memory_space<hbm>>
      tpu.enqueue_dma source(%dma_start3A_2633 : memref<8x128xf32, #tpu.memory_space<hbm>>) target(%dma_start3A_2631 : memref<8x128xf32, #tpu.memory_space<vmem>>) target_semaphore(%arg22 : memref<!tpu.dma_semaphore, #tpu.memory_space<semaphore_mem>>)
      %dma_start3A_2634 = arith.constant 8 : i32
      %dma_start3A_2635 = arith.constant 0 : i32
      %dma_start3A_2636 = tpu.memref_slice %arg14[%dma_start3A_2634, %dma_start3A_2635] : memref<64x128xf32, #tpu.memory_space<vmem>> -> memref<8x128xf32, #tpu.memory_space<vmem>>
      %dma_start3A_2637 = arith.constant 8 : i32
      %dma_start3A_2638 = tpu.memref_slice %arg3[%dma_start3A_2637, %multiple_of3A_2623] : memref<64x1000000xf32, #tpu.memory_space<hbm>> -> memref<8x128xf32, #tpu.memory_space<hbm>>
      %dma_start3A_2639 = arith.constant 8 : i32
      %dma_start3A_2640 = arith.constant 0 : i32
      %dma_start3A_2641 = tpu.memref_slice %arg14[%dma_start3A_2639, %dma_start3A_2640] : memref<64x128xf32, #tpu.memory_space<vmem>> -> memref<8x128xf32, #tpu.memory_space<vmem>>
      %dma_start3A_2642 = arith.constant 8 : i32
      %dma_start3A_2643 = tpu.memref_slice %arg3[%dma_start3A_2642, %multiple_of3A_2623] : memref<64x1000000xf32, #tpu.memory_space<hbm>> -> memref<8x128xf32, #tpu.memory_space<hbm>>
      tpu.enqueue_dma source(%dma_start3A_2643 : memref<8x128xf32, #tpu.memory_space<hbm>>) target(%dma_start3A_2641 : memref<8x128xf32, #tpu.memory_space<vmem>>) target_semaphore(%arg22 : memref<!tpu.dma_semaphore, #tpu.memory_space<semaphore_mem>>)
      %dma_start3A_2644 = arith.constant 16 : i32
      %dma_start3A_2645 = arith.constant 0 : i32
      %dma_start3A_2646 = tpu.memref_slice %arg14[%dma_start3A_2644, %dma_start3A_2645] : memref<64x128xf32, #tpu.memory_space<vmem>> -> memref<8x128xf32, #tpu.memory_space<vmem>>
      %dma_start3A_2647 = arith.constant 16 : i32
      %dma_start3A_2648 = tpu.memref_slice %arg3[%dma_start3A_2647, %multiple_of3A_2623] : memref<64x1000000xf32, #tpu.memory_space<hbm>> -> memref<8x128xf32, #tpu.memory_space<hbm>>
      %dma_start3A_2649 = arith.constant 16 : i32
      %dma_start3A_2650 = arith.constant 0 : i32
      %dma_start3A_2651 = tpu.memref_slice %arg14[%dma_start3A_2649, %dma_start3A_2650] : memref<64x128xf32, #tpu.memory_space<vmem>> -> memref<8x128xf32, #tpu.memory_space<vmem>>
      %dma_start3A_2652 = arith.constant 16 : i32
      %dma_start3A_2653 = tpu.memref_slice %arg3[%dma_start3A_2652, %multiple_of3A_2623] : memref<64x1000000xf32, #tpu.memory_space<hbm>> -> memref<8x128xf32, #tpu.memory_space<hbm>>
      tpu.enqueue_dma source(%dma_start3A_2653 : memref<8x128xf32, #tpu.memory_space<hbm>>) target(%dma_start3A_2651 : memref<8x128xf32, #tpu.memory_space<vmem>>) target_semaphore(%arg22 : memref<!tpu.dma_semaphore, #tpu.memory_space<semaphore_mem>>)
      %dma_start3A_2654 = arith.constant 24 : i32
      %dma_start3A_2655 = arith.constant 0 : i32
      %dma_start3A_2656 = tpu.memref_slice %arg14[%dma_start3A_2654, %dma_start3A_2655] : memref<64x128xf32, #tpu.memory_space<vmem>> -> memref<8x128xf32, #tpu.memory_space<vmem>>
      %dma_start3A_2657 = arith.constant 24 : i32
      %dma_start3A_2658 = tpu.memref_slice %arg3[%dma_start3A_2657, %multiple_of3A_2623] : memref<64x1000000xf32, #tpu.memory_space<hbm>> -> memref<8x128xf32, #tpu.memory_space<hbm>>
      %dma_start3A_2659 = arith.constant 24 : i32
      %dma_start3A_2660 = arith.constant 0 : i32
      %dma_start3A_2661 = tpu.memref_slice %arg14[%dma_start3A_2659, %dma_start3A_2660] : memref<64x128xf32, #tpu.memory_space<vmem>> -> memref<8x128xf32, #tpu.memory_space<vmem>>
      %dma_start3A_2662 = arith.constant 24 : i32
      %dma_start3A_2663 = tpu.memref_slice %arg3[%dma_start3A_2662, %multiple_of3A_2623] : memref<64x1000000xf32, #tpu.memory_space<hbm>> -> memref<8x128xf32, #tpu.memory_space<hbm>>
      tpu.enqueue_dma source(%dma_start3A_2663 : memref<8x128xf32, #tpu.memory_space<hbm>>) target(%dma_start3A_2661 : memref<8x128xf32, #tpu.memory_space<vmem>>) target_semaphore(%arg22 : memref<!tpu.dma_semaphore, #tpu.memory_space<semaphore_mem>>)
      %dma_start3A_2664 = arith.constant 32 : i32
      %dma_start3A_2665 = arith.constant 0 : i32
      %dma_start3A_2666 = tpu.memref_slice %arg14[%dma_start3A_2664, %dma_start3A_2665] : memref<64x128xf32, #tpu.memory_space<vmem>> -> memref<8x128xf32, #tpu.memory_space<vmem>>
      %dma_start3A_2667 = arith.constant 32 : i32
      %dma_start3A_2668 = tpu.memref_slice %arg3[%dma_start3A_2667, %multiple_of3A_2623] : memref<64x1000000xf32, #tpu.memory_space<hbm>> -> memref<8x128xf32, #tpu.memory_space<hbm>>
      %dma_start3A_2669 = arith.constant 32 : i32
      %dma_start3A_2670 = arith.constant 0 : i32
      %dma_start3A_2671 = tpu.memref_slice %arg14[%dma_start3A_2669, %dma_start3A_2670] : memref<64x128xf32, #tpu.memory_space<vmem>> -> memref<8x128xf32, #tpu.memory_space<vmem>>
      %dma_start3A_2672 = arith.constant 32 : i32
      %dma_start3A_2673 = tpu.memref_slice %arg3[%dma_start3A_2672, %multiple_of3A_2623] : memref<64x1000000xf32, #tpu.memory_space<hbm>> -> memref<8x128xf32, #tpu.memory_space<hbm>>
      tpu.enqueue_dma source(%dma_start3A_2673 : memref<8x128xf32, #tpu.memory_space<hbm>>) target(%dma_start3A_2671 : memref<8x128xf32, #tpu.memory_space<vmem>>) target_semaphore(%arg22 : memref<!tpu.dma_semaphore, #tpu.memory_space<semaphore_mem>>)
      %dma_start3A_2674 = arith.constant 40 : i32
      %dma_start3A_2675 = arith.constant 0 : i32
      %dma_start3A_2676 = tpu.memref_slice %arg14[%dma_start3A_2674, %dma_start3A_2675] : memref<64x128xf32, #tpu.memory_space<vmem>> -> memref<8x128xf32, #tpu.memory_space<vmem>>
      %dma_start3A_2677 = arith.constant 40 : i32
      %dma_start3A_2678 = tpu.memref_slice %arg3[%dma_start3A_2677, %multiple_of3A_2623] : memref<64x1000000xf32, #tpu.memory_space<hbm>> -> memref<8x128xf32, #tpu.memory_space<hbm>>
      %dma_start3A_2679 = arith.constant 40 : i32
      %dma_start3A_2680 = arith.constant 0 : i32
      %dma_start3A_2681 = tpu.memref_slice %arg14[%dma_start3A_2679, %dma_start3A_2680] : memref<64x128xf32, #tpu.memory_space<vmem>> -> memref<8x128xf32, #tpu.memory_space<vmem>>
      %dma_start3A_2682 = arith.constant 40 : i32
      %dma_start3A_2683 = tpu.memref_slice %arg3[%dma_start3A_2682, %multiple_of3A_2623] : memref<64x1000000xf32, #tpu.memory_space<hbm>> -> memref<8x128xf32, #tpu.memory_space<hbm>>
      tpu.enqueue_dma source(%dma_start3A_2683 : memref<8x128xf32, #tpu.memory_space<hbm>>) target(%dma_start3A_2681 : memref<8x128xf32, #tpu.memory_space<vmem>>) target_semaphore(%arg22 : memref<!tpu.dma_semaphore, #tpu.memory_space<semaphore_mem>>)
      %dma_start3A_2684 = arith.constant 48 : i32
      %dma_start3A_2685 = arith.constant 0 : i32
      %dma_start3A_2686 = tpu.memref_slice %arg14[%dma_start3A_2684, %dma_start3A_2685] : memref<64x128xf32, #tpu.memory_space<vmem>> -> memref<8x128xf32, #tpu.memory_space<vmem>>
      %dma_start3A_2687 = arith.constant 48 : i32
      %dma_start3A_2688 = tpu.memref_slice %arg3[%dma_start3A_2687, %multiple_of3A_2623] : memref<64x1000000xf32, #tpu.memory_space<hbm>> -> memref<8x128xf32, #tpu.memory_space<hbm>>
      %dma_start3A_2689 = arith.constant 48 : i32
      %dma_start3A_2690 = arith.constant 0 : i32
      %dma_start3A_2691 = tpu.memref_slice %arg14[%dma_start3A_2689, %dma_start3A_2690] : memref<64x128xf32, #tpu.memory_space<vmem>> -> memref<8x128xf32, #tpu.memory_space<vmem>>
      %dma_start3A_2692 = arith.constant 48 : i32
      %dma_start3A_2693 = tpu.memref_slice %arg3[%dma_start3A_2692, %multiple_of3A_2623] : memref<64x1000000xf32, #tpu.memory_space<hbm>> -> memref<8x128xf32, #tpu.memory_space<hbm>>
      tpu.enqueue_dma source(%dma_start3A_2693 : memref<8x128xf32, #tpu.memory_space<hbm>>) target(%dma_start3A_2691 : memref<8x128xf32, #tpu.memory_space<vmem>>) target_semaphore(%arg22 : memref<!tpu.dma_semaphore, #tpu.memory_space<semaphore_mem>>)
      %dma_start3A_2694 = arith.constant 56 : i32
      %dma_start3A_2695 = arith.constant 0 : i32
      %dma_start3A_2696 = tpu.memref_slice %arg14[%dma_start3A_2694, %dma_start3A_2695] : memref<64x128xf32, #tpu.memory_space<vmem>> -> memref<8x128xf32, #tpu.memory_space<vmem>>
      %dma_start3A_2697 = arith.constant 56 : i32
      %dma_start3A_2698 = tpu.memref_slice %arg3[%dma_start3A_2697, %multiple_of3A_2623] : memref<64x1000000xf32, #tpu.memory_space<hbm>> -> memref<8x128xf32, #tpu.memory_space<hbm>>
      %dma_start3A_2699 = arith.constant 56 : i32
      %dma_start3A_2700 = arith.constant 0 : i32
      %dma_start3A_2701 = tpu.memref_slice %arg14[%dma_start3A_2699, %dma_start3A_2700] : memref<64x128xf32, #tpu.memory_space<vmem>> -> memref<8x128xf32, #tpu.memory_space<vmem>>
      %dma_start3A_2702 = arith.constant 56 : i32
      %dma_start3A_2703 = tpu.memref_slice %arg3[%dma_start3A_2702, %multiple_of3A_2623] : memref<64x1000000xf32, #tpu.memory_space<hbm>> -> memref<8x128xf32, #tpu.memory_space<hbm>>
      tpu.enqueue_dma source(%dma_start3A_2703 : memref<8x128xf32, #tpu.memory_space<hbm>>) target(%dma_start3A_2701 : memref<8x128xf32, #tpu.memory_space<vmem>>) target_semaphore(%arg22 : memref<!tpu.dma_semaphore, #tpu.memory_space<semaphore_mem>>)
    }
    %scan3A_772 = arith.constant 63 : i32
    %get3A_773 = arith.constant 496 : index
    %get3A_774 = tpu.vector_load %arg5[%get3A_773] {strides = array<i32>} : memref<512xi32, #tpu.memory_space<vmem>>, vector<16xi32>,
    %iota3A_775 = tpu.iota {dimensions = array<i32: 0>} : vector<16xi32>
    %eq3A_776 = arith.constant 8 : i32
    %eq3A_777 = vector.broadcast %eq3A_776 : i32 to vector<16xi32>
    %eq3A_778 = arith.cmpi eq, %iota3A_775, %eq3A_777 : vector<16xi32>
    %jit3A_779 = arith.constant 0 : i32
    %broadcast_in_dim3A_780 = vector.broadcast %jit3A_779 : i32 to vector<16xi32>
    %select_n3A_781 = arith.select %eq3A_778, %get3A_774, %broadcast_in_dim3A_780 : vector<16xi1>, vector<16xi32>
    %reduce_sum3A_782 = arith.constant true
    %reduce_sum3A_783 = vector.broadcast %reduce_sum3A_782 : i1 to vector<16xi1>
    %reduce_sum3A_784 = tpu.scan <sum>, %select_n3A_781 masked %reduce_sum3A_783 : vector<16xi32>, vector<16xi1> -> vector<16xi32>
    %reduce_sum3A_785 = vector.extract %reduce_sum3A_784[15] : i32 from vector<16xi32>
    %dma_wait3A = arith.constant 0 : i32
    %dma_wait3A_786 = arith.constant 0 : i32
    %dma_wait3A_787 = tpu.memref_slice %arg3[%dma_wait3A, %dma_wait3A_786] : memref<64x1000000xf32, #tpu.memory_space<hbm>> -> memref<64x128xf32, #tpu.memory_space<hbm>>
    %dma_wait3A_788 = arith.constant 0 : i32
    %dma_wait3A_789 = arith.constant 0 : i32
    %dma_wait3A_790 = tpu.memref_slice %arg3[%dma_wait3A_788, %dma_wait3A_789] : memref<64x1000000xf32, #tpu.memory_space<hbm>> -> memref<64x128xf32, #tpu.memory_space<hbm>>
    tpu.wait_dma2 semaphore(%arg15 : memref<!tpu.dma_semaphore, #tpu.memory_space<semaphore_mem>>) src(%dma_wait3A_790 : memref<64x128xf32, #tpu.memory_space<hbm>>) dst(%arg7 : memref<64x128xf32, #tpu.memory_space<vmem>>)
    %and3A_791 = arith.constant 127 : i32
    %and3A_792 = arith.andi %reduce_sum3A_785, %and3A_791 : i32
    %broadcast_in_dim3A_793 = vector.broadcast %and3A_792 : i32 to vector<16xi32>
    %broadcast_in_dim3A_794 = arith.constant 504 : i32
    %broadcast_in_dim3A_795 = vector.broadcast %broadcast_in_dim3A_794 : i32 to vector<16xi32>
    %iota3A_796 = tpu.iota {dimensions = array<i32: 0>} : vector<16xi32>
    %add3A_797 = arith.constant 0 : i32
    %add3A_798 = vector.broadcast %add3A_797 : i32 to vector<16xi32>
    %add3A_799 = arith.addi %iota3A_796, %add3A_798 : vector<16xi32>
    %gather3A = tpu.vector_load_idx %arg7[%add3A_799, %broadcast_in_dim3A_793] : memref<64x128xf32, #tpu.memory_space<vmem>>[vector<16xi32>, vector<16xi32>], vector<16xf32>,
    tpu.vector_store_idx %arg6[%add3A_799, %broadcast_in_dim3A_795], %gather3A : memref<64x512xf32, #tpu.memory_space<vmem>>[vector<16xi32>, vector<16xi32>], vector<16xf32>,
    %iota3A_800 = tpu.iota {dimensions = array<i32: 0>} : vector<16xi32>
    %add3A_801 = arith.constant 16 : i32
    %add3A_802 = vector.broadcast %add3A_801 : i32 to vector<16xi32>
    %add3A_803 = arith.addi %iota3A_800, %add3A_802 : vector<16xi32>
    %gather3A_804 = tpu.vector_load_idx %arg7[%add3A_803, %broadcast_in_dim3A_793] : memref<64x128xf32, #tpu.memory_space<vmem>>[vector<16xi32>, vector<16xi32>], vector<16xf32>,
    tpu.vector_store_idx %arg6[%add3A_803, %broadcast_in_dim3A_795], %gather3A_804 : memref<64x512xf32, #tpu.memory_space<vmem>>[vector<16xi32>, vector<16xi32>], vector<16xf32>,
    %iota3A_805 = tpu.iota {dimensions = array<i32: 0>} : vector<16xi32>
    %add3A_806 = arith.constant 32 : i32
    %add3A_807 = vector.broadcast %add3A_806 : i32 to vector<16xi32>
    %add3A_808 = arith.addi %iota3A_805, %add3A_807 : vector<16xi32>
    %gather3A_809 = tpu.vector_load_idx %arg7[%add3A_808, %broadcast_in_dim3A_793] : memref<64x128xf32, #tpu.memory_space<vmem>>[vector<16xi32>, vector<16xi32>], vector<16xf32>,
    tpu.vector_store_idx %arg6[%add3A_808, %broadcast_in_dim3A_795], %gather3A_809 : memref<64x512xf32, #tpu.memory_space<vmem>>[vector<16xi32>, vector<16xi32>], vector<16xf32>,
    %iota3A_810 = tpu.iota {dimensions = array<i32: 0>} : vector<16xi32>
    %add3A_811 = arith.constant 48 : i32
    %add3A_812 = vector.broadcast %add3A_811 : i32 to vector<16xi32>
    %add3A_813 = arith.addi %iota3A_810, %add3A_812 : vector<16xi32>
    %gather3A_814 = tpu.vector_load_idx %arg7[%add3A_813, %broadcast_in_dim3A_793] : memref<64x128xf32, #tpu.memory_space<vmem>>[vector<16xi32>, vector<16xi32>], vector<16xf32>,
    tpu.vector_store_idx %arg6[%add3A_813, %broadcast_in_dim3A_795], %gather3A_814 : memref<64x512xf32, #tpu.memory_space<vmem>>[vector<16xi32>, vector<16xi32>], vector<16xf32>,
    %get3A_815 = arith.constant 496 : index
    %get3A_816 = tpu.vector_load %arg5[%get3A_815] {strides = array<i32>} : memref<512xi32, #tpu.memory_space<vmem>>, vector<16xi32>,
    %iota3A_817 = tpu.iota {dimensions = array<i32: 0>} : vector<16xi32>
    %eq3A_818 = arith.constant 9 : i32
    %eq3A_819 = vector.broadcast %eq3A_818 : i32 to vector<16xi32>
    %eq3A_820 = arith.cmpi eq, %iota3A_817, %eq3A_819 : vector<16xi32>
    %jit3A_821 = arith.constant 0 : i32
    %broadcast_in_dim3A_822 = vector.broadcast %jit3A_821 : i32 to vector<16xi32>
    %select_n3A_823 = arith.select %eq3A_820, %get3A_816, %broadcast_in_dim3A_822 : vector<16xi1>, vector<16xi32>
    %reduce_sum3A_824 = arith.constant true
    %reduce_sum3A_825 = vector.broadcast %reduce_sum3A_824 : i1 to vector<16xi1>
    %reduce_sum3A_826 = tpu.scan <sum>, %select_n3A_823 masked %reduce_sum3A_825 : vector<16xi32>, vector<16xi1> -> vector<16xi32>
    %reduce_sum3A_827 = vector.extract %reduce_sum3A_826[15] : i32 from vector<16xi32>
    %dma_wait3A_828 = arith.constant 0 : i32
    %dma_wait3A_829 = arith.constant 0 : i32
    %dma_wait3A_830 = tpu.memref_slice %arg3[%dma_wait3A_828, %dma_wait3A_829] : memref<64x1000000xf32, #tpu.memory_space<hbm>> -> memref<64x128xf32, #tpu.memory_space<hbm>>
    %dma_wait3A_831 = arith.constant 0 : i32
    %dma_wait3A_832 = arith.constant 0 : i32
    %dma_wait3A_833 = tpu.memref_slice %arg3[%dma_wait3A_831, %dma_wait3A_832] : memref<64x1000000xf32, #tpu.memory_space<hbm>> -> memref<64x128xf32, #tpu.memory_space<hbm>>
    tpu.wait_dma2 semaphore(%arg16 : memref<!tpu.dma_semaphore, #tpu.memory_space<semaphore_mem>>) src(%dma_wait3A_833 : memref<64x128xf32, #tpu.memory_space<hbm>>) dst(%arg8 : memref<64x128xf32, #tpu.memory_space<vmem>>)
    %and3A_834 = arith.constant 127 : i32
    %and3A_835 = arith.andi %reduce_sum3A_827, %and3A_834 : i32
    %broadcast_in_dim3A_836 = vector.broadcast %and3A_835 : i32 to vector<16xi32>
    %broadcast_in_dim3A_837 = arith.constant 505 : i32
    %broadcast_in_dim3A_838 = vector.broadcast %broadcast_in_dim3A_837 : i32 to vector<16xi32>
    %iota3A_839 = tpu.iota {dimensions = array<i32: 0>} : vector<16xi32>
    %add3A_840 = arith.constant 0 : i32
    %add3A_841 = vector.broadcast %add3A_840 : i32 to vector<16xi32>
    %add3A_842 = arith.addi %iota3A_839, %add3A_841 : vector<16xi32>
    %gather3A_843 = tpu.vector_load_idx %arg8[%add3A_842, %broadcast_in_dim3A_836] : memref<64x128xf32, #tpu.memory_space<vmem>>[vector<16xi32>, vector<16xi32>], vector<16xf32>,
    tpu.vector_store_idx %arg6[%add3A_842, %broadcast_in_dim3A_838], %gather3A_843 : memref<64x512xf32, #tpu.memory_space<vmem>>[vector<16xi32>, vector<16xi32>], vector<16xf32>,
    %iota3A_844 = tpu.iota {dimensions = array<i32: 0>} : vector<16xi32>
    %add3A_845 = arith.constant 16 : i32
    %add3A_846 = vector.broadcast %add3A_845 : i32 to vector<16xi32>
    %add3A_847 = arith.addi %iota3A_844, %add3A_846 : vector<16xi32>
    %gather3A_848 = tpu.vector_load_idx %arg8[%add3A_847, %broadcast_in_dim3A_836] : memref<64x128xf32, #tpu.memory_space<vmem>>[vector<16xi32>, vector<16xi32>], vector<16xf32>,
    tpu.vector_store_idx %arg6[%add3A_847, %broadcast_in_dim3A_838], %gather3A_848 : memref<64x512xf32, #tpu.memory_space<vmem>>[vector<16xi32>, vector<16xi32>], vector<16xf32>,
    %iota3A_849 = tpu.iota {dimensions = array<i32: 0>} : vector<16xi32>
    %add3A_850 = arith.constant 32 : i32
    %add3A_851 = vector.broadcast %add3A_850 : i32 to vector<16xi32>
    %add3A_852 = arith.addi %iota3A_849, %add3A_851 : vector<16xi32>
    %gather3A_853 = tpu.vector_load_idx %arg8[%add3A_852, %broadcast_in_dim3A_836] : memref<64x128xf32, #tpu.memory_space<vmem>>[vector<16xi32>, vector<16xi32>], vector<16xf32>,
    tpu.vector_store_idx %arg6[%add3A_852, %broadcast_in_dim3A_838], %gather3A_853 : memref<64x512xf32, #tpu.memory_space<vmem>>[vector<16xi32>, vector<16xi32>], vector<16xf32>,
    %iota3A_854 = tpu.iota {dimensions = array<i32: 0>} : vector<16xi32>
    %add3A_855 = arith.constant 48 : i32
    %add3A_856 = vector.broadcast %add3A_855 : i32 to vector<16xi32>
    %add3A_857 = arith.addi %iota3A_854, %add3A_856 : vector<16xi32>
    %gather3A_858 = tpu.vector_load_idx %arg8[%add3A_857, %broadcast_in_dim3A_836] : memref<64x128xf32, #tpu.memory_space<vmem>>[vector<16xi32>, vector<16xi32>], vector<16xf32>,
    tpu.vector_store_idx %arg6[%add3A_857, %broadcast_in_dim3A_838], %gather3A_858 : memref<64x512xf32, #tpu.memory_space<vmem>>[vector<16xi32>, vector<16xi32>], vector<16xf32>,
    %get3A_859 = arith.constant 496 : index
    %get3A_860 = tpu.vector_load %arg5[%get3A_859] {strides = array<i32>} : memref<512xi32, #tpu.memory_space<vmem>>, vector<16xi32>,
    %iota3A_861 = tpu.iota {dimensions = array<i32: 0>} : vector<16xi32>
    %eq3A_862 = arith.constant 10 : i32
    %eq3A_863 = vector.broadcast %eq3A_862 : i32 to vector<16xi32>
    %eq3A_864 = arith.cmpi eq, %iota3A_861, %eq3A_863 : vector<16xi32>
    %jit3A_865 = arith.constant 0 : i32
    %broadcast_in_dim3A_866 = vector.broadcast %jit3A_865 : i32 to vector<16xi32>
    %select_n3A_867 = arith.select %eq3A_864, %get3A_860, %broadcast_in_dim3A_866 : vector<16xi1>, vector<16xi32>
    %reduce_sum3A_868 = arith.constant true
    %reduce_sum3A_869 = vector.broadcast %reduce_sum3A_868 : i1 to vector<16xi1>
    %reduce_sum3A_870 = tpu.scan <sum>, %select_n3A_867 masked %reduce_sum3A_869 : vector<16xi32>, vector<16xi1> -> vector<16xi32>
    %reduce_sum3A_871 = vector.extract %reduce_sum3A_870[15] : i32 from vector<16xi32>
    %dma_wait3A_872 = arith.constant 0 : i32
    %dma_wait3A_873 = arith.constant 0 : i32
    %dma_wait3A_874 = tpu.memref_slice %arg3[%dma_wait3A_872, %dma_wait3A_873] : memref<64x1000000xf32, #tpu.memory_space<hbm>> -> memref<64x128xf32, #tpu.memory_space<hbm>>
    %dma_wait3A_875 = arith.constant 0 : i32
    %dma_wait3A_876 = arith.constant 0 : i32
    %dma_wait3A_877 = tpu.memref_slice %arg3[%dma_wait3A_875, %dma_wait3A_876] : memref<64x1000000xf32, #tpu.memory_space<hbm>> -> memref<64x128xf32, #tpu.memory_space<hbm>>
    tpu.wait_dma2 semaphore(%arg17 : memref<!tpu.dma_semaphore, #tpu.memory_space<semaphore_mem>>) src(%dma_wait3A_877 : memref<64x128xf32, #tpu.memory_space<hbm>>) dst(%arg9 : memref<64x128xf32, #tpu.memory_space<vmem>>)
    %and3A_878 = arith.constant 127 : i32
    %and3A_879 = arith.andi %reduce_sum3A_871, %and3A_878 : i32
    %broadcast_in_dim3A_880 = vector.broadcast %and3A_879 : i32 to vector<16xi32>
    %broadcast_in_dim3A_881 = arith.constant 506 : i32
    %broadcast_in_dim3A_882 = vector.broadcast %broadcast_in_dim3A_881 : i32 to vector<16xi32>
    %iota3A_883 = tpu.iota {dimensions = array<i32: 0>} : vector<16xi32>
    %add3A_884 = arith.constant 0 : i32
    %add3A_885 = vector.broadcast %add3A_884 : i32 to vector<16xi32>
    %add3A_886 = arith.addi %iota3A_883, %add3A_885 : vector<16xi32>
    %gather3A_887 = tpu.vector_load_idx %arg9[%add3A_886, %broadcast_in_dim3A_880] : memref<64x128xf32, #tpu.memory_space<vmem>>[vector<16xi32>, vector<16xi32>], vector<16xf32>,
    tpu.vector_store_idx %arg6[%add3A_886, %broadcast_in_dim3A_882], %gather3A_887 : memref<64x512xf32, #tpu.memory_space<vmem>>[vector<16xi32>, vector<16xi32>], vector<16xf32>,
    %iota3A_888 = tpu.iota {dimensions = array<i32: 0>} : vector<16xi32>
    %add3A_889 = arith.constant 16 : i32
    %add3A_890 = vector.broadcast %add3A_889 : i32 to vector<16xi32>
    %add3A_891 = arith.addi %iota3A_888, %add3A_890 : vector<16xi32>
    %gather3A_892 = tpu.vector_load_idx %arg9[%add3A_891, %broadcast_in_dim3A_880] : memref<64x128xf32, #tpu.memory_space<vmem>>[vector<16xi32>, vector<16xi32>], vector<16xf32>,
    tpu.vector_store_idx %arg6[%add3A_891, %broadcast_in_dim3A_882], %gather3A_892 : memref<64x512xf32, #tpu.memory_space<vmem>>[vector<16xi32>, vector<16xi32>], vector<16xf32>,
    %iota3A_893 = tpu.iota {dimensions = array<i32: 0>} : vector<16xi32>
    %add3A_894 = arith.constant 32 : i32
    %add3A_895 = vector.broadcast %add3A_894 : i32 to vector<16xi32>
    %add3A_896 = arith.addi %iota3A_893, %add3A_895 : vector<16xi32>
    %gather3A_897 = tpu.vector_load_idx %arg9[%add3A_896, %broadcast_in_dim3A_880] : memref<64x128xf32, #tpu.memory_space<vmem>>[vector<16xi32>, vector<16xi32>], vector<16xf32>,
    tpu.vector_store_idx %arg6[%add3A_896, %broadcast_in_dim3A_882], %gather3A_897 : memref<64x512xf32, #tpu.memory_space<vmem>>[vector<16xi32>, vector<16xi32>], vector<16xf32>,
    %iota3A_898 = tpu.iota {dimensions = array<i32: 0>} : vector<16xi32>
    %add3A_899 = arith.constant 48 : i32
    %add3A_900 = vector.broadcast %add3A_899 : i32 to vector<16xi32>
    %add3A_901 = arith.addi %iota3A_898, %add3A_900 : vector<16xi32>
    %gather3A_902 = tpu.vector_load_idx %arg9[%add3A_901, %broadcast_in_dim3A_880] : memref<64x128xf32, #tpu.memory_space<vmem>>[vector<16xi32>, vector<16xi32>], vector<16xf32>,
    tpu.vector_store_idx %arg6[%add3A_901, %broadcast_in_dim3A_882], %gather3A_902 : memref<64x512xf32, #tpu.memory_space<vmem>>[vector<16xi32>, vector<16xi32>], vector<16xf32>,
    %get3A_903 = arith.constant 496 : index
    %get3A_904 = tpu.vector_load %arg5[%get3A_903] {strides = array<i32>} : memref<512xi32, #tpu.memory_space<vmem>>, vector<16xi32>,
    %iota3A_905 = tpu.iota {dimensions = array<i32: 0>} : vector<16xi32>
    %eq3A_906 = arith.constant 11 : i32
    %eq3A_907 = vector.broadcast %eq3A_906 : i32 to vector<16xi32>
    %eq3A_908 = arith.cmpi eq, %iota3A_905, %eq3A_907 : vector<16xi32>
    %jit3A_909 = arith.constant 0 : i32
    %broadcast_in_dim3A_910 = vector.broadcast %jit3A_909 : i32 to vector<16xi32>
    %select_n3A_911 = arith.select %eq3A_908, %get3A_904, %broadcast_in_dim3A_910 : vector<16xi1>, vector<16xi32>
    %reduce_sum3A_912 = arith.constant true
    %reduce_sum3A_913 = vector.broadcast %reduce_sum3A_912 : i1 to vector<16xi1>
    %reduce_sum3A_914 = tpu.scan <sum>, %select_n3A_911 masked %reduce_sum3A_913 : vector<16xi32>, vector<16xi1> -> vector<16xi32>
    %reduce_sum3A_915 = vector.extract %reduce_sum3A_914[15] : i32 from vector<16xi32>
    %dma_wait3A_916 = arith.constant 0 : i32
    %dma_wait3A_917 = arith.constant 0 : i32
    %dma_wait3A_918 = tpu.memref_slice %arg3[%dma_wait3A_916, %dma_wait3A_917] : memref<64x1000000xf32, #tpu.memory_space<hbm>> -> memref<64x128xf32, #tpu.memory_space<hbm>>
    %dma_wait3A_919 = arith.constant 0 : i32
    %dma_wait3A_920 = arith.constant 0 : i32
    %dma_wait3A_921 = tpu.memref_slice %arg3[%dma_wait3A_919, %dma_wait3A_920] : memref<64x1000000xf32, #tpu.memory_space<hbm>> -> memref<64x128xf32, #tpu.memory_space<hbm>>
    tpu.wait_dma2 semaphore(%arg18 : memref<!tpu.dma_semaphore, #tpu.memory_space<semaphore_mem>>) src(%dma_wait3A_921 : memref<64x128xf32, #tpu.memory_space<hbm>>) dst(%arg10 : memref<64x128xf32, #tpu.memory_space<vmem>>)
    %and3A_922 = arith.constant 127 : i32
    %and3A_923 = arith.andi %reduce_sum3A_915, %and3A_922 : i32
    %broadcast_in_dim3A_924 = vector.broadcast %and3A_923 : i32 to vector<16xi32>
    %broadcast_in_dim3A_925 = arith.constant 507 : i32
    %broadcast_in_dim3A_926 = vector.broadcast %broadcast_in_dim3A_925 : i32 to vector<16xi32>
    %iota3A_927 = tpu.iota {dimensions = array<i32: 0>} : vector<16xi32>
    %add3A_928 = arith.constant 0 : i32
    %add3A_929 = vector.broadcast %add3A_928 : i32 to vector<16xi32>
    %add3A_930 = arith.addi %iota3A_927, %add3A_929 : vector<16xi32>
    %gather3A_931 = tpu.vector_load_idx %arg10[%add3A_930, %broadcast_in_dim3A_924] : memref<64x128xf32, #tpu.memory_space<vmem>>[vector<16xi32>, vector<16xi32>], vector<16xf32>,
    tpu.vector_store_idx %arg6[%add3A_930, %broadcast_in_dim3A_926], %gather3A_931 : memref<64x512xf32, #tpu.memory_space<vmem>>[vector<16xi32>, vector<16xi32>], vector<16xf32>,
    %iota3A_932 = tpu.iota {dimensions = array<i32: 0>} : vector<16xi32>
    %add3A_933 = arith.constant 16 : i32
    %add3A_934 = vector.broadcast %add3A_933 : i32 to vector<16xi32>
    %add3A_935 = arith.addi %iota3A_932, %add3A_934 : vector<16xi32>
    %gather3A_936 = tpu.vector_load_idx %arg10[%add3A_935, %broadcast_in_dim3A_924] : memref<64x128xf32, #tpu.memory_space<vmem>>[vector<16xi32>, vector<16xi32>], vector<16xf32>,
    tpu.vector_store_idx %arg6[%add3A_935, %broadcast_in_dim3A_926], %gather3A_936 : memref<64x512xf32, #tpu.memory_space<vmem>>[vector<16xi32>, vector<16xi32>], vector<16xf32>,
    %iota3A_937 = tpu.iota {dimensions = array<i32: 0>} : vector<16xi32>
    %add3A_938 = arith.constant 32 : i32
    %add3A_939 = vector.broadcast %add3A_938 : i32 to vector<16xi32>
    %add3A_940 = arith.addi %iota3A_937, %add3A_939 : vector<16xi32>
    %gather3A_941 = tpu.vector_load_idx %arg10[%add3A_940, %broadcast_in_dim3A_924] : memref<64x128xf32, #tpu.memory_space<vmem>>[vector<16xi32>, vector<16xi32>], vector<16xf32>,
    tpu.vector_store_idx %arg6[%add3A_940, %broadcast_in_dim3A_926], %gather3A_941 : memref<64x512xf32, #tpu.memory_space<vmem>>[vector<16xi32>, vector<16xi32>], vector<16xf32>,
    %iota3A_942 = tpu.iota {dimensions = array<i32: 0>} : vector<16xi32>
    %add3A_943 = arith.constant 48 : i32
    %add3A_944 = vector.broadcast %add3A_943 : i32 to vector<16xi32>
    %add3A_945 = arith.addi %iota3A_942, %add3A_944 : vector<16xi32>
    %gather3A_946 = tpu.vector_load_idx %arg10[%add3A_945, %broadcast_in_dim3A_924] : memref<64x128xf32, #tpu.memory_space<vmem>>[vector<16xi32>, vector<16xi32>], vector<16xf32>,
    tpu.vector_store_idx %arg6[%add3A_945, %broadcast_in_dim3A_926], %gather3A_946 : memref<64x512xf32, #tpu.memory_space<vmem>>[vector<16xi32>, vector<16xi32>], vector<16xf32>,
    %get3A_947 = arith.constant 496 : index
    %get3A_948 = tpu.vector_load %arg5[%get3A_947] {strides = array<i32>} : memref<512xi32, #tpu.memory_space<vmem>>, vector<16xi32>,
    %iota3A_949 = tpu.iota {dimensions = array<i32: 0>} : vector<16xi32>
    %eq3A_950 = arith.constant 12 : i32
    %eq3A_951 = vector.broadcast %eq3A_950 : i32 to vector<16xi32>
    %eq3A_952 = arith.cmpi eq, %iota3A_949, %eq3A_951 : vector<16xi32>
    %jit3A_953 = arith.constant 0 : i32
    %broadcast_in_dim3A_954 = vector.broadcast %jit3A_953 : i32 to vector<16xi32>
    %select_n3A_955 = arith.select %eq3A_952, %get3A_948, %broadcast_in_dim3A_954 : vector<16xi1>, vector<16xi32>
    %reduce_sum3A_956 = arith.constant true
    %reduce_sum3A_957 = vector.broadcast %reduce_sum3A_956 : i1 to vector<16xi1>
    %reduce_sum3A_958 = tpu.scan <sum>, %select_n3A_955 masked %reduce_sum3A_957 : vector<16xi32>, vector<16xi1> -> vector<16xi32>
    %reduce_sum3A_959 = vector.extract %reduce_sum3A_958[15] : i32 from vector<16xi32>
    %dma_wait3A_960 = arith.constant 0 : i32
    %dma_wait3A_961 = arith.constant 0 : i32
    %dma_wait3A_962 = tpu.memref_slice %arg3[%dma_wait3A_960, %dma_wait3A_961] : memref<64x1000000xf32, #tpu.memory_space<hbm>> -> memref<64x128xf32, #tpu.memory_space<hbm>>
    %dma_wait3A_963 = arith.constant 0 : i32
    %dma_wait3A_964 = arith.constant 0 : i32
    %dma_wait3A_965 = tpu.memref_slice %arg3[%dma_wait3A_963, %dma_wait3A_964] : memref<64x1000000xf32, #tpu.memory_space<hbm>> -> memref<64x128xf32, #tpu.memory_space<hbm>>
    tpu.wait_dma2 semaphore(%arg19 : memref<!tpu.dma_semaphore, #tpu.memory_space<semaphore_mem>>) src(%dma_wait3A_965 : memref<64x128xf32, #tpu.memory_space<hbm>>) dst(%arg11 : memref<64x128xf32, #tpu.memory_space<vmem>>)
    %and3A_966 = arith.constant 127 : i32
    %and3A_967 = arith.andi %reduce_sum3A_959, %and3A_966 : i32
    %broadcast_in_dim3A_968 = vector.broadcast %and3A_967 : i32 to vector<16xi32>
    %broadcast_in_dim3A_969 = arith.constant 508 : i32
    %broadcast_in_dim3A_970 = vector.broadcast %broadcast_in_dim3A_969 : i32 to vector<16xi32>
    %iota3A_971 = tpu.iota {dimensions = array<i32: 0>} : vector<16xi32>
    %add3A_972 = arith.constant 0 : i32
    %add3A_973 = vector.broadcast %add3A_972 : i32 to vector<16xi32>
    %add3A_974 = arith.addi %iota3A_971, %add3A_973 : vector<16xi32>
    %gather3A_975 = tpu.vector_load_idx %arg11[%add3A_974, %broadcast_in_dim3A_968] : memref<64x128xf32, #tpu.memory_space<vmem>>[vector<16xi32>, vector<16xi32>], vector<16xf32>,
    tpu.vector_store_idx %arg6[%add3A_974, %broadcast_in_dim3A_970], %gather3A_975 : memref<64x512xf32, #tpu.memory_space<vmem>>[vector<16xi32>, vector<16xi32>], vector<16xf32>,
    %iota3A_976 = tpu.iota {dimensions = array<i32: 0>} : vector<16xi32>
    %add3A_977 = arith.constant 16 : i32
    %add3A_978 = vector.broadcast %add3A_977 : i32 to vector<16xi32>
    %add3A_979 = arith.addi %iota3A_976, %add3A_978 : vector<16xi32>
    %gather3A_980 = tpu.vector_load_idx %arg11[%add3A_979, %broadcast_in_dim3A_968] : memref<64x128xf32, #tpu.memory_space<vmem>>[vector<16xi32>, vector<16xi32>], vector<16xf32>,
    tpu.vector_store_idx %arg6[%add3A_979, %broadcast_in_dim3A_970], %gather3A_980 : memref<64x512xf32, #tpu.memory_space<vmem>>[vector<16xi32>, vector<16xi32>], vector<16xf32>,
    %iota3A_981 = tpu.iota {dimensions = array<i32: 0>} : vector<16xi32>
    %add3A_982 = arith.constant 32 : i32
    %add3A_983 = vector.broadcast %add3A_982 : i32 to vector<16xi32>
    %add3A_984 = arith.addi %iota3A_981, %add3A_983 : vector<16xi32>
    %gather3A_985 = tpu.vector_load_idx %arg11[%add3A_984, %broadcast_in_dim3A_968] : memref<64x128xf32, #tpu.memory_space<vmem>>[vector<16xi32>, vector<16xi32>], vector<16xf32>,
    tpu.vector_store_idx %arg6[%add3A_984, %broadcast_in_dim3A_970], %gather3A_985 : memref<64x512xf32, #tpu.memory_space<vmem>>[vector<16xi32>, vector<16xi32>], vector<16xf32>,
    %iota3A_986 = tpu.iota {dimensions = array<i32: 0>} : vector<16xi32>
    %add3A_987 = arith.constant 48 : i32
    %add3A_988 = vector.broadcast %add3A_987 : i32 to vector<16xi32>
    %add3A_989 = arith.addi %iota3A_986, %add3A_988 : vector<16xi32>
    %gather3A_990 = tpu.vector_load_idx %arg11[%add3A_989, %broadcast_in_dim3A_968] : memref<64x128xf32, #tpu.memory_space<vmem>>[vector<16xi32>, vector<16xi32>], vector<16xf32>,
    tpu.vector_store_idx %arg6[%add3A_989, %broadcast_in_dim3A_970], %gather3A_990 : memref<64x512xf32, #tpu.memory_space<vmem>>[vector<16xi32>, vector<16xi32>], vector<16xf32>,
    %get3A_991 = arith.constant 496 : index
    %get3A_992 = tpu.vector_load %arg5[%get3A_991] {strides = array<i32>} : memref<512xi32, #tpu.memory_space<vmem>>, vector<16xi32>,
    %iota3A_993 = tpu.iota {dimensions = array<i32: 0>} : vector<16xi32>
    %eq3A_994 = arith.constant 13 : i32
    %eq3A_995 = vector.broadcast %eq3A_994 : i32 to vector<16xi32>
    %eq3A_996 = arith.cmpi eq, %iota3A_993, %eq3A_995 : vector<16xi32>
    %jit3A_997 = arith.constant 0 : i32
    %broadcast_in_dim3A_998 = vector.broadcast %jit3A_997 : i32 to vector<16xi32>
    %select_n3A_999 = arith.select %eq3A_996, %get3A_992, %broadcast_in_dim3A_998 : vector<16xi1>, vector<16xi32>
    %reduce_sum3A_1000 = arith.constant true
    %reduce_sum3A_1001 = vector.broadcast %reduce_sum3A_1000 : i1 to vector<16xi1>
    %reduce_sum3A_1002 = tpu.scan <sum>, %select_n3A_999 masked %reduce_sum3A_1001 : vector<16xi32>, vector<16xi1> -> vector<16xi32>
    %reduce_sum3A_1003 = vector.extract %reduce_sum3A_1002[15] : i32 from vector<16xi32>
    %dma_wait3A_1004 = arith.constant 0 : i32
    %dma_wait3A_1005 = arith.constant 0 : i32
    %dma_wait3A_1006 = tpu.memref_slice %arg3[%dma_wait3A_1004, %dma_wait3A_1005] : memref<64x1000000xf32, #tpu.memory_space<hbm>> -> memref<64x128xf32, #tpu.memory_space<hbm>>
    %dma_wait3A_1007 = arith.constant 0 : i32
    %dma_wait3A_1008 = arith.constant 0 : i32
    %dma_wait3A_1009 = tpu.memref_slice %arg3[%dma_wait3A_1007, %dma_wait3A_1008] : memref<64x1000000xf32, #tpu.memory_space<hbm>> -> memref<64x128xf32, #tpu.memory_space<hbm>>
    tpu.wait_dma2 semaphore(%arg20 : memref<!tpu.dma_semaphore, #tpu.memory_space<semaphore_mem>>) src(%dma_wait3A_1009 : memref<64x128xf32, #tpu.memory_space<hbm>>) dst(%arg12 : memref<64x128xf32, #tpu.memory_space<vmem>>)
    %and3A_1010 = arith.constant 127 : i32
    %and3A_1011 = arith.andi %reduce_sum3A_1003, %and3A_1010 : i32
    %broadcast_in_dim3A_1012 = vector.broadcast %and3A_1011 : i32 to vector<16xi32>
    %broadcast_in_dim3A_1013 = arith.constant 509 : i32
    %broadcast_in_dim3A_1014 = vector.broadcast %broadcast_in_dim3A_1013 : i32 to vector<16xi32>
    %iota3A_1015 = tpu.iota {dimensions = array<i32: 0>} : vector<16xi32>
    %add3A_1016 = arith.constant 0 : i32
    %add3A_1017 = vector.broadcast %add3A_1016 : i32 to vector<16xi32>
    %add3A_1018 = arith.addi %iota3A_1015, %add3A_1017 : vector<16xi32>
    %gather3A_1019 = tpu.vector_load_idx %arg12[%add3A_1018, %broadcast_in_dim3A_1012] : memref<64x128xf32, #tpu.memory_space<vmem>>[vector<16xi32>, vector<16xi32>], vector<16xf32>,
    tpu.vector_store_idx %arg6[%add3A_1018, %broadcast_in_dim3A_1014], %gather3A_1019 : memref<64x512xf32, #tpu.memory_space<vmem>>[vector<16xi32>, vector<16xi32>], vector<16xf32>,
    %iota3A_1020 = tpu.iota {dimensions = array<i32: 0>} : vector<16xi32>
    %add3A_1021 = arith.constant 16 : i32
    %add3A_1022 = vector.broadcast %add3A_1021 : i32 to vector<16xi32>
    %add3A_1023 = arith.addi %iota3A_1020, %add3A_1022 : vector<16xi32>
    %gather3A_1024 = tpu.vector_load_idx %arg12[%add3A_1023, %broadcast_in_dim3A_1012] : memref<64x128xf32, #tpu.memory_space<vmem>>[vector<16xi32>, vector<16xi32>], vector<16xf32>,
    tpu.vector_store_idx %arg6[%add3A_1023, %broadcast_in_dim3A_1014], %gather3A_1024 : memref<64x512xf32, #tpu.memory_space<vmem>>[vector<16xi32>, vector<16xi32>], vector<16xf32>,
    %iota3A_1025 = tpu.iota {dimensions = array<i32: 0>} : vector<16xi32>
    %add3A_1026 = arith.constant 32 : i32
    %add3A_1027 = vector.broadcast %add3A_1026 : i32 to vector<16xi32>
    %add3A_1028 = arith.addi %iota3A_1025, %add3A_1027 : vector<16xi32>
    %gather3A_1029 = tpu.vector_load_idx %arg12[%add3A_1028, %broadcast_in_dim3A_1012] : memref<64x128xf32, #tpu.memory_space<vmem>>[vector<16xi32>, vector<16xi32>], vector<16xf32>,
    tpu.vector_store_idx %arg6[%add3A_1028, %broadcast_in_dim3A_1014], %gather3A_1029 : memref<64x512xf32, #tpu.memory_space<vmem>>[vector<16xi32>, vector<16xi32>], vector<16xf32>,
    %iota3A_1030 = tpu.iota {dimensions = array<i32: 0>} : vector<16xi32>
    %add3A_1031 = arith.constant 48 : i32
    %add3A_1032 = vector.broadcast %add3A_1031 : i32 to vector<16xi32>
    %add3A_1033 = arith.addi %iota3A_1030, %add3A_1032 : vector<16xi32>
    %gather3A_1034 = tpu.vector_load_idx %arg12[%add3A_1033, %broadcast_in_dim3A_1012] : memref<64x128xf32, #tpu.memory_space<vmem>>[vector<16xi32>, vector<16xi32>], vector<16xf32>,
    tpu.vector_store_idx %arg6[%add3A_1033, %broadcast_in_dim3A_1014], %gather3A_1034 : memref<64x512xf32, #tpu.memory_space<vmem>>[vector<16xi32>, vector<16xi32>], vector<16xf32>,
    %get3A_1035 = arith.constant 496 : index
    %get3A_1036 = tpu.vector_load %arg5[%get3A_1035] {strides = array<i32>} : memref<512xi32, #tpu.memory_space<vmem>>, vector<16xi32>,
    %iota3A_1037 = tpu.iota {dimensions = array<i32: 0>} : vector<16xi32>
    %eq3A_1038 = arith.constant 14 : i32
    %eq3A_1039 = vector.broadcast %eq3A_1038 : i32 to vector<16xi32>
    %eq3A_1040 = arith.cmpi eq, %iota3A_1037, %eq3A_1039 : vector<16xi32>
    %jit3A_1041 = arith.constant 0 : i32
    %broadcast_in_dim3A_1042 = vector.broadcast %jit3A_1041 : i32 to vector<16xi32>
    %select_n3A_1043 = arith.select %eq3A_1040, %get3A_1036, %broadcast_in_dim3A_1042 : vector<16xi1>, vector<16xi32>
    %reduce_sum3A_1044 = arith.constant true
    %reduce_sum3A_1045 = vector.broadcast %reduce_sum3A_1044 : i1 to vector<16xi1>
    %reduce_sum3A_1046 = tpu.scan <sum>, %select_n3A_1043 masked %reduce_sum3A_1045 : vector<16xi32>, vector<16xi1> -> vector<16xi32>
    %reduce_sum3A_1047 = vector.extract %reduce_sum3A_1046[15] : i32 from vector<16xi32>
    %dma_wait3A_1048 = arith.constant 0 : i32
    %dma_wait3A_1049 = arith.constant 0 : i32
    %dma_wait3A_1050 = tpu.memref_slice %arg3[%dma_wait3A_1048, %dma_wait3A_1049] : memref<64x1000000xf32, #tpu.memory_space<hbm>> -> memref<64x128xf32, #tpu.memory_space<hbm>>
    %dma_wait3A_1051 = arith.constant 0 : i32
    %dma_wait3A_1052 = arith.constant 0 : i32
    %dma_wait3A_1053 = tpu.memref_slice %arg3[%dma_wait3A_1051, %dma_wait3A_1052] : memref<64x1000000xf32, #tpu.memory_space<hbm>> -> memref<64x128xf32, #tpu.memory_space<hbm>>
    tpu.wait_dma2 semaphore(%arg21 : memref<!tpu.dma_semaphore, #tpu.memory_space<semaphore_mem>>) src(%dma_wait3A_1053 : memref<64x128xf32, #tpu.memory_space<hbm>>) dst(%arg13 : memref<64x128xf32, #tpu.memory_space<vmem>>)
    %and3A_1054 = arith.constant 127 : i32
    %and3A_1055 = arith.andi %reduce_sum3A_1047, %and3A_1054 : i32
    %broadcast_in_dim3A_1056 = vector.broadcast %and3A_1055 : i32 to vector<16xi32>
    %broadcast_in_dim3A_1057 = arith.constant 510 : i32
    %broadcast_in_dim3A_1058 = vector.broadcast %broadcast_in_dim3A_1057 : i32 to vector<16xi32>
    %iota3A_1059 = tpu.iota {dimensions = array<i32: 0>} : vector<16xi32>
    %add3A_1060 = arith.constant 0 : i32
    %add3A_1061 = vector.broadcast %add3A_1060 : i32 to vector<16xi32>
    %add3A_1062 = arith.addi %iota3A_1059, %add3A_1061 : vector<16xi32>
    %gather3A_1063 = tpu.vector_load_idx %arg13[%add3A_1062, %broadcast_in_dim3A_1056] : memref<64x128xf32, #tpu.memory_space<vmem>>[vector<16xi32>, vector<16xi32>], vector<16xf32>,
    tpu.vector_store_idx %arg6[%add3A_1062, %broadcast_in_dim3A_1058], %gather3A_1063 : memref<64x512xf32, #tpu.memory_space<vmem>>[vector<16xi32>, vector<16xi32>], vector<16xf32>,
    %iota3A_1064 = tpu.iota {dimensions = array<i32: 0>} : vector<16xi32>
    %add3A_1065 = arith.constant 16 : i32
    %add3A_1066 = vector.broadcast %add3A_1065 : i32 to vector<16xi32>
    %add3A_1067 = arith.addi %iota3A_1064, %add3A_1066 : vector<16xi32>
    %gather3A_1068 = tpu.vector_load_idx %arg13[%add3A_1067, %broadcast_in_dim3A_1056] : memref<64x128xf32, #tpu.memory_space<vmem>>[vector<16xi32>, vector<16xi32>], vector<16xf32>,
    tpu.vector_store_idx %arg6[%add3A_1067, %broadcast_in_dim3A_1058], %gather3A_1068 : memref<64x512xf32, #tpu.memory_space<vmem>>[vector<16xi32>, vector<16xi32>], vector<16xf32>,
    %iota3A_1069 = tpu.iota {dimensions = array<i32: 0>} : vector<16xi32>
    %add3A_1070 = arith.constant 32 : i32
    %add3A_1071 = vector.broadcast %add3A_1070 : i32 to vector<16xi32>
    %add3A_1072 = arith.addi %iota3A_1069, %add3A_1071 : vector<16xi32>
    %gather3A_1073 = tpu.vector_load_idx %arg13[%add3A_1072, %broadcast_in_dim3A_1056] : memref<64x128xf32, #tpu.memory_space<vmem>>[vector<16xi32>, vector<16xi32>], vector<16xf32>,
    tpu.vector_store_idx %arg6[%add3A_1072, %broadcast_in_dim3A_1058], %gather3A_1073 : memref<64x512xf32, #tpu.memory_space<vmem>>[vector<16xi32>, vector<16xi32>], vector<16xf32>,
    %iota3A_1074 = tpu.iota {dimensions = array<i32: 0>} : vector<16xi32>
    %add3A_1075 = arith.constant 48 : i32
    %add3A_1076 = vector.broadcast %add3A_1075 : i32 to vector<16xi32>
    %add3A_1077 = arith.addi %iota3A_1074, %add3A_1076 : vector<16xi32>
    %gather3A_1078 = tpu.vector_load_idx %arg13[%add3A_1077, %broadcast_in_dim3A_1056] : memref<64x128xf32, #tpu.memory_space<vmem>>[vector<16xi32>, vector<16xi32>], vector<16xf32>,
    tpu.vector_store_idx %arg6[%add3A_1077, %broadcast_in_dim3A_1058], %gather3A_1078 : memref<64x512xf32, #tpu.memory_space<vmem>>[vector<16xi32>, vector<16xi32>], vector<16xf32>,
    %get3A_1079 = arith.constant 496 : index
    %get3A_1080 = tpu.vector_load %arg5[%get3A_1079] {strides = array<i32>} : memref<512xi32, #tpu.memory_space<vmem>>, vector<16xi32>,
    %iota3A_1081 = tpu.iota {dimensions = array<i32: 0>} : vector<16xi32>
    %eq3A_1082 = arith.constant 15 : i32
    %eq3A_1083 = vector.broadcast %eq3A_1082 : i32 to vector<16xi32>
    %eq3A_1084 = arith.cmpi eq, %iota3A_1081, %eq3A_1083 : vector<16xi32>
    %jit3A_1085 = arith.constant 0 : i32
    %broadcast_in_dim3A_1086 = vector.broadcast %jit3A_1085 : i32 to vector<16xi32>
    %select_n3A_1087 = arith.select %eq3A_1084, %get3A_1080, %broadcast_in_dim3A_1086 : vector<16xi1>, vector<16xi32>
    %reduce_sum3A_1088 = arith.constant true
    %reduce_sum3A_1089 = vector.broadcast %reduce_sum3A_1088 : i1 to vector<16xi1>
    %reduce_sum3A_1090 = tpu.scan <sum>, %select_n3A_1087 masked %reduce_sum3A_1089 : vector<16xi32>, vector<16xi1> -> vector<16xi32>
    %reduce_sum3A_1091 = vector.extract %reduce_sum3A_1090[15] : i32 from vector<16xi32>
    %dma_wait3A_1092 = arith.constant 0 : i32
    %dma_wait3A_1093 = arith.constant 0 : i32
    %dma_wait3A_1094 = tpu.memref_slice %arg3[%dma_wait3A_1092, %dma_wait3A_1093] : memref<64x1000000xf32, #tpu.memory_space<hbm>> -> memref<64x128xf32, #tpu.memory_space<hbm>>
    %dma_wait3A_1095 = arith.constant 0 : i32
    %dma_wait3A_1096 = arith.constant 0 : i32
    %dma_wait3A_1097 = tpu.memref_slice %arg3[%dma_wait3A_1095, %dma_wait3A_1096] : memref<64x1000000xf32, #tpu.memory_space<hbm>> -> memref<64x128xf32, #tpu.memory_space<hbm>>
    tpu.wait_dma2 semaphore(%arg22 : memref<!tpu.dma_semaphore, #tpu.memory_space<semaphore_mem>>) src(%dma_wait3A_1097 : memref<64x128xf32, #tpu.memory_space<hbm>>) dst(%arg14 : memref<64x128xf32, #tpu.memory_space<vmem>>)
    %and3A_1098 = arith.constant 127 : i32
    %and3A_1099 = arith.andi %reduce_sum3A_1091, %and3A_1098 : i32
    %broadcast_in_dim3A_1100 = vector.broadcast %and3A_1099 : i32 to vector<16xi32>
    %broadcast_in_dim3A_1101 = arith.constant 511 : i32
    %broadcast_in_dim3A_1102 = vector.broadcast %broadcast_in_dim3A_1101 : i32 to vector<16xi32>
    %iota3A_1103 = tpu.iota {dimensions = array<i32: 0>} : vector<16xi32>
    %add3A_1104 = arith.constant 0 : i32
    %add3A_1105 = vector.broadcast %add3A_1104 : i32 to vector<16xi32>
    %add3A_1106 = arith.addi %iota3A_1103, %add3A_1105 : vector<16xi32>
    %gather3A_1107 = tpu.vector_load_idx %arg14[%add3A_1106, %broadcast_in_dim3A_1100] : memref<64x128xf32, #tpu.memory_space<vmem>>[vector<16xi32>, vector<16xi32>], vector<16xf32>,
    tpu.vector_store_idx %arg6[%add3A_1106, %broadcast_in_dim3A_1102], %gather3A_1107 : memref<64x512xf32, #tpu.memory_space<vmem>>[vector<16xi32>, vector<16xi32>], vector<16xf32>,
    %iota3A_1108 = tpu.iota {dimensions = array<i32: 0>} : vector<16xi32>
    %add3A_1109 = arith.constant 16 : i32
    %add3A_1110 = vector.broadcast %add3A_1109 : i32 to vector<16xi32>
    %add3A_1111 = arith.addi %iota3A_1108, %add3A_1110 : vector<16xi32>
    %gather3A_1112 = tpu.vector_load_idx %arg14[%add3A_1111, %broadcast_in_dim3A_1100] : memref<64x128xf32, #tpu.memory_space<vmem>>[vector<16xi32>, vector<16xi32>], vector<16xf32>,
    tpu.vector_store_idx %arg6[%add3A_1111, %broadcast_in_dim3A_1102], %gather3A_1112 : memref<64x512xf32, #tpu.memory_space<vmem>>[vector<16xi32>, vector<16xi32>], vector<16xf32>,
    %iota3A_1113 = tpu.iota {dimensions = array<i32: 0>} : vector<16xi32>
    %add3A_1114 = arith.constant 32 : i32
    %add3A_1115 = vector.broadcast %add3A_1114 : i32 to vector<16xi32>
    %add3A_1116 = arith.addi %iota3A_1113, %add3A_1115 : vector<16xi32>
    %gather3A_1117 = tpu.vector_load_idx %arg14[%add3A_1116, %broadcast_in_dim3A_1100] : memref<64x128xf32, #tpu.memory_space<vmem>>[vector<16xi32>, vector<16xi32>], vector<16xf32>,
    tpu.vector_store_idx %arg6[%add3A_1116, %broadcast_in_dim3A_1102], %gather3A_1117 : memref<64x512xf32, #tpu.memory_space<vmem>>[vector<16xi32>, vector<16xi32>], vector<16xf32>,
    %iota3A_1118 = tpu.iota {dimensions = array<i32: 0>} : vector<16xi32>
    %add3A_1119 = arith.constant 48 : i32
    %add3A_1120 = vector.broadcast %add3A_1119 : i32 to vector<16xi32>
    %add3A_1121 = arith.addi %iota3A_1118, %add3A_1120 : vector<16xi32>
    %gather3A_1122 = tpu.vector_load_idx %arg14[%add3A_1121, %broadcast_in_dim3A_1100] : memref<64x128xf32, #tpu.memory_space<vmem>>[vector<16xi32>, vector<16xi32>], vector<16xf32>,
    tpu.vector_store_idx %arg6[%add3A_1121, %broadcast_in_dim3A_1102], %gather3A_1122 : memref<64x512xf32, #tpu.memory_space<vmem>>[vector<16xi32>, vector<16xi32>], vector<16xf32>,
    "tpu.region"() ({
      %run_scoped3A = tpu.sem_alloc : memref<!tpu.dma_semaphore, #tpu.memory_space<semaphore_mem>>
      %dma_start3A_1123 = arith.constant 0 : i32
      %dma_start3A_1124 = tpu.memref_slice %arg4[%dma_start3A_1123, %mul3A_2] : memref<64x16384xf32, #tpu.memory_space<hbm>> -> memref<64x512xf32, #tpu.memory_space<hbm>>
      %dma_start3A_1125 = arith.constant 0 : i32
      %dma_start3A_1126 = tpu.memref_slice %arg4[%dma_start3A_1125, %mul3A_2] : memref<64x16384xf32, #tpu.memory_space<hbm>> -> memref<64x512xf32, #tpu.memory_space<hbm>>
      tpu.enqueue_dma source(%arg6 : memref<64x512xf32, #tpu.memory_space<vmem>>) target(%dma_start3A_1126 : memref<64x512xf32, #tpu.memory_space<hbm>>) target_semaphore(%run_scoped3A : memref<!tpu.dma_semaphore, #tpu.memory_space<semaphore_mem>>)
      %dma_wait3A_1127 = arith.constant 0 : i32
      %dma_wait3A_1128 = tpu.memref_slice %arg4[%dma_wait3A_1127, %mul3A_2] : memref<64x16384xf32, #tpu.memory_space<hbm>> -> memref<64x512xf32, #tpu.memory_space<hbm>>
      %dma_wait3A_1129 = arith.constant 0 : i32
      %dma_wait3A_1130 = tpu.memref_slice %arg4[%dma_wait3A_1129, %mul3A_2] : memref<64x16384xf32, #tpu.memory_space<hbm>> -> memref<64x512xf32, #tpu.memory_space<hbm>>
      tpu.wait_dma2 semaphore(%run_scoped3A : memref<!tpu.dma_semaphore, #tpu.memory_space<semaphore_mem>>) src(%arg6 : memref<64x512xf32, #tpu.memory_space<vmem>>) dst(%dma_wait3A_1130 : memref<64x512xf32, #tpu.memory_space<hbm>>)
      tpu.yield
    }) : () -> ()
    return
  }
}

module attributes {stable_mosaic.version = 14 : i64} {
  func.func @_mlp_body(%arg0: i32, %arg1: memref<64x2048xf32, #tpu.memory_space<vmem>>, %arg2: memref<64x64xf32, #tpu.memory_space<vmem>>, %arg3: memref<64x1xf32, #tpu.memory_space<vmem>>, %arg4: memref<64x1xf32, #tpu.memory_space<vmem>>, %arg5: memref<1x1xf32, #tpu.memory_space<vmem>>, %arg6: memref<1x2048xf32, #tpu.memory_space<vmem>>) attributes {dimension_semantics = [#tpu.dimension_semantics<arbitrary>], iteration_bounds = array<i64: 8>, scalar_prefetch = 0 : i64, scratch_operands = 0 : i64, tpu.core_type = #tpu.core_type<tc>, window_params = [{transform_indices = @transform_0, window_bounds = array<i64: 64, 2048>}, {pipeline_mode = #tpu.pipeline_mode<synchronous>, transform_indices = @transform_1, window_bounds = array<i64: 64, 64>}, {pipeline_mode = #tpu.pipeline_mode<synchronous>, transform_indices = @transform_2, window_bounds = array<i64: 64, 1>}, {pipeline_mode = #tpu.pipeline_mode<synchronous>, transform_indices = @transform_3, window_bounds = array<i64: 64, 1>}, {pipeline_mode = #tpu.pipeline_mode<synchronous>, transform_indices = @transform_4, window_bounds = array<i64: 1, 1>}, {transform_indices = @transform_5, window_bounds = array<i64: 1, 2048>}]} {
    %get3A = arith.constant 0 : index
    %get3A_0 = arith.constant 0 : index
    %get3A_1 = vector.load %arg2[%get3A, %get3A_0] : memref<64x64xf32, #tpu.memory_space<vmem>>, vector<64x64xf32>
    %get3A_2 = arith.constant 0 : index
    %get3A_3 = arith.constant 0 : index
    %get3A_4 = vector.load %arg1[%get3A_2, %get3A_3] : memref<64x2048xf32, #tpu.memory_space<vmem>>, vector<64x2048xf32>
    %dot_general3A = arith.constant dense<0.000000e+00> : vector<64x2048xf32>
    %dot_general3A_5 = tpu.matmul %get3A_1, %get3A_4, %dot_general3A {dimension_numbers = #tpu.dot_dimension_numbers<[1], [0], [0], [1], [0, 0, 1, 1], [], []>, transpose_lhs_hint = false} : vector<64x64xf32>, vector<64x2048xf32>, vector<64x2048xf32> -> vector<64x2048xf32>
    %get3A_6 = arith.constant 0 : index
    %get3A_7 = arith.constant 0 : index
    %get3A_8 = vector.load %arg3[%get3A_6, %get3A_7] : memref<64x1xf32, #tpu.memory_space<vmem>>, vector<64x1xf32>
    %add3A = vector.broadcast %get3A_8 : vector<64x1xf32> to vector<64x2048xf32>
    %add3A_9 = arith.addf %dot_general3A_5, %add3A : vector<64x2048xf32>
    %max3A = arith.constant 0.000000e+00 : f32
    %max3A_10 = vector.broadcast %max3A : f32 to vector<64x2048xf32>
    %max3A_11 = arith.maximumf %add3A_9, %max3A_10 : vector<64x2048xf32>
    %get3A_12 = arith.constant 0 : index
    %get3A_13 = arith.constant 0 : index
    %get3A_14 = vector.load %arg4[%get3A_12, %get3A_13] : memref<64x1xf32, #tpu.memory_space<vmem>>, vector<64x1xf32>
    %mul3A = vector.broadcast %get3A_14 : vector<64x1xf32> to vector<64x2048xf32>
    %mul3A_15 = arith.mulf %max3A_11, %mul3A : vector<64x2048xf32>
    %reduce_sum3A = arith.constant dense<0.000000e+00> : vector<2048xf32>
    %reduce_sum3A_16 = vector.multi_reduction <add>, %mul3A_15, %reduce_sum3A [0] : vector<64x2048xf32> to vector<2048xf32>
    %broadcast_in_dim3A = vector.shape_cast %reduce_sum3A_16 : vector<2048xf32> to vector<1x2048xf32>
    %get3A_17 = arith.constant 0 : index
    %get3A_18 = arith.constant 0 : index
    %get3A_19 = vector.load %arg5[%get3A_17, %get3A_18] : memref<1x1xf32, #tpu.memory_space<vmem>>, vector<1x1xf32>
    %get3A_20 = vector.extract %get3A_19[0, 0] : f32 from vector<1x1xf32>
    %add3A_21 = vector.broadcast %get3A_20 : f32 to vector<1x2048xf32>
    %add3A_22 = arith.addf %broadcast_in_dim3A, %add3A_21 : vector<1x2048xf32>
    %swap3A = arith.constant 0 : index
    %swap3A_23 = arith.constant 0 : index
    %swap3A_24 = vector.load %arg6[%swap3A, %swap3A_23] : memref<1x2048xf32, #tpu.memory_space<vmem>>, vector<1x2048xf32>
    tpu.vector_store %arg6[%swap3A, %swap3A_23], %add3A_22 {strides = array<i32>} : memref<1x2048xf32, #tpu.memory_space<vmem>>, vector<1x2048xf32>,
    return
  }
  func.func @transform_0(%arg0: i32) -> (i32, i32) {
    %c0_i32 = arith.constant 0 : i32
    %c0_i32_0 = arith.constant 0 : i32
    return %c0_i32, %arg0 : i32, i32
  }
  func.func @transform_1(%arg0: i32) -> (i32, i32) {
    %c0_i32 = arith.constant 0 : i32
    %c0_i32_0 = arith.constant 0 : i32
    %c0_i32_1 = arith.constant 0 : i32
    return %c0_i32, %c0_i32_0 : i32, i32
  }
  func.func @transform_2(%arg0: i32) -> (i32, i32) {
    %c0_i32 = arith.constant 0 : i32
    %c0_i32_0 = arith.constant 0 : i32
    %c0_i32_1 = arith.constant 0 : i32
    return %c0_i32, %c0_i32_0 : i32, i32
  }
  func.func @transform_3(%arg0: i32) -> (i32, i32) {
    %c0_i32 = arith.constant 0 : i32
    %c0_i32_0 = arith.constant 0 : i32
    %c0_i32_1 = arith.constant 0 : i32
    return %c0_i32, %c0_i32_0 : i32, i32
  }
  func.func @transform_4(%arg0: i32) -> (i32, i32) {
    %c0_i32 = arith.constant 0 : i32
    %c0_i32_0 = arith.constant 0 : i32
    %c0_i32_1 = arith.constant 0 : i32
    return %c0_i32, %c0_i32_0 : i32, i32
  }
  func.func @transform_5(%arg0: i32) -> (i32, i32) {
    %c0_i32 = arith.constant 0 : i32
    %c0_i32_0 = arith.constant 0 : i32
    return %c0_i32, %arg0 : i32, i32
  }
}

</mosaic_0001>

<sc_bundles>
// kernel: kernel.4.cloned.1.call-start
scs
__scs_entry_jumppad:
0x0: {  	(pc) =	sbr.rel $0x88, $3  }
0x1: {  	(tag) =	ssettag $0x0;
	lr =	simm.s32 $0x1  }
0x2: {  	[smem:$0x3F9B] =	sst lr;
	_ =	strace $0xD0000000  }
0x3: {  	_ = 	snop  }
0x4: {  	_ = 	snop  }
0x5: {  	_ = 	snop  }
0x6: {  	_ = 	snop  }
0x7: {  	_ = 	snop  }
__scs_overlays_trampoline_lowered:
0x8: {  	[smem:$0x3FAA] =	sst s0  }
0x9: {  	[smem:$0x3FAB] =	sst s1  }
0xa: {  	[smem:$0x3FAC] =	sst s2  }
0xb: {  	[smem:$0x3FAD] =	sst s3  }
0xc: {  	[smem:$0x3FAE] =	sst s4  }
0xd: {  	[smem:$0x3FAF] =	sst s5  }
0xe: {  	[smem:$0x3FB0] =	sst s6  }
0xf: {  	[smem:$0x3FB1] =	sst s7  }
0x10: {  	[smem:$0x3FB2] =	sst s8  }
0x11: {  	[smem:$0x3FB3] =	sst s9;
	s0 =	simm.s32 @!p0 $0x0  }
0x12: {  	s1 =	sld [smem:$0x3F99];
	s0 =	simm.s32 @p0 $0x1  }
0x13: {  	[smem:$0x3FB4] =	sst s0;
	s0 =	simm.s32 @!p1 $0x0  }
0x14: {  	s2 =	sld [smem:$0x3F98];
	s0 =	simm.s32 @p1 $0x1  }
0x15: {  	[smem:$0x3FB5] =	sst s0;
	s0 =	simm.s32 @!p2 $0x0  }
0x16: {  	s3 =	sld [smem:$0x3FDB];
	s0 =	simm.s32 @p2 $0x1  }
0x17: {  	s4 =	simm.s32 $0x1BF5;
	[smem:$0x3FB7] =	sst s0  }
0x18: {  	s0 =	sld [smem:$0x3F9A];
	_ =	swait.ge [sflag:s4], $0x0  }
0x19: {  	s7 =	sld [smem:$0x3F9B]  }
0x1a: {  	s8 =	sadd.s32 $0xFFFFE003, lr  }
0x1b: {  	s9 =	sadd.s32 $0xFFFFFEF7, lr;
	s5 =	simm.s32 $0xFFFFFFFF;
	p2 =	slt.u32 s8, $0xFFFFF086  }
0x1c: {  	p1 =	slt.u32 s9, $0xF7A;
	s5 =	simm.s32 @!p2 $0x0  }
0x1d: {  	s5 =	simm.s32 @p1 $0x1;
	p0 =	seq.s32 s7, s2  }
0x1e: {  	s7 =	smul.u32 @!p0 $0xF7A, s2;
	p2 =	seq.s32 @!p0 s5, $0x0  }
0x1f: {  	s9 =	smul.u32 $0xF7A, s1;
	s8 =	simm.s32 @!p0 $0x1BF5;
	p2 =	por !p2, p0  }
0x20: {  	[sflag:s8] =	ssyncset.s32 @!p0 $0xFFFFF086;
	s6 =	sadd.s32 @!p0 s3, s7;
	s7 =	simm.s32 @!p0 $0x108  }
0x21: {  	s3 =	sadd.s32 s3, s9;
	s6 =	sadd.s32 @!p0 $0x88, s6;
	s7 =	simm.s32 @p2 $0x1082  }
0x22: {  	[simem:s7], [sflag:s8] =	dma.local @!p0 [hbm:s6], $0xF7A  }
0x23: {  	s9 =	sor.u32 $0xD0000000, s2;
	s6 =	simm.s32 $0x108;
	_ =	swait.ge @!p0 [sflag:s8], $0x0  }
0x24: {  	s3 =	sadd.s32 $0x88, s3;
	s6 =	simm.s32 @!p1 $0x1082;
	[sflag:s4] =	ssyncset.s32 $0xFFFFF086  }
0x25: {  	[simem:s6], [sflag:s4] =	dma.local [hbm:s3], $0xF7A  }
0x26: {  	[smem:$0x3F9B] =	sst s1;
	(tag) =	ssettag s2;
	_ =	strace s9  }
0x27: {  	s1 =	sld [smem:$0x3FAB]  }
0x28: {  	s2 =	sld [smem:$0x3FAC]  }
0x29: {  	s4 =	sld [smem:$0x3FAE]  }
0x2a: {  	p0 =	seq.s32 s5, $0x0;
	s5 =	sld [smem:$0x3FAF]  }
0x2b: {  	s6 =	sld [smem:$0x3FB0]  }
0x2c: {  	s7 =	sld [smem:$0x3FB1]  }
0x2d: {  	s3 =	simm.s32 $0x108;
	s8 =	sld [smem:$0x3FB2]  }
0x2e: {  	s3 =	simm.s32 @!p0 $0x1082;
	s9 =	sld [smem:$0x3FB3]  }
0x2f: {  	lr =	sadd.s32 s0, s3;
	s0 =	sld [smem:$0x3FAA]  }
0x30: {  	s3 =	sld [smem:$0x3FAD]  }
0x31: {  	[smem:$0x3FB6] =	sst s10  }
0x32: {  	s10 =	sld [smem:$0x3FB4];
	_ =	sdelay $0x3  }
0x33: {  	p0 =	seq.s32 s10, $0x1;
	s10 =	sld [smem:$0x3FB6];
	_ =	sdelay $0x3  }
0x34: {  	[smem:$0x3FB6] =	sst s10  }
0x35: {  	s10 =	sld [smem:$0x3FB5];
	_ =	sdelay $0x3  }
0x36: {  	p1 =	seq.s32 s10, $0x1;
	s10 =	sld [smem:$0x3FB6];
	_ =	sdelay $0x3  }
0x37: {  	[smem:$0x3FB6] =	sst s10  }
0x38: {  	s10 =	sld [smem:$0x3FB7]  }
0x39: {  	_ = 	snop;
	(pc) =	sbr.ind lr, $3  }
0x3a: {  	_ = 	snop  }
0x3b: {  	_ = 	snop  }
0x3c: {  	p2 =	seq.s32 s10, $0x1;
	s10 =	sld [smem:$0x3FB6]  }
0x3d: {  	_ =	shalt  }
0x3e: {  	_ =	shalt  }
0x3f: {  	_ =	shalt  }
0x40: {  	_ =	shalt  }
0x41: {  	_ =	shalt  }
0x42: {  	_ =	shalt  }
0x43: {  	_ =	shalt  }
0x44: {  	_ =	shalt  }
0x45: {  	_ =	shalt  }
0x46: {  	_ =	shalt  }
0x47: {  	_ =	shalt  }
0x48: {  	_ =	shalt  }
0x49: {  	_ =	shalt  }
0x4a: {  	_ =	shalt  }
0x4b: {  	_ =	shalt  }
0x4c: {  	_ =	shalt  }
0x4d: {  	_ =	shalt  }
0x4e: {  	_ =	shalt  }
0x4f: {  	_ =	shalt  }
0x50: {  	_ =	shalt  }
0x51: {  	_ =	shalt  }
0x52: {  	_ =	shalt  }
0x53: {  	_ =	shalt  }
0x54: {  	_ =	shalt  }
0x55: {  	_ =	shalt  }
0x56: {  	_ =	shalt  }
0x57: {  	_ =	shalt  }
0x58: {  	_ =	shalt  }
0x59: {  	_ =	shalt  }
0x5a: {  	_ =	shalt  }
0x5b: {  	_ =	shalt  }
0x5c: {  	_ =	shalt  }
0x5d: {  	_ =	shalt  }
0x5e: {  	_ =	shalt  }
0x5f: {  	_ =	shalt  }
0x60: {  	_ =	shalt  }
0x61: {  	_ =	shalt  }
0x62: {  	_ =	shalt  }
0x63: {  	_ =	shalt  }
0x64: {  	_ =	shalt  }
0x65: {  	_ =	shalt  }
0x66: {  	_ =	shalt  }
0x67: {  	_ =	shalt  }
0x68: {  	_ =	shalt  }
0x69: {  	_ =	shalt  }
0x6a: {  	_ =	shalt  }
0x6b: {  	_ =	shalt  }
0x6c: {  	_ =	shalt  }
0x6d: {  	_ =	shalt  }
0x6e: {  	_ =	shalt  }
0x6f: {  	_ =	shalt  }
0x70: {  	_ =	shalt  }
0x71: {  	_ =	shalt  }
0x72: {  	_ =	shalt  }
0x73: {  	_ =	shalt  }
0x74: {  	_ =	shalt  }
0x75: {  	_ =	shalt  }
0x76: {  	_ =	shalt  }
0x77: {  	_ =	shalt  }
0x78: {  	_ =	shalt  }
0x79: {  	_ =	shalt  }
0x7a: {  	_ =	shalt  }
0x7b: {  	_ =	shalt  }
0x7c: {  	_ =	shalt  }
0x7d: {  	_ =	shalt  }
0x7e: {  	_ =	shalt  }
0x7f: {  	_ =	shalt  }
0x80: {  	_ =	shalt  }
0x81: {  	_ =	shalt  }
0x82: {  	_ =	shalt  }
0x83: {  	_ =	shalt  }
0x84: {  	_ =	shalt  }
0x85: {  	_ =	shalt  }
0x86: {  	_ =	shalt  }
0x87: {  	_ =	shalt  }
.Lfunc_end0:
.L_simem_size_0:
called_computation_lowered:
.L_overlay_start_0:
0x88: {  	s2 =	sld [smem:$0x3FD9]  }
0x89: {  	s3 =	sld [smem:$0x3FFE];
	_ =	sdelay $0x1  }
0x8a: {  	s1 =	srdreg.scid  }
0x8b: {  	s0 =	sand.u32 $0x1, s1  }
0x8c: {  	s17 =	sshll.u32 s0, $0xA;
	s2 =	sadd.s32 s3, s2  }
0x8d: {  	s2 =	sadd.s32 s2, s17  }
0x8e: {  	[smem:$0x3FC2] =	sst s2  }
0x8f: {  	_ = 	snop  }
0x90: {  	s2 =	sld [smem:$0x3FC9]  }
0x91: {  	s18 =	sld [smem:$0x3FC8];
	(tm) =	ssettm $0x1  }
0x92: {  	s4 =	sld [smem:$0x3FFB];
	_ =	sdelay $0x3  }
0x93: {  	_ =	strace s4  }
0x94: {  	s4 =	sld [smem:$0x3FFC];
	_ =	sdelay $0x3  }
0x95: {  	_ =	strace s4  }
0x96: {  	s4 =	sld [smem:$0x3FFD];
	_ =	sdelay $0x3  }
0x97: {  	_ =	strace s4  }
0x98: {  	_ =	strace $0x8FFFFFFF  }
0x99: {  	s19 =	sld [smem:$0x3FDB];
	_ =	sdelay $0x1  }
0x9a: {  	s5 =	simm.s32 $_scs_section_size  }
0x9b: {  	s6 =	simm.s32 $_size__tile_overlayer_lowered;
	s7 =	simm.s32 $_tile_overlayer_lowered  }
0x9c: {  	s22 =	simm.s32 $0x1BFF;
	s21 =	sshll.u32 s7, $0x1;
	s4 =	sadd.s32 s5, s19  }
0x9d: {  	s8 =	simm.s32 $0x0;
	s20 =	sshll.u32 s6, $0x1;
	s6 =	sadd.s32 s21, s4  }
0x9e: {  	[timem:s8], [sflag:s22] =	dma.local [hbm:s6], s20  }
0x9f: {  	_ =	swait.ge [sflag:s22], s20  }
0xa0: {  	s5 =	ssub.s32 $0x0, s20;
	[sflag:s22] =	ssyncset.done $0x0  }
0xa1: {  	[sflag:s22] =	ssyncadd.s32 s5;
	_ =	sdelay $0x1  }
0xa2: {  	s23 =	simm.s32 $0x1B8B  }
0xa3: {  	_ =	swait.ge [sflag:s23], $0x1  }
0xa4: {  	[sflag:s23] =	ssyncset.done $0x0  }
0xa5: {  	s25 =	simm.s32 $0x1B8E;
	s24 =	sld [smem:$0x3FFE];
	[sflag:s23] =	ssyncadd.s32 $0xFFFFFFFF  }
0xa6: {  	s26 =	simm.s32 $execute0_lowered;
	[smem:$0x3FD2] =	sst s25  }
0xa7: {  	s6 =	sshll.u32 s26, $0x1;
	_ =	strace $0x80000046;
	[dreg:$0x1] =	wrdreg $0xFFFFFFFF  }
0xa8: {  	s28 =	simm.s32 $_size_execute0_lowered;
	s4 =	sadd.s32 s4, s6;
	[dreg:$0x0] =	wrdreg $0x0  }
0xa9: {  	s6 =	sshll.u32 s28, $0x1;
	[dreg:$0x2] =	wrdreg s4  }
0xaa: {  	[dreg:$0x3] =	wrdreg s6  }
0xab: {  	[dreg:$0x4] =	wrdreg $0xC0  }
0xac: {  	_ =	task [dreg:s8], $0x5FFFF  }
0xad: {  	[dreg:$0x1] =	wrdreg $0xFFFFFFFF  }
0xae: {  	[dreg:$0x0] =	wrdreg $0x60  }
0xaf: {  	[dreg:$0x2] =	wrdreg s2  }
0xb0: {  	[dreg:$0x3] =	wrdreg s18  }
0xb1: {  	[dreg:$0x4] =	wrdreg s24  }
0xb2: {  	[dreg:$0x5] =	wrdreg $0x9  }
0xb3: {  	_ =	task.clear_ibuf [dreg:s8], $0x6FFFF;
	_ =	strace $0x90000046  }
0xb4: {  	s29 =	simm.s32 $0x9;
	_ =	strace $0x80000048  }
0xb5: {  	_ =	swait.ge [sflag:s29], $0x1  }
0xb6: {  	[sflag:s29] =	ssyncadd.s32 $0xFFFFFFFF  }
0xb7: {  	_ =	strace $0x90000048  }
0xb8: {  	_ =	sfence  }
0xb9: {  	s30 =	sld [smem:$0x0];
	_ =	sdelay $0x2  }
0xba: {  	s31 =	sshll.u32 s1, $0xD;
	s1 =	sshrl.u32 s1, $0x2  }
0xbb: {  	s3 =	sand.u32 $0x4000, s31;
	s1 =	sadd.s32 s1, s30  }
0xbc: {  	s0 =	sor.u32 s3, s0;
	s1 =	sshll.u32 s1, $0x11  }
0xbd: {  	s0 =	sor.u32 s1, s0  }
0xbe: {  	s0 =	sadd.s32 $0x8F2B, s0  }
0xbf: {  	[sflag:s0] =	ssyncadd.remote.s32 $0x1  }
0xc0: {  	_ =	sfence.sel $0xFFFF  }
0xc1: {  	[dreg:$0x0] =	wrdreg $0xFFFFFFFF;
	(pc) =	sbr.abs _section_cstart, $3  }
0xc2: {  	[dreg:$0x1] =	wrdreg $0xFFFFFFFF  }
0xc3: {  	_ =	task.clear_ibuf [dreg:s8], $0x2FFFF;
	_ =	strace $0x9FFFFFFF  }
0xc4: {  	(tm) =	ssettm $0x7FFFFFFF  }
0xc5: {  	_ =	shalt  }
tec
execute0_lowered:
.L_overlay_start_1:
0x0: {  	(tag) =	ssettag $0x1  }
0x1: {  	v0 =	vimm.s32 $0x1380;
	vm10 =	vcmask $0x300  }
0x2: {  	vm0 =	vmmov $0x1;
	vm9 =	vcmask $0x704;
	vm1 =	vcmask $0x308  }
0x3: {  	vm7 =	vcmask $0xB08;
	vm2 =	vcmask $0x70C;
	vm14 =	vcmask $0xF0C  }
0x4: {  	vm3 =	vcmask $0xB10;
	vm11 =	vcmask $0x1310;
	vm4 =	vcmask $0xF14  }
0x5: {  	vm12 =	vcmask $0x1714;
	vm5 =	vcmask $0x1318;
	vm13 =	vcmask $0x1B18  }
0x6: {  	vm6 =	vcmask $0x171C;
	vm8 =	vcmask $0x1F1C;
	v1 =	vimm.s32 $0x3380  }
0x7: {  	v2 =	vimm.s32 $0x5380;
	v3 =	vimm.s32 $0x7380;
	v4 =	vimm.s32 $0x1FF8  }
0x8: {  	v5 =	vimm.s32 $0x3FF8;
	v6 =	vimm.s32 $0x5FF8;
	v7 =	vimm.s32 $0x7FF8  }
0x9: {  	v8 =	vimm.s32 $0x1FF9;
	v9 =	vimm.s32 $0x3FF9;
	v10 =	vimm.s32 $0x5FF9  }
0xa: {  	v11 =	vimm.s32 $0x7FF9;
	v12 =	vimm.s32 $0x1FFA;
	v13 =	vimm.s32 $0x3FFA  }
0xb: {  	v14 =	vimm.s32 $0x5FFA;
	v15 =	vimm.s32 $0x7FFA;
	v16 =	vimm.s32 $0x1FFB  }
0xc: {  	v17 =	vimm.s32 $0x3FFB;
	v18 =	vimm.s32 $0x5FFB;
	v19 =	vimm.s32 $0x7FFB  }
0xd: {  	v20 =	vimm.s32 $0x1FFC;
	v21 =	vimm.s32 $0x3FFC;
	v22 =	vimm.s32 $0x5FFC  }
0xe: {  	v23 =	vimm.s32 $0x7FFC;
	v24 =	vimm.s32 $0x1FFD;
	v25 =	vimm.s32 $0x3FFD  }
0xf: {  	v26 =	vimm.s32 $0x5FFD;
	v27 =	vimm.s32 $0x7FFD;
	v28 =	vimm.s32 $0x1FFE  }
0x10: {  	v29 =	vimm.s32 $0x3FFE;
	v30 =	vimm.s32 $0x5FFE;
	v31 =	vimm.s32 $0x7FFE  }
0x11: {  	v32 =	vimm.s32 $0x1FFF;
	v33 =	vimm.s32 $0x3FFF;
	v34 =	vimm.s32 $0x5FFF  }
0x12: {  	v35 =	vimm.s32 $0x7FFF;
	vm15 =	vcmask $0x2B28;
	v0 =	vsel vm10, $0x0, v0  }
0x13: {  	v1 =	vsel vm10, $0x2000, v1;
	v2 =	vsel vm10, $0x4000, v2;
	v3 =	vsel vm10, $0x6000, v3  }
0x14: {  	v4 =	vsel vm10, $0xC78, v4;
	v5 =	vsel vm10, $0x2C78, v5;
	v6 =	vsel vm10, $0x4C78, v6  }
0x15: {  	v7 =	vsel vm10, $0x6C78, v7;
	v8 =	vsel vm10, $0xC79, v8;
	v9 =	vsel vm10, $0x2C79, v9  }
0x16: {  	v10 =	vsel vm10, $0x4C79, v10;
	v11 =	vsel vm10, $0x6C79, v11;
	v12 =	vsel vm10, $0xC7A, v12  }
0x17: {  	v13 =	vsel vm10, $0x2C7A, v13;
	v14 =	vsel vm10, $0x4C7A, v14;
	v15 =	vsel vm10, $0x6C7A, v15  }
0x18: {  	v16 =	vsel vm10, $0xC7B, v16;
	v17 =	vsel vm10, $0x2C7B, v17;
	v18 =	vsel vm10, $0x4C7B, v18  }
0x19: {  	v19 =	vsel vm10, $0x6C7B, v19;
	v20 =	vsel vm10, $0xC7C, v20;
	v21 =	vsel vm10, $0x2C7C, v21  }
0x1a: {  	v22 =	vsel vm10, $0x4C7C, v22;
	v23 =	vsel vm10, $0x6C7C, v23;
	v24 =	vsel vm10, $0xC7D, v24  }
0x1b: {  	v25 =	vsel vm10, $0x2C7D, v25;
	v26 =	vsel vm10, $0x4C7D, v26;
	v27 =	vsel vm10, $0x6C7D, v27  }
0x1c: {  	v28 =	vsel vm10, $0xC7E, v28;
	v29 =	vsel vm10, $0x2C7E, v29;
	v30 =	vsel vm10, $0x4C7E, v30  }
0x1d: {  	v31 =	vsel vm10, $0x6C7E, v31;
	v32 =	vsel vm10, $0xC7F, v32;
	v33 =	vsel vm10, $0x2C7F, v33  }
0x1e: {  	v34 =	vsel vm10, $0x4C7F, v34;
	v35 =	vsel vm10, $0x6C7F, v35;
	vm10 =	vcmask $0x2320  }
0x1f: {  	v0 =	vsel vm9, $0x80, v0;
	v1 =	vsel vm9, $0x2080, v1;
	v2 =	vsel vm9, $0x4080, v2  }
0x20: {  	v3 =	vsel vm9, $0x6080, v3;
	v4 =	vsel vm9, $0xCF8, v4;
	v5 =	vsel vm9, $0x2CF8, v5  }
0x21: {  	v6 =	vsel vm9, $0x4CF8, v6;
	v7 =	vsel vm9, $0x6CF8, v7;
	v8 =	vsel vm9, $0xCF9, v8  }
0x22: {  	v9 =	vsel vm9, $0x2CF9, v9;
	v10 =	vsel vm9, $0x4CF9, v10;
	v11 =	vsel vm9, $0x6CF9, v11  }
0x23: {  	v12 =	vsel vm9, $0xCFA, v12;
	v13 =	vsel vm9, $0x2CFA, v13;
	v14 =	vsel vm9, $0x4CFA, v14  }
0x24: {  	v15 =	vsel vm9, $0x6CFA, v15;
	v16 =	vsel vm9, $0xCFB, v16;
	v17 =	vsel vm9, $0x2CFB, v17  }
0x25: {  	v18 =	vsel vm9, $0x4CFB, v18;
	v19 =	vsel vm9, $0x6CFB, v19;
	v20 =	vsel vm9, $0xCFC, v20  }
0x26: {  	v21 =	vsel vm9, $0x2CFC, v21;
	v22 =	vsel vm9, $0x4CFC, v22;
	v23 =	vsel vm9, $0x6CFC, v23  }
0x27: {  	v24 =	vsel vm9, $0xCFD, v24;
	v25 =	vsel vm9, $0x2CFD, v25;
	v26 =	vsel vm9, $0x4CFD, v26  }
0x28: {  	v27 =	vsel vm9, $0x6CFD, v27;
	v28 =	vsel vm9, $0xCFE, v28;
	v29 =	vsel vm9, $0x2CFE, v29  }
0x29: {  	v30 =	vsel vm9, $0x4CFE, v30;
	v31 =	vsel vm9, $0x6CFE, v31;
	v32 =	vsel vm9, $0xCFF, v32  }
0x2a: {  	v33 =	vsel vm9, $0x2CFF, v33;
	v34 =	vsel vm9, $0x4CFF, v34;
	v35 =	vsel vm9, $0x6CFF, v35  }
0x2b: {  	vm9 =	vcmask $0x2724;
	v0 =	vsel vm7, $0x100, v0;
	v1 =	vsel vm7, $0x2100, v1  }
0x2c: {  	v2 =	vsel vm7, $0x4100, v2;
	v3 =	vsel vm7, $0x6100, v3;
	v4 =	vsel vm7, $0xD78, v4  }
0x2d: {  	v5 =	vsel vm7, $0x2D78, v5;
	v6 =	vsel vm7, $0x4D78, v6;
	v7 =	vsel vm7, $0x6D78, v7  }
0x2e: {  	v8 =	vsel vm7, $0xD79, v8;
	v9 =	vsel vm7, $0x2D79, v9;
	v10 =	vsel vm7, $0x4D79, v10  }
0x2f: {  	v11 =	vsel vm7, $0x6D79, v11;
	v12 =	vsel vm7, $0xD7A, v12;
	v13 =	vsel vm7, $0x2D7A, v13  }
0x30: {  	v14 =	vsel vm7, $0x4D7A, v14;
	v15 =	vsel vm7, $0x6D7A, v15;
	v16 =	vsel vm7, $0xD7B, v16  }
0x31: {  	v17 =	vsel vm7, $0x2D7B, v17;
	v18 =	vsel vm7, $0x4D7B, v18;
	v19 =	vsel vm7, $0x6D7B, v19  }
0x32: {  	v20 =	vsel vm7, $0xD7C, v20;
	v21 =	vsel vm7, $0x2D7C, v21;
	v22 =	vsel vm7, $0x4D7C, v22  }
0x33: {  	v23 =	vsel vm7, $0x6D7C, v23;
	v24 =	vsel vm7, $0xD7D, v24;
	v25 =	vsel vm7, $0x2D7D, v25  }
0x34: {  	v26 =	vsel vm7, $0x4D7D, v26;
	v27 =	vsel vm7, $0x6D7D, v27;
	v28 =	vsel vm7, $0xD7E, v28  }
0x35: {  	v29 =	vsel vm7, $0x2D7E, v29;
	v30 =	vsel vm7, $0x4D7E, v30;
	v31 =	vsel vm7, $0x6D7E, v31  }
0x36: {  	v32 =	vsel vm7, $0xD7F, v32;
	v33 =	vsel vm7, $0x2D7F, v33;
	v34 =	vsel vm7, $0x4D7F, v34  }
0x37: {  	v35 =	vsel vm7, $0x6D7F, v35;
	vm7 =	vcmask $0x1B20;
	v0 =	vsel vm14, $0x180, v0  }
0x38: {  	v46 =	vsel vm14, $0x2DFF, v33;
	v47 =	vsel vm14, $0x4DFF, v34;
	v48 =	vsel vm14, $0x6DFF, v35  }
0x39: {  	v0 =	vsel vm11, $0x200, v0;
	v33 =	vsel vm11, $0x4E7F, v47;
	v34 =	vsel vm11, $0x6E7F, v48  }
0x3a: {  	v0 =	vsel vm12, $0x280, v0;
	v33 =	vsel vm12, $0x4EFF, v33;
	v34 =	vsel vm12, $0x6EFF, v34  }
0x3b: {  	v0 =	vsel vm13, $0x300, v0;
	v33 =	vsel vm13, $0x4F7F, v33;
	v34 =	vsel vm13, $0x6F7F, v34  }
0x3c: {  	v0 =	vsel vm8, $0x380, v0;
	v33 =	vsel vm8, $0x4FFF, v33;
	v34 =	vsel vm8, $0x6FFF, v34  }
0x3d: {  	v0 =	vsel vm10, $0x1000, v0;
	v33 =	vsel vm10, $0x5C7F, v33;
	v34 =	vsel vm10, $0x7C7F, v34  }
0x3e: {  	v36 =	vsel vm9, $0x1080, v0;
	v0 =	vsel vm14, $0x2180, v1;
	v1 =	vsel vm14, $0x4180, v2  }
0x3f: {  	v2 =	vsel vm14, $0x6180, v3;
	v3 =	vsel vm14, $0xDF8, v4;
	v4 =	vsel vm14, $0x2DF8, v5  }
0x40: {  	v5 =	vsel vm14, $0x4DF8, v6;
	v6 =	vsel vm14, $0x6DF8, v7;
	v7 =	vsel vm14, $0xDF9, v8  }
0x41: {  	v8 =	vsel vm14, $0x2DF9, v9;
	v9 =	vsel vm14, $0x4DF9, v10;
	v10 =	vsel vm14, $0x6DF9, v11  }
0x42: {  	v11 =	vsel vm14, $0xDFA, v12;
	v12 =	vsel vm14, $0x2DFA, v13;
	v13 =	vsel vm14, $0x4DFA, v14  }
0x43: {  	v14 =	vsel vm14, $0x6DFA, v15;
	v15 =	vsel vm14, $0xDFB, v16;
	v16 =	vsel vm14, $0x2DFB, v17  }
0x44: {  	v17 =	vsel vm14, $0x4DFB, v18;
	v18 =	vsel vm14, $0x6DFB, v19;
	v19 =	vsel vm14, $0xDFC, v20  }
0x45: {  	v20 =	vsel vm14, $0x2DFC, v21;
	v21 =	vsel vm14, $0x4DFC, v22;
	v22 =	vsel vm14, $0x6DFC, v23  }
0x46: {  	v23 =	vsel vm14, $0xDFD, v24;
	v24 =	vsel vm14, $0x2DFD, v25;
	v25 =	vsel vm14, $0x4DFD, v26  }
0x47: {  	v26 =	vsel vm14, $0x6DFD, v27;
	v27 =	vsel vm14, $0xDFE, v28;
	v28 =	vsel vm14, $0x2DFE, v29  }
0x48: {  	v29 =	vsel vm14, $0x4DFE, v30;
	v30 =	vsel vm14, $0x6DFE, v31;
	v31 =	vsel vm14, $0xDFF, v32  }
0x49: {  	v32 =	vsel vm11, $0x2E7F, v46;
	vm14 =	vcmask $0x3B38;
	v33 =	vsel vm9, $0x5CFF, v33  }
0x4a: {  	v34 =	vsel vm9, $0x7CFF, v34;
	v49 =	vsel vm11, $0x2200, v0;
	v0 =	vlaneseq.u32  }
0x4b: {  	v36 =	vsel vm15, $0x1100, v36;
	v37 =	vsel vm11, $0x4200, v1;
	v2 =	vsel vm11, $0x6200, v2  }
0x4c: {  	v3 =	vsel vm11, $0xE78, v3;
	v4 =	vsel vm11, $0x2E78, v4;
	v5 =	vsel vm11, $0x4E78, v5  }
0x4d: {  	v6 =	vsel vm11, $0x6E78, v6;
	v7 =	vsel vm11, $0xE79, v7;
	v8 =	vsel vm11, $0x2E79, v8  }
0x4e: {  	v9 =	vsel vm11, $0x4E79, v9;
	v10 =	vsel vm11, $0x6E79, v10;
	v11 =	vsel vm11, $0xE7A, v11  }
0x4f: {  	v12 =	vsel vm11, $0x2E7A, v12;
	v13 =	vsel vm11, $0x4E7A, v13;
	v14 =	vsel vm11, $0x6E7A, v14  }
0x50: {  	v15 =	vsel vm11, $0xE7B, v15;
	v16 =	vsel vm11, $0x2E7B, v16;
	v17 =	vsel vm11, $0x4E7B, v17  }
0x51: {  	v18 =	vsel vm11, $0x6E7B, v18;
	v19 =	vsel vm11, $0xE7C, v19;
	v20 =	vsel vm11, $0x2E7C, v20  }
0x52: {  	v21 =	vsel vm11, $0x4E7C, v21;
	v22 =	vsel vm11, $0x6E7C, v22;
	v23 =	vsel vm11, $0xE7D, v23  }
0x53: {  	v24 =	vsel vm11, $0x2E7D, v24;
	v25 =	vsel vm11, $0x4E7D, v25;
	v26 =	vsel vm11, $0x6E7D, v26  }
0x54: {  	v27 =	vsel vm11, $0xE7E, v27;
	v28 =	vsel vm11, $0x2E7E, v28;
	v29 =	vsel vm11, $0x4E7E, v29  }
0x55: {  	v30 =	vsel vm11, $0x6E7E, v30;
	v31 =	vsel vm11, $0xE7F, v31;
	vm11 =	vcmask $0x2F2C  }
0x56: {  	v32 =	vsel vm12, $0x2EFF, v32;
	v33 =	vsel vm15, $0x5D7F, v33;
	v34 =	vsel vm15, $0x7D7F, v34  }
0x57: {  	v35 =	vsel vm12, $0x2280, v49;
	v1 =	vmul.u32 $0x80, v0;
	v36 =	vsel vm11, $0x1180, v36  }
0x58: {  	v37 =	vsel vm12, $0x4280, v37;
	v2 =	vsel vm12, $0x6280, v2;
	v3 =	vsel vm12, $0xEF8, v3  }
0x59: {  	v4 =	vsel vm12, $0x2EF8, v4;
	v5 =	vsel vm12, $0x4EF8, v5;
	v6 =	vsel vm12, $0x6EF8, v6  }
0x5a: {  	v7 =	vsel vm12, $0xEF9, v7;
	v8 =	vsel vm12, $0x2EF9, v8;
	v9 =	vsel vm12, $0x4EF9, v9  }
0x5b: {  	v10 =	vsel vm12, $0x6EF9, v10;
	v11 =	vsel vm12, $0xEFA, v11;
	v12 =	vsel vm12, $0x2EFA, v12  }
0x5c: {  	v13 =	vsel vm12, $0x4EFA, v13;
	v14 =	vsel vm12, $0x6EFA, v14;
	v15 =	vsel vm12, $0xEFB, v15  }
0x5d: {  	v16 =	vsel vm12, $0x2EFB, v16;
	v17 =	vsel vm12, $0x4EFB, v17;
	v18 =	vsel vm12, $0x6EFB, v18  }
0x5e: {  	v19 =	vsel vm12, $0xEFC, v19;
	v20 =	vsel vm12, $0x2EFC, v20;
	v21 =	vsel vm12, $0x4EFC, v21  }
0x5f: {  	v22 =	vsel vm12, $0x6EFC, v22;
	v23 =	vsel vm12, $0xEFD, v23;
	v24 =	vsel vm12, $0x2EFD, v24  }
0x60: {  	v25 =	vsel vm12, $0x4EFD, v25;
	v26 =	vsel vm12, $0x6EFD, v26;
	v27 =	vsel vm12, $0xEFE, v27  }
0x61: {  	v28 =	vsel vm12, $0x2EFE, v28;
	v29 =	vsel vm12, $0x4EFE, v29;
	v30 =	vsel vm12, $0x6EFE, v30  }
0x62: {  	v31 =	vsel vm12, $0xEFF, v31;
	vm12 =	vcmask $0x3330;
	v32 =	vsel vm13, $0x2F7F, v32  }
0x63: {  	v33 =	vsel vm11, $0x5DFF, v33;
	v34 =	vsel vm11, $0x7DFF, v34;
	v35 =	vsel vm13, $0x2300, v35  }
0x64: {  	v36 =	vsel vm12, $0x1200, v36;
	v37 =	vsel vm13, $0x4300, v37;
	v2 =	vsel vm13, $0x6300, v2  }
0x65: {  	v3 =	vsel vm13, $0xF78, v3;
	v4 =	vsel vm13, $0x2F78, v4;
	v5 =	vsel vm13, $0x4F78, v5  }
0x66: {  	v6 =	vsel vm13, $0x6F78, v6;
	v7 =	vsel vm13, $0xF79, v7;
	v8 =	vsel vm13, $0x2F79, v8  }
0x67: {  	v9 =	vsel vm13, $0x4F79, v9;
	v10 =	vsel vm13, $0x6F79, v10;
	v11 =	vsel vm13, $0xF7A, v11  }
0x68: {  	v12 =	vsel vm13, $0x2F7A, v12;
	v13 =	vsel vm13, $0x4F7A, v13;
	v14 =	vsel vm13, $0x6F7A, v14  }
0x69: {  	v15 =	vsel vm13, $0xF7B, v15;
	v16 =	vsel vm13, $0x2F7B, v16;
	v17 =	vsel vm13, $0x4F7B, v17  }
0x6a: {  	v18 =	vsel vm13, $0x6F7B, v18;
	v19 =	vsel vm13, $0xF7C, v19;
	v20 =	vsel vm13, $0x2F7C, v20  }
0x6b: {  	v21 =	vsel vm13, $0x4F7C, v21;
	v22 =	vsel vm13, $0x6F7C, v22;
	v23 =	vsel vm13, $0xF7D, v23  }
0x6c: {  	v24 =	vsel vm13, $0x2F7D, v24;
	v25 =	vsel vm13, $0x4F7D, v25;
	v26 =	vsel vm13, $0x6F7D, v26  }
0x6d: {  	v27 =	vsel vm13, $0xF7E, v27;
	v28 =	vsel vm13, $0x2F7E, v28;
	v29 =	vsel vm13, $0x4F7E, v29  }
0x6e: {  	v30 =	vsel vm13, $0x6F7E, v30;
	v31 =	vsel vm13, $0xF7F, v31;
	vm13 =	vcmask $0x3734  }
0x6f: {  	v32 =	vsel vm8, $0x2FFF, v32;
	v33 =	vsel vm12, $0x5E7F, v33;
	v34 =	vsel vm12, $0x7E7F, v34  }
0x70: {  	v35 =	vsel vm8, $0x2380, v35;
	v37 =	vsel vm8, $0x4380, v37;
	v36 =	vsel vm13, $0x1280, v36  }
0x71: {  	v38 =	vsel vm8, $0x6380, v2;
	v39 =	vsel vm8, $0xFF8, v3;
	v40 =	vsel vm8, $0x2FF8, v4  }
0x72: {  	v41 =	vsel vm8, $0x4FF8, v5;
	v42 =	vsel vm8, $0x6FF8, v6;
	v43 =	vsel vm8, $0xFF9, v7  }
0x73: {  	v44 =	vsel vm8, $0x2FF9, v8;
	v9 =	vsel vm8, $0x4FF9, v9;
	v10 =	vsel vm8, $0x6FF9, v10  }
0x74: {  	v11 =	vsel vm8, $0xFFA, v11;
	v12 =	vsel vm8, $0x2FFA, v12;
	v13 =	vsel vm8, $0x4FFA, v13  }
0x75: {  	v14 =	vsel vm8, $0x6FFA, v14;
	v15 =	vsel vm8, $0xFFB, v15;
	v16 =	vsel vm8, $0x2FFB, v16  }
0x76: {  	v17 =	vsel vm8, $0x4FFB, v17;
	v18 =	vsel vm8, $0x6FFB, v18;
	v19 =	vsel vm8, $0xFFC, v19  }
0x77: {  	v20 =	vsel vm8, $0x2FFC, v20;
	v21 =	vsel vm8, $0x4FFC, v21;
	v22 =	vsel vm8, $0x6FFC, v22  }
0x78: {  	v23 =	vsel vm8, $0xFFD, v23;
	v24 =	vsel vm8, $0x2FFD, v24;
	v25 =	vsel vm8, $0x4FFD, v25  }
0x79: {  	v26 =	vsel vm8, $0x6FFD, v26;
	v27 =	vsel vm8, $0xFFE, v27;
	v28 =	vsel vm8, $0x2FFE, v28  }
0x7a: {  	v29 =	vsel vm8, $0x4FFE, v29;
	v30 =	vsel vm8, $0x6FFE, v30;
	v31 =	vsel vm8, $0xFFF, v31  }
0x7b: {  	v32 =	vsel vm10, $0x3C7F, v32;
	vm8 =	vcmask $0x1F24;
	v45 =	vsel vm13, $0x5EFF, v33  }
0x7c: {  	v46 =	vsel vm13, $0x7EFF, v34;
	v35 =	vsel vm10, $0x3000, v35;
	v37 =	vsel vm10, $0x5000, v37  }
0x7d: {  	v2 =	vsel vm14, $0x1300, v36;
	v7 =	vsel vm10, $0x7000, v38;
	v8 =	vsel vm10, $0x1C78, v39  }
0x7e: {  	v51 =	vsel vm10, $0x3C78, v40;
	v54 =	vsel vm10, $0x5C78, v41;
	v55 =	vsel vm10, $0x7C78, v42  }
0x7f: {  	v56 =	vsel vm10, $0x1C79, v43;
	v57 =	vsel vm10, $0x3C79, v44;
	v58 =	vsel vm10, $0x5C79, v9  }
0x80: {  	v59 =	vsel vm10, $0x7C79, v10;
	v60 =	vsel vm10, $0x1C7A, v11;
	v61 =	vsel vm10, $0x3C7A, v12  }
0x81: {  	v13 =	vsel vm10, $0x5C7A, v13;
	v14 =	vsel vm10, $0x7C7A, v14;
	v15 =	vsel vm10, $0x1C7B, v15  }
0x82: {  	v16 =	vsel vm10, $0x3C7B, v16;
	v17 =	vsel vm10, $0x5C7B, v17;
	v18 =	vsel vm10, $0x7C7B, v18  }
0x83: {  	v19 =	vsel vm10, $0x1C7C, v19;
	v20 =	vsel vm10, $0x3C7C, v20;
	v21 =	vsel vm10, $0x5C7C, v21  }
0x84: {  	v22 =	vsel vm10, $0x7C7C, v22;
	v23 =	vsel vm10, $0x1C7D, v23;
	v24 =	vsel vm10, $0x3C7D, v24  }
0x85: {  	v25 =	vsel vm10, $0x5C7D, v25;
	v26 =	vsel vm10, $0x7C7D, v26;
	v27 =	vsel vm10, $0x1C7E, v27  }
0x86: {  	v28 =	vsel vm10, $0x3C7E, v28;
	v29 =	vsel vm10, $0x5C7E, v29;
	v30 =	vsel vm10, $0x7C7E, v30  }
0x87: {  	v31 =	vsel vm10, $0x1C7F, v31;
	v32 =	vsel vm9, $0x3CFF, v32;
	vm10 =	vcmask $0x272C  }
0x88: {  	v39 =	vsel vm14, $0x5F7F, v45;
	v40 =	vsel vm14, $0x7F7F, v46;
	v35 =	vsel vm9, $0x3080, v35  }
0x89: {  	v4 =	vsel vm9, $0x5080, v37;
	v7 =	vsel vm9, $0x7080, v7;
	v8 =	vsel vm9, $0x1CF8, v8  }
0x8a: {  	v36 =	vsel vm9, $0x3CF8, v51;
	v11 =	vsel vm9, $0x5CF8, v54;
	v12 =	vsel vm9, $0x7CF8, v55  }
0x8b: {  	v62 =	vsel vm9, $0x1CF9, v56;
	v63 =	vsel vm9, $0x3CF9, v57;
	v48 =	vsel vm9, $0x5CF9, v58  }
0x8c: {  	v49 =	vsel vm9, $0x7CF9, v59;
	v51 =	vsel vm9, $0x3CFA, v61;
	v54 =	vsel vm9, $0x1CFB, v15  }
0x8d: {  	v55 =	vsel vm9, $0x3CFB, v16;
	v17 =	vsel vm9, $0x5CFB, v17;
	v18 =	vsel vm9, $0x7CFB, v18  }
0x8e: {  	v19 =	vsel vm9, $0x1CFC, v19;
	v20 =	vsel vm9, $0x3CFC, v20;
	v21 =	vsel vm9, $0x5CFC, v21  }
0x8f: {  	v22 =	vsel vm9, $0x7CFC, v22;
	v23 =	vsel vm9, $0x1CFD, v23;
	v24 =	vsel vm9, $0x3CFD, v24  }
0x90: {  	v25 =	vsel vm9, $0x5CFD, v25;
	v26 =	vsel vm9, $0x7CFD, v26;
	v27 =	vsel vm9, $0x1CFE, v27  }
0x91: {  	v28 =	vsel vm9, $0x3CFE, v28;
	v29 =	vsel vm9, $0x5CFE, v29;
	v30 =	vsel vm9, $0x7CFE, v30  }
0x92: {  	v31 =	vsel vm9, $0x1CFF, v31;
	v32 =	vsel vm15, $0x3D7F, v32;
	v35 =	vsel vm15, $0x3100, v35  }
0x93: {  	v6 =	vsel vm15, $0x5100, v4;
	v50 =	vsel vm15, $0x7100, v7;
	v7 =	vor.u32 $0x1800, v1  }
0x94: {  	v8 =	vsel vm15, $0x1D78, v8;
	v36 =	vsel vm15, $0x3D78, v36;
	v11 =	vsel vm15, $0x5D78, v11  }
0x95: {  	v12 =	vsel vm15, $0x7D78, v12;
	v15 =	vsel vm15, $0x5D79, v48;
	v16 =	vsel vm15, $0x7D79, v49  }
0x96: {  	v57 =	vsel vm15, $0x3D7A, v51;
	v61 =	vsel vm15, $0x3D7B, v55;
	v48 =	vsel vm15, $0x1D7C, v19  }
0x97: {  	v49 =	vsel vm15, $0x3D7C, v20;
	v21 =	vsel vm15, $0x5D7C, v21;
	v22 =	vsel vm15, $0x7D7C, v22  }
0x98: {  	v23 =	vsel vm15, $0x1D7D, v23;
	v24 =	vsel vm15, $0x3D7D, v24;
	v25 =	vsel vm15, $0x5D7D, v25  }
0x99: {  	v26 =	vsel vm15, $0x7D7D, v26;
	v27 =	vsel vm15, $0x1D7E, v27;
	v28 =	vsel vm15, $0x3D7E, v28  }
0x9a: {  	v29 =	vsel vm15, $0x5D7E, v29;
	v30 =	vsel vm15, $0x7D7E, v30;
	v31 =	vsel vm15, $0x1D7F, v31  }
0x9b: {  	v32 =	vsel vm11, $0x3DFF, v32;
	v35 =	vsel vm11, $0x3180, v35;
	v6 =	vsel vm11, $0x5180, v6  }
0x9c: {  	v8 =	vsel vm11, $0x1DF8, v8;
	v10 =	vsel vm11, $0x3DF8, v36;
	v11 =	vsel vm11, $0x5DF8, v11  }
0x9d: {  	v12 =	vsel vm11, $0x7DF8, v12;
	v15 =	vsel vm11, $0x5DF9, v15;
	v16 =	vsel vm11, $0x7DF9, v16  }
0x9e: {  	v36 =	vsel vm11, $0x3DFA, v57;
	v51 =	vsel vm11, $0x3DFB, v61;
	v55 =	vsel vm11, $0x3DFC, v49  }
0x9f: {  	v57 =	vsel vm11, $0x7DFC, v22;
	v25 =	vsel vm11, $0x5DFD, v25;
	v26 =	vsel vm11, $0x7DFD, v26  }
0xa0: {  	v27 =	vsel vm11, $0x1DFE, v27;
	v28 =	vsel vm11, $0x3DFE, v28;
	v29 =	vsel vm11, $0x5DFE, v29  }
0xa1: {  	v30 =	vsel vm11, $0x7DFE, v30;
	v31 =	vsel vm11, $0x1DFF, v31;
	v32 =	vsel vm12, $0x3E7F, v32  }
0xa2: {  	v3 =	vsel vm12, $0x3200, v35;
	v6 =	vsel vm12, $0x5200, v6;
	v35 =	vsel vm11, $0x7180, v50  }
0xa3: {  	v52 =	vsel vm12, $0x1E78, v8;
	v10 =	vsel vm12, $0x3E78, v10;
	v11 =	vsel vm12, $0x5E78, v11  }
0xa4: {  	v12 =	vsel vm12, $0x7E78, v12;
	v50 =	vsel vm9, $0x1CFA, v60;
	v15 =	vsel vm12, $0x5E79, v15  }
0xa5: {  	v16 =	vsel vm12, $0x7E79, v16;
	v36 =	vsel vm12, $0x3E7A, v36;
	v60 =	vsel vm15, $0x1D7B, v54  }
0xa6: {  	v54 =	vsel vm11, $0x1DFC, v48;
	v22 =	vsel vm12, $0x3E7B, v51;
	v61 =	vsel vm12, $0x3E7C, v55  }
0xa7: {  	v51 =	vsel vm12, $0x7E7D, v26;
	v29 =	vsel vm12, $0x5E7E, v29;
	v30 =	vsel vm12, $0x7E7E, v30  }
0xa8: {  	v31 =	vsel vm12, $0x1E7F, v31;
	v5 =	vsel vm13, $0x3280, v3;
	v3 =	vor.u32 $0x800, v1  }
0xa9: {  	v6 =	vsel vm13, $0x5280, v6;
	v35 =	vsel vm12, $0x7200, v35;
	v53 =	vsel vm13, $0x1EF8, v52  }
0xaa: {  	v10 =	vsel vm13, $0x3EF8, v10;
	v11 =	vsel vm13, $0x5EF8, v11;
	v12 =	vsel vm13, $0x7EF8, v12  }
0xab: {  	v52 =	vsel vm9, $0x5CFA, v13;
	v15 =	vsel vm13, $0x5EF9, v15;
	v56 =	vsel vm15, $0x1D7A, v50  }
0xac: {  	v16 =	vsel vm13, $0x7EF9, v16;
	v50 =	vsel vm11, $0x1DFB, v60;
	v22 =	vsel vm13, $0x3EFB, v22  }
0xad: {  	v60 =	vsel vm12, $0x1E7C, v54;
	v26 =	vsel vm13, $0x3EFC, v61;
	v61 =	vsel vm13, $0x7EFE, v30  }
0xae: {  	v4 =	vsel vm14, $0x3300, v5;
	v5 =	vor.u32 $0x1000, v1;
	v6 =	vsel vm14, $0x5300, v6  }
0xaf: {  	v35 =	vsel vm13, $0x7280, v35;
	v9 =	vsel vm14, $0x1F78, v53;
	v10 =	vsel vm14, $0x3F78, v10  }
0xb0: {  	v11 =	vsel vm14, $0x5F78, v11;
	v12 =	vsel vm14, $0x7F78, v12;
	v53 =	vsel vm9, $0x7CFA, v14  }
0xb1: {  	vm9 =	vcmask $0x2328;
	v14 =	vsel vm15, $0x3D79, v63;
	v15 =	vsel vm14, $0x5F79, v15  }
0xb2: {  	v16 =	vsel vm14, $0x7F79, v16;
	v58 =	vsel vm15, $0x5D7A, v52;
	v63 =	vsel vm15, $0x7D7B, v18  }
0xb3: {  	v18 =	vsel vm13, $0x3EFA, v36;
	v22 =	vsel vm14, $0x3F7B, v22;
	v26 =	vsel vm14, $0x3F7C, v26  }
0xb4: {  	v36 =	vsel vm14, $0x7F7E, v61;
	v8 =	vsel vm14, $0x7300, v35;
	v35 =	vsel vm15, $0x1D79, v62  }
0xb5: {  	v14 =	vsel vm11, $0x3DF9, v14;
	v59 =	vsel vm15, $0x7D7A, v53;
	v62 =	vsel vm15, $0x5D7B, v17  }
0xb6: {  	v18 =	vsel vm14, $0x3F7A, v18;
	v19 =	vsel vm11, $0x5DFA, v58;
	v53 =	vsel vm11, $0x7DFB, v63  }
0xb7: {  	v58 =	vsel vm11, $0x1DFD, v23;
	v63 =	vsel vm12, $0x7E7C, v57;
	v57 =	vsel vm13, $0x7EFD, v51  }
0xb8: {  	v35 =	vsel vm11, $0x1DF9, v35;
	v14 =	vsel vm12, $0x3E79, v14;
	v20 =	vsel vm11, $0x7DFA, v59  }
0xb9: {  	v19 =	vsel vm12, $0x5E7A, v19;
	v52 =	vsel vm11, $0x5DFB, v62;
	v59 =	vsel vm11, $0x3DFD, v24  }
0xba: {  	s1 =	rddreg [dreg:$0x0];
	v24 =	vsel vm12, $0x7E7B, v53;
	v48 =	vsel vm12, $0x1E7D, v58;
	v53 =	vsel vm12, $0x3E7E, v28  }
0xbb: {  	s0 =	rddreg [dreg:$0x1];
	v28 =	vsel vm13, $0x7EFC, v63;
	v63 =	vsel vm13, $0x3EFF, v32;
	v32 =	vsel vm14, $0x7F7D, v57  }
0xbc: {  	s2 =	rddreg [dreg:$0x2];
	s4 =	srdreg.scid;
	s3 =	simm.s32 $0x0;
	v13 =	vsel vm12, $0x1E79, v35;
	v14 =	vsel vm13, $0x3EF9, v14;
	v35 =	vsel vm11, $0x1DFA, v56  }
0xbd: {  	s5 =	stileid.u32;
	s8 =	simm.s32 $0x8200;
	s13 =	simm.s32 $0x8600;
	v20 =	vsel vm12, $0x7E7A, v20;
	v19 =	vsel vm13, $0x5EFA, v19;
	v56 =	vsel vm11, $0x5DFC, v21  }
0xbe: {  	s7 =	simm.s32 $0x8A00;
	s9 =	simm.s32 $0x8E00;
	s10 =	simm.s32 $0x9200;
	vm11 =	vcmask $0x2B30;
	v23 =	vsel vm12, $0x5E7B, v52;
	v24 =	vsel vm13, $0x7EFB, v24  }
0xbf: {  	s14 =	simm.s32 $0x9600;
	s15 =	simm.s32 $0x9A00;
	s17 =	simm.s32 $0x9E00;
	v49 =	vsel vm12, $0x3E7D, v59;
	v52 =	vsel vm12, $0x1E7E, v27;
	v28 =	vsel vm14, $0x7F7C, v28  }
0xc0: {  	s16 =	simm.s32 $0xA200;
	s18 =	simm.s32 $0xA600;
	s19 =	simm.s32 $0xAA00;
	v54 =	vsel vm13, $0x1EFD, v48;
	v59 =	vsel vm13, $0x3EFE, v53;
	v38 =	vsel vm14, $0x3F7F, v63  }
0xc1: {  	s20 =	simm.s32 $0xAE00;
	s12 =	simm.s32 $0x10200;
	s21 =	simm.s32 $0x12200;
	v13 =	vsel vm13, $0x1EF9, v13;
	v14 =	vsel vm14, $0x3F79, v14;
	v35 =	vsel vm12, $0x1E7A, v35  }
0xc2: {  	s31 =	simm.s32 $0x14200;
	s11 =	simm.s32 $0x16200;
	s22 =	simm.s32 $0x1;
	v20 =	vsel vm13, $0x7EFA, v20;
	v19 =	vsel vm14, $0x5F7A, v19;
	v23 =	vsel vm13, $0x5EFB, v23  }
0xc3: {  	s23 =	simm.s32 $0x200;
	s28 =	simm.s32 $0x4;
	s29 =	simm.s32 $0x5;
	v24 =	vsel vm14, $0x7F7B, v24;
	v62 =	vsel vm12, $0x5E7C, v56;
	v55 =	vsel vm13, $0x3EFD, v49  }
0xc4: {  	s30 =	simm.s32 $0x6;
	s4 =	sand.u32 $0x1, s4;
	[smem:$0x7FF] =	sst s3;
	v58 =	vsel vm13, $0x1EFE, v52;
	v34 =	vsel vm14, $0x3F7E, v59;
	v13 =	vsel vm14, $0x1F79, v13  }
0xc5: {  	s5 =	sshll.u32 s5, $0xA;
	s6 =	sshll.u32 s4, $0x9;
	s4 =	ssub.s32 $0x2, s4;
	v35 =	vsel vm13, $0x1EFA, v35;
	v20 =	vsel vm14, $0x7F7A, v20;
	v23 =	vsel vm14, $0x5F7B, v23  }
0xc6: {  	_ =	strace $0x80000047;
	s5 =	sor.u32 s6, s5;
	s24 =	sshrl.u32 s4, $0x1;
	v27 =	vsel vm13, $0x5EFC, v62;
	v62 =	vsel vm13, $0x1EFF, v31;
	v30 =	vsel vm14, $0x3F7D, v55  }
0xc7: {  	s6 =	simm.s32 $0x9;
	s2 =	sadd.s32 s5, s2;
	s5 =	sshrl.u32 s5, $0x3;
	v33 =	vsel vm14, $0x1F7E, v58;
	v17 =	vsel vm14, $0x1F7A, v35;
	v35 =	vsel vm12, $0x1E7B, v50  }
0xc8: {  	s4 =	ssub.s32 s4, s24;
	s24 =	simm.s32 $0xC200;
	s1 =	sadd.s32 s1, s5;
	v50 =	vsel vm12, $0x5E7D, v25;
	vm12 =	vcmask $0x2F34;
	v25 =	vsel vm13, $0x1EFC, v60  }
0xc9: {  	s25 =	sadd.s32 $0xC00, s2;
	s26 =	smax.u32 s4, $0x1;
	[dreg:$0x4] =	wrdreg s1;
	v27 =	vsel vm14, $0x5F7C, v27;
	v60 =	vsel vm13, $0x5EFE, v29;
	v29 =	vsel vm14, $0x1F7D, v54  }
0xca: {  	s2 =	simm.s32 $0xE200;
	s4 =	simm.s32 $0x8;
	[dreg:$0x5] =	wrdreg s25;
	v37 =	vsel vm14, $0x1F7F, v62;
	v35 =	vsel vm13, $0x1EFB, v35;
	v25 =	vsel vm14, $0x1F7C, v25  }
0xcb: {  	s5 =	simm.s32 $0x0;
	[dreg:$0x6] =	wrdreg s26;
	s25 =	simm.s32 $0x2;
	v56 =	vsel vm13, $0x5EFD, v50;
	vm13 =	vcmask $0x3338;
	v21 =	vsel vm14, $0x1F7B, v35  }
0xcc: {  	s26 =	simm.s32 $0x3;
	s1 =	simm.s32 $0x7;
	[dreg:$0x7] =	wrdreg s5;
	v31 =	vsel vm14, $0x5F7D, v56;
	v35 =	vsel vm14, $0x5F7E, v60;
	vm14 =	vcmask $0x373C  }
.LBB2_1:
0xcd: {  	s5 =	rddreg [dreg:$0x4]  }
0xce: {  	[tilespmem:s3], [sflag:$0x9] =	stream.linear.gather [hbm4b:s5+s3], $0x200, $0x38;
	[tilespmem:$0x18200] =	vst v63  }
0xcf: {  	_ =	swait.ge [sflag:s6], $0x200  }
0xd0: {  	[sflag:s6] =	ssyncset.done $0x0  }
0xd1: {  	[sflag:s6] =	ssyncadd.s32 $0xFFFFFE00  }
0xd2: {  	v41 =	vld [tilespmem:$0x0];
	_ =	sdelay $0x4  }
0xd3: {  	v41 =	vnsel vm0, $0x0, v41  }
0xd4: {  	(xrf0) =	vadd.scan.msk.s32 $0xffff, v41;
	_ =	sdelay $0x5  }
0xd5: {  	v41, _, _ =	vpop (xrf0)  }
0xd6: {  	(v2sf) =	vpush v41, $0xF;
	_ =	sdelay $0xe  }
0xd7: {  	s6 =	spop (v2sf)  }
0xd8: {  	s5 =	sand.u32 $0xFFFFF80, s6  }
0xd9: {  	s5 =	sadd.s32 s0, s5  }
0xda: {  	[tilespmem:s8], [sflag:$0x1] =	stream.linear.gather [hbm4b:s5+s3], $0x400, $0x38;
	[tilespmem:$0x18200] =	vst v63  }
0xdb: {  	s6 =	sadd.s32 $0xF4280, s5  }
0xdc: {  	[tilespmem:s13], [sflag:$0x1] =	stream.linear.gather [hbm4b:s6+s3], $0x400, $0x38;
	[tilespmem:$0x18200] =	vst v63  }
0xdd: {  	s6 =	sadd.s32 $0x1E8500, s5  }
0xde: {  	[tilespmem:s7], [sflag:$0x1] =	stream.linear.gather [hbm4b:s6+s3], $0x400, $0x38;
	[tilespmem:$0x18200] =	vst v63  }
0xdf: {  	s7 =	sadd.s32 $0x2DC780, s5  }
0xe0: {  	[tilespmem:s9], [sflag:$0x1] =	stream.linear.gather [hbm4b:s7+s3], $0x400, $0x38;
	[tilespmem:$0x18200] =	vst v63  }
0xe1: {  	s9 =	sadd.s32 $0x3D0A00, s5  }
0xe2: {  	[tilespmem:s10], [sflag:$0x1] =	stream.linear.gather [hbm4b:s9+s3], $0x400, $0x38;
	[tilespmem:$0x18200] =	vst v63  }
0xe3: {  	s10 =	sadd.s32 $0x4C4C80, s5  }
0xe4: {  	[tilespmem:s14], [sflag:$0x1] =	stream.linear.gather [hbm4b:s10+s3], $0x400, $0x38;
	[tilespmem:$0x18200] =	vst v63  }
0xe5: {  	s7 =	sadd.s32 $0x5B8F00, s5  }
0xe6: {  	[tilespmem:s15], [sflag:$0x1] =	stream.linear.gather [hbm4b:s7+s3], $0x400, $0x38;
	[tilespmem:$0x18200] =	vst v63  }
0xe7: {  	s5 =	sadd.s32 $0x6AD180, s5  }
0xe8: {  	[tilespmem:s17], [sflag:$0x1] =	stream.linear.gather [hbm4b:s5+s3], $0x400, $0x38;
	[tilespmem:$0x18200] =	vst v63  }
0xe9: {  	v57 =	vld [tilespmem:$0x0];
	_ =	sdelay $0x4  }
0xea: {  	v41 =	vsel vm1, $0x0, v57  }
0xeb: {  	(xrf0) =	vadd.scan.msk.s32 $0xffff, v41;
	_ =	sdelay $0x5  }
0xec: {  	v41, _, _ =	vpop (xrf0)  }
0xed: {  	(v2sf) =	vpush v41, $0xF;
	_ =	sdelay $0xe  }
0xee: {  	s9 =	spop (v2sf)  }
0xef: {  	s5 =	sand.u32 $0xFFFFF80, s9  }
0xf0: {  	s5 =	sadd.s32 s0, s5  }
0xf1: {  	[tilespmem:s16], [sflag:$0x2] =	stream.linear.gather [hbm4b:s5+s3], $0x400, $0x38;
	[tilespmem:$0x18200] =	vst v63  }
0xf2: {  	s10 =	sadd.s32 $0xF4280, s5  }
0xf3: {  	[tilespmem:s18], [sflag:$0x2] =	stream.linear.gather [hbm4b:s10+s3], $0x400, $0x38;
	[tilespmem:$0x18200] =	vst v63  }
0xf4: {  	s14 =	sadd.s32 $0x1E8500, s5  }
0xf5: {  	[tilespmem:s19], [sflag:$0x2] =	stream.linear.gather [hbm4b:s14+s3], $0x400, $0x38;
	[tilespmem:$0x18200] =	vst v63  }
0xf6: {  	s15 =	sadd.s32 $0x2DC780, s5  }
0xf7: {  	[tilespmem:s20], [sflag:$0x2] =	stream.linear.gather [hbm4b:s15+s3], $0x400, $0x38;
	[tilespmem:$0x18200] =	vst v63  }
0xf8: {  	s17 =	sadd.s32 $0x3D0A00, s5;
	s18 =	simm.s32 $0xB200  }
0xf9: {  	[tilespmem:s18], [sflag:$0x2] =	stream.linear.gather [hbm4b:s17+s3], $0x400, $0x38;
	[tilespmem:$0x18200] =	vst v63  }
0xfa: {  	s19 =	sadd.s32 $0x4C4C80, s5;
	s20 =	simm.s32 $0xB600  }
0xfb: {  	[tilespmem:s20], [sflag:$0x2] =	stream.linear.gather [hbm4b:s19+s3], $0x400, $0x38;
	[tilespmem:$0x18200] =	vst v63  }
0xfc: {  	s9 =	sadd.s32 $0x5B8F00, s5;
	s10 =	simm.s32 $0xBA00  }
0xfd: {  	[tilespmem:s10], [sflag:$0x2] =	stream.linear.gather [hbm4b:s9+s3], $0x400, $0x38;
	[tilespmem:$0x18200] =	vst v63  }
0xfe: {  	s5 =	sadd.s32 $0x6AD180, s5;
	s14 =	simm.s32 $0xBE00  }
0xff: {  	[tilespmem:s14], [sflag:$0x2] =	stream.linear.gather [hbm4b:s5+s3], $0x400, $0x38;
	[tilespmem:$0x18200] =	vst v63  }
0x100: {  	v58 =	vld [tilespmem:$0x0];
	_ =	sdelay $0x4  }
0x101: {  	v41 =	vsel vm2, $0x0, v58  }
0x102: {  	(xrf0) =	vadd.scan.msk.s32 $0xffff, v41;
	_ =	sdelay $0x5  }
0x103: {  	v41, _, _ =	vpop (xrf0)  }
0x104: {  	(v2sf) =	vpush v41, $0xF;
	_ =	sdelay $0xe  }
0x105: {  	s15 =	spop (v2sf)  }
0x106: {  	s5 =	sand.u32 $0xFFFFF80, s15  }
0x107: {  	s5 =	sadd.s32 s0, s5  }
0x108: {  	[tilespmem:s24], [sflag:$0x3] =	stream.linear.gather [hbm4b:s5+s3], $0x400, $0x38;
	[tilespmem:$0x18200] =	vst v63  }
0x109: {  	s18 =	simm.s32 $0xC600;
	s17 =	sadd.s32 $0xF4280, s5  }
0x10a: {  	[tilespmem:s18], [sflag:$0x3] =	stream.linear.gather [hbm4b:s17+s3], $0x400, $0x38;
	[tilespmem:$0x18200] =	vst v63  }
0x10b: {  	s20 =	simm.s32 $0xCA00;
	s19 =	sadd.s32 $0x1E8500, s5  }
0x10c: {  	[tilespmem:s20], [sflag:$0x3] =	stream.linear.gather [hbm4b:s19+s3], $0x400, $0x38;
	[tilespmem:$0x18200] =	vst v63  }
0x10d: {  	s9 =	simm.s32 $0xCE00;
	s7 =	sadd.s32 $0x2DC780, s5  }
0x10e: {  	[tilespmem:s9], [sflag:$0x3] =	stream.linear.gather [hbm4b:s7+s3], $0x400, $0x38;
	[tilespmem:$0x18200] =	vst v63  }
0x10f: {  	s14 =	simm.s32 $0xD200;
	s10 =	sadd.s32 $0x3D0A00, s5  }
0x110: {  	[tilespmem:s14], [sflag:$0x3] =	stream.linear.gather [hbm4b:s10+s3], $0x400, $0x38;
	[tilespmem:$0x18200] =	vst v63  }
0x111: {  	s15 =	sadd.s32 $0x4C4C80, s5;
	s17 =	simm.s32 $0xD600  }
0x112: {  	[tilespmem:s17], [sflag:$0x3] =	stream.linear.gather [hbm4b:s15+s3], $0x400, $0x38;
	[tilespmem:$0x18200] =	vst v63  }
0x113: {  	s18 =	sadd.s32 $0x5B8F00, s5;
	s19 =	simm.s32 $0xDA00  }
0x114: {  	[tilespmem:s19], [sflag:$0x3] =	stream.linear.gather [hbm4b:s18+s3], $0x400, $0x38;
	[tilespmem:$0x18200] =	vst v63  }
0x115: {  	s5 =	sadd.s32 $0x6AD180, s5;
	s20 =	simm.s32 $0xDE00  }
0x116: {  	[tilespmem:s20], [sflag:$0x3] =	stream.linear.gather [hbm4b:s5+s3], $0x400, $0x38;
	[tilespmem:$0x18200] =	vst v63  }
0x117: {  	v59 =	vld [tilespmem:$0x0];
	_ =	sdelay $0x4  }
0x118: {  	v41 =	vsel vm3, $0x0, v59  }
0x119: {  	(xrf0) =	vadd.scan.msk.s32 $0xffff, v41;
	_ =	sdelay $0x5  }
0x11a: {  	v41, _, _ =	vpop (xrf0)  }
0x11b: {  	(v2sf) =	vpush v41, $0xF;
	_ =	sdelay $0xe  }
0x11c: {  	s7 =	spop (v2sf)  }
0x11d: {  	s5 =	sand.u32 $0xFFFFF80, s7  }
0x11e: {  	s5 =	sadd.s32 s0, s5  }
0x11f: {  	[tilespmem:s2], [sflag:$0x4] =	stream.linear.gather [hbm4b:s5+s3], $0x400, $0x38;
	[tilespmem:$0x18200] =	vst v63  }
0x120: {  	s10 =	simm.s32 $0xE600;
	s9 =	sadd.s32 $0xF4280, s5  }
0x121: {  	[tilespmem:s10], [sflag:$0x4] =	stream.linear.gather [hbm4b:s9+s3], $0x400, $0x38;
	[tilespmem:$0x18200] =	vst v63  }
0x122: {  	s15 =	simm.s32 $0xEA00;
	s14 =	sadd.s32 $0x1E8500, s5  }
0x123: {  	[tilespmem:s15], [sflag:$0x4] =	stream.linear.gather [hbm4b:s14+s3], $0x400, $0x38;
	[tilespmem:$0x18200] =	vst v63  }
0x124: {  	s18 =	simm.s32 $0xEE00;
	s17 =	sadd.s32 $0x2DC780, s5  }
0x125: {  	[tilespmem:s18], [sflag:$0x4] =	stream.linear.gather [hbm4b:s17+s3], $0x400, $0x38;
	[tilespmem:$0x18200] =	vst v63  }
0x126: {  	s20 =	simm.s32 $0xF200;
	s19 =	sadd.s32 $0x3D0A00, s5  }
0x127: {  	[tilespmem:s20], [sflag:$0x4] =	stream.linear.gather [hbm4b:s19+s3], $0x400, $0x38;
	[tilespmem:$0x18200] =	vst v63  }
0x128: {  	s9 =	sadd.s32 $0x4C4C80, s5;
	s10 =	simm.s32 $0xF600  }
0x129: {  	[tilespmem:s10], [sflag:$0x4] =	stream.linear.gather [hbm4b:s9+s3], $0x400, $0x38;
	[tilespmem:$0x18200] =	vst v63  }
0x12a: {  	s14 =	sadd.s32 $0x5B8F00, s5;
	s15 =	simm.s32 $0xFA00  }
0x12b: {  	[tilespmem:s15], [sflag:$0x4] =	stream.linear.gather [hbm4b:s14+s3], $0x400, $0x38;
	[tilespmem:$0x18200] =	vst v63  }
0x12c: {  	s5 =	sadd.s32 $0x6AD180, s5;
	s17 =	simm.s32 $0xFE00  }
0x12d: {  	[tilespmem:s17], [sflag:$0x4] =	stream.linear.gather [hbm4b:s5+s3], $0x400, $0x38;
	[tilespmem:$0x18200] =	vst v63  }
0x12e: {  	v60 =	vld [tilespmem:$0x0];
	_ =	sdelay $0x4  }
0x12f: {  	v41 =	vsel vm4, $0x0, v60  }
0x130: {  	(xrf0) =	vadd.scan.msk.s32 $0xffff, v41;
	_ =	sdelay $0x5  }
0x131: {  	v41, _, _ =	vpop (xrf0)  }
0x132: {  	(v2sf) =	vpush v41, $0xF;
	_ =	sdelay $0xe  }
0x133: {  	s18 =	spop (v2sf)  }
0x134: {  	s5 =	sand.u32 $0xFFFFF80, s18  }
0x135: {  	s5 =	sadd.s32 s0, s5  }
0x136: {  	[tilespmem:s12], [sflag:$0x5] =	stream.linear.gather [hbm4b:s5+s3], $0x400, $0x38;
	[tilespmem:$0x18200] =	vst v63  }
0x137: {  	s20 =	simm.s32 $0x10600;
	s19 =	sadd.s32 $0xF4280, s5  }
0x138: {  	[tilespmem:s20], [sflag:$0x5] =	stream.linear.gather [hbm4b:s19+s3], $0x400, $0x38;
	[tilespmem:$0x18200] =	vst v63  }
0x139: {  	s10 =	simm.s32 $0x10A00;
	s9 =	sadd.s32 $0x1E8500, s5  }
0x13a: {  	[tilespmem:s10], [sflag:$0x5] =	stream.linear.gather [hbm4b:s9+s3], $0x400, $0x38;
	[tilespmem:$0x18200] =	vst v63  }
0x13b: {  	s15 =	simm.s32 $0x10E00;
	s14 =	sadd.s32 $0x2DC780, s5  }
0x13c: {  	[tilespmem:s15], [sflag:$0x5] =	stream.linear.gather [hbm4b:s14+s3], $0x400, $0x38;
	[tilespmem:$0x18200] =	vst v63  }
0x13d: {  	s18 =	simm.s32 $0x11200;
	s17 =	sadd.s32 $0x3D0A00, s5  }
0x13e: {  	[tilespmem:s18], [sflag:$0x5] =	stream.linear.gather [hbm4b:s17+s3], $0x400, $0x38;
	[tilespmem:$0x18200] =	vst v63  }
0x13f: {  	s19 =	sadd.s32 $0x4C4C80, s5;
	s20 =	simm.s32 $0x11600  }
0x140: {  	[tilespmem:s20], [sflag:$0x5] =	stream.linear.gather [hbm4b:s19+s3], $0x400, $0x38;
	[tilespmem:$0x18200] =	vst v63  }
0x141: {  	s9 =	sadd.s32 $0x5B8F00, s5;
	s10 =	simm.s32 $0x11A00  }
0x142: {  	[tilespmem:s10], [sflag:$0x5] =	stream.linear.gather [hbm4b:s9+s3], $0x400, $0x38;
	[tilespmem:$0x18200] =	vst v63  }
0x143: {  	s5 =	sadd.s32 $0x6AD180, s5;
	s14 =	simm.s32 $0x11E00  }
0x144: {  	[tilespmem:s14], [sflag:$0x5] =	stream.linear.gather [hbm4b:s5+s3], $0x400, $0x38;
	[tilespmem:$0x18200] =	vst v63  }
0x145: {  	v61 =	vld [tilespmem:$0x0];
	_ =	sdelay $0x4  }
0x146: {  	v41 =	vsel vm5, $0x0, v61  }
0x147: {  	(xrf0) =	vadd.scan.msk.s32 $0xffff, v41;
	_ =	sdelay $0x5  }
0x148: {  	v41, _, _ =	vpop (xrf0)  }
0x149: {  	(v2sf) =	vpush v41, $0xF;
	_ =	sdelay $0xe  }
0x14a: {  	s15 =	spop (v2sf)  }
0x14b: {  	s5 =	sand.u32 $0xFFFFF80, s15  }
0x14c: {  	s5 =	sadd.s32 s0, s5  }
0x14d: {  	[tilespmem:s21], [sflag:$0x6] =	stream.linear.gather [hbm4b:s5+s3], $0x400, $0x38;
	[tilespmem:$0x18200] =	vst v63  }
0x14e: {  	s18 =	simm.s32 $0x12600;
	s17 =	sadd.s32 $0xF4280, s5  }
0x14f: {  	[tilespmem:s18], [sflag:$0x6] =	stream.linear.gather [hbm4b:s17+s3], $0x400, $0x38;
	[tilespmem:$0x18200] =	vst v63  }
0x150: {  	s20 =	simm.s32 $0x12A00;
	s19 =	sadd.s32 $0x1E8500, s5  }
0x151: {  	[tilespmem:s20], [sflag:$0x6] =	stream.linear.gather [hbm4b:s19+s3], $0x400, $0x38;
	[tilespmem:$0x18200] =	vst v63  }
0x152: {  	s9 =	simm.s32 $0x12E00;
	s7 =	sadd.s32 $0x2DC780, s5  }
0x153: {  	[tilespmem:s9], [sflag:$0x6] =	stream.linear.gather [hbm4b:s7+s3], $0x400, $0x38;
	[tilespmem:$0x18200] =	vst v63  }
0x154: {  	s14 =	simm.s32 $0x13200;
	s10 =	sadd.s32 $0x3D0A00, s5  }
0x155: {  	[tilespmem:s14], [sflag:$0x6] =	stream.linear.gather [hbm4b:s10+s3], $0x400, $0x38;
	[tilespmem:$0x18200] =	vst v63  }
0x156: {  	s15 =	sadd.s32 $0x4C4C80, s5;
	s17 =	simm.s32 $0x13600  }
0x157: {  	[tilespmem:s17], [sflag:$0x6] =	stream.linear.gather [hbm4b:s15+s3], $0x400, $0x38;
	[tilespmem:$0x18200] =	vst v63  }
0x158: {  	s18 =	sadd.s32 $0x5B8F00, s5;
	s19 =	simm.s32 $0x13A00  }
0x159: {  	[tilespmem:s19], [sflag:$0x6] =	stream.linear.gather [hbm4b:s18+s3], $0x400, $0x38;
	[tilespmem:$0x18200] =	vst v63  }
0x15a: {  	s5 =	sadd.s32 $0x6AD180, s5;
	s20 =	simm.s32 $0x13E00  }
0x15b: {  	[tilespmem:s20], [sflag:$0x6] =	stream.linear.gather [hbm4b:s5+s3], $0x400, $0x38;
	[tilespmem:$0x18200] =	vst v63  }
0x15c: {  	v62 =	vld [tilespmem:$0x0];
	_ =	sdelay $0x4  }
0x15d: {  	v41 =	vsel vm6, $0x0, v62  }
0x15e: {  	(xrf0) =	vadd.scan.msk.s32 $0xffff, v41;
	_ =	sdelay $0x5  }
0x15f: {  	v41, _, _ =	vpop (xrf0)  }
0x160: {  	(v2sf) =	vpush v41, $0xF;
	_ =	sdelay $0xe  }
0x161: {  	s7 =	spop (v2sf)  }
0x162: {  	s5 =	sand.u32 $0xFFFFF80, s7  }
0x163: {  	s5 =	sadd.s32 s0, s5  }
0x164: {  	[tilespmem:s31], [sflag:$0x7] =	stream.linear.gather [hbm4b:s5+s3], $0x400, $0x38;
	[tilespmem:$0x18200] =	vst v63  }
0x165: {  	s10 =	simm.s32 $0x14600;
	s9 =	sadd.s32 $0xF4280, s5  }
0x166: {  	[tilespmem:s10], [sflag:$0x7] =	stream.linear.gather [hbm4b:s9+s3], $0x400, $0x38;
	[tilespmem:$0x18200] =	vst v63  }
0x167: {  	s15 =	simm.s32 $0x14A00;
	s14 =	sadd.s32 $0x1E8500, s5  }
0x168: {  	[tilespmem:s15], [sflag:$0x7] =	stream.linear.gather [hbm4b:s14+s3], $0x400, $0x38;
	[tilespmem:$0x18200] =	vst v63  }
0x169: {  	s18 =	simm.s32 $0x14E00;
	s17 =	sadd.s32 $0x2DC780, s5  }
0x16a: {  	[tilespmem:s18], [sflag:$0x7] =	stream.linear.gather [hbm4b:s17+s3], $0x400, $0x38;
	[tilespmem:$0x18200] =	vst v63  }
0x16b: {  	s20 =	simm.s32 $0x15200;
	s19 =	sadd.s32 $0x3D0A00, s5  }
0x16c: {  	[tilespmem:s20], [sflag:$0x7] =	stream.linear.gather [hbm4b:s19+s3], $0x400, $0x38;
	[tilespmem:$0x18200] =	vst v63  }
0x16d: {  	s9 =	sadd.s32 $0x4C4C80, s5;
	s10 =	simm.s32 $0x15600  }
0x16e: {  	[tilespmem:s10], [sflag:$0x7] =	stream.linear.gather [hbm4b:s9+s3], $0x400, $0x38;
	[tilespmem:$0x18200] =	vst v63  }
0x16f: {  	s14 =	sadd.s32 $0x5B8F00, s5;
	s15 =	simm.s32 $0x15A00  }
0x170: {  	[tilespmem:s15], [sflag:$0x7] =	stream.linear.gather [hbm4b:s14+s3], $0x400, $0x38;
	[tilespmem:$0x18200] =	vst v63  }
0x171: {  	s5 =	sadd.s32 $0x6AD180, s5;
	s17 =	simm.s32 $0x15E00  }
0x172: {  	[tilespmem:s17], [sflag:$0x7] =	stream.linear.gather [hbm4b:s5+s3], $0x400, $0x38;
	[tilespmem:$0x18200] =	vst v63  }
0x173: {  	v63 =	vld [tilespmem:$0x0];
	_ =	sdelay $0x4  }
0x174: {  	v41 =	vsel vm7, $0x0, v63  }
0x175: {  	(xrf0) =	vadd.scan.msk.s32 $0xffff, v41;
	_ =	sdelay $0x5  }
0x176: {  	v41, _, _ =	vpop (xrf0)  }
0x177: {  	(v2sf) =	vpush v41, $0xF;
	_ =	sdelay $0xe  }
0x178: {  	s18 =	spop (v2sf)  }
0x179: {  	s5 =	sand.u32 $0xFFFFF80, s18  }
0x17a: {  	s5 =	sadd.s32 s0, s5  }
0x17b: {  	[tilespmem:s11], [sflag:$0x8] =	stream.linear.gather [hbm4b:s5+s3], $0x400, $0x38;
	[tilespmem:$0x18200] =	vst v63  }
0x17c: {  	s20 =	simm.s32 $0x16600;
	s19 =	sadd.s32 $0xF4280, s5  }
0x17d: {  	[tilespmem:s20], [sflag:$0x8] =	stream.linear.gather [hbm4b:s19+s3], $0x400, $0x38;
	[tilespmem:$0x18200] =	vst v63  }
0x17e: {  	s10 =	simm.s32 $0x16A00;
	s9 =	sadd.s32 $0x1E8500, s5  }
0x17f: {  	[tilespmem:s10], [sflag:$0x8] =	stream.linear.gather [hbm4b:s9+s3], $0x400, $0x38;
	[tilespmem:$0x18200] =	vst v63  }
0x180: {  	s17 =	simm.s32 $0x16E00;
	s14 =	sadd.s32 $0x2DC780, s5  }
0x181: {  	[tilespmem:s17], [sflag:$0x8] =	stream.linear.gather [hbm4b:s14+s3], $0x400, $0x38;
	[tilespmem:$0x18200] =	vst v63  }
0x182: {  	s15 =	sadd.s32 $0x3D0A00, s5;
	s14 =	simm.s32 $0x17200  }
0x183: {  	[tilespmem:s14], [sflag:$0x8] =	stream.linear.gather [hbm4b:s15+s3], $0x400, $0x38;
	[tilespmem:$0x18200] =	vst v63  }
0x184: {  	s18 =	sadd.s32 $0x4C4C80, s5;
	s20 =	simm.s32 $0x17600  }
0x185: {  	[tilespmem:s20], [sflag:$0x8] =	stream.linear.gather [hbm4b:s18+s3], $0x400, $0x38;
	[tilespmem:$0x18200] =	vst v63  }
0x186: {  	s19 =	sadd.s32 $0x5B8F00, s5;
	s15 =	simm.s32 $0x17A00  }
0x187: {  	[tilespmem:s15], [sflag:$0x8] =	stream.linear.gather [hbm4b:s19+s3], $0x400, $0x38;
	[tilespmem:$0x18200] =	vst v63  }
0x188: {  	s5 =	sadd.s32 $0x6AD180, s5;
	s18 =	simm.s32 $0x17E00  }
0x189: {  	[tilespmem:s18], [sflag:$0x8] =	stream.linear.gather [hbm4b:s5+s3], $0x400, $0x38;
	[tilespmem:$0x18200] =	vst v63  }
0x18a: {  	s5 =	simm.s32 $0x0  }
.LBB2_2:
0x18b: {  	s7 =	sand.u32 $0x1F0, s5  }
0x18c: {  	v41 =	vld [tilespmem:s7+$0x0];
	_ =	sdelay $0x1  }
0x18d: {  	s6 =	sand.u32 $0x8, s5  }
0x18e: {  	v42 =	vmov s6  }
0x18f: {  	vm15 =	veq.s32 v42, v0  }
0x190: {  	v41 =	vnsel vm15, $0x0, v41  }
0x191: {  	(xrf0) =	vadd.scan.msk.s32 $0xffff, v41;
	_ =	sdelay $0x5  }
0x192: {  	v41, _, _ =	vpop (xrf0)  }
0x193: {  	(v2sf) =	vpush v41, $0xF;
	_ =	sdelay $0xe  }
0x194: {  	s10 =	spop (v2sf)  }
0x195: {  	s6 =	sand.u32 $0x7F, s10  }
0x196: {  	v49 =	vor.u32 s6, v1  }
0x197: {  	v50 =	vmov s5  }
0x198: {  	v43 =	vshll.u32 v50, $0x3;
	_ =	swait.ge [sflag:s22], $0x2000  }
0x199: {  	v42 =	vand.u32 $0x78, v50;
	v43 =	vand.u32 $0xC00, v43;
	[sflag:s22] =	ssyncset.done $0x0  }
0x19a: {  	v42 =	vor.u32 v42, v43;
	[sflag:s22] =	ssyncadd.s32 $0xFFFFE000  }
0x19b: {  	v43 =	vor.u32 v2, v42;
	v41 =	vld.idx.msk [tilespmem:v49+s8+$0x0], $0xffff  }
0x19c: {  	v44 =	vor.u32 s6, v3;
	_ =	sdelay $0x3  }
0x19d: {  	[tilespmem:v43+s23+$0x0] =	vst.idx.msk $0xffff, v41  }
0x19e: {  	v51 =	vor.u32 v4, v42;
	v41 =	vld.idx.msk [tilespmem:v44+s8+$0x0], $0xffff  }
0x19f: {  	v52 =	vor.u32 s6, v5;
	_ =	sdelay $0x3  }
0x1a0: {  	[tilespmem:v51+s23+$0x0] =	vst.idx.msk $0xffff, v41  }
0x1a1: {  	v53 =	vor.u32 v6, v42;
	v41 =	vld.idx.msk [tilespmem:v52+s8+$0x0], $0xffff  }
0x1a2: {  	v54 =	vor.u32 s6, v7;
	_ =	sdelay $0x3  }
0x1a3: {  	[tilespmem:v53+s23+$0x0] =	vst.idx.msk $0xffff, v41  }
0x1a4: {  	v42 =	vor.u32 v8, v42;
	v41 =	vld.idx.msk [tilespmem:v54+s8+$0x0], $0xffff;
	_ =	sdelay $0x3  }
0x1a5: {  	s6 =	sadd.s32 $0x8, s5  }
0x1a6: {  	s9 =	sand.u32 $0x3F0, s6;
	[tilespmem:v42+s23+$0x0] =	vst.idx.msk $0xffff, v41  }
0x1a7: {  	v41 =	vld [tilespmem:s9+$0x0];
	_ =	sdelay $0x1  }
0x1a8: {  	s19 =	sand.u32 $0x8, s6  }
0x1a9: {  	v55 =	vmov s19  }
0x1aa: {  	vm15 =	veq.s32 v55, v0  }
0x1ab: {  	v41 =	vnsel vm15, $0x0, v41  }
0x1ac: {  	(xrf0) =	vadd.scan.msk.s32 $0xffff, v41;
	_ =	sdelay $0x5  }
0x1ad: {  	v41, _, _ =	vpop (xrf0)  }
0x1ae: {  	(v2sf) =	vpush v41, $0xF;
	_ =	sdelay $0xe  }
0x1af: {  	s10 =	spop (v2sf)  }
0x1b0: {  	s9 =	sand.u32 $0xFFFFF80, s10  }
0x1b1: {  	s9 =	sadd.s32 s0, s9  }
0x1b2: {  	[tilespmem:s8], [sflag:$0x1] =	stream.linear.gather [hbm4b:s9+s3], $0x400, $0x38;
	[tilespmem:$0x18200] =	vst v63  }
0x1b3: {  	s10 =	sadd.s32 $0xF4280, s9  }
0x1b4: {  	[tilespmem:s13], [sflag:$0x1] =	stream.linear.gather [hbm4b:s10+s3], $0x400, $0x38;
	[tilespmem:$0x18200] =	vst v63  }
0x1b5: {  	s19 =	simm.s32 $0x8A00;
	s13 =	sadd.s32 $0x1E8500, s9  }
0x1b6: {  	[tilespmem:s19], [sflag:$0x1] =	stream.linear.gather [hbm4b:s13+s3], $0x400, $0x38;
	[tilespmem:$0x18200] =	vst v63  }
0x1b7: {  	s13 =	sadd.s32 $0x2DC780, s9;
	s19 =	simm.s32 $0x8E00  }
0x1b8: {  	[tilespmem:s19], [sflag:$0x1] =	stream.linear.gather [hbm4b:s13+s3], $0x400, $0x38;
	[tilespmem:$0x18200] =	vst v63  }
0x1b9: {  	s13 =	sadd.s32 $0x3D0A00, s9;
	s19 =	simm.s32 $0x9200  }
0x1ba: {  	[tilespmem:s19], [sflag:$0x1] =	stream.linear.gather [hbm4b:s13+s3], $0x400, $0x38;
	[tilespmem:$0x18200] =	vst v63  }
0x1bb: {  	s13 =	sadd.s32 $0x4C4C80, s9;
	s19 =	simm.s32 $0x9600  }
0x1bc: {  	[tilespmem:s19], [sflag:$0x1] =	stream.linear.gather [hbm4b:s13+s3], $0x400, $0x38;
	[tilespmem:$0x18200] =	vst v63  }
0x1bd: {  	s13 =	sadd.s32 $0x5B8F00, s9;
	s19 =	simm.s32 $0x9A00  }
0x1be: {  	[tilespmem:s19], [sflag:$0x1] =	stream.linear.gather [hbm4b:s13+s3], $0x400, $0x38;
	[tilespmem:$0x18200] =	vst v63  }
0x1bf: {  	s9 =	sadd.s32 $0x6AD180, s9;
	s13 =	simm.s32 $0x9E00  }
0x1c0: {  	[tilespmem:s13], [sflag:$0x1] =	stream.linear.gather [hbm4b:s9+s3], $0x400, $0x38;
	[tilespmem:$0x18200] =	vst v63  }
0x1c1: {  	v56 =	vld [tilespmem:s7+$0x0]  }
0x1c2: {  	s9 =	sand.u32 $0xF, s5  }
0x1c3: {  	s19 =	sadd.s32 $0x1, s9  }
0x1c4: {  	v57 =	vmov s19  }
0x1c5: {  	vm15 =	veq.s32 v57, v0  }
0x1c6: {  	v41 =	vnsel vm15, $0x0, v56  }
0x1c7: {  	(xrf0) =	vadd.scan.msk.s32 $0xffff, v41;
	_ =	sdelay $0x5  }
0x1c8: {  	v41, _, _ =	vpop (xrf0)  }
0x1c9: {  	(v2sf) =	vpush v41, $0xF;
	_ =	sdelay $0xe  }
0x1ca: {  	s13 =	spop (v2sf)  }
0x1cb: {  	s10 =	sand.u32 $0x7F, s13  }
0x1cc: {  	s19 =	sadd.s32 $0x1, s5;
	v58 =	vor.u32 s10, v1  }
0x1cd: {  	v59 =	vmov s19  }
0x1ce: {  	v60 =	vshll.u32 v59, $0x3;
	_ =	swait.ge [sflag:s25], $0x2000  }
0x1cf: {  	v42 =	vand.u32 $0x79, v59;
	v43 =	vand.u32 $0xC00, v60;
	[sflag:s25] =	ssyncset.done $0x0  }
0x1d0: {  	v42 =	vor.u32 v42, v43;
	[sflag:s25] =	ssyncadd.s32 $0xFFFFE000  }
0x1d1: {  	v43 =	vor.u32 v2, v42;
	v41 =	vld.idx.msk [tilespmem:v58+s16+$0x0], $0xffff  }
0x1d2: {  	v61 =	vor.u32 s10, v3;
	_ =	sdelay $0x3  }
0x1d3: {  	[tilespmem:v43+s23+$0x0] =	vst.idx.msk $0xffff, v41  }
0x1d4: {  	v62 =	vor.u32 v4, v42;
	v41 =	vld.idx.msk [tilespmem:v61+s16+$0x0], $0xffff  }
0x1d5: {  	v63 =	vor.u32 s10, v5;
	_ =	sdelay $0x3  }
0x1d6: {  	[tilespmem:v62+s23+$0x0] =	vst.idx.msk $0xffff, v41  }
0x1d7: {  	v48 =	vor.u32 v6, v42;
	v41 =	vld.idx.msk [tilespmem:v63+s16+$0x0], $0xffff  }
0x1d8: {  	v49 =	vor.u32 s10, v7;
	_ =	sdelay $0x3  }
0x1d9: {  	[tilespmem:v48+s23+$0x0] =	vst.idx.msk $0xffff, v41  }
0x1da: {  	v42 =	vor.u32 v8, v42;
	v41 =	vld.idx.msk [tilespmem:v49+s16+$0x0], $0xffff;
	_ =	sdelay $0x3  }
0x1db: {  	s10 =	sadd.s32 $0x9, s5  }
0x1dc: {  	s19 =	sand.u32 $0x3F0, s10;
	[tilespmem:v42+s23+$0x0] =	vst.idx.msk $0xffff, v41  }
0x1dd: {  	v41 =	vld [tilespmem:s19+$0x0];
	_ =	sdelay $0x1  }
0x1de: {  	s10 =	sand.u32 $0x9, s10  }
0x1df: {  	v50 =	vmov s10  }
0x1e0: {  	vm15 =	veq.s32 v50, v0  }
0x1e1: {  	v41 =	vnsel vm15, $0x0, v41  }
0x1e2: {  	(xrf0) =	vadd.scan.msk.s32 $0xffff, v41;
	_ =	sdelay $0x5  }
0x1e3: {  	v41, _, _ =	vpop (xrf0)  }
0x1e4: {  	(v2sf) =	vpush v41, $0xF;
	_ =	sdelay $0xe  }
0x1e5: {  	s13 =	spop (v2sf)  }
0x1e6: {  	s10 =	sand.u32 $0xFFFFF80, s13  }
0x1e7: {  	s10 =	sadd.s32 s0, s10  }
0x1e8: {  	[tilespmem:s16], [sflag:$0x2] =	stream.linear.gather [hbm4b:s10+s3], $0x400, $0x38;
	[tilespmem:$0x18200] =	vst v63  }
0x1e9: {  	s19 =	simm.s32 $0xA600;
	s13 =	sadd.s32 $0xF4280, s10  }
0x1ea: {  	[tilespmem:s19], [sflag:$0x2] =	stream.linear.gather [hbm4b:s13+s3], $0x400, $0x38;
	[tilespmem:$0x18200] =	vst v63  }
0x1eb: {  	s13 =	sadd.s32 $0x1E8500, s10;
	s19 =	simm.s32 $0xAA00  }
0x1ec: {  	[tilespmem:s19], [sflag:$0x2] =	stream.linear.gather [hbm4b:s13+s3], $0x400, $0x38;
	[tilespmem:$0x18200] =	vst v63  }
0x1ed: {  	s13 =	sadd.s32 $0x2DC780, s10;
	s19 =	simm.s32 $0xAE00  }
0x1ee: {  	[tilespmem:s19], [sflag:$0x2] =	stream.linear.gather [hbm4b:s13+s3], $0x400, $0x38;
	[tilespmem:$0x18200] =	vst v63  }
0x1ef: {  	s13 =	sadd.s32 $0x3D0A00, s10;
	s19 =	simm.s32 $0xB200  }
0x1f0: {  	[tilespmem:s19], [sflag:$0x2] =	stream.linear.gather [hbm4b:s13+s3], $0x400, $0x38;
	[tilespmem:$0x18200] =	vst v63  }
0x1f1: {  	s13 =	sadd.s32 $0x4C4C80, s10;
	s19 =	simm.s32 $0xB600  }
0x1f2: {  	[tilespmem:s19], [sflag:$0x2] =	stream.linear.gather [hbm4b:s13+s3], $0x400, $0x38;
	[tilespmem:$0x18200] =	vst v63  }
0x1f3: {  	s13 =	sadd.s32 $0x5B8F00, s10;
	s19 =	simm.s32 $0xBA00  }
0x1f4: {  	[tilespmem:s19], [sflag:$0x2] =	stream.linear.gather [hbm4b:s13+s3], $0x400, $0x38;
	[tilespmem:$0x18200] =	vst v63  }
0x1f5: {  	s10 =	sadd.s32 $0x6AD180, s10;
	s19 =	simm.s32 $0xBE00  }
0x1f6: {  	[tilespmem:s19], [sflag:$0x2] =	stream.linear.gather [hbm4b:s10+s3], $0x400, $0x38;
	[tilespmem:$0x18200] =	vst v63  }
0x1f7: {  	v51 =	vld [tilespmem:s7+$0x0];
	_ =	sdelay $0x1  }
0x1f8: {  	s19 =	sadd.s32 $0x2, s9  }
0x1f9: {  	v52 =	vmov s19  }
0x1fa: {  	vm15 =	veq.s32 v52, v0  }
0x1fb: {  	v41 =	vnsel vm15, $0x0, v51  }
0x1fc: {  	(xrf0) =	vadd.scan.msk.s32 $0xffff, v41;
	_ =	sdelay $0x5  }
0x1fd: {  	v41, _, _ =	vpop (xrf0)  }
0x1fe: {  	(v2sf) =	vpush v41, $0xF;
	_ =	sdelay $0xe  }
0x1ff: {  	s13 =	spop (v2sf)  }
0x200: {  	s10 =	sand.u32 $0x7F, s13  }
0x201: {  	s19 =	sadd.s32 $0x2, s5;
	v53 =	vor.u32 s10, v1  }
0x202: {  	v54 =	vmov s19  }
0x203: {  	v55 =	vshll.u32 v54, $0x3;
	_ =	swait.ge [sflag:s26], $0x2000  }
0x204: {  	v42 =	vand.u32 $0x7A, v54;
	v43 =	vand.u32 $0xC00, v55;
	[sflag:s26] =	ssyncset.done $0x0  }
0x205: {  	v42 =	vor.u32 v42, v43;
	[sflag:s26] =	ssyncadd.s32 $0xFFFFE000  }
0x206: {  	v43 =	vor.u32 v2, v42;
	v41 =	vld.idx.msk [tilespmem:v53+s24+$0x0], $0xffff  }
0x207: {  	v56 =	vor.u32 s10, v3;
	_ =	sdelay $0x3  }
0x208: {  	[tilespmem:v43+s23+$0x0] =	vst.idx.msk $0xffff, v41  }
0x209: {  	v57 =	vor.u32 v4, v42;
	v41 =	vld.idx.msk [tilespmem:v56+s24+$0x0], $0xffff  }
0x20a: {  	v58 =	vor.u32 s10, v5;
	_ =	sdelay $0x3  }
0x20b: {  	[tilespmem:v57+s23+$0x0] =	vst.idx.msk $0xffff, v41  }
0x20c: {  	v59 =	vor.u32 v6, v42;
	v41 =	vld.idx.msk [tilespmem:v58+s24+$0x0], $0xffff  }
0x20d: {  	v60 =	vor.u32 s10, v7;
	_ =	sdelay $0x3  }
0x20e: {  	[tilespmem:v59+s23+$0x0] =	vst.idx.msk $0xffff, v41  }
0x20f: {  	v42 =	vor.u32 v8, v42;
	v41 =	vld.idx.msk [tilespmem:v60+s24+$0x0], $0xffff;
	_ =	sdelay $0x3  }
0x210: {  	s10 =	sadd.s32 $0xA, s5  }
0x211: {  	s19 =	sand.u32 $0x3F0, s10;
	[tilespmem:v42+s23+$0x0] =	vst.idx.msk $0xffff, v41  }
0x212: {  	v41 =	vld [tilespmem:s19+$0x0];
	_ =	sdelay $0x1  }
0x213: {  	s10 =	sand.u32 $0xA, s10  }
0x214: {  	v61 =	vmov s10  }
0x215: {  	vm15 =	veq.s32 v61, v0  }
0x216: {  	v41 =	vnsel vm15, $0x0, v41  }
0x217: {  	(xrf0) =	vadd.scan.msk.s32 $0xffff, v41;
	_ =	sdelay $0x5  }
0x218: {  	v41, _, _ =	vpop (xrf0)  }
0x219: {  	(v2sf) =	vpush v41, $0xF;
	_ =	sdelay $0xe  }
0x21a: {  	s13 =	spop (v2sf)  }
0x21b: {  	s10 =	sand.u32 $0xFFFFF80, s13  }
0x21c: {  	s10 =	sadd.s32 s0, s10  }
0x21d: {  	[tilespmem:s24], [sflag:$0x3] =	stream.linear.gather [hbm4b:s10+s3], $0x400, $0x38;
	[tilespmem:$0x18200] =	vst v63  }
0x21e: {  	s19 =	simm.s32 $0xC600;
	s13 =	sadd.s32 $0xF4280, s10  }
0x21f: {  	[tilespmem:s19], [sflag:$0x3] =	stream.linear.gather [hbm4b:s13+s3], $0x400, $0x38;
	[tilespmem:$0x18200] =	vst v63  }
0x220: {  	s13 =	sadd.s32 $0x1E8500, s10;
	s19 =	simm.s32 $0xCA00  }
0x221: {  	[tilespmem:s19], [sflag:$0x3] =	stream.linear.gather [hbm4b:s13+s3], $0x400, $0x38;
	[tilespmem:$0x18200] =	vst v63  }
0x222: {  	s13 =	sadd.s32 $0x2DC780, s10;
	s19 =	simm.s32 $0xCE00  }
0x223: {  	[tilespmem:s19], [sflag:$0x3] =	stream.linear.gather [hbm4b:s13+s3], $0x400, $0x38;
	[tilespmem:$0x18200] =	vst v63  }
0x224: {  	s13 =	sadd.s32 $0x3D0A00, s10;
	s19 =	simm.s32 $0xD200  }
0x225: {  	[tilespmem:s19], [sflag:$0x3] =	stream.linear.gather [hbm4b:s13+s3], $0x400, $0x38;
	[tilespmem:$0x18200] =	vst v63  }
0x226: {  	s13 =	sadd.s32 $0x4C4C80, s10;
	s19 =	simm.s32 $0xD600  }
0x227: {  	[tilespmem:s19], [sflag:$0x3] =	stream.linear.gather [hbm4b:s13+s3], $0x400, $0x38;
	[tilespmem:$0x18200] =	vst v63  }
0x228: {  	s13 =	sadd.s32 $0x5B8F00, s10;
	s19 =	simm.s32 $0xDA00  }
0x229: {  	[tilespmem:s19], [sflag:$0x3] =	stream.linear.gather [hbm4b:s13+s3], $0x400, $0x38;
	[tilespmem:$0x18200] =	vst v63  }
0x22a: {  	s10 =	sadd.s32 $0x6AD180, s10;
	s19 =	simm.s32 $0xDE00  }
0x22b: {  	[tilespmem:s19], [sflag:$0x3] =	stream.linear.gather [hbm4b:s10+s3], $0x400, $0x38;
	[tilespmem:$0x18200] =	vst v63  }
0x22c: {  	v62 =	vld [tilespmem:s7+$0x0];
	_ =	sdelay $0x1  }
0x22d: {  	s19 =	sadd.s32 $0x3, s9  }
0x22e: {  	v63 =	vmov s19  }
0x22f: {  	vm15 =	veq.s32 v63, v0  }
0x230: {  	v41 =	vnsel vm15, $0x0, v62  }
0x231: {  	(xrf0) =	vadd.scan.msk.s32 $0xffff, v41;
	_ =	sdelay $0x5  }
0x232: {  	v41, _, _ =	vpop (xrf0)  }
0x233: {  	(v2sf) =	vpush v41, $0xF;
	_ =	sdelay $0xe  }
0x234: {  	s13 =	spop (v2sf)  }
0x235: {  	s10 =	sand.u32 $0x7F, s13  }
0x236: {  	s19 =	sadd.s32 $0x3, s5;
	v45 =	vor.u32 s10, v1  }
0x237: {  	v46 =	vmov s19  }
0x238: {  	v47 =	vshll.u32 v46, $0x3;
	_ =	swait.ge [sflag:s28], $0x2000  }
0x239: {  	v42 =	vand.u32 $0x7B, v46;
	v43 =	vand.u32 $0xC00, v47;
	[sflag:s28] =	ssyncset.done $0x0  }
0x23a: {  	v42 =	vor.u32 v42, v43;
	[sflag:s28] =	ssyncadd.s32 $0xFFFFE000  }
0x23b: {  	v43 =	vor.u32 v2, v42;
	v41 =	vld.idx.msk [tilespmem:v45+s2+$0x0], $0xffff  }
0x23c: {  	v48 =	vor.u32 s10, v3;
	_ =	sdelay $0x3  }
0x23d: {  	[tilespmem:v43+s23+$0x0] =	vst.idx.msk $0xffff, v41  }
0x23e: {  	v49 =	vor.u32 v4, v42;
	v41 =	vld.idx.msk [tilespmem:v48+s2+$0x0], $0xffff  }
0x23f: {  	v50 =	vor.u32 s10, v5;
	_ =	sdelay $0x3  }
0x240: {  	[tilespmem:v49+s23+$0x0] =	vst.idx.msk $0xffff, v41  }
0x241: {  	v51 =	vor.u32 v6, v42;
	v41 =	vld.idx.msk [tilespmem:v50+s2+$0x0], $0xffff  }
0x242: {  	v52 =	vor.u32 s10, v7;
	_ =	sdelay $0x3  }
0x243: {  	[tilespmem:v51+s23+$0x0] =	vst.idx.msk $0xffff, v41  }
0x244: {  	v42 =	vor.u32 v8, v42;
	v41 =	vld.idx.msk [tilespmem:v52+s2+$0x0], $0xffff;
	_ =	sdelay $0x3  }
0x245: {  	s10 =	sadd.s32 $0xB, s5  }
0x246: {  	s19 =	sand.u32 $0x3F0, s10;
	[tilespmem:v42+s23+$0x0] =	vst.idx.msk $0xffff, v41  }
0x247: {  	v41 =	vld [tilespmem:s19+$0x0];
	_ =	sdelay $0x1  }
0x248: {  	s10 =	sand.u32 $0xB, s10  }
0x249: {  	v53 =	vmov s10  }
0x24a: {  	vm15 =	veq.s32 v53, v0  }
0x24b: {  	v41 =	vnsel vm15, $0x0, v41  }
0x24c: {  	(xrf0) =	vadd.scan.msk.s32 $0xffff, v41;
	_ =	sdelay $0x5  }
0x24d: {  	v41, _, _ =	vpop (xrf0)  }
0x24e: {  	(v2sf) =	vpush v41, $0xF;
	_ =	sdelay $0xe  }
0x24f: {  	s13 =	spop (v2sf)  }
0x250: {  	s10 =	sand.u32 $0xFFFFF80, s13  }
0x251: {  	s10 =	sadd.s32 s0, s10  }
0x252: {  	[tilespmem:s2], [sflag:$0x4] =	stream.linear.gather [hbm4b:s10+s3], $0x400, $0x38;
	[tilespmem:$0x18200] =	vst v63  }
0x253: {  	s19 =	simm.s32 $0xE600;
	s13 =	sadd.s32 $0xF4280, s10  }
0x254: {  	[tilespmem:s19], [sflag:$0x4] =	stream.linear.gather [hbm4b:s13+s3], $0x400, $0x38;
	[tilespmem:$0x18200] =	vst v63  }
0x255: {  	s13 =	sadd.s32 $0x1E8500, s10;
	s19 =	simm.s32 $0xEA00  }
0x256: {  	[tilespmem:s19], [sflag:$0x4] =	stream.linear.gather [hbm4b:s13+s3], $0x400, $0x38;
	[tilespmem:$0x18200] =	vst v63  }
0x257: {  	s13 =	sadd.s32 $0x2DC780, s10;
	s19 =	simm.s32 $0xEE00  }
0x258: {  	[tilespmem:s19], [sflag:$0x4] =	stream.linear.gather [hbm4b:s13+s3], $0x400, $0x38;
	[tilespmem:$0x18200] =	vst v63  }
0x259: {  	s13 =	sadd.s32 $0x3D0A00, s10;
	s19 =	simm.s32 $0xF200  }
0x25a: {  	[tilespmem:s19], [sflag:$0x4] =	stream.linear.gather [hbm4b:s13+s3], $0x400, $0x38;
	[tilespmem:$0x18200] =	vst v63  }
0x25b: {  	s13 =	sadd.s32 $0x4C4C80, s10;
	s19 =	simm.s32 $0xF600  }
0x25c: {  	[tilespmem:s19], [sflag:$0x4] =	stream.linear.gather [hbm4b:s13+s3], $0x400, $0x38;
	[tilespmem:$0x18200] =	vst v63  }
0x25d: {  	s13 =	sadd.s32 $0x5B8F00, s10;
	s19 =	simm.s32 $0xFA00  }
0x25e: {  	[tilespmem:s19], [sflag:$0x4] =	stream.linear.gather [hbm4b:s13+s3], $0x400, $0x38;
	[tilespmem:$0x18200] =	vst v63  }
0x25f: {  	s10 =	sadd.s32 $0x6AD180, s10;
	s19 =	simm.s32 $0xFE00  }
0x260: {  	[tilespmem:s19], [sflag:$0x4] =	stream.linear.gather [hbm4b:s10+s3], $0x400, $0x38;
	[tilespmem:$0x18200] =	vst v63  }
0x261: {  	v54 =	vld [tilespmem:s7+$0x0];
	_ =	sdelay $0x1  }
0x262: {  	s19 =	sadd.s32 $0x4, s9  }
0x263: {  	v55 =	vmov s19  }
0x264: {  	vm15 =	veq.s32 v55, v0  }
0x265: {  	v41 =	vnsel vm15, $0x0, v54  }
0x266: {  	(xrf0) =	vadd.scan.msk.s32 $0xffff, v41;
	_ =	sdelay $0x5  }
0x267: {  	v41, _, _ =	vpop (xrf0)  }
0x268: {  	(v2sf) =	vpush v41, $0xF;
	_ =	sdelay $0xe  }
0x269: {  	s13 =	spop (v2sf)  }
0x26a: {  	s10 =	sand.u32 $0x7F, s13  }
0x26b: {  	s19 =	sadd.s32 $0x4, s5;
	v56 =	vor.u32 s10, v1  }
0x26c: {  	v57 =	vmov s19  }
0x26d: {  	v58 =	vshll.u32 v57, $0x3;
	_ =	swait.ge [sflag:s29], $0x2000  }
0x26e: {  	v42 =	vand.u32 $0x7C, v57;
	v43 =	vand.u32 $0xC00, v58;
	[sflag:s29] =	ssyncset.done $0x0  }
0x26f: {  	v42 =	vor.u32 v42, v43;
	[sflag:s29] =	ssyncadd.s32 $0xFFFFE000  }
0x270: {  	v43 =	vor.u32 v2, v42;
	v41 =	vld.idx.msk [tilespmem:v56+s12+$0x0], $0xffff  }
0x271: {  	v59 =	vor.u32 s10, v3;
	_ =	sdelay $0x3  }
0x272: {  	[tilespmem:v43+s23+$0x0] =	vst.idx.msk $0xffff, v41  }
0x273: {  	v60 =	vor.u32 v4, v42;
	v41 =	vld.idx.msk [tilespmem:v59+s12+$0x0], $0xffff  }
0x274: {  	v61 =	vor.u32 s10, v5;
	_ =	sdelay $0x3  }
0x275: {  	[tilespmem:v60+s23+$0x0] =	vst.idx.msk $0xffff, v41  }
0x276: {  	v62 =	vor.u32 v6, v42;
	v41 =	vld.idx.msk [tilespmem:v61+s12+$0x0], $0xffff  }
0x277: {  	v63 =	vor.u32 s10, v7;
	_ =	sdelay $0x3  }
0x278: {  	[tilespmem:v62+s23+$0x0] =	vst.idx.msk $0xffff, v41  }
0x279: {  	v42 =	vor.u32 v8, v42;
	v41 =	vld.idx.msk [tilespmem:v63+s12+$0x0], $0xffff;
	_ =	sdelay $0x3  }
0x27a: {  	s10 =	sadd.s32 $0xC, s5  }
0x27b: {  	s19 =	sand.u32 $0x3F0, s10;
	[tilespmem:v42+s23+$0x0] =	vst.idx.msk $0xffff, v41  }
0x27c: {  	v41 =	vld [tilespmem:s19+$0x0];
	_ =	sdelay $0x1  }
0x27d: {  	s10 =	sand.u32 $0xC, s10  }
0x27e: {  	v46 =	vmov s10  }
0x27f: {  	vm15 =	veq.s32 v46, v0  }
0x280: {  	v41 =	vnsel vm15, $0x0, v41  }
0x281: {  	(xrf0) =	vadd.scan.msk.s32 $0xffff, v41;
	_ =	sdelay $0x5  }
0x282: {  	v41, _, _ =	vpop (xrf0)  }
0x283: {  	(v2sf) =	vpush v41, $0xF;
	_ =	sdelay $0xe  }
0x284: {  	s13 =	spop (v2sf)  }
0x285: {  	s10 =	sand.u32 $0xFFFFF80, s13  }
0x286: {  	s10 =	sadd.s32 s0, s10  }
0x287: {  	[tilespmem:s12], [sflag:$0x5] =	stream.linear.gather [hbm4b:s10+s3], $0x400, $0x38;
	[tilespmem:$0x18200] =	vst v63  }
0x288: {  	s19 =	simm.s32 $0x10600;
	s13 =	sadd.s32 $0xF4280, s10  }
0x289: {  	[tilespmem:s19], [sflag:$0x5] =	stream.linear.gather [hbm4b:s13+s3], $0x400, $0x38;
	[tilespmem:$0x18200] =	vst v63  }
0x28a: {  	s13 =	sadd.s32 $0x1E8500, s10;
	s19 =	simm.s32 $0x10A00  }
0x28b: {  	[tilespmem:s19], [sflag:$0x5] =	stream.linear.gather [hbm4b:s13+s3], $0x400, $0x38;
	[tilespmem:$0x18200] =	vst v63  }
0x28c: {  	s13 =	sadd.s32 $0x2DC780, s10;
	s19 =	simm.s32 $0x10E00  }
0x28d: {  	[tilespmem:s19], [sflag:$0x5] =	stream.linear.gather [hbm4b:s13+s3], $0x400, $0x38;
	[tilespmem:$0x18200] =	vst v63  }
0x28e: {  	s13 =	sadd.s32 $0x3D0A00, s10;
	s19 =	simm.s32 $0x11200  }
0x28f: {  	[tilespmem:s19], [sflag:$0x5] =	stream.linear.gather [hbm4b:s13+s3], $0x400, $0x38;
	[tilespmem:$0x18200] =	vst v63  }
0x290: {  	s13 =	sadd.s32 $0x4C4C80, s10;
	s19 =	simm.s32 $0x11600  }
0x291: {  	[tilespmem:s19], [sflag:$0x5] =	stream.linear.gather [hbm4b:s13+s3], $0x400, $0x38;
	[tilespmem:$0x18200] =	vst v63  }
0x292: {  	s13 =	sadd.s32 $0x5B8F00, s10;
	s19 =	simm.s32 $0x11A00  }
0x293: {  	[tilespmem:s19], [sflag:$0x5] =	stream.linear.gather [hbm4b:s13+s3], $0x400, $0x38;
	[tilespmem:$0x18200] =	vst v63  }
0x294: {  	s10 =	sadd.s32 $0x6AD180, s10;
	s19 =	simm.s32 $0x11E00  }
0x295: {  	[tilespmem:s19], [sflag:$0x5] =	stream.linear.gather [hbm4b:s10+s3], $0x400, $0x38;
	[tilespmem:$0x18200] =	vst v63  }
0x296: {  	v47 =	vld [tilespmem:s7+$0x0];
	_ =	sdelay $0x1  }
0x297: {  	s19 =	sadd.s32 $0x5, s9  }
0x298: {  	v48 =	vmov s19  }
0x299: {  	vm15 =	veq.s32 v48, v0  }
0x29a: {  	v41 =	vnsel vm15, $0x0, v47  }
0x29b: {  	(xrf0) =	vadd.scan.msk.s32 $0xffff, v41;
	_ =	sdelay $0x5  }
0x29c: {  	v41, _, _ =	vpop (xrf0)  }
0x29d: {  	(v2sf) =	vpush v41, $0xF;
	_ =	sdelay $0xe  }
0x29e: {  	s13 =	spop (v2sf)  }
0x29f: {  	s10 =	sand.u32 $0x7F, s13  }
0x2a0: {  	s19 =	sadd.s32 $0x5, s5;
	v49 =	vor.u32 s10, v1  }
0x2a1: {  	v50 =	vmov s19  }
0x2a2: {  	v51 =	vshll.u32 v50, $0x3;
	_ =	swait.ge [sflag:s30], $0x2000  }
0x2a3: {  	v42 =	vand.u32 $0x7D, v50;
	v43 =	vand.u32 $0xC00, v51;
	[sflag:s30] =	ssyncset.done $0x0  }
0x2a4: {  	v42 =	vor.u32 v42, v43;
	[sflag:s30] =	ssyncadd.s32 $0xFFFFE000  }
0x2a5: {  	v43 =	vor.u32 v2, v42;
	v41 =	vld.idx.msk [tilespmem:v49+s21+$0x0], $0xffff  }
0x2a6: {  	v52 =	vor.u32 s10, v3;
	_ =	sdelay $0x3  }
0x2a7: {  	[tilespmem:v43+s23+$0x0] =	vst.idx.msk $0xffff, v41  }
0x2a8: {  	v53 =	vor.u32 v4, v42;
	v41 =	vld.idx.msk [tilespmem:v52+s21+$0x0], $0xffff  }
0x2a9: {  	v54 =	vor.u32 s10, v5;
	_ =	sdelay $0x3  }
0x2aa: {  	[tilespmem:v53+s23+$0x0] =	vst.idx.msk $0xffff, v41  }
0x2ab: {  	v55 =	vor.u32 v6, v42;
	v41 =	vld.idx.msk [tilespmem:v54+s21+$0x0], $0xffff  }
0x2ac: {  	v56 =	vor.u32 s10, v7;
	_ =	sdelay $0x3  }
0x2ad: {  	[tilespmem:v55+s23+$0x0] =	vst.idx.msk $0xffff, v41  }
0x2ae: {  	v42 =	vor.u32 v8, v42;
	v41 =	vld.idx.msk [tilespmem:v56+s21+$0x0], $0xffff;
	_ =	sdelay $0x3  }
0x2af: {  	s10 =	sadd.s32 $0xD, s5  }
0x2b0: {  	s19 =	sand.u32 $0x3F0, s10;
	[tilespmem:v42+s23+$0x0] =	vst.idx.msk $0xffff, v41  }
0x2b1: {  	v41 =	vld [tilespmem:s19+$0x0];
	_ =	sdelay $0x1  }
0x2b2: {  	s10 =	sand.u32 $0xD, s10  }
0x2b3: {  	v57 =	vmov s10  }
0x2b4: {  	vm15 =	veq.s32 v57, v0  }
0x2b5: {  	v41 =	vnsel vm15, $0x0, v41  }
0x2b6: {  	(xrf0) =	vadd.scan.msk.s32 $0xffff, v41;
	_ =	sdelay $0x5  }
0x2b7: {  	v41, _, _ =	vpop (xrf0)  }
0x2b8: {  	(v2sf) =	vpush v41, $0xF;
	_ =	sdelay $0xe  }
0x2b9: {  	s13 =	spop (v2sf)  }
0x2ba: {  	s10 =	sand.u32 $0xFFFFF80, s13  }
0x2bb: {  	s10 =	sadd.s32 s0, s10  }
0x2bc: {  	[tilespmem:s21], [sflag:$0x6] =	stream.linear.gather [hbm4b:s10+s3], $0x400, $0x38;
	[tilespmem:$0x18200] =	vst v63  }
0x2bd: {  	s19 =	simm.s32 $0x12600;
	s13 =	sadd.s32 $0xF4280, s10  }
0x2be: {  	[tilespmem:s19], [sflag:$0x6] =	stream.linear.gather [hbm4b:s13+s3], $0x400, $0x38;
	[tilespmem:$0x18200] =	vst v63  }
0x2bf: {  	s13 =	sadd.s32 $0x1E8500, s10;
	s19 =	simm.s32 $0x12A00  }
0x2c0: {  	[tilespmem:s19], [sflag:$0x6] =	stream.linear.gather [hbm4b:s13+s3], $0x400, $0x38;
	[tilespmem:$0x18200] =	vst v63  }
0x2c1: {  	s13 =	sadd.s32 $0x2DC780, s10;
	s19 =	simm.s32 $0x12E00  }
0x2c2: {  	[tilespmem:s19], [sflag:$0x6] =	stream.linear.gather [hbm4b:s13+s3], $0x400, $0x38;
	[tilespmem:$0x18200] =	vst v63  }
0x2c3: {  	s13 =	sadd.s32 $0x3D0A00, s10;
	s19 =	simm.s32 $0x13200  }
0x2c4: {  	[tilespmem:s19], [sflag:$0x6] =	stream.linear.gather [hbm4b:s13+s3], $0x400, $0x38;
	[tilespmem:$0x18200] =	vst v63  }
0x2c5: {  	s13 =	sadd.s32 $0x4C4C80, s10;
	s19 =	simm.s32 $0x13600  }
0x2c6: {  	[tilespmem:s19], [sflag:$0x6] =	stream.linear.gather [hbm4b:s13+s3], $0x400, $0x38;
	[tilespmem:$0x18200] =	vst v63  }
0x2c7: {  	s13 =	sadd.s32 $0x5B8F00, s10;
	s19 =	simm.s32 $0x13A00  }
0x2c8: {  	[tilespmem:s19], [sflag:$0x6] =	stream.linear.gather [hbm4b:s13+s3], $0x400, $0x38;
	[tilespmem:$0x18200] =	vst v63  }
0x2c9: {  	s10 =	sadd.s32 $0x6AD180, s10;
	s19 =	simm.s32 $0x13E00  }
0x2ca: {  	[tilespmem:s19], [sflag:$0x6] =	stream.linear.gather [hbm4b:s10+s3], $0x400, $0x38;
	[tilespmem:$0x18200] =	vst v63  }
0x2cb: {  	v58 =	vld [tilespmem:s7+$0x0];
	_ =	sdelay $0x1  }
0x2cc: {  	s19 =	sadd.s32 $0x6, s9  }
0x2cd: {  	v59 =	vmov s19  }
0x2ce: {  	vm15 =	veq.s32 v59, v0  }
0x2cf: {  	v41 =	vnsel vm15, $0x0, v58  }
0x2d0: {  	(xrf0) =	vadd.scan.msk.s32 $0xffff, v41;
	_ =	sdelay $0x5  }
0x2d1: {  	v41, _, _ =	vpop (xrf0)  }
0x2d2: {  	(v2sf) =	vpush v41, $0xF;
	_ =	sdelay $0xe  }
0x2d3: {  	s13 =	spop (v2sf)  }
0x2d4: {  	s10 =	sand.u32 $0x7F, s13  }
0x2d5: {  	s19 =	sadd.s32 $0x6, s5;
	v60 =	vor.u32 s10, v1  }
0x2d6: {  	v61 =	vmov s19  }
0x2d7: {  	v62 =	vshll.u32 v61, $0x3;
	_ =	swait.ge [sflag:s1], $0x2000  }
0x2d8: {  	v42 =	vand.u32 $0x7E, v61;
	v43 =	vand.u32 $0xC00, v62;
	[sflag:s1] =	ssyncset.done $0x0  }
0x2d9: {  	v42 =	vor.u32 v42, v43;
	[sflag:s1] =	ssyncadd.s32 $0xFFFFE000  }
0x2da: {  	v43 =	vor.u32 v2, v42;
	v41 =	vld.idx.msk [tilespmem:v60+s31+$0x0], $0xffff  }
0x2db: {  	v63 =	vor.u32 s10, v3;
	_ =	sdelay $0x3  }
0x2dc: {  	[tilespmem:v43+s23+$0x0] =	vst.idx.msk $0xffff, v41  }
0x2dd: {  	v48 =	vor.u32 v4, v42;
	v41 =	vld.idx.msk [tilespmem:v63+s31+$0x0], $0xffff  }
0x2de: {  	v49 =	vor.u32 s10, v5;
	_ =	sdelay $0x3  }
0x2df: {  	[tilespmem:v48+s23+$0x0] =	vst.idx.msk $0xffff, v41  }
0x2e0: {  	v50 =	vor.u32 v6, v42;
	v41 =	vld.idx.msk [tilespmem:v49+s31+$0x0], $0xffff  }
0x2e1: {  	v51 =	vor.u32 s10, v7;
	_ =	sdelay $0x3  }
0x2e2: {  	[tilespmem:v50+s23+$0x0] =	vst.idx.msk $0xffff, v41  }
0x2e3: {  	v42 =	vor.u32 v8, v42;
	v41 =	vld.idx.msk [tilespmem:v51+s31+$0x0], $0xffff;
	_ =	sdelay $0x3  }
0x2e4: {  	s10 =	sadd.s32 $0xE, s5  }
0x2e5: {  	s19 =	sand.u32 $0x3F0, s10;
	[tilespmem:v42+s23+$0x0] =	vst.idx.msk $0xffff, v41  }
0x2e6: {  	v41 =	vld [tilespmem:s19+$0x0];
	_ =	sdelay $0x1  }
0x2e7: {  	s10 =	sand.u32 $0xE, s10  }
0x2e8: {  	v52 =	vmov s10  }
0x2e9: {  	vm15 =	veq.s32 v52, v0  }
0x2ea: {  	v41 =	vnsel vm15, $0x0, v41  }
0x2eb: {  	(xrf0) =	vadd.scan.msk.s32 $0xffff, v41;
	_ =	sdelay $0x5  }
0x2ec: {  	v41, _, _ =	vpop (xrf0)  }
0x2ed: {  	(v2sf) =	vpush v41, $0xF;
	_ =	sdelay $0xe  }
0x2ee: {  	s19 =	spop (v2sf)  }
0x2ef: {  	s10 =	sand.u32 $0xFFFFF80, s19  }
0x2f0: {  	s10 =	sadd.s32 s0, s10  }
0x2f1: {  	[tilespmem:s31], [sflag:$0x7] =	stream.linear.gather [hbm4b:s10+s3], $0x400, $0x38;
	[tilespmem:$0x18200] =	vst v63  }
0x2f2: {  	s19 =	simm.s32 $0x14600;
	s13 =	sadd.s32 $0xF4280, s10  }
0x2f3: {  	[tilespmem:s19], [sflag:$0x7] =	stream.linear.gather [hbm4b:s13+s3], $0x400, $0x38;
	[tilespmem:$0x18200] =	vst v63  }
0x2f4: {  	s13 =	sadd.s32 $0x1E8500, s10;
	s19 =	simm.s32 $0x14A00  }
0x2f5: {  	[tilespmem:s19], [sflag:$0x7] =	stream.linear.gather [hbm4b:s13+s3], $0x400, $0x38;
	[tilespmem:$0x18200] =	vst v63  }
0x2f6: {  	s13 =	sadd.s32 $0x2DC780, s10;
	s19 =	simm.s32 $0x14E00  }
0x2f7: {  	[tilespmem:s19], [sflag:$0x7] =	stream.linear.gather [hbm4b:s13+s3], $0x400, $0x38;
	[tilespmem:$0x18200] =	vst v63  }
0x2f8: {  	s13 =	sadd.s32 $0x3D0A00, s10;
	s19 =	simm.s32 $0x15200  }
0x2f9: {  	[tilespmem:s19], [sflag:$0x7] =	stream.linear.gather [hbm4b:s13+s3], $0x400, $0x38;
	[tilespmem:$0x18200] =	vst v63  }
0x2fa: {  	s13 =	sadd.s32 $0x4C4C80, s10;
	s19 =	simm.s32 $0x15600  }
0x2fb: {  	[tilespmem:s19], [sflag:$0x7] =	stream.linear.gather [hbm4b:s13+s3], $0x400, $0x38;
	[tilespmem:$0x18200] =	vst v63  }
0x2fc: {  	s13 =	sadd.s32 $0x5B8F00, s10;
	s19 =	simm.s32 $0x15A00  }
0x2fd: {  	[tilespmem:s19], [sflag:$0x7] =	stream.linear.gather [hbm4b:s13+s3], $0x400, $0x38;
	[tilespmem:$0x18200] =	vst v63  }
0x2fe: {  	s10 =	sadd.s32 $0x6AD180, s10;
	s19 =	simm.s32 $0x15E00  }
0x2ff: {  	[tilespmem:s19], [sflag:$0x7] =	stream.linear.gather [hbm4b:s10+s3], $0x400, $0x38;
	[tilespmem:$0x18200] =	vst v63  }
0x300: {  	v53 =	vld [tilespmem:s7+$0x0];
	_ =	sdelay $0x1  }
0x301: {  	s9 =	sadd.s32 $0x7, s9  }
0x302: {  	v54 =	vmov s9  }
0x303: {  	vm15 =	veq.s32 v54, v0  }
0x304: {  	v41 =	vnsel vm15, $0x0, v53  }
0x305: {  	(xrf0) =	vadd.scan.msk.s32 $0xffff, v41;
	_ =	sdelay $0x5  }
0x306: {  	v41, _, _ =	vpop (xrf0)  }
0x307: {  	(v2sf) =	vpush v41, $0xF;
	_ =	sdelay $0xe  }
0x308: {  	s10 =	spop (v2sf)  }
0x309: {  	s7 =	sand.u32 $0x7F, s10  }
0x30a: {  	s19 =	sadd.s32 $0x7, s5;
	v55 =	vor.u32 s7, v1  }
0x30b: {  	v56 =	vmov s19  }
0x30c: {  	v57 =	vshll.u32 v56, $0x3;
	_ =	swait.ge [sflag:s4], $0x2000  }
0x30d: {  	v42 =	vand.u32 $0x7F, v56;
	v43 =	vand.u32 $0xC00, v57;
	[sflag:s4] =	ssyncset.done $0x0  }
0x30e: {  	v42 =	vor.u32 v42, v43;
	[sflag:s4] =	ssyncadd.s32 $0xFFFFE000  }
0x30f: {  	v43 =	vor.u32 v2, v42;
	v41 =	vld.idx.msk [tilespmem:v55+s11+$0x0], $0xffff  }
0x310: {  	v58 =	vor.u32 s7, v3;
	_ =	sdelay $0x3  }
0x311: {  	[tilespmem:v43+s23+$0x0] =	vst.idx.msk $0xffff, v41  }
0x312: {  	v59 =	vor.u32 v4, v42;
	v41 =	vld.idx.msk [tilespmem:v58+s11+$0x0], $0xffff  }
0x313: {  	v60 =	vor.u32 s7, v5;
	_ =	sdelay $0x3  }
0x314: {  	[tilespmem:v59+s23+$0x0] =	vst.idx.msk $0xffff, v41  }
0x315: {  	v61 =	vor.u32 v6, v42;
	v41 =	vld.idx.msk [tilespmem:v60+s11+$0x0], $0xffff  }
0x316: {  	v62 =	vor.u32 s7, v7;
	_ =	sdelay $0x3  }
0x317: {  	[tilespmem:v61+s23+$0x0] =	vst.idx.msk $0xffff, v41  }
0x318: {  	v42 =	vor.u32 v8, v42;
	v41 =	vld.idx.msk [tilespmem:v62+s11+$0x0], $0xffff;
	_ =	sdelay $0x3  }
0x319: {  	s10 =	sadd.s32 $0xF, s5  }
0x31a: {  	s19 =	sand.u32 $0x3F0, s10;
	[tilespmem:v42+s23+$0x0] =	vst.idx.msk $0xffff, v41  }
0x31b: {  	v41 =	vld [tilespmem:s19+$0x0];
	_ =	sdelay $0x1  }
0x31c: {  	s7 =	sand.u32 $0xF, s10  }
0x31d: {  	v63 =	vmov s7  }
0x31e: {  	vm15 =	veq.s32 v63, v0  }
0x31f: {  	v41 =	vnsel vm15, $0x0, v41  }
0x320: {  	(xrf0) =	vadd.scan.msk.s32 $0xffff, v41;
	_ =	sdelay $0x5  }
0x321: {  	v41, _, _ =	vpop (xrf0)  }
0x322: {  	(v2sf) =	vpush v41, $0xF;
	_ =	sdelay $0xe  }
0x323: {  	s9 =	spop (v2sf)  }
0x324: {  	s7 =	sand.u32 $0xFFFFF80, s9  }
0x325: {  	s7 =	sadd.s32 s0, s7  }
0x326: {  	[tilespmem:s11], [sflag:$0x8] =	stream.linear.gather [hbm4b:s7+s3], $0x400, $0x38;
	[tilespmem:$0x18200] =	vst v63  }
0x327: {  	s19 =	simm.s32 $0x16600;
	s10 =	sadd.s32 $0xF4280, s7  }
0x328: {  	[tilespmem:s19], [sflag:$0x8] =	stream.linear.gather [hbm4b:s10+s3], $0x400, $0x38;
	[tilespmem:$0x18200] =	vst v63  }
0x329: {  	s10 =	sadd.s32 $0x1E8500, s7;
	s19 =	simm.s32 $0x16A00  }
0x32a: {  	[tilespmem:s19], [sflag:$0x8] =	stream.linear.gather [hbm4b:s10+s3], $0x400, $0x38;
	[tilespmem:$0x18200] =	vst v63  }
0x32b: {  	s10 =	sadd.s32 $0x2DC780, s7  }
0x32c: {  	[tilespmem:s17], [sflag:$0x8] =	stream.linear.gather [hbm4b:s10+s3], $0x400, $0x38;
	[tilespmem:$0x18200] =	vst v63  }
0x32d: {  	s19 =	sadd.s32 $0x3D0A00, s7  }
0x32e: {  	[tilespmem:s14], [sflag:$0x8] =	stream.linear.gather [hbm4b:s19+s3], $0x400, $0x38;
	[tilespmem:$0x18200] =	vst v63  }
0x32f: {  	p0 =	sne.s32 s5, $0x1F0;
	s10 =	sadd.s32 $0x4C4C80, s7  }
0x330: {  	[tilespmem:s20], [sflag:$0x8] =	stream.linear.gather [hbm4b:s10+s3], $0x400, $0x38;
	[tilespmem:$0x18200] =	vst v63  }
.Ltmp0:
0x331: {  	_ = 	snop;
	(pc) =	sbr.rel @p0 .LBB2_2-.Ltmp0, $4  }
0x332: {  	s19 =	sadd.s32 $0x5B8F00, s7  }
0x333: {  	[tilespmem:s15], [sflag:$0x8] =	stream.linear.gather [hbm4b:s19+s3], $0x400, $0x38;
	[tilespmem:$0x18200] =	vst v63  }
0x334: {  	s13 =	simm.s32 $0x8600;
	s5 =	smov.u32 s6;
	s7 =	sadd.s32 $0x6AD180, s7  }
0x335: {  	[tilespmem:s18], [sflag:$0x8] =	stream.linear.gather [hbm4b:s7+s3], $0x400, $0x38;
	[tilespmem:$0x18200] =	vst v63  }
0x336: {  	v41 =	vld [tilespmem:$0x1F0];
	_ =	sdelay $0x4  }
0x337: {  	v41 =	vsel vm8, $0x0, v41  }
0x338: {  	(xrf0) =	vadd.scan.msk.s32 $0xffff, v41;
	_ =	sdelay $0x5  }
0x339: {  	v41, _, _ =	vpop (xrf0)  }
0x33a: {  	(v2sf) =	vpush v41, $0xF;
	_ =	sdelay $0xe  }
0x33b: {  	s5 =	spop (v2sf)  }
0x33c: {  	s5 =	sand.u32 $0x7F, s5  }
0x33d: {  	v53 =	vor.u32 s5, v1;
	_ =	sdelay $0x1  }
0x33e: {  	_ =	swait.ge [sflag:s22], $0x2000  }
0x33f: {  	[sflag:s22] =	ssyncset.done $0x0  }
0x340: {  	[sflag:s22] =	ssyncadd.s32 $0xFFFFE000  }
0x341: {  	v41 =	vld.idx.msk [tilespmem:v53+s8+$0x0], $0xffff  }
0x342: {  	v42 =	vor.u32 s5, v3;
	_ =	sdelay $0x3  }
0x343: {  	[tilespmem:v9+s23+$0x0] =	vst.idx.msk $0xffff, v41  }
0x344: {  	v41 =	vld.idx.msk [tilespmem:v42+s8+$0x0], $0xffff  }
0x345: {  	v54 =	vor.u32 s5, v5;
	_ =	sdelay $0x3  }
0x346: {  	[tilespmem:v10+s23+$0x0] =	vst.idx.msk $0xffff, v41  }
0x347: {  	v41 =	vld.idx.msk [tilespmem:v54+s8+$0x0], $0xffff  }
0x348: {  	v55 =	vor.u32 s5, v7;
	_ =	sdelay $0x3  }
0x349: {  	[tilespmem:v11+s23+$0x0] =	vst.idx.msk $0xffff, v41  }
0x34a: {  	v41 =	vld.idx.msk [tilespmem:v55+s8+$0x0], $0xffff;
	_ =	sdelay $0x4  }
0x34b: {  	[tilespmem:v12+s23+$0x0] =	vst.idx.msk $0xffff, v41  }
0x34c: {  	v41 =	vld [tilespmem:$0x1F0];
	_ =	sdelay $0x4  }
0x34d: {  	v41 =	vsel vm9, $0x0, v41  }
0x34e: {  	(xrf0) =	vadd.scan.msk.s32 $0xffff, v41;
	_ =	sdelay $0x5  }
0x34f: {  	v41, _, _ =	vpop (xrf0)  }
0x350: {  	(v2sf) =	vpush v41, $0xF;
	_ =	sdelay $0xe  }
0x351: {  	s6 =	spop (v2sf)  }
0x352: {  	s5 =	sand.u32 $0x7F, s6  }
0x353: {  	v56 =	vor.u32 s5, v1;
	_ =	sdelay $0x1  }
0x354: {  	_ =	swait.ge [sflag:s25], $0x2000  }
0x355: {  	[sflag:s25] =	ssyncset.done $0x0  }
0x356: {  	[sflag:s25] =	ssyncadd.s32 $0xFFFFE000  }
0x357: {  	v41 =	vld.idx.msk [tilespmem:v56+s16+$0x0], $0xffff  }
0x358: {  	v57 =	vor.u32 s5, v3;
	_ =	sdelay $0x3  }
0x359: {  	[tilespmem:v13+s23+$0x0] =	vst.idx.msk $0xffff, v41  }
0x35a: {  	v41 =	vld.idx.msk [tilespmem:v57+s16+$0x0], $0xffff  }
0x35b: {  	v58 =	vor.u32 s5, v5;
	_ =	sdelay $0x3  }
0x35c: {  	[tilespmem:v14+s23+$0x0] =	vst.idx.msk $0xffff, v41  }
0x35d: {  	v41 =	vld.idx.msk [tilespmem:v58+s16+$0x0], $0xffff  }
0x35e: {  	v59 =	vor.u32 s5, v7;
	_ =	sdelay $0x3  }
0x35f: {  	[tilespmem:v15+s23+$0x0] =	vst.idx.msk $0xffff, v41  }
0x360: {  	v41 =	vld.idx.msk [tilespmem:v59+s16+$0x0], $0xffff;
	_ =	sdelay $0x4  }
0x361: {  	[tilespmem:v16+s23+$0x0] =	vst.idx.msk $0xffff, v41  }
0x362: {  	v41 =	vld [tilespmem:$0x1F0];
	_ =	sdelay $0x4  }
0x363: {  	v41 =	vsel vm10, $0x0, v41  }
0x364: {  	(xrf0) =	vadd.scan.msk.s32 $0xffff, v41;
	_ =	sdelay $0x5  }
0x365: {  	v41, _, _ =	vpop (xrf0)  }
0x366: {  	(v2sf) =	vpush v41, $0xF;
	_ =	sdelay $0xe  }
0x367: {  	s7 =	spop (v2sf)  }
0x368: {  	s5 =	sand.u32 $0x7F, s7  }
0x369: {  	v60 =	vor.u32 s5, v1;
	_ =	sdelay $0x1  }
0x36a: {  	_ =	swait.ge [sflag:s26], $0x2000  }
0x36b: {  	[sflag:s26] =	ssyncset.done $0x0  }
0x36c: {  	[sflag:s26] =	ssyncadd.s32 $0xFFFFE000  }
0x36d: {  	v41 =	vld.idx.msk [tilespmem:v60+s24+$0x0], $0xffff  }
0x36e: {  	v61 =	vor.u32 s5, v3;
	_ =	sdelay $0x3  }
0x36f: {  	[tilespmem:v17+s23+$0x0] =	vst.idx.msk $0xffff, v41  }
0x370: {  	v41 =	vld.idx.msk [tilespmem:v61+s24+$0x0], $0xffff  }
0x371: {  	v62 =	vor.u32 s5, v5;
	_ =	sdelay $0x3  }
0x372: {  	[tilespmem:v18+s23+$0x0] =	vst.idx.msk $0xffff, v41  }
0x373: {  	v41 =	vld.idx.msk [tilespmem:v62+s24+$0x0], $0xffff  }
0x374: {  	v63 =	vor.u32 s5, v7;
	_ =	sdelay $0x3  }
0x375: {  	[tilespmem:v19+s23+$0x0] =	vst.idx.msk $0xffff, v41  }
0x376: {  	v41 =	vld.idx.msk [tilespmem:v63+s24+$0x0], $0xffff;
	_ =	sdelay $0x4  }
0x377: {  	[tilespmem:v20+s23+$0x0] =	vst.idx.msk $0xffff, v41  }
0x378: {  	v41 =	vld [tilespmem:$0x1F0];
	_ =	sdelay $0x4  }
0x379: {  	v41 =	vsel vm11, $0x0, v41  }
0x37a: {  	(xrf0) =	vadd.scan.msk.s32 $0xffff, v41;
	_ =	sdelay $0x5  }
0x37b: {  	v41, _, _ =	vpop (xrf0)  }
0x37c: {  	(v2sf) =	vpush v41, $0xF;
	_ =	sdelay $0xe  }
0x37d: {  	s9 =	spop (v2sf)  }
0x37e: {  	s5 =	sand.u32 $0x7F, s9  }
0x37f: {  	v44 =	vor.u32 s5, v1;
	_ =	sdelay $0x1  }
0x380: {  	_ =	swait.ge [sflag:s28], $0x2000  }
0x381: {  	[sflag:s28] =	ssyncset.done $0x0  }
0x382: {  	[sflag:s28] =	ssyncadd.s32 $0xFFFFE000  }
0x383: {  	v41 =	vld.idx.msk [tilespmem:v44+s2+$0x0], $0xffff  }
0x384: {  	v45 =	vor.u32 s5, v3;
	_ =	sdelay $0x3  }
0x385: {  	[tilespmem:v21+s23+$0x0] =	vst.idx.msk $0xffff, v41  }
0x386: {  	v41 =	vld.idx.msk [tilespmem:v45+s2+$0x0], $0xffff  }
0x387: {  	v46 =	vor.u32 s5, v5;
	_ =	sdelay $0x3  }
0x388: {  	[tilespmem:v22+s23+$0x0] =	vst.idx.msk $0xffff, v41  }
0x389: {  	v41 =	vld.idx.msk [tilespmem:v46+s2+$0x0], $0xffff  }
0x38a: {  	v47 =	vor.u32 s5, v7;
	_ =	sdelay $0x3  }
0x38b: {  	[tilespmem:v23+s23+$0x0] =	vst.idx.msk $0xffff, v41  }
0x38c: {  	v41 =	vld.idx.msk [tilespmem:v47+s2+$0x0], $0xffff;
	_ =	sdelay $0x4  }
0x38d: {  	[tilespmem:v24+s23+$0x0] =	vst.idx.msk $0xffff, v41  }
0x38e: {  	v41 =	vld [tilespmem:$0x1F0];
	_ =	sdelay $0x4  }
0x38f: {  	v41 =	vsel vm12, $0x0, v41  }
0x390: {  	(xrf0) =	vadd.scan.msk.s32 $0xffff, v41;
	_ =	sdelay $0x5  }
0x391: {  	v41, _, _ =	vpop (xrf0)  }
0x392: {  	(v2sf) =	vpush v41, $0xF;
	_ =	sdelay $0xe  }
0x393: {  	s10 =	spop (v2sf)  }
0x394: {  	s5 =	sand.u32 $0x7F, s10  }
0x395: {  	v48 =	vor.u32 s5, v1;
	_ =	sdelay $0x1  }
0x396: {  	_ =	swait.ge [sflag:s29], $0x2000  }
0x397: {  	[sflag:s29] =	ssyncset.done $0x0  }
0x398: {  	[sflag:s29] =	ssyncadd.s32 $0xFFFFE000  }
0x399: {  	v41 =	vld.idx.msk [tilespmem:v48+s12+$0x0], $0xffff  }
0x39a: {  	v49 =	vor.u32 s5, v3;
	_ =	sdelay $0x3  }
0x39b: {  	[tilespmem:v25+s23+$0x0] =	vst.idx.msk $0xffff, v41  }
0x39c: {  	v41 =	vld.idx.msk [tilespmem:v49+s12+$0x0], $0xffff  }
0x39d: {  	v50 =	vor.u32 s5, v5;
	_ =	sdelay $0x3  }
0x39e: {  	[tilespmem:v26+s23+$0x0] =	vst.idx.msk $0xffff, v41  }
0x39f: {  	v41 =	vld.idx.msk [tilespmem:v50+s12+$0x0], $0xffff  }
0x3a0: {  	v51 =	vor.u32 s5, v7;
	_ =	sdelay $0x3  }
0x3a1: {  	[tilespmem:v27+s23+$0x0] =	vst.idx.msk $0xffff, v41  }
0x3a2: {  	v41 =	vld.idx.msk [tilespmem:v51+s12+$0x0], $0xffff;
	_ =	sdelay $0x4  }
0x3a3: {  	[tilespmem:v28+s23+$0x0] =	vst.idx.msk $0xffff, v41  }
0x3a4: {  	v41 =	vld [tilespmem:$0x1F0];
	_ =	sdelay $0x4  }
0x3a5: {  	v41 =	vsel vm13, $0x0, v41  }
0x3a6: {  	(xrf0) =	vadd.scan.msk.s32 $0xffff, v41;
	_ =	sdelay $0x5  }
0x3a7: {  	v41, _, _ =	vpop (xrf0)  }
0x3a8: {  	(v2sf) =	vpush v41, $0xF;
	_ =	sdelay $0xe  }
0x3a9: {  	s14 =	spop (v2sf)  }
0x3aa: {  	s5 =	sand.u32 $0x7F, s14  }
0x3ab: {  	v52 =	vor.u32 s5, v1;
	_ =	sdelay $0x1  }
0x3ac: {  	_ =	swait.ge [sflag:s30], $0x2000  }
0x3ad: {  	[sflag:s30] =	ssyncset.done $0x0  }
0x3ae: {  	[sflag:s30] =	ssyncadd.s32 $0xFFFFE000  }
0x3af: {  	v41 =	vld.idx.msk [tilespmem:v52+s21+$0x0], $0xffff  }
0x3b0: {  	v53 =	vor.u32 s5, v3;
	_ =	sdelay $0x3  }
0x3b1: {  	[tilespmem:v29+s23+$0x0] =	vst.idx.msk $0xffff, v41  }
0x3b2: {  	v41 =	vld.idx.msk [tilespmem:v53+s21+$0x0], $0xffff  }
0x3b3: {  	v54 =	vor.u32 s5, v5;
	_ =	sdelay $0x3  }
0x3b4: {  	[tilespmem:v30+s23+$0x0] =	vst.idx.msk $0xffff, v41  }
0x3b5: {  	v41 =	vld.idx.msk [tilespmem:v54+s21+$0x0], $0xffff  }
0x3b6: {  	v55 =	vor.u32 s5, v7;
	_ =	sdelay $0x3  }
0x3b7: {  	[tilespmem:v31+s23+$0x0] =	vst.idx.msk $0xffff, v41  }
0x3b8: {  	v41 =	vld.idx.msk [tilespmem:v55+s21+$0x0], $0xffff;
	_ =	sdelay $0x4  }
0x3b9: {  	[tilespmem:v32+s23+$0x0] =	vst.idx.msk $0xffff, v41  }
0x3ba: {  	v41 =	vld [tilespmem:$0x1F0];
	_ =	sdelay $0x4  }
0x3bb: {  	v41 =	vsel vm14, $0x0, v41  }
0x3bc: {  	(xrf0) =	vadd.scan.msk.s32 $0xffff, v41;
	_ =	sdelay $0x5  }
0x3bd: {  	v41, _, _ =	vpop (xrf0)  }
0x3be: {  	(v2sf) =	vpush v41, $0xF;
	_ =	sdelay $0xe  }
0x3bf: {  	s15 =	spop (v2sf)  }
0x3c0: {  	s5 =	sand.u32 $0x7F, s15  }
0x3c1: {  	v56 =	vor.u32 s5, v1;
	_ =	sdelay $0x1  }
0x3c2: {  	_ =	swait.ge [sflag:s1], $0x2000  }
0x3c3: {  	[sflag:s1] =	ssyncset.done $0x0  }
0x3c4: {  	[sflag:s1] =	ssyncadd.s32 $0xFFFFE000  }
0x3c5: {  	v41 =	vld.idx.msk [tilespmem:v56+s31+$0x0], $0xffff  }
0x3c6: {  	v57 =	vor.u32 s5, v3;
	_ =	sdelay $0x3  }
0x3c7: {  	[tilespmem:v33+s23+$0x0] =	vst.idx.msk $0xffff, v41  }
0x3c8: {  	v41 =	vld.idx.msk [tilespmem:v57+s31+$0x0], $0xffff  }
0x3c9: {  	v58 =	vor.u32 s5, v5;
	_ =	sdelay $0x3  }
0x3ca: {  	[tilespmem:v34+s23+$0x0] =	vst.idx.msk $0xffff, v41  }
0x3cb: {  	v41 =	vld.idx.msk [tilespmem:v58+s31+$0x0], $0xffff  }
0x3cc: {  	v59 =	vor.u32 s5, v7;
	_ =	sdelay $0x3  }
0x3cd: {  	[tilespmem:v35+s23+$0x0] =	vst.idx.msk $0xffff, v41  }
0x3ce: {  	v41 =	vld.idx.msk [tilespmem:v59+s31+$0x0], $0xffff;
	_ =	sdelay $0x4  }
0x3cf: {  	[tilespmem:v36+s23+$0x0] =	vst.idx.msk $0xffff, v41  }
0x3d0: {  	v41 =	vld [tilespmem:$0x1F0];
	_ =	sdelay $0x3  }
0x3d1: {  	vm15 =	vmmov $0x7fff  }
0x3d2: {  	v41 =	vsel vm15, $0x0, v41  }
0x3d3: {  	(xrf0) =	vadd.scan.msk.s32 $0xffff, v41;
	_ =	sdelay $0x5  }
0x3d4: {  	v41, _, _ =	vpop (xrf0)  }
0x3d5: {  	(v2sf) =	vpush v41, $0xF;
	_ =	sdelay $0xe  }
0x3d6: {  	s17 =	spop (v2sf)  }
0x3d7: {  	s5 =	sand.u32 $0x7F, s17  }
0x3d8: {  	v60 =	vor.u32 s5, v1;
	_ =	sdelay $0x1  }
0x3d9: {  	_ =	swait.ge [sflag:s4], $0x2000  }
0x3da: {  	[sflag:s4] =	ssyncset.done $0x0  }
0x3db: {  	[sflag:s4] =	ssyncadd.s32 $0xFFFFE000  }
0x3dc: {  	v41 =	vld.idx.msk [tilespmem:v60+s11+$0x0], $0xffff  }
0x3dd: {  	v61 =	vor.u32 s5, v3;
	_ =	sdelay $0x3  }
0x3de: {  	[tilespmem:v37+s23+$0x0] =	vst.idx.msk $0xffff, v41  }
0x3df: {  	v41 =	vld.idx.msk [tilespmem:v61+s11+$0x0], $0xffff  }
0x3e0: {  	v62 =	vor.u32 s5, v5;
	_ =	sdelay $0x3  }
0x3e1: {  	[tilespmem:v38+s23+$0x0] =	vst.idx.msk $0xffff, v41  }
0x3e2: {  	v41 =	vld.idx.msk [tilespmem:v62+s11+$0x0], $0xffff  }
0x3e3: {  	v63 =	vor.u32 s5, v7;
	_ =	sdelay $0x3  }
0x3e4: {  	[tilespmem:v39+s23+$0x0] =	vst.idx.msk $0xffff, v41  }
0x3e5: {  	v41 =	vld.idx.msk [tilespmem:v63+s11+$0x0], $0xffff;
	_ =	sdelay $0x4  }
0x3e6: {  	s6 =	simm.s32 $0x1000;
	s7 =	simm.s32 $0x20000;
	s18 =	rddreg [dreg:$0x5];
	[tilespmem:v40+s23+$0x0] =	vst.idx.msk $0xffff, v41  }
0x3e7: {  	[hbm4b:s18+s6] =	stream.strided.scatter [tilespmem:s23], [sflag:$0x9], $0x8000, s7, s6, $0x38;
	[tilespmem:$0x18200] =	vst v63  }
0x3e8: {  	s6 =	simm.s32 $0x9  }
0x3e9: {  	_ =	swait.ge [sflag:s6], $0x8000  }
0x3ea: {  	s19 =	rddreg [dreg:$0x7]  }
0x3eb: {  	s20 =	rddreg [dreg:$0x6];
	s7 =	sadd.s32 $0x1, s19  }
0x3ec: {  	p0 =	sne.s32 s7, s20  }
.Ltmp1:
0x3ed: {  	_ = 	snop;
	(pc) =	sbr.rel @p0 .LBB2_1-.Ltmp1, $4  }
0x3ee: {  	s9 =	simm.s32 $0x8E00;
	s10 =	simm.s32 $0x9200;
	s14 =	simm.s32 $0x9600  }
0x3ef: {  	s15 =	simm.s32 $0x9A00;
	s17 =	simm.s32 $0x9E00;
	[sflag:s6] =	ssyncset.done $0x0  }
0x3f0: {  	s18 =	simm.s32 $0xA600;
	[sflag:s6] =	ssyncadd.s32 $0xFFFF8000;
	s19 =	simm.s32 $0xAA00  }
0x3f1: {  	[dreg:$0x7] =	wrdreg s7;
	s7 =	simm.s32 $0x8A00;
	s20 =	simm.s32 $0xAE00  }
0x3f2: {  	_ =	sfence.sel $0x180000  }
0x3f3: {  	[bflag:$0x0] =	sbarrier.arrive $0xFFFF  }
0x3f4: {  	_ =	strace $0x90000047  }
0x3f5: {  	s0 =	stileid.u32;
	[bflag:$0x2] =	sbarrier.arrive $0xFFFF  }
0x3f6: {  	p0 =	sne.s32 s0, $0x0;
	s0 =	rddreg [dreg:$0x3]  }
0x3f7: {  	s0 =	sadd.s32 @!p0 $0x100000, s0  }
0x3f8: {  	[sflag:s0] =	ssyncadd.tile.s32 @!p0 $0x1;
	_ =	shalt  }
.Lfunc_end2:
_tile_overlayer_lowered:
.L_overlay_start_2:
0x3f9: {  	(tag) =	ssettag $0x2  }
0x3fa: {  	s0 =	rddreg [dreg:$0x0];
	s2 =	stileid.u32  }
0x3fb: {  	s1 =	rddreg [dreg:$0x1];
	p0 =	sne.s32 s2, $0x0  }
0x3fc: {  	s3 =	rddreg [dreg:$0x2];
	[bflag:$0x3] =	sbarrier.arrive $0xFFFF;
	s2 =	simm.s32 @!p0 $0x1C09  }
0x3fd: {  	[timem:s3], [sflag:s2] =	dma.local @!p0 [hbm:s0], s1  }
0x3fe: {  	s0 =	simm.s32 @!p0 $0x9  }
0x3ff: {  	_ =	swait.ge @!p0 [sflag:s0], s1  }
0x400: {  	s1 =	ssub.s32 @!p0 $0x0, s1;
	[sflag:s0] =	ssyncset.done @!p0 $0x0  }
0x401: {  	[sflag:s0] =	ssyncadd.s32 @!p0 s1  }
0x402: {  	[bflag:$0x3] =	sbarrier.arrive $0xFFFF  }
0x403: {  	_ =	shalt  }

</sc_bundles>
